<compile_context>
chip_gen: v7x
topology: tpu7x:2x2x1
jax: 0.10.2.dev20260603
libtpu: 0.0.44.dev20260713+nightly
codegen_flags: <defaults>
</compile_context>

<pallas_src>
import math

import jax
import jax.numpy as jnp
from jax import lax
from jax.experimental import pallas as pl
from jax.experimental.pallas import tpu as pltpu
from jax.experimental.pallas import tpu_sc as plsc

_NROWS = 100000
_EMB = 128
_QDIM = 10
_NCLS = 2
_BATCH = 1024
_SEQ = 200
_N = _BATCH * _SEQ
_QP = 16
_PACK = _NROWS * _QP // 128
_SCALE = 1.0 / math.sqrt(float(_EMB))

_BM = 2048


def _qk_body(k_ref, vt_ref, qw_ref, qb_ref, qkv_ref):
    k = k_ref[...]
    qk = lax.dot_general(k, qw_ref[...], (((1,), (1,)), ((), ())),
                         preferred_element_type=jnp.float32)
    qk = (qk + qb_ref[...]) * _SCALE
    qq = lax.broadcasted_iota(jnp.int32, (_QDIM, 128), 0)
    jj = lax.broadcasted_iota(jnp.int32, (_QDIM, 128), 1)
    emb = (qq + _QP == jj).astype(jnp.float32)
    v128 = lax.dot_general(vt_ref[...], emb, (((0,), (0,)), ((), ())),
                           preferred_element_type=jnp.float32)
    qkv_ref[...] = v128 + jnp.concatenate(
        [qk, jnp.zeros((_BM, 128 - _QP), jnp.float32)], axis=1)


def _make_tables(K_table, V_tableT, qw16, qb16):
    return pl.pallas_call(
        _qk_body,
        grid=(pl.cdiv(_NROWS, _BM),),
        in_specs=[
            pl.BlockSpec((_BM, _EMB), lambda i: (i, 0)),
            pl.BlockSpec((_QDIM, _BM), lambda i: (0, i)),
            pl.BlockSpec((_QP, _EMB), lambda i: (0, 0)),
            pl.BlockSpec((1, _QP), lambda i: (0, 0)),
        ],
        out_specs=pl.BlockSpec((_BM, 128), lambda i: (i, 0)),
        out_shape=jax.ShapeDtypeStruct((_NROWS, 128), jnp.float32),
    )(K_table, V_tableT, qw16, qb16)


_NC = 2
_NS = 16
_NW = _NC * _NS
_NPW = _N // _NW

_CK = 400
_KSTEPS = _NPW // _CK


def _gather_k_body(tab, idx_hbm, out_hbm, idx0, idx1, rb0, rb1,
                   gs0, gs1, ws0, ws1):
    wid = lax.axis_index("s") * _NC + lax.axis_index("c")
    base = wid * _NPW
    idxb, rb, gs, ws = (idx0, idx1), (rb0, rb1), (gs0, gs1), (ws0, ws1)
    g = [None, None]
    w = [None, None]
    pltpu.sync_copy(idx_hbm.at[pl.ds(base, _CK)], idx0)
    g[0] = pltpu.async_copy(tab.at[idx0], rb0, gs0)
    for i in range(_KSTEPS):
        b = i & 1
        nb = 1 - b
        g[b].wait()
        if i + 1 < _KSTEPS:
            if i >= 1:
                w[nb].wait()
            pltpu.sync_copy(
                idx_hbm.at[pl.ds(base + (i + 1) * _CK, _CK)], idxb[nb])
            g[nb] = pltpu.async_copy(tab.at[idxb[nb]], rb[nb], gs[nb])
        w[b] = pltpu.async_copy(
            rb[b], out_hbm.at[pl.ds(base + i * _CK, _CK)], ws[b])
    w[(_KSTEPS - 1) & 1].wait()
    w[(_KSTEPS - 2) & 1].wait()


def _gather_k(K_table, read_flat):
    mesh = plsc.VectorSubcoreMesh(core_axis_name="c", subcore_axis_name="s")
    return pl.kernel(
        _gather_k_body,
        out_type=jax.ShapeDtypeStruct((_N, _EMB), jnp.float32),
        mesh=mesh,
        scratch_types=[
            pltpu.VMEM((_CK,), jnp.int32),
            pltpu.VMEM((_CK,), jnp.int32),
            pltpu.VMEM((_CK, _EMB), jnp.float32),
            pltpu.VMEM((_CK, _EMB), jnp.float32),
            pltpu.SemaphoreType.DMA,
            pltpu.SemaphoreType.DMA,
            pltpu.SemaphoreType.DMA,
            pltpu.SemaphoreType.DMA,
        ],
    )(K_table, read_flat)


_BB = 16
_CV = _BB * _SEQ
_VSTEPS = _NPW // _CV


def _gather_vq_body(tab, idxv_hbm, idxq_hbm, vout, qkout, vt_out,
                    idx_v, idx_q, rows, qrows, vtb0, vtb1, sem, qsem):
    wid = lax.axis_index("s") * _NC + lax.axis_index("c")
    base = wid * _NPW
    lane = lax.broadcasted_iota(jnp.int32, (16,), 0)
    half = _SEQ // 4
    for i in range(_VSTEPS):
        off = base + i * _CV
        b0 = wid * (_NPW // _SEQ) + i * _BB
        pltpu.sync_copy(idxv_hbm.at[pl.ds(off, _CV)], idx_v)
        pltpu.sync_copy(idxq_hbm.at[pl.ds(off, _CV)], idx_q)
        gv = pltpu.async_copy(tab.at[idx_v], rows, sem)
        gq = pltpu.async_copy(tab.at[idx_q], qrows, qsem)
        gv.wait()
        wv = pltpu.async_copy(rows, vout.at[pl.ds(off, _CV)], sem)

        def make_part(vtb, l_base):
            def transpose_l(l, carry):
                ridx = lane * _SEQ + (l_base + l)
                for q in range(_QDIM):
                    cidx = jnp.full((16,), q, jnp.int32)
                    vtb[q, l, :] = plsc.load_gather(rows, [ridx, cidx])
                return carry
            lax.fori_loop(0, half, transpose_l, 0)

        vtbs = (vtb0, vtb1)
        wts = [None, None]
        for p in range(4):
            if wts[p & 1] is not None:
                wts[p & 1].wait()
            make_part(vtbs[p & 1], p * half)
            wts[p & 1] = pltpu.async_copy(
                vtbs[p & 1],
                vt_out.at[:, pl.ds(p * half, half), pl.ds(b0, _BB)], sem)
        gq.wait()
        wq = pltpu.async_copy(qrows, qkout.at[pl.ds(off, _CV)], qsem)
        wv.wait()
        wts[0].wait()
        wts[1].wait()
        wq.wait()


def _gather_vq(tab, read8v, read8q):
    mesh = plsc.VectorSubcoreMesh(core_axis_name="c", subcore_axis_name="s")
    return pl.kernel(
        _gather_vq_body,
        out_type=(
            jax.ShapeDtypeStruct((_N, _QP), jnp.float32),
            jax.ShapeDtypeStruct((_N, _QP), jnp.float32),
            jax.ShapeDtypeStruct((_QDIM, _SEQ, _BATCH), jnp.float32),
        ),
        mesh=mesh,
        scratch_types=[
            pltpu.VMEM((_CV,), jnp.int32),
            pltpu.VMEM((_CV,), jnp.int32),
            pltpu.VMEM((_CV, _QP), jnp.float32),
            pltpu.VMEM((_CV, _QP), jnp.float32),
            pltpu.VMEM((_QDIM, _SEQ // 4, _BB), jnp.float32),
            pltpu.VMEM((_QDIM, _SEQ // 4, _BB), jnp.float32),
            pltpu.SemaphoreType.DMA,
            pltpu.SemaphoreType.DMA,
        ],
        compiler_params=pltpu.CompilerParams(use_tc_tiling_on_sc=False,
                                             needs_layout_passes=False),
    )(tab, read8v, read8q)


_LB = 40
_CB = _LB * _QP
_GC = _SEQ // _LB


def _attn_body(qk_ref, v_ref, ww_ref, wb_ref, out_ref, x_acc):
    i = pl.program_id(0)
    qk = qk_ref[...]
    m = jnp.max(qk, axis=0, keepdims=True)
    e = jnp.exp(qk - m)
    ssum = jnp.sum(e, axis=0, keepdims=True)
    w = (e / ssum) * v_ref[...]
    cc = lax.broadcasted_iota(jnp.int32, (_CB, _QP), 0) % _QP
    qq = lax.broadcasted_iota(jnp.int32, (_CB, _QP), 1)
    sel = (cc == qq).astype(jnp.float32)
    part = lax.dot_general(w, sel, (((1,), (0,)), ((), ())),
                           preferred_element_type=jnp.float32)

    @pl.when(i == 0)
    def _():
        x_acc[...] = jnp.zeros_like(x_acc)

    x_acc[...] += part

    @pl.when(i == _GC - 1)
    def _():
        out_ref[...] = lax.dot_general(
            x_acc[...], ww_ref[...], (((1,), (1,)), ((), ())),
            preferred_element_type=jnp.float32) + wb_ref[...]


def _attn(qkg2d, vg2d, ww16, wb2):
    return pl.pallas_call(
        _attn_body,
        grid=(_GC,),
        in_specs=[
            pl.BlockSpec((_BATCH, _CB), lambda i: (0, i)),
            pl.BlockSpec((_BATCH, _CB), lambda i: (0, i)),
            pl.BlockSpec((_NCLS, _QP), lambda i: (0, 0)),
            pl.BlockSpec((1, _NCLS), lambda i: (0, 0)),
        ],
        out_specs=pl.BlockSpec((_BATCH, _NCLS), lambda i: (0, 0)),
        out_shape=jax.ShapeDtypeStruct((_BATCH, _NCLS), jnp.float32),
        scratch_shapes=[pltpu.VMEM((_BATCH, _QP), jnp.float32)],
    )(qkg2d, vg2d, ww16, wb2)


def kernel(read, K_table, V_table, Q_w, Q_b, W_w, W_b):
    read_flat = read.reshape(_N)
    k_lookup_flat = _gather_k(K_table, read_flat)

    qw16 = jnp.zeros((_QP, _EMB), jnp.float32).at[:_QDIM].set(Q_w)
    qb16 = jnp.zeros((1, _QP), jnp.float32).at[0, :_QDIM].set(Q_b)
    ww16 = jnp.zeros((_NCLS, _QP), jnp.float32).at[:, :_QDIM].set(W_w)
    wb2 = W_b.reshape(1, _NCLS)

    qkv128 = _make_tables(K_table, V_table.T, qw16, qb16)
    read8 = read_flat * 8
    vg, qkg, vt = _gather_vq(qkv128.reshape(_NROWS * 8, _QP),
                             read8 + 1, read8)

    out = _attn(qkg.reshape(_BATCH, _SEQ * _QP),
                vg.reshape(_BATCH, _SEQ * _QP), ww16, wb2)
    k_lookup = k_lookup_flat.reshape(_BATCH, _SEQ, _EMB)
    v_lookup = vt.transpose(2, 1, 0)
    return (out, k_lookup, v_lookup)

# --- scband reference (transcript-rebuilt; emitter-appended) ---
"""Pipeline reference for scband-sequence-attention-classifier-29686813950407 (READ-ONLY COPY).

The authoritative reference and input builder live on the scoring server;
editing this copy changes nothing except your own understanding.
"""

import jax, jax.numpy as jnp
import numpy as np
import math

GENOME_LENGTH = 20000
VOCAB_SIZE = 5
NUM_ROWS = VOCAB_SIZE * GENOME_LENGTH
EMB = 128
QDIM = 10
NCLS = 2
BATCH = 1024
SEQ = 200


def setup_inputs(seed: int = 0) -> dict:
    key = jax.random.key(seed)
    ks = jax.random.split(key, 6)
    read = jax.random.randint(ks[0], (BATCH, SEQ), 0, NUM_ROWS, dtype=jnp.int32)
    K_table = jax.random.normal(ks[1], (NUM_ROWS, EMB), dtype=jnp.float32)
    V_table = jax.random.normal(ks[2], (NUM_ROWS, QDIM), dtype=jnp.float32)
    Q_w = jax.random.normal(ks[3], (QDIM, EMB), dtype=jnp.float32) * (1.0 / math.sqrt(EMB))
    Q_b = jnp.zeros((QDIM,), dtype=jnp.float32)
    W_w = jax.random.normal(ks[4], (NCLS, QDIM), dtype=jnp.float32) * (1.0 / math.sqrt(QDIM))
    W_b = jnp.zeros((NCLS,), dtype=jnp.float32)
    return {"read": read, "K_table": K_table, "V_table": V_table, "Q_w": Q_w, "Q_b": Q_b, "W_w": W_w, "W_b": W_b}


def reference(read, K_table, V_table, Q_w, Q_b, W_w, W_b):
    # K_lookup = self.K(read); V_lookup = self.V(read)
    K_lookup = jnp.take(K_table, read, axis=0)              # [B, L, EMB]
    V_lookup = jnp.take(V_table, read, axis=0)              # [B, L, QDIM]
    # logits = self.Q(K_lookup) / sqrt(embedding_size)
    logits = (K_lookup @ Q_w.T + Q_b) / math.sqrt(float(EMB))  # [B, L, QDIM]
    # probs = softmax(logits, dim=0)  (softmax over the batch dim, as in the torch code)
    probs = jax.nn.softmax(logits, axis=0)
    # X = (probs * V_lookup).sum(dim=1)
    X = jnp.sum(probs * V_lookup, axis=1)                   # [B, QDIM]
    out = X @ W_w.T + W_b                                   # [B, NCLS]
    return (out, K_lookup, V_lookup)

if __name__ == "__main__":
    import jax
    _d = setup_inputs()
    print(jax.jit(kernel)(*tuple(_d.values())))

</pallas_src>

<mosaic_0001>
#map = affine_map<(d0, d1) -> (0, 0)>
#map1 = affine_map<(d0, d1) -> (0)>
#map2 = affine_map<(d0, d1) -> (0, 0, 0)>
module attributes {stable_mosaic.version = 14 : i64} {
  func.func @_gather_vq_body(%arg0: i32, %arg1: i32, %arg2: memref<800000x16xf32, #tpu.memory_space<hbm>>, %arg3: memref<204800xi32, #tpu.memory_space<hbm>>, %arg4: memref<204800xi32, #tpu.memory_space<hbm>>, %arg5: memref<204800x16xf32, #tpu.memory_space<hbm>>, %arg6: memref<204800x16xf32, #tpu.memory_space<hbm>>, %arg7: memref<10x200x1024xf32, #tpu.memory_space<hbm>>, %arg8: memref<3200xi32, #tpu.memory_space<vmem>>, %arg9: memref<3200xi32, #tpu.memory_space<vmem>>, %arg10: memref<3200x16xf32, #tpu.memory_space<vmem>>, %arg11: memref<3200x16xf32, #tpu.memory_space<vmem>>, %arg12: memref<10x50x16xf32, #tpu.memory_space<vmem>>, %arg13: memref<10x50x16xf32, #tpu.memory_space<vmem>>, %arg14: memref<!tpu.dma_semaphore, #tpu.memory_space<semaphore_mem>>, %arg15: memref<!tpu.dma_semaphore, #tpu.memory_space<semaphore_mem>>) attributes {dimension_semantics = [#tpu.dimension_semantics<core_parallel>, #tpu.dimension_semantics<subcore_parallel>], iteration_bounds = array<i64: 2, 16>, scalar_prefetch = 0 : i64, scratch_operands = 8 : i64, tpu.core_type = #tpu.core_type<sc_vector_subcore>, window_params = [{transform_indices = #map}, {transform_indices = #map1}, {transform_indices = #map1}, {transform_indices = #map}, {transform_indices = #map}, {transform_indices = #map2}]} {
    %mul3A = arith.constant 2 : i32
    %mul3A_0 = arith.muli %arg1, %mul3A : i32
    %add3A = arith.addi %mul3A_0, %arg0 : i32
    %mul3A_1 = arith.constant 6400 : i32
    %mul3A_2 = arith.muli %add3A, %mul3A_1 : i32
    %iota3A = tpu.iota {dimensions = array<i32: 0>} : vector<16xi32>
    %add3A_3 = arith.constant 0 : i32
    %add3A_4 = arith.addi %mul3A_2, %add3A_3 : i32
    %mul3A_5 = arith.constant 32 : i32
    %mul3A_6 = arith.muli %add3A, %mul3A_5 : i32
    %add3A_7 = arith.constant 0 : i32
    %add3A_8 = arith.addi %mul3A_6, %add3A_7 : i32
    "tpu.region"() ({
      %run_scoped3A = tpu.sem_alloc : memref<!tpu.dma_semaphore, #tpu.memory_space<semaphore_mem>>
      %dma_start3A_212 = tpu.memref_slice %arg3[%add3A_4] : memref<204800xi32, #tpu.memory_space<hbm>> -> memref<3200xi32, #tpu.memory_space<hbm>>
      %dma_start3A_213 = tpu.memref_slice %arg3[%add3A_4] : memref<204800xi32, #tpu.memory_space<hbm>> -> memref<3200xi32, #tpu.memory_space<hbm>>
      tpu.enqueue_dma source(%dma_start3A_213 : memref<3200xi32, #tpu.memory_space<hbm>>) target(%arg8 : memref<3200xi32, #tpu.memory_space<vmem>>) target_semaphore(%run_scoped3A : memref<!tpu.dma_semaphore, #tpu.memory_space<semaphore_mem>>)
      %dma_wait3A_214 = tpu.memref_slice %arg3[%add3A_4] : memref<204800xi32, #tpu.memory_space<hbm>> -> memref<3200xi32, #tpu.memory_space<hbm>>
      %dma_wait3A_215 = tpu.memref_slice %arg3[%add3A_4] : memref<204800xi32, #tpu.memory_space<hbm>> -> memref<3200xi32, #tpu.memory_space<hbm>>
      tpu.wait_dma2 semaphore(%run_scoped3A : memref<!tpu.dma_semaphore, #tpu.memory_space<semaphore_mem>>) src(%dma_wait3A_215 : memref<3200xi32, #tpu.memory_space<hbm>>) dst(%arg8 : memref<3200xi32, #tpu.memory_space<vmem>>)
      tpu.yield
    }) : () -> ()
    "tpu.region"() ({
      %run_scoped3A = tpu.sem_alloc : memref<!tpu.dma_semaphore, #tpu.memory_space<semaphore_mem>>
      %dma_start3A_212 = tpu.memref_slice %arg4[%add3A_4] : memref<204800xi32, #tpu.memory_space<hbm>> -> memref<3200xi32, #tpu.memory_space<hbm>>
      %dma_start3A_213 = tpu.memref_slice %arg4[%add3A_4] : memref<204800xi32, #tpu.memory_space<hbm>> -> memref<3200xi32, #tpu.memory_space<hbm>>
      tpu.enqueue_dma source(%dma_start3A_213 : memref<3200xi32, #tpu.memory_space<hbm>>) target(%arg9 : memref<3200xi32, #tpu.memory_space<vmem>>) target_semaphore(%run_scoped3A : memref<!tpu.dma_semaphore, #tpu.memory_space<semaphore_mem>>)
      %dma_wait3A_214 = tpu.memref_slice %arg4[%add3A_4] : memref<204800xi32, #tpu.memory_space<hbm>> -> memref<3200xi32, #tpu.memory_space<hbm>>
      %dma_wait3A_215 = tpu.memref_slice %arg4[%add3A_4] : memref<204800xi32, #tpu.memory_space<hbm>> -> memref<3200xi32, #tpu.memory_space<hbm>>
      tpu.wait_dma2 semaphore(%run_scoped3A : memref<!tpu.dma_semaphore, #tpu.memory_space<semaphore_mem>>) src(%dma_wait3A_215 : memref<3200xi32, #tpu.memory_space<hbm>>) dst(%arg9 : memref<3200xi32, #tpu.memory_space<vmem>>)
      tpu.yield
    }) : () -> ()
    %dma_start3A = arith.constant 0 : i32
    %dma_start3A_9 = arith.constant 0 : i32
    %dma_start3A_10 = tpu.memref_slice %arg2[%dma_start3A, %dma_start3A_9] : memref<800000x16xf32, #tpu.memory_space<hbm>> -> memref<800000x16xf32, #tpu.memory_space<hbm>>
    tpu.enqueue_indirect_dma source(%dma_start3A_10 : memref<800000x16xf32, #tpu.memory_space<hbm>>) target(%arg10 : memref<3200x16xf32, #tpu.memory_space<vmem>>) offsets(%arg8 : memref<3200xi32, #tpu.memory_space<vmem>>) semaphore(%arg14 : memref<!tpu.dma_semaphore, #tpu.memory_space<semaphore_mem>>)
    %dma_start3A_11 = arith.constant 0 : i32
    %dma_start3A_12 = arith.constant 0 : i32
    %dma_start3A_13 = tpu.memref_slice %arg2[%dma_start3A_11, %dma_start3A_12] : memref<800000x16xf32, #tpu.memory_space<hbm>> -> memref<800000x16xf32, #tpu.memory_space<hbm>>
    tpu.enqueue_indirect_dma source(%dma_start3A_13 : memref<800000x16xf32, #tpu.memory_space<hbm>>) target(%arg11 : memref<3200x16xf32, #tpu.memory_space<vmem>>) offsets(%arg9 : memref<3200xi32, #tpu.memory_space<vmem>>) semaphore(%arg15 : memref<!tpu.dma_semaphore, #tpu.memory_space<semaphore_mem>>)
    %dma_wait3A = arith.constant 0 : i32
    %dma_wait3A_14 = arith.constant 0 : i32
    %dma_wait3A_15 = tpu.memref_slice %arg2[%dma_wait3A, %dma_wait3A_14] : memref<800000x16xf32, #tpu.memory_space<hbm>> -> memref<800000x16xf32, #tpu.memory_space<hbm>>
    tpu.wait_indirect_dma semaphore(%arg14 : memref<!tpu.dma_semaphore, #tpu.memory_space<semaphore_mem>>) src(%dma_wait3A_15 : memref<800000x16xf32, #tpu.memory_space<hbm>>) dst(%arg10 : memref<3200x16xf32, #tpu.memory_space<vmem>>)
    %dma_start3A_16 = arith.constant 0 : i32
    %dma_start3A_17 = tpu.memref_slice %arg5[%add3A_4, %dma_start3A_16] : memref<204800x16xf32, #tpu.memory_space<hbm>> -> memref<3200x16xf32, #tpu.memory_space<hbm>>
    %dma_start3A_18 = arith.constant 0 : i32
    %dma_start3A_19 = tpu.memref_slice %arg5[%add3A_4, %dma_start3A_18] : memref<204800x16xf32, #tpu.memory_space<hbm>> -> memref<3200x16xf32, #tpu.memory_space<hbm>>
    tpu.enqueue_dma source(%arg10 : memref<3200x16xf32, #tpu.memory_space<vmem>>) target(%dma_start3A_19 : memref<3200x16xf32, #tpu.memory_space<hbm>>) target_semaphore(%arg14 : memref<!tpu.dma_semaphore, #tpu.memory_space<semaphore_mem>>)
    %scan3A = arith.constant 0 : i32
    %scan3A_20 = arith.constant 0 : i32
    %scan3A_21 = arith.constant 50 : i32
    %scan3A_22 = arith.addi %scan3A_20, %scan3A_21 : i32
    %scan3A_23 = arith.constant 1 : i32
    scf.for %scan3A_212 = %scan3A_20 to %scan3A_22 step %scan3A_23  : i32 {
      %mul3A_213 = arith.constant 200 : i32
      %mul3A_214 = vector.broadcast %mul3A_213 : i32 to vector<16xi32>
      %mul3A_215 = arith.muli %iota3A, %mul3A_214 : vector<16xi32>
      %add3A_216 = arith.constant 0 : i32
      %add3A_217 = arith.addi %add3A_216, %scan3A_212 : i32
      %add3A_218 = vector.broadcast %add3A_217 : i32 to vector<16xi32>
      %add3A_219 = arith.addi %mul3A_215, %add3A_218 : vector<16xi32>
      %broadcast_in_dim3A = arith.constant 0 : i32
      %broadcast_in_dim3A_220 = vector.broadcast %broadcast_in_dim3A : i32 to vector<16xi32>
      %gather3A = tpu.vector_load_idx %arg10[%add3A_219, %broadcast_in_dim3A_220] : memref<3200x16xf32, #tpu.memory_space<vmem>>[vector<16xi32>, vector<16xi32>], vector<16xf32>,
      %swap3A = arith.constant 0 : i32
      %swap3A_221 = arith.index_cast %swap3A : i32 to index
      %swap3A_222 = arith.index_cast %scan3A_212 : i32 to index
      %swap3A_223 = arith.constant 0 : index
      %swap3A_224 = tpu.vector_load %arg12[%swap3A_221, %swap3A_222, %swap3A_223] {strides = array<i32>} : memref<10x50x16xf32, #tpu.memory_space<vmem>>, vector<16xf32>,
      tpu.vector_store %arg12[%swap3A_221, %swap3A_222, %swap3A_223], %gather3A {strides = array<i32>} : memref<10x50x16xf32, #tpu.memory_space<vmem>>, vector<16xf32>,
      %broadcast_in_dim3A_225 = arith.constant 1 : i32
      %broadcast_in_dim3A_226 = vector.broadcast %broadcast_in_dim3A_225 : i32 to vector<16xi32>
      %gather3A_227 = tpu.vector_load_idx %arg10[%add3A_219, %broadcast_in_dim3A_226] : memref<3200x16xf32, #tpu.memory_space<vmem>>[vector<16xi32>, vector<16xi32>], vector<16xf32>,
      %swap3A_228 = arith.constant 1 : i32
      %swap3A_229 = arith.index_cast %swap3A_228 : i32 to index
      %swap3A_230 = arith.index_cast %scan3A_212 : i32 to index
      %swap3A_231 = arith.constant 0 : index
      %swap3A_232 = tpu.vector_load %arg12[%swap3A_229, %swap3A_230, %swap3A_231] {strides = array<i32>} : memref<10x50x16xf32, #tpu.memory_space<vmem>>, vector<16xf32>,
      tpu.vector_store %arg12[%swap3A_229, %swap3A_230, %swap3A_231], %gather3A_227 {strides = array<i32>} : memref<10x50x16xf32, #tpu.memory_space<vmem>>, vector<16xf32>,
      %broadcast_in_dim3A_233 = arith.constant 2 : i32
      %broadcast_in_dim3A_234 = vector.broadcast %broadcast_in_dim3A_233 : i32 to vector<16xi32>
      %gather3A_235 = tpu.vector_load_idx %arg10[%add3A_219, %broadcast_in_dim3A_234] : memref<3200x16xf32, #tpu.memory_space<vmem>>[vector<16xi32>, vector<16xi32>], vector<16xf32>,
      %swap3A_236 = arith.constant 2 : i32
      %swap3A_237 = arith.index_cast %swap3A_236 : i32 to index
      %swap3A_238 = arith.index_cast %scan3A_212 : i32 to index
      %swap3A_239 = arith.constant 0 : index
      %swap3A_240 = tpu.vector_load %arg12[%swap3A_237, %swap3A_238, %swap3A_239] {strides = array<i32>} : memref<10x50x16xf32, #tpu.memory_space<vmem>>, vector<16xf32>,
      tpu.vector_store %arg12[%swap3A_237, %swap3A_238, %swap3A_239], %gather3A_235 {strides = array<i32>} : memref<10x50x16xf32, #tpu.memory_space<vmem>>, vector<16xf32>,
      %broadcast_in_dim3A_241 = arith.constant 3 : i32
      %broadcast_in_dim3A_242 = vector.broadcast %broadcast_in_dim3A_241 : i32 to vector<16xi32>
      %gather3A_243 = tpu.vector_load_idx %arg10[%add3A_219, %broadcast_in_dim3A_242] : memref<3200x16xf32, #tpu.memory_space<vmem>>[vector<16xi32>, vector<16xi32>], vector<16xf32>,
      %swap3A_244 = arith.constant 3 : i32
      %swap3A_245 = arith.index_cast %swap3A_244 : i32 to index
      %swap3A_246 = arith.index_cast %scan3A_212 : i32 to index
      %swap3A_247 = arith.constant 0 : index
      %swap3A_248 = tpu.vector_load %arg12[%swap3A_245, %swap3A_246, %swap3A_247] {strides = array<i32>} : memref<10x50x16xf32, #tpu.memory_space<vmem>>, vector<16xf32>,
      tpu.vector_store %arg12[%swap3A_245, %swap3A_246, %swap3A_247], %gather3A_243 {strides = array<i32>} : memref<10x50x16xf32, #tpu.memory_space<vmem>>, vector<16xf32>,
      %broadcast_in_dim3A_249 = arith.constant 4 : i32
      %broadcast_in_dim3A_250 = vector.broadcast %broadcast_in_dim3A_249 : i32 to vector<16xi32>
      %gather3A_251 = tpu.vector_load_idx %arg10[%add3A_219, %broadcast_in_dim3A_250] : memref<3200x16xf32, #tpu.memory_space<vmem>>[vector<16xi32>, vector<16xi32>], vector<16xf32>,
      %swap3A_252 = arith.constant 4 : i32
      %swap3A_253 = arith.index_cast %swap3A_252 : i32 to index
      %swap3A_254 = arith.index_cast %scan3A_212 : i32 to index
      %swap3A_255 = arith.constant 0 : index
      %swap3A_256 = tpu.vector_load %arg12[%swap3A_253, %swap3A_254, %swap3A_255] {strides = array<i32>} : memref<10x50x16xf32, #tpu.memory_space<vmem>>, vector<16xf32>,
      tpu.vector_store %arg12[%swap3A_253, %swap3A_254, %swap3A_255], %gather3A_251 {strides = array<i32>} : memref<10x50x16xf32, #tpu.memory_space<vmem>>, vector<16xf32>,
      %broadcast_in_dim3A_257 = arith.constant 5 : i32
      %broadcast_in_dim3A_258 = vector.broadcast %broadcast_in_dim3A_257 : i32 to vector<16xi32>
      %gather3A_259 = tpu.vector_load_idx %arg10[%add3A_219, %broadcast_in_dim3A_258] : memref<3200x16xf32, #tpu.memory_space<vmem>>[vector<16xi32>, vector<16xi32>], vector<16xf32>,
      %swap3A_260 = arith.constant 5 : i32
      %swap3A_261 = arith.index_cast %swap3A_260 : i32 to index
      %swap3A_262 = arith.index_cast %scan3A_212 : i32 to index
      %swap3A_263 = arith.constant 0 : index
      %swap3A_264 = tpu.vector_load %arg12[%swap3A_261, %swap3A_262, %swap3A_263] {strides = array<i32>} : memref<10x50x16xf32, #tpu.memory_space<vmem>>, vector<16xf32>,
      tpu.vector_store %arg12[%swap3A_261, %swap3A_262, %swap3A_263], %gather3A_259 {strides = array<i32>} : memref<10x50x16xf32, #tpu.memory_space<vmem>>, vector<16xf32>,
      %broadcast_in_dim3A_265 = arith.constant 6 : i32
      %broadcast_in_dim3A_266 = vector.broadcast %broadcast_in_dim3A_265 : i32 to vector<16xi32>
      %gather3A_267 = tpu.vector_load_idx %arg10[%add3A_219, %broadcast_in_dim3A_266] : memref<3200x16xf32, #tpu.memory_space<vmem>>[vector<16xi32>, vector<16xi32>], vector<16xf32>,
      %swap3A_268 = arith.constant 6 : i32
      %swap3A_269 = arith.index_cast %swap3A_268 : i32 to index
      %swap3A_270 = arith.index_cast %scan3A_212 : i32 to index
      %swap3A_271 = arith.constant 0 : index
      %swap3A_272 = tpu.vector_load %arg12[%swap3A_269, %swap3A_270, %swap3A_271] {strides = array<i32>} : memref<10x50x16xf32, #tpu.memory_space<vmem>>, vector<16xf32>,
      tpu.vector_store %arg12[%swap3A_269, %swap3A_270, %swap3A_271], %gather3A_267 {strides = array<i32>} : memref<10x50x16xf32, #tpu.memory_space<vmem>>, vector<16xf32>,
      %broadcast_in_dim3A_273 = arith.constant 7 : i32
      %broadcast_in_dim3A_274 = vector.broadcast %broadcast_in_dim3A_273 : i32 to vector<16xi32>
      %gather3A_275 = tpu.vector_load_idx %arg10[%add3A_219, %broadcast_in_dim3A_274] : memref<3200x16xf32, #tpu.memory_space<vmem>>[vector<16xi32>, vector<16xi32>], vector<16xf32>,
      %swap3A_276 = arith.constant 7 : i32
      %swap3A_277 = arith.index_cast %swap3A_276 : i32 to index
      %swap3A_278 = arith.index_cast %scan3A_212 : i32 to index
      %swap3A_279 = arith.constant 0 : index
      %swap3A_280 = tpu.vector_load %arg12[%swap3A_277, %swap3A_278, %swap3A_279] {strides = array<i32>} : memref<10x50x16xf32, #tpu.memory_space<vmem>>, vector<16xf32>,
      tpu.vector_store %arg12[%swap3A_277, %swap3A_278, %swap3A_279], %gather3A_275 {strides = array<i32>} : memref<10x50x16xf32, #tpu.memory_space<vmem>>, vector<16xf32>,
      %broadcast_in_dim3A_281 = arith.constant 8 : i32
      %broadcast_in_dim3A_282 = vector.broadcast %broadcast_in_dim3A_281 : i32 to vector<16xi32>
      %gather3A_283 = tpu.vector_load_idx %arg10[%add3A_219, %broadcast_in_dim3A_282] : memref<3200x16xf32, #tpu.memory_space<vmem>>[vector<16xi32>, vector<16xi32>], vector<16xf32>,
      %swap3A_284 = arith.constant 8 : i32
      %swap3A_285 = arith.index_cast %swap3A_284 : i32 to index
      %swap3A_286 = arith.index_cast %scan3A_212 : i32 to index
      %swap3A_287 = arith.constant 0 : index
      %swap3A_288 = tpu.vector_load %arg12[%swap3A_285, %swap3A_286, %swap3A_287] {strides = array<i32>} : memref<10x50x16xf32, #tpu.memory_space<vmem>>, vector<16xf32>,
      tpu.vector_store %arg12[%swap3A_285, %swap3A_286, %swap3A_287], %gather3A_283 {strides = array<i32>} : memref<10x50x16xf32, #tpu.memory_space<vmem>>, vector<16xf32>,
      %broadcast_in_dim3A_289 = arith.constant 9 : i32
      %broadcast_in_dim3A_290 = vector.broadcast %broadcast_in_dim3A_289 : i32 to vector<16xi32>
      %gather3A_291 = tpu.vector_load_idx %arg10[%add3A_219, %broadcast_in_dim3A_290] : memref<3200x16xf32, #tpu.memory_space<vmem>>[vector<16xi32>, vector<16xi32>], vector<16xf32>,
      %swap3A_292 = arith.constant 9 : i32
      %swap3A_293 = arith.index_cast %swap3A_292 : i32 to index
      %swap3A_294 = arith.index_cast %scan3A_212 : i32 to index
      %swap3A_295 = arith.constant 0 : index
      %swap3A_296 = tpu.vector_load %arg12[%swap3A_293, %swap3A_294, %swap3A_295] {strides = array<i32>} : memref<10x50x16xf32, #tpu.memory_space<vmem>>, vector<16xf32>,
      tpu.vector_store %arg12[%swap3A_293, %swap3A_294, %swap3A_295], %gather3A_291 {strides = array<i32>} : memref<10x50x16xf32, #tpu.memory_space<vmem>>, vector<16xf32>,
    }
    %scan3A_24 = arith.constant 50 : i32
    %dma_start3A_25 = arith.constant 0 : i32
    %dma_start3A_26 = arith.constant 0 : i32
    %dma_start3A_27 = tpu.memref_slice %arg7[%dma_start3A_25, %dma_start3A_26, %add3A_8] : memref<10x200x1024xf32, #tpu.memory_space<hbm>> -> memref<10x50x16xf32, #tpu.memory_space<hbm>>
    %dma_start3A_28 = arith.constant 0 : i32
    %dma_start3A_29 = arith.constant 0 : i32
    %dma_start3A_30 = tpu.memref_slice %arg7[%dma_start3A_28, %dma_start3A_29, %add3A_8] : memref<10x200x1024xf32, #tpu.memory_space<hbm>> -> memref<10x50x16xf32, #tpu.memory_space<hbm>>
    tpu.enqueue_dma source(%arg12 : memref<10x50x16xf32, #tpu.memory_space<vmem>>) target(%dma_start3A_30 : memref<10x50x16xf32, #tpu.memory_space<hbm>>) target_semaphore(%arg14 : memref<!tpu.dma_semaphore, #tpu.memory_space<semaphore_mem>>)
    %scan3A_31 = arith.constant 0 : i32
    %scan3A_32 = arith.constant 0 : i32
    %scan3A_33 = arith.constant 50 : i32
    %scan3A_34 = arith.addi %scan3A_32, %scan3A_33 : i32
    %scan3A_35 = arith.constant 1 : i32
    scf.for %scan3A_212 = %scan3A_32 to %scan3A_34 step %scan3A_35  : i32 {
      %mul3A_213 = arith.constant 200 : i32
      %mul3A_214 = vector.broadcast %mul3A_213 : i32 to vector<16xi32>
      %mul3A_215 = arith.muli %iota3A, %mul3A_214 : vector<16xi32>
      %add3A_216 = arith.constant 50 : i32
      %add3A_217 = arith.addi %add3A_216, %scan3A_212 : i32
      %add3A_218 = vector.broadcast %add3A_217 : i32 to vector<16xi32>
      %add3A_219 = arith.addi %mul3A_215, %add3A_218 : vector<16xi32>
      %broadcast_in_dim3A = arith.constant 0 : i32
      %broadcast_in_dim3A_220 = vector.broadcast %broadcast_in_dim3A : i32 to vector<16xi32>
      %gather3A = tpu.vector_load_idx %arg10[%add3A_219, %broadcast_in_dim3A_220] : memref<3200x16xf32, #tpu.memory_space<vmem>>[vector<16xi32>, vector<16xi32>], vector<16xf32>,
      %swap3A = arith.constant 0 : i32
      %swap3A_221 = arith.index_cast %swap3A : i32 to index
      %swap3A_222 = arith.index_cast %scan3A_212 : i32 to index
      %swap3A_223 = arith.constant 0 : index
      %swap3A_224 = tpu.vector_load %arg13[%swap3A_221, %swap3A_222, %swap3A_223] {strides = array<i32>} : memref<10x50x16xf32, #tpu.memory_space<vmem>>, vector<16xf32>,
      tpu.vector_store %arg13[%swap3A_221, %swap3A_222, %swap3A_223], %gather3A {strides = array<i32>} : memref<10x50x16xf32, #tpu.memory_space<vmem>>, vector<16xf32>,
      %broadcast_in_dim3A_225 = arith.constant 1 : i32
      %broadcast_in_dim3A_226 = vector.broadcast %broadcast_in_dim3A_225 : i32 to vector<16xi32>
      %gather3A_227 = tpu.vector_load_idx %arg10[%add3A_219, %broadcast_in_dim3A_226] : memref<3200x16xf32, #tpu.memory_space<vmem>>[vector<16xi32>, vector<16xi32>], vector<16xf32>,
      %swap3A_228 = arith.constant 1 : i32
      %swap3A_229 = arith.index_cast %swap3A_228 : i32 to index
      %swap3A_230 = arith.index_cast %scan3A_212 : i32 to index
      %swap3A_231 = arith.constant 0 : index
      %swap3A_232 = tpu.vector_load %arg13[%swap3A_229, %swap3A_230, %swap3A_231] {strides = array<i32>} : memref<10x50x16xf32, #tpu.memory_space<vmem>>, vector<16xf32>,
      tpu.vector_store %arg13[%swap3A_229, %swap3A_230, %swap3A_231], %gather3A_227 {strides = array<i32>} : memref<10x50x16xf32, #tpu.memory_space<vmem>>, vector<16xf32>,
      %broadcast_in_dim3A_233 = arith.constant 2 : i32
      %broadcast_in_dim3A_234 = vector.broadcast %broadcast_in_dim3A_233 : i32 to vector<16xi32>
      %gather3A_235 = tpu.vector_load_idx %arg10[%add3A_219, %broadcast_in_dim3A_234] : memref<3200x16xf32, #tpu.memory_space<vmem>>[vector<16xi32>, vector<16xi32>], vector<16xf32>,
      %swap3A_236 = arith.constant 2 : i32
      %swap3A_237 = arith.index_cast %swap3A_236 : i32 to index
      %swap3A_238 = arith.index_cast %scan3A_212 : i32 to index
      %swap3A_239 = arith.constant 0 : index
      %swap3A_240 = tpu.vector_load %arg13[%swap3A_237, %swap3A_238, %swap3A_239] {strides = array<i32>} : memref<10x50x16xf32, #tpu.memory_space<vmem>>, vector<16xf32>,
      tpu.vector_store %arg13[%swap3A_237, %swap3A_238, %swap3A_239], %gather3A_235 {strides = array<i32>} : memref<10x50x16xf32, #tpu.memory_space<vmem>>, vector<16xf32>,
      %broadcast_in_dim3A_241 = arith.constant 3 : i32
      %broadcast_in_dim3A_242 = vector.broadcast %broadcast_in_dim3A_241 : i32 to vector<16xi32>
      %gather3A_243 = tpu.vector_load_idx %arg10[%add3A_219, %broadcast_in_dim3A_242] : memref<3200x16xf32, #tpu.memory_space<vmem>>[vector<16xi32>, vector<16xi32>], vector<16xf32>,
      %swap3A_244 = arith.constant 3 : i32
      %swap3A_245 = arith.index_cast %swap3A_244 : i32 to index
      %swap3A_246 = arith.index_cast %scan3A_212 : i32 to index
      %swap3A_247 = arith.constant 0 : index
      %swap3A_248 = tpu.vector_load %arg13[%swap3A_245, %swap3A_246, %swap3A_247] {strides = array<i32>} : memref<10x50x16xf32, #tpu.memory_space<vmem>>, vector<16xf32>,
      tpu.vector_store %arg13[%swap3A_245, %swap3A_246, %swap3A_247], %gather3A_243 {strides = array<i32>} : memref<10x50x16xf32, #tpu.memory_space<vmem>>, vector<16xf32>,
      %broadcast_in_dim3A_249 = arith.constant 4 : i32
      %broadcast_in_dim3A_250 = vector.broadcast %broadcast_in_dim3A_249 : i32 to vector<16xi32>
      %gather3A_251 = tpu.vector_load_idx %arg10[%add3A_219, %broadcast_in_dim3A_250] : memref<3200x16xf32, #tpu.memory_space<vmem>>[vector<16xi32>, vector<16xi32>], vector<16xf32>,
      %swap3A_252 = arith.constant 4 : i32
      %swap3A_253 = arith.index_cast %swap3A_252 : i32 to index
      %swap3A_254 = arith.index_cast %scan3A_212 : i32 to index
      %swap3A_255 = arith.constant 0 : index
      %swap3A_256 = tpu.vector_load %arg13[%swap3A_253, %swap3A_254, %swap3A_255] {strides = array<i32>} : memref<10x50x16xf32, #tpu.memory_space<vmem>>, vector<16xf32>,
      tpu.vector_store %arg13[%swap3A_253, %swap3A_254, %swap3A_255], %gather3A_251 {strides = array<i32>} : memref<10x50x16xf32, #tpu.memory_space<vmem>>, vector<16xf32>,
      %broadcast_in_dim3A_257 = arith.constant 5 : i32
      %broadcast_in_dim3A_258 = vector.broadcast %broadcast_in_dim3A_257 : i32 to vector<16xi32>
      %gather3A_259 = tpu.vector_load_idx %arg10[%add3A_219, %broadcast_in_dim3A_258] : memref<3200x16xf32, #tpu.memory_space<vmem>>[vector<16xi32>, vector<16xi32>], vector<16xf32>,
      %swap3A_260 = arith.constant 5 : i32
      %swap3A_261 = arith.index_cast %swap3A_260 : i32 to index
      %swap3A_262 = arith.index_cast %scan3A_212 : i32 to index
      %swap3A_263 = arith.constant 0 : index
      %swap3A_264 = tpu.vector_load %arg13[%swap3A_261, %swap3A_262, %swap3A_263] {strides = array<i32>} : memref<10x50x16xf32, #tpu.memory_space<vmem>>, vector<16xf32>,
      tpu.vector_store %arg13[%swap3A_261, %swap3A_262, %swap3A_263], %gather3A_259 {strides = array<i32>} : memref<10x50x16xf32, #tpu.memory_space<vmem>>, vector<16xf32>,
      %broadcast_in_dim3A_265 = arith.constant 6 : i32
      %broadcast_in_dim3A_266 = vector.broadcast %broadcast_in_dim3A_265 : i32 to vector<16xi32>
      %gather3A_267 = tpu.vector_load_idx %arg10[%add3A_219, %broadcast_in_dim3A_266] : memref<3200x16xf32, #tpu.memory_space<vmem>>[vector<16xi32>, vector<16xi32>], vector<16xf32>,
      %swap3A_268 = arith.constant 6 : i32
      %swap3A_269 = arith.index_cast %swap3A_268 : i32 to index
      %swap3A_270 = arith.index_cast %scan3A_212 : i32 to index
      %swap3A_271 = arith.constant 0 : index
      %swap3A_272 = tpu.vector_load %arg13[%swap3A_269, %swap3A_270, %swap3A_271] {strides = array<i32>} : memref<10x50x16xf32, #tpu.memory_space<vmem>>, vector<16xf32>,
      tpu.vector_store %arg13[%swap3A_269, %swap3A_270, %swap3A_271], %gather3A_267 {strides = array<i32>} : memref<10x50x16xf32, #tpu.memory_space<vmem>>, vector<16xf32>,
      %broadcast_in_dim3A_273 = arith.constant 7 : i32
      %broadcast_in_dim3A_274 = vector.broadcast %broadcast_in_dim3A_273 : i32 to vector<16xi32>
      %gather3A_275 = tpu.vector_load_idx %arg10[%add3A_219, %broadcast_in_dim3A_274] : memref<3200x16xf32, #tpu.memory_space<vmem>>[vector<16xi32>, vector<16xi32>], vector<16xf32>,
      %swap3A_276 = arith.constant 7 : i32
      %swap3A_277 = arith.index_cast %swap3A_276 : i32 to index
      %swap3A_278 = arith.index_cast %scan3A_212 : i32 to index
      %swap3A_279 = arith.constant 0 : index
      %swap3A_280 = tpu.vector_load %arg13[%swap3A_277, %swap3A_278, %swap3A_279] {strides = array<i32>} : memref<10x50x16xf32, #tpu.memory_space<vmem>>, vector<16xf32>,
      tpu.vector_store %arg13[%swap3A_277, %swap3A_278, %swap3A_279], %gather3A_275 {strides = array<i32>} : memref<10x50x16xf32, #tpu.memory_space<vmem>>, vector<16xf32>,
      %broadcast_in_dim3A_281 = arith.constant 8 : i32
      %broadcast_in_dim3A_282 = vector.broadcast %broadcast_in_dim3A_281 : i32 to vector<16xi32>
      %gather3A_283 = tpu.vector_load_idx %arg10[%add3A_219, %broadcast_in_dim3A_282] : memref<3200x16xf32, #tpu.memory_space<vmem>>[vector<16xi32>, vector<16xi32>], vector<16xf32>,
      %swap3A_284 = arith.constant 8 : i32
      %swap3A_285 = arith.index_cast %swap3A_284 : i32 to index
      %swap3A_286 = arith.index_cast %scan3A_212 : i32 to index
      %swap3A_287 = arith.constant 0 : index
      %swap3A_288 = tpu.vector_load %arg13[%swap3A_285, %swap3A_286, %swap3A_287] {strides = array<i32>} : memref<10x50x16xf32, #tpu.memory_space<vmem>>, vector<16xf32>,
      tpu.vector_store %arg13[%swap3A_285, %swap3A_286, %swap3A_287], %gather3A_283 {strides = array<i32>} : memref<10x50x16xf32, #tpu.memory_space<vmem>>, vector<16xf32>,
      %broadcast_in_dim3A_289 = arith.constant 9 : i32
      %broadcast_in_dim3A_290 = vector.broadcast %broadcast_in_dim3A_289 : i32 to vector<16xi32>
      %gather3A_291 = tpu.vector_load_idx %arg10[%add3A_219, %broadcast_in_dim3A_290] : memref<3200x16xf32, #tpu.memory_space<vmem>>[vector<16xi32>, vector<16xi32>], vector<16xf32>,
      %swap3A_292 = arith.constant 9 : i32
      %swap3A_293 = arith.index_cast %swap3A_292 : i32 to index
      %swap3A_294 = arith.index_cast %scan3A_212 : i32 to index
      %swap3A_295 = arith.constant 0 : index
      %swap3A_296 = tpu.vector_load %arg13[%swap3A_293, %swap3A_294, %swap3A_295] {strides = array<i32>} : memref<10x50x16xf32, #tpu.memory_space<vmem>>, vector<16xf32>,
      tpu.vector_store %arg13[%swap3A_293, %swap3A_294, %swap3A_295], %gather3A_291 {strides = array<i32>} : memref<10x50x16xf32, #tpu.memory_space<vmem>>, vector<16xf32>,
    }
    %scan3A_36 = arith.constant 50 : i32
    %dma_start3A_37 = arith.constant 0 : i32
    %dma_start3A_38 = arith.constant 50 : i32
    %dma_start3A_39 = tpu.memref_slice %arg7[%dma_start3A_37, %dma_start3A_38, %add3A_8] : memref<10x200x1024xf32, #tpu.memory_space<hbm>> -> memref<10x50x16xf32, #tpu.memory_space<hbm>>
    %dma_start3A_40 = arith.constant 0 : i32
    %dma_start3A_41 = arith.constant 50 : i32
    %dma_start3A_42 = tpu.memref_slice %arg7[%dma_start3A_40, %dma_start3A_41, %add3A_8] : memref<10x200x1024xf32, #tpu.memory_space<hbm>> -> memref<10x50x16xf32, #tpu.memory_space<hbm>>
    tpu.enqueue_dma source(%arg13 : memref<10x50x16xf32, #tpu.memory_space<vmem>>) target(%dma_start3A_42 : memref<10x50x16xf32, #tpu.memory_space<hbm>>) target_semaphore(%arg14 : memref<!tpu.dma_semaphore, #tpu.memory_space<semaphore_mem>>)
    %dma_wait3A_43 = arith.constant 0 : i32
    %dma_wait3A_44 = arith.constant 0 : i32
    %dma_wait3A_45 = tpu.memref_slice %arg7[%dma_wait3A_43, %dma_wait3A_44, %add3A_8] : memref<10x200x1024xf32, #tpu.memory_space<hbm>> -> memref<10x50x16xf32, #tpu.memory_space<hbm>>
    %dma_wait3A_46 = arith.constant 0 : i32
    %dma_wait3A_47 = arith.constant 0 : i32
    %dma_wait3A_48 = tpu.memref_slice %arg7[%dma_wait3A_46, %dma_wait3A_47, %add3A_8] : memref<10x200x1024xf32, #tpu.memory_space<hbm>> -> memref<10x50x16xf32, #tpu.memory_space<hbm>>
    tpu.wait_dma2 semaphore(%arg14 : memref<!tpu.dma_semaphore, #tpu.memory_space<semaphore_mem>>) src(%arg12 : memref<10x50x16xf32, #tpu.memory_space<vmem>>) dst(%dma_wait3A_48 : memref<10x50x16xf32, #tpu.memory_space<hbm>>)
    %scan3A_49 = arith.constant 0 : i32
    %scan3A_50 = arith.constant 0 : i32
    %scan3A_51 = arith.constant 50 : i32
    %scan3A_52 = arith.addi %scan3A_50, %scan3A_51 : i32
    %scan3A_53 = arith.constant 1 : i32
    scf.for %scan3A_212 = %scan3A_50 to %scan3A_52 step %scan3A_53  : i32 {
      %mul3A_213 = arith.constant 200 : i32
      %mul3A_214 = vector.broadcast %mul3A_213 : i32 to vector<16xi32>
      %mul3A_215 = arith.muli %iota3A, %mul3A_214 : vector<16xi32>
      %add3A_216 = arith.constant 100 : i32
      %add3A_217 = arith.addi %add3A_216, %scan3A_212 : i32
      %add3A_218 = vector.broadcast %add3A_217 : i32 to vector<16xi32>
      %add3A_219 = arith.addi %mul3A_215, %add3A_218 : vector<16xi32>
      %broadcast_in_dim3A = arith.constant 0 : i32
      %broadcast_in_dim3A_220 = vector.broadcast %broadcast_in_dim3A : i32 to vector<16xi32>
      %gather3A = tpu.vector_load_idx %arg10[%add3A_219, %broadcast_in_dim3A_220] : memref<3200x16xf32, #tpu.memory_space<vmem>>[vector<16xi32>, vector<16xi32>], vector<16xf32>,
      %swap3A = arith.constant 0 : i32
      %swap3A_221 = arith.index_cast %swap3A : i32 to index
      %swap3A_222 = arith.index_cast %scan3A_212 : i32 to index
      %swap3A_223 = arith.constant 0 : index
      %swap3A_224 = tpu.vector_load %arg12[%swap3A_221, %swap3A_222, %swap3A_223] {strides = array<i32>} : memref<10x50x16xf32, #tpu.memory_space<vmem>>, vector<16xf32>,
      tpu.vector_store %arg12[%swap3A_221, %swap3A_222, %swap3A_223], %gather3A {strides = array<i32>} : memref<10x50x16xf32, #tpu.memory_space<vmem>>, vector<16xf32>,
      %broadcast_in_dim3A_225 = arith.constant 1 : i32
      %broadcast_in_dim3A_226 = vector.broadcast %broadcast_in_dim3A_225 : i32 to vector<16xi32>
      %gather3A_227 = tpu.vector_load_idx %arg10[%add3A_219, %broadcast_in_dim3A_226] : memref<3200x16xf32, #tpu.memory_space<vmem>>[vector<16xi32>, vector<16xi32>], vector<16xf32>,
      %swap3A_228 = arith.constant 1 : i32
      %swap3A_229 = arith.index_cast %swap3A_228 : i32 to index
      %swap3A_230 = arith.index_cast %scan3A_212 : i32 to index
      %swap3A_231 = arith.constant 0 : index
      %swap3A_232 = tpu.vector_load %arg12[%swap3A_229, %swap3A_230, %swap3A_231] {strides = array<i32>} : memref<10x50x16xf32, #tpu.memory_space<vmem>>, vector<16xf32>,
      tpu.vector_store %arg12[%swap3A_229, %swap3A_230, %swap3A_231], %gather3A_227 {strides = array<i32>} : memref<10x50x16xf32, #tpu.memory_space<vmem>>, vector<16xf32>,
      %broadcast_in_dim3A_233 = arith.constant 2 : i32
      %broadcast_in_dim3A_234 = vector.broadcast %broadcast_in_dim3A_233 : i32 to vector<16xi32>
      %gather3A_235 = tpu.vector_load_idx %arg10[%add3A_219, %broadcast_in_dim3A_234] : memref<3200x16xf32, #tpu.memory_space<vmem>>[vector<16xi32>, vector<16xi32>], vector<16xf32>,
      %swap3A_236 = arith.constant 2 : i32
      %swap3A_237 = arith.index_cast %swap3A_236 : i32 to index
      %swap3A_238 = arith.index_cast %scan3A_212 : i32 to index
      %swap3A_239 = arith.constant 0 : index
      %swap3A_240 = tpu.vector_load %arg12[%swap3A_237, %swap3A_238, %swap3A_239] {strides = array<i32>} : memref<10x50x16xf32, #tpu.memory_space<vmem>>, vector<16xf32>,
      tpu.vector_store %arg12[%swap3A_237, %swap3A_238, %swap3A_239], %gather3A_235 {strides = array<i32>} : memref<10x50x16xf32, #tpu.memory_space<vmem>>, vector<16xf32>,
      %broadcast_in_dim3A_241 = arith.constant 3 : i32
      %broadcast_in_dim3A_242 = vector.broadcast %broadcast_in_dim3A_241 : i32 to vector<16xi32>
      %gather3A_243 = tpu.vector_load_idx %arg10[%add3A_219, %broadcast_in_dim3A_242] : memref<3200x16xf32, #tpu.memory_space<vmem>>[vector<16xi32>, vector<16xi32>], vector<16xf32>,
      %swap3A_244 = arith.constant 3 : i32
      %swap3A_245 = arith.index_cast %swap3A_244 : i32 to index
      %swap3A_246 = arith.index_cast %scan3A_212 : i32 to index
      %swap3A_247 = arith.constant 0 : index
      %swap3A_248 = tpu.vector_load %arg12[%swap3A_245, %swap3A_246, %swap3A_247] {strides = array<i32>} : memref<10x50x16xf32, #tpu.memory_space<vmem>>, vector<16xf32>,
      tpu.vector_store %arg12[%swap3A_245, %swap3A_246, %swap3A_247], %gather3A_243 {strides = array<i32>} : memref<10x50x16xf32, #tpu.memory_space<vmem>>, vector<16xf32>,
      %broadcast_in_dim3A_249 = arith.constant 4 : i32
      %broadcast_in_dim3A_250 = vector.broadcast %broadcast_in_dim3A_249 : i32 to vector<16xi32>
      %gather3A_251 = tpu.vector_load_idx %arg10[%add3A_219, %broadcast_in_dim3A_250] : memref<3200x16xf32, #tpu.memory_space<vmem>>[vector<16xi32>, vector<16xi32>], vector<16xf32>,
      %swap3A_252 = arith.constant 4 : i32
      %swap3A_253 = arith.index_cast %swap3A_252 : i32 to index
      %swap3A_254 = arith.index_cast %scan3A_212 : i32 to index
      %swap3A_255 = arith.constant 0 : index
      %swap3A_256 = tpu.vector_load %arg12[%swap3A_253, %swap3A_254, %swap3A_255] {strides = array<i32>} : memref<10x50x16xf32, #tpu.memory_space<vmem>>, vector<16xf32>,
      tpu.vector_store %arg12[%swap3A_253, %swap3A_254, %swap3A_255], %gather3A_251 {strides = array<i32>} : memref<10x50x16xf32, #tpu.memory_space<vmem>>, vector<16xf32>,
      %broadcast_in_dim3A_257 = arith.constant 5 : i32
      %broadcast_in_dim3A_258 = vector.broadcast %broadcast_in_dim3A_257 : i32 to vector<16xi32>
      %gather3A_259 = tpu.vector_load_idx %arg10[%add3A_219, %broadcast_in_dim3A_258] : memref<3200x16xf32, #tpu.memory_space<vmem>>[vector<16xi32>, vector<16xi32>], vector<16xf32>,
      %swap3A_260 = arith.constant 5 : i32
      %swap3A_261 = arith.index_cast %swap3A_260 : i32 to index
      %swap3A_262 = arith.index_cast %scan3A_212 : i32 to index
      %swap3A_263 = arith.constant 0 : index
      %swap3A_264 = tpu.vector_load %arg12[%swap3A_261, %swap3A_262, %swap3A_263] {strides = array<i32>} : memref<10x50x16xf32, #tpu.memory_space<vmem>>, vector<16xf32>,
      tpu.vector_store %arg12[%swap3A_261, %swap3A_262, %swap3A_263], %gather3A_259 {strides = array<i32>} : memref<10x50x16xf32, #tpu.memory_space<vmem>>, vector<16xf32>,
      %broadcast_in_dim3A_265 = arith.constant 6 : i32
      %broadcast_in_dim3A_266 = vector.broadcast %broadcast_in_dim3A_265 : i32 to vector<16xi32>
      %gather3A_267 = tpu.vector_load_idx %arg10[%add3A_219, %broadcast_in_dim3A_266] : memref<3200x16xf32, #tpu.memory_space<vmem>>[vector<16xi32>, vector<16xi32>], vector<16xf32>,
      %swap3A_268 = arith.constant 6 : i32
      %swap3A_269 = arith.index_cast %swap3A_268 : i32 to index
      %swap3A_270 = arith.index_cast %scan3A_212 : i32 to index
      %swap3A_271 = arith.constant 0 : index
      %swap3A_272 = tpu.vector_load %arg12[%swap3A_269, %swap3A_270, %swap3A_271] {strides = array<i32>} : memref<10x50x16xf32, #tpu.memory_space<vmem>>, vector<16xf32>,
      tpu.vector_store %arg12[%swap3A_269, %swap3A_270, %swap3A_271], %gather3A_267 {strides = array<i32>} : memref<10x50x16xf32, #tpu.memory_space<vmem>>, vector<16xf32>,
      %broadcast_in_dim3A_273 = arith.constant 7 : i32
      %broadcast_in_dim3A_274 = vector.broadcast %broadcast_in_dim3A_273 : i32 to vector<16xi32>
      %gather3A_275 = tpu.vector_load_idx %arg10[%add3A_219, %broadcast_in_dim3A_274] : memref<3200x16xf32, #tpu.memory_space<vmem>>[vector<16xi32>, vector<16xi32>], vector<16xf32>,
      %swap3A_276 = arith.constant 7 : i32
      %swap3A_277 = arith.index_cast %swap3A_276 : i32 to index
      %swap3A_278 = arith.index_cast %scan3A_212 : i32 to index
      %swap3A_279 = arith.constant 0 : index
      %swap3A_280 = tpu.vector_load %arg12[%swap3A_277, %swap3A_278, %swap3A_279] {strides = array<i32>} : memref<10x50x16xf32, #tpu.memory_space<vmem>>, vector<16xf32>,
      tpu.vector_store %arg12[%swap3A_277, %swap3A_278, %swap3A_279], %gather3A_275 {strides = array<i32>} : memref<10x50x16xf32, #tpu.memory_space<vmem>>, vector<16xf32>,
      %broadcast_in_dim3A_281 = arith.constant 8 : i32
      %broadcast_in_dim3A_282 = vector.broadcast %broadcast_in_dim3A_281 : i32 to vector<16xi32>
      %gather3A_283 = tpu.vector_load_idx %arg10[%add3A_219, %broadcast_in_dim3A_282] : memref<3200x16xf32, #tpu.memory_space<vmem>>[vector<16xi32>, vector<16xi32>], vector<16xf32>,
      %swap3A_284 = arith.constant 8 : i32
      %swap3A_285 = arith.index_cast %swap3A_284 : i32 to index
      %swap3A_286 = arith.index_cast %scan3A_212 : i32 to index
      %swap3A_287 = arith.constant 0 : index
      %swap3A_288 = tpu.vector_load %arg12[%swap3A_285, %swap3A_286, %swap3A_287] {strides = array<i32>} : memref<10x50x16xf32, #tpu.memory_space<vmem>>, vector<16xf32>,
      tpu.vector_store %arg12[%swap3A_285, %swap3A_286, %swap3A_287], %gather3A_283 {strides = array<i32>} : memref<10x50x16xf32, #tpu.memory_space<vmem>>, vector<16xf32>,
      %broadcast_in_dim3A_289 = arith.constant 9 : i32
      %broadcast_in_dim3A_290 = vector.broadcast %broadcast_in_dim3A_289 : i32 to vector<16xi32>
      %gather3A_291 = tpu.vector_load_idx %arg10[%add3A_219, %broadcast_in_dim3A_290] : memref<3200x16xf32, #tpu.memory_space<vmem>>[vector<16xi32>, vector<16xi32>], vector<16xf32>,
      %swap3A_292 = arith.constant 9 : i32
      %swap3A_293 = arith.index_cast %swap3A_292 : i32 to index
      %swap3A_294 = arith.index_cast %scan3A_212 : i32 to index
      %swap3A_295 = arith.constant 0 : index
      %swap3A_296 = tpu.vector_load %arg12[%swap3A_293, %swap3A_294, %swap3A_295] {strides = array<i32>} : memref<10x50x16xf32, #tpu.memory_space<vmem>>, vector<16xf32>,
      tpu.vector_store %arg12[%swap3A_293, %swap3A_294, %swap3A_295], %gather3A_291 {strides = array<i32>} : memref<10x50x16xf32, #tpu.memory_space<vmem>>, vector<16xf32>,
    }
    %scan3A_54 = arith.constant 50 : i32
    %dma_start3A_55 = arith.constant 0 : i32
    %dma_start3A_56 = arith.constant 100 : i32
    %dma_start3A_57 = tpu.memref_slice %arg7[%dma_start3A_55, %dma_start3A_56, %add3A_8] : memref<10x200x1024xf32, #tpu.memory_space<hbm>> -> memref<10x50x16xf32, #tpu.memory_space<hbm>>
    %dma_start3A_58 = arith.constant 0 : i32
    %dma_start3A_59 = arith.constant 100 : i32
    %dma_start3A_60 = tpu.memref_slice %arg7[%dma_start3A_58, %dma_start3A_59, %add3A_8] : memref<10x200x1024xf32, #tpu.memory_space<hbm>> -> memref<10x50x16xf32, #tpu.memory_space<hbm>>
    tpu.enqueue_dma source(%arg12 : memref<10x50x16xf32, #tpu.memory_space<vmem>>) target(%dma_start3A_60 : memref<10x50x16xf32, #tpu.memory_space<hbm>>) target_semaphore(%arg14 : memref<!tpu.dma_semaphore, #tpu.memory_space<semaphore_mem>>)
    %dma_wait3A_61 = arith.constant 0 : i32
    %dma_wait3A_62 = arith.constant 50 : i32
    %dma_wait3A_63 = tpu.memref_slice %arg7[%dma_wait3A_61, %dma_wait3A_62, %add3A_8] : memref<10x200x1024xf32, #tpu.memory_space<hbm>> -> memref<10x50x16xf32, #tpu.memory_space<hbm>>
    %dma_wait3A_64 = arith.constant 0 : i32
    %dma_wait3A_65 = arith.constant 50 : i32
    %dma_wait3A_66 = tpu.memref_slice %arg7[%dma_wait3A_64, %dma_wait3A_65, %add3A_8] : memref<10x200x1024xf32, #tpu.memory_space<hbm>> -> memref<10x50x16xf32, #tpu.memory_space<hbm>>
    tpu.wait_dma2 semaphore(%arg14 : memref<!tpu.dma_semaphore, #tpu.memory_space<semaphore_mem>>) src(%arg13 : memref<10x50x16xf32, #tpu.memory_space<vmem>>) dst(%dma_wait3A_66 : memref<10x50x16xf32, #tpu.memory_space<hbm>>)
    %scan3A_67 = arith.constant 0 : i32
    %scan3A_68 = arith.constant 0 : i32
    %scan3A_69 = arith.constant 50 : i32
    %scan3A_70 = arith.addi %scan3A_68, %scan3A_69 : i32
    %scan3A_71 = arith.constant 1 : i32
    scf.for %scan3A_212 = %scan3A_68 to %scan3A_70 step %scan3A_71  : i32 {
      %mul3A_213 = arith.constant 200 : i32
      %mul3A_214 = vector.broadcast %mul3A_213 : i32 to vector<16xi32>
      %mul3A_215 = arith.muli %iota3A, %mul3A_214 : vector<16xi32>
      %add3A_216 = arith.constant 150 : i32
      %add3A_217 = arith.addi %add3A_216, %scan3A_212 : i32
      %add3A_218 = vector.broadcast %add3A_217 : i32 to vector<16xi32>
      %add3A_219 = arith.addi %mul3A_215, %add3A_218 : vector<16xi32>
      %broadcast_in_dim3A = arith.constant 0 : i32
      %broadcast_in_dim3A_220 = vector.broadcast %broadcast_in_dim3A : i32 to vector<16xi32>
      %gather3A = tpu.vector_load_idx %arg10[%add3A_219, %broadcast_in_dim3A_220] : memref<3200x16xf32, #tpu.memory_space<vmem>>[vector<16xi32>, vector<16xi32>], vector<16xf32>,
      %swap3A = arith.constant 0 : i32
      %swap3A_221 = arith.index_cast %swap3A : i32 to index
      %swap3A_222 = arith.index_cast %scan3A_212 : i32 to index
      %swap3A_223 = arith.constant 0 : index
      %swap3A_224 = tpu.vector_load %arg13[%swap3A_221, %swap3A_222, %swap3A_223] {strides = array<i32>} : memref<10x50x16xf32, #tpu.memory_space<vmem>>, vector<16xf32>,
      tpu.vector_store %arg13[%swap3A_221, %swap3A_222, %swap3A_223], %gather3A {strides = array<i32>} : memref<10x50x16xf32, #tpu.memory_space<vmem>>, vector<16xf32>,
      %broadcast_in_dim3A_225 = arith.constant 1 : i32
      %broadcast_in_dim3A_226 = vector.broadcast %broadcast_in_dim3A_225 : i32 to vector<16xi32>
      %gather3A_227 = tpu.vector_load_idx %arg10[%add3A_219, %broadcast_in_dim3A_226] : memref<3200x16xf32, #tpu.memory_space<vmem>>[vector<16xi32>, vector<16xi32>], vector<16xf32>,
      %swap3A_228 = arith.constant 1 : i32
      %swap3A_229 = arith.index_cast %swap3A_228 : i32 to index
      %swap3A_230 = arith.index_cast %scan3A_212 : i32 to index
      %swap3A_231 = arith.constant 0 : index
      %swap3A_232 = tpu.vector_load %arg13[%swap3A_229, %swap3A_230, %swap3A_231] {strides = array<i32>} : memref<10x50x16xf32, #tpu.memory_space<vmem>>, vector<16xf32>,
      tpu.vector_store %arg13[%swap3A_229, %swap3A_230, %swap3A_231], %gather3A_227 {strides = array<i32>} : memref<10x50x16xf32, #tpu.memory_space<vmem>>, vector<16xf32>,
      %broadcast_in_dim3A_233 = arith.constant 2 : i32
      %broadcast_in_dim3A_234 = vector.broadcast %broadcast_in_dim3A_233 : i32 to vector<16xi32>
      %gather3A_235 = tpu.vector_load_idx %arg10[%add3A_219, %broadcast_in_dim3A_234] : memref<3200x16xf32, #tpu.memory_space<vmem>>[vector<16xi32>, vector<16xi32>], vector<16xf32>,
      %swap3A_236 = arith.constant 2 : i32
      %swap3A_237 = arith.index_cast %swap3A_236 : i32 to index
      %swap3A_238 = arith.index_cast %scan3A_212 : i32 to index
      %swap3A_239 = arith.constant 0 : index
      %swap3A_240 = tpu.vector_load %arg13[%swap3A_237, %swap3A_238, %swap3A_239] {strides = array<i32>} : memref<10x50x16xf32, #tpu.memory_space<vmem>>, vector<16xf32>,
      tpu.vector_store %arg13[%swap3A_237, %swap3A_238, %swap3A_239], %gather3A_235 {strides = array<i32>} : memref<10x50x16xf32, #tpu.memory_space<vmem>>, vector<16xf32>,
      %broadcast_in_dim3A_241 = arith.constant 3 : i32
      %broadcast_in_dim3A_242 = vector.broadcast %broadcast_in_dim3A_241 : i32 to vector<16xi32>
      %gather3A_243 = tpu.vector_load_idx %arg10[%add3A_219, %broadcast_in_dim3A_242] : memref<3200x16xf32, #tpu.memory_space<vmem>>[vector<16xi32>, vector<16xi32>], vector<16xf32>,
      %swap3A_244 = arith.constant 3 : i32
      %swap3A_245 = arith.index_cast %swap3A_244 : i32 to index
      %swap3A_246 = arith.index_cast %scan3A_212 : i32 to index
      %swap3A_247 = arith.constant 0 : index
      %swap3A_248 = tpu.vector_load %arg13[%swap3A_245, %swap3A_246, %swap3A_247] {strides = array<i32>} : memref<10x50x16xf32, #tpu.memory_space<vmem>>, vector<16xf32>,
      tpu.vector_store %arg13[%swap3A_245, %swap3A_246, %swap3A_247], %gather3A_243 {strides = array<i32>} : memref<10x50x16xf32, #tpu.memory_space<vmem>>, vector<16xf32>,
      %broadcast_in_dim3A_249 = arith.constant 4 : i32
      %broadcast_in_dim3A_250 = vector.broadcast %broadcast_in_dim3A_249 : i32 to vector<16xi32>
      %gather3A_251 = tpu.vector_load_idx %arg10[%add3A_219, %broadcast_in_dim3A_250] : memref<3200x16xf32, #tpu.memory_space<vmem>>[vector<16xi32>, vector<16xi32>], vector<16xf32>,
      %swap3A_252 = arith.constant 4 : i32
      %swap3A_253 = arith.index_cast %swap3A_252 : i32 to index
      %swap3A_254 = arith.index_cast %scan3A_212 : i32 to index
      %swap3A_255 = arith.constant 0 : index
      %swap3A_256 = tpu.vector_load %arg13[%swap3A_253, %swap3A_254, %swap3A_255] {strides = array<i32>} : memref<10x50x16xf32, #tpu.memory_space<vmem>>, vector<16xf32>,
      tpu.vector_store %arg13[%swap3A_253, %swap3A_254, %swap3A_255], %gather3A_251 {strides = array<i32>} : memref<10x50x16xf32, #tpu.memory_space<vmem>>, vector<16xf32>,
      %broadcast_in_dim3A_257 = arith.constant 5 : i32
      %broadcast_in_dim3A_258 = vector.broadcast %broadcast_in_dim3A_257 : i32 to vector<16xi32>
      %gather3A_259 = tpu.vector_load_idx %arg10[%add3A_219, %broadcast_in_dim3A_258] : memref<3200x16xf32, #tpu.memory_space<vmem>>[vector<16xi32>, vector<16xi32>], vector<16xf32>,
      %swap3A_260 = arith.constant 5 : i32
      %swap3A_261 = arith.index_cast %swap3A_260 : i32 to index
      %swap3A_262 = arith.index_cast %scan3A_212 : i32 to index
      %swap3A_263 = arith.constant 0 : index
      %swap3A_264 = tpu.vector_load %arg13[%swap3A_261, %swap3A_262, %swap3A_263] {strides = array<i32>} : memref<10x50x16xf32, #tpu.memory_space<vmem>>, vector<16xf32>,
      tpu.vector_store %arg13[%swap3A_261, %swap3A_262, %swap3A_263], %gather3A_259 {strides = array<i32>} : memref<10x50x16xf32, #tpu.memory_space<vmem>>, vector<16xf32>,
      %broadcast_in_dim3A_265 = arith.constant 6 : i32
      %broadcast_in_dim3A_266 = vector.broadcast %broadcast_in_dim3A_265 : i32 to vector<16xi32>
      %gather3A_267 = tpu.vector_load_idx %arg10[%add3A_219, %broadcast_in_dim3A_266] : memref<3200x16xf32, #tpu.memory_space<vmem>>[vector<16xi32>, vector<16xi32>], vector<16xf32>,
      %swap3A_268 = arith.constant 6 : i32
      %swap3A_269 = arith.index_cast %swap3A_268 : i32 to index
      %swap3A_270 = arith.index_cast %scan3A_212 : i32 to index
      %swap3A_271 = arith.constant 0 : index
      %swap3A_272 = tpu.vector_load %arg13[%swap3A_269, %swap3A_270, %swap3A_271] {strides = array<i32>} : memref<10x50x16xf32, #tpu.memory_space<vmem>>, vector<16xf32>,
      tpu.vector_store %arg13[%swap3A_269, %swap3A_270, %swap3A_271], %gather3A_267 {strides = array<i32>} : memref<10x50x16xf32, #tpu.memory_space<vmem>>, vector<16xf32>,
      %broadcast_in_dim3A_273 = arith.constant 7 : i32
      %broadcast_in_dim3A_274 = vector.broadcast %broadcast_in_dim3A_273 : i32 to vector<16xi32>
      %gather3A_275 = tpu.vector_load_idx %arg10[%add3A_219, %broadcast_in_dim3A_274] : memref<3200x16xf32, #tpu.memory_space<vmem>>[vector<16xi32>, vector<16xi32>], vector<16xf32>,
      %swap3A_276 = arith.constant 7 : i32
      %swap3A_277 = arith.index_cast %swap3A_276 : i32 to index
      %swap3A_278 = arith.index_cast %scan3A_212 : i32 to index
      %swap3A_279 = arith.constant 0 : index
      %swap3A_280 = tpu.vector_load %arg13[%swap3A_277, %swap3A_278, %swap3A_279] {strides = array<i32>} : memref<10x50x16xf32, #tpu.memory_space<vmem>>, vector<16xf32>,
      tpu.vector_store %arg13[%swap3A_277, %swap3A_278, %swap3A_279], %gather3A_275 {strides = array<i32>} : memref<10x50x16xf32, #tpu.memory_space<vmem>>, vector<16xf32>,
      %broadcast_in_dim3A_281 = arith.constant 8 : i32
      %broadcast_in_dim3A_282 = vector.broadcast %broadcast_in_dim3A_281 : i32 to vector<16xi32>
      %gather3A_283 = tpu.vector_load_idx %arg10[%add3A_219, %broadcast_in_dim3A_282] : memref<3200x16xf32, #tpu.memory_space<vmem>>[vector<16xi32>, vector<16xi32>], vector<16xf32>,
      %swap3A_284 = arith.constant 8 : i32
      %swap3A_285 = arith.index_cast %swap3A_284 : i32 to index
      %swap3A_286 = arith.index_cast %scan3A_212 : i32 to index
      %swap3A_287 = arith.constant 0 : index
      %swap3A_288 = tpu.vector_load %arg13[%swap3A_285, %swap3A_286, %swap3A_287] {strides = array<i32>} : memref<10x50x16xf32, #tpu.memory_space<vmem>>, vector<16xf32>,
      tpu.vector_store %arg13[%swap3A_285, %swap3A_286, %swap3A_287], %gather3A_283 {strides = array<i32>} : memref<10x50x16xf32, #tpu.memory_space<vmem>>, vector<16xf32>,
      %broadcast_in_dim3A_289 = arith.constant 9 : i32
      %broadcast_in_dim3A_290 = vector.broadcast %broadcast_in_dim3A_289 : i32 to vector<16xi32>
      %gather3A_291 = tpu.vector_load_idx %arg10[%add3A_219, %broadcast_in_dim3A_290] : memref<3200x16xf32, #tpu.memory_space<vmem>>[vector<16xi32>, vector<16xi32>], vector<16xf32>,
      %swap3A_292 = arith.constant 9 : i32
      %swap3A_293 = arith.index_cast %swap3A_292 : i32 to index
      %swap3A_294 = arith.index_cast %scan3A_212 : i32 to index
      %swap3A_295 = arith.constant 0 : index
      %swap3A_296 = tpu.vector_load %arg13[%swap3A_293, %swap3A_294, %swap3A_295] {strides = array<i32>} : memref<10x50x16xf32, #tpu.memory_space<vmem>>, vector<16xf32>,
      tpu.vector_store %arg13[%swap3A_293, %swap3A_294, %swap3A_295], %gather3A_291 {strides = array<i32>} : memref<10x50x16xf32, #tpu.memory_space<vmem>>, vector<16xf32>,
    }
    %scan3A_72 = arith.constant 50 : i32
    %dma_start3A_73 = arith.constant 0 : i32
    %dma_start3A_74 = arith.constant 150 : i32
    %dma_start3A_75 = tpu.memref_slice %arg7[%dma_start3A_73, %dma_start3A_74, %add3A_8] : memref<10x200x1024xf32, #tpu.memory_space<hbm>> -> memref<10x50x16xf32, #tpu.memory_space<hbm>>
    %dma_start3A_76 = arith.constant 0 : i32
    %dma_start3A_77 = arith.constant 150 : i32
    %dma_start3A_78 = tpu.memref_slice %arg7[%dma_start3A_76, %dma_start3A_77, %add3A_8] : memref<10x200x1024xf32, #tpu.memory_space<hbm>> -> memref<10x50x16xf32, #tpu.memory_space<hbm>>
    tpu.enqueue_dma source(%arg13 : memref<10x50x16xf32, #tpu.memory_space<vmem>>) target(%dma_start3A_78 : memref<10x50x16xf32, #tpu.memory_space<hbm>>) target_semaphore(%arg14 : memref<!tpu.dma_semaphore, #tpu.memory_space<semaphore_mem>>)
    %dma_wait3A_79 = arith.constant 0 : i32
    %dma_wait3A_80 = arith.constant 0 : i32
    %dma_wait3A_81 = tpu.memref_slice %arg2[%dma_wait3A_79, %dma_wait3A_80] : memref<800000x16xf32, #tpu.memory_space<hbm>> -> memref<800000x16xf32, #tpu.memory_space<hbm>>
    tpu.wait_indirect_dma semaphore(%arg15 : memref<!tpu.dma_semaphore, #tpu.memory_space<semaphore_mem>>) src(%dma_wait3A_81 : memref<800000x16xf32, #tpu.memory_space<hbm>>) dst(%arg11 : memref<3200x16xf32, #tpu.memory_space<vmem>>)
    %dma_start3A_82 = arith.constant 0 : i32
    %dma_start3A_83 = tpu.memref_slice %arg6[%add3A_4, %dma_start3A_82] : memref<204800x16xf32, #tpu.memory_space<hbm>> -> memref<3200x16xf32, #tpu.memory_space<hbm>>
    %dma_start3A_84 = arith.constant 0 : i32
    %dma_start3A_85 = tpu.memref_slice %arg6[%add3A_4, %dma_start3A_84] : memref<204800x16xf32, #tpu.memory_space<hbm>> -> memref<3200x16xf32, #tpu.memory_space<hbm>>
    tpu.enqueue_dma source(%arg11 : memref<3200x16xf32, #tpu.memory_space<vmem>>) target(%dma_start3A_85 : memref<3200x16xf32, #tpu.memory_space<hbm>>) target_semaphore(%arg15 : memref<!tpu.dma_semaphore, #tpu.memory_space<semaphore_mem>>)
    %dma_wait3A_86 = arith.constant 0 : i32
    %dma_wait3A_87 = tpu.memref_slice %arg5[%add3A_4, %dma_wait3A_86] : memref<204800x16xf32, #tpu.memory_space<hbm>> -> memref<3200x16xf32, #tpu.memory_space<hbm>>
    %dma_wait3A_88 = arith.constant 0 : i32
    %dma_wait3A_89 = tpu.memref_slice %arg5[%add3A_4, %dma_wait3A_88] : memref<204800x16xf32, #tpu.memory_space<hbm>> -> memref<3200x16xf32, #tpu.memory_space<hbm>>
    tpu.wait_dma2 semaphore(%arg14 : memref<!tpu.dma_semaphore, #tpu.memory_space<semaphore_mem>>) src(%arg10 : memref<3200x16xf32, #tpu.memory_space<vmem>>) dst(%dma_wait3A_89 : memref<3200x16xf32, #tpu.memory_space<hbm>>)
    %dma_wait3A_90 = arith.constant 0 : i32
    %dma_wait3A_91 = arith.constant 100 : i32
    %dma_wait3A_92 = tpu.memref_slice %arg7[%dma_wait3A_90, %dma_wait3A_91, %add3A_8] : memref<10x200x1024xf32, #tpu.memory_space<hbm>> -> memref<10x50x16xf32, #tpu.memory_space<hbm>>
    %dma_wait3A_93 = arith.constant 0 : i32
    %dma_wait3A_94 = arith.constant 100 : i32
    %dma_wait3A_95 = tpu.memref_slice %arg7[%dma_wait3A_93, %dma_wait3A_94, %add3A_8] : memref<10x200x1024xf32, #tpu.memory_space<hbm>> -> memref<10x50x16xf32, #tpu.memory_space<hbm>>
    tpu.wait_dma2 semaphore(%arg14 : memref<!tpu.dma_semaphore, #tpu.memory_space<semaphore_mem>>) src(%arg12 : memref<10x50x16xf32, #tpu.memory_space<vmem>>) dst(%dma_wait3A_95 : memref<10x50x16xf32, #tpu.memory_space<hbm>>)
    %dma_wait3A_96 = arith.constant 0 : i32
    %dma_wait3A_97 = arith.constant 150 : i32
    %dma_wait3A_98 = tpu.memref_slice %arg7[%dma_wait3A_96, %dma_wait3A_97, %add3A_8] : memref<10x200x1024xf32, #tpu.memory_space<hbm>> -> memref<10x50x16xf32, #tpu.memory_space<hbm>>
    %dma_wait3A_99 = arith.constant 0 : i32
    %dma_wait3A_100 = arith.constant 150 : i32
    %dma_wait3A_101 = tpu.memref_slice %arg7[%dma_wait3A_99, %dma_wait3A_100, %add3A_8] : memref<10x200x1024xf32, #tpu.memory_space<hbm>> -> memref<10x50x16xf32, #tpu.memory_space<hbm>>
    tpu.wait_dma2 semaphore(%arg14 : memref<!tpu.dma_semaphore, #tpu.memory_space<semaphore_mem>>) src(%arg13 : memref<10x50x16xf32, #tpu.memory_space<vmem>>) dst(%dma_wait3A_101 : memref<10x50x16xf32, #tpu.memory_space<hbm>>)
    %dma_wait3A_102 = arith.constant 0 : i32
    %dma_wait3A_103 = tpu.memref_slice %arg6[%add3A_4, %dma_wait3A_102] : memref<204800x16xf32, #tpu.memory_space<hbm>> -> memref<3200x16xf32, #tpu.memory_space<hbm>>
    %dma_wait3A_104 = arith.constant 0 : i32
    %dma_wait3A_105 = tpu.memref_slice %arg6[%add3A_4, %dma_wait3A_104] : memref<204800x16xf32, #tpu.memory_space<hbm>> -> memref<3200x16xf32, #tpu.memory_space<hbm>>
    tpu.wait_dma2 semaphore(%arg15 : memref<!tpu.dma_semaphore, #tpu.memory_space<semaphore_mem>>) src(%arg11 : memref<3200x16xf32, #tpu.memory_space<vmem>>) dst(%dma_wait3A_105 : memref<3200x16xf32, #tpu.memory_space<hbm>>)
    %add3A_106 = arith.constant 3200 : i32
    %add3A_107 = arith.addi %mul3A_2, %add3A_106 : i32
    %mul3A_108 = arith.constant 32 : i32
    %mul3A_109 = arith.muli %add3A, %mul3A_108 : i32
    %add3A_110 = arith.constant 16 : i32
    %add3A_111 = arith.addi %mul3A_109, %add3A_110 : i32
    "tpu.region"() ({
      %run_scoped3A = tpu.sem_alloc : memref<!tpu.dma_semaphore, #tpu.memory_space<semaphore_mem>>
      %dma_start3A_212 = tpu.memref_slice %arg3[%add3A_107] : memref<204800xi32, #tpu.memory_space<hbm>> -> memref<3200xi32, #tpu.memory_space<hbm>>
      %dma_start3A_213 = tpu.memref_slice %arg3[%add3A_107] : memref<204800xi32, #tpu.memory_space<hbm>> -> memref<3200xi32, #tpu.memory_space<hbm>>
      tpu.enqueue_dma source(%dma_start3A_213 : memref<3200xi32, #tpu.memory_space<hbm>>) target(%arg8 : memref<3200xi32, #tpu.memory_space<vmem>>) target_semaphore(%run_scoped3A : memref<!tpu.dma_semaphore, #tpu.memory_space<semaphore_mem>>)
      %dma_wait3A_214 = tpu.memref_slice %arg3[%add3A_107] : memref<204800xi32, #tpu.memory_space<hbm>> -> memref<3200xi32, #tpu.memory_space<hbm>>
      %dma_wait3A_215 = tpu.memref_slice %arg3[%add3A_107] : memref<204800xi32, #tpu.memory_space<hbm>> -> memref<3200xi32, #tpu.memory_space<hbm>>
      tpu.wait_dma2 semaphore(%run_scoped3A : memref<!tpu.dma_semaphore, #tpu.memory_space<semaphore_mem>>) src(%dma_wait3A_215 : memref<3200xi32, #tpu.memory_space<hbm>>) dst(%arg8 : memref<3200xi32, #tpu.memory_space<vmem>>)
      tpu.yield
    }) : () -> ()
    "tpu.region"() ({
      %run_scoped3A = tpu.sem_alloc : memref<!tpu.dma_semaphore, #tpu.memory_space<semaphore_mem>>
      %dma_start3A_212 = tpu.memref_slice %arg4[%add3A_107] : memref<204800xi32, #tpu.memory_space<hbm>> -> memref<3200xi32, #tpu.memory_space<hbm>>
      %dma_start3A_213 = tpu.memref_slice %arg4[%add3A_107] : memref<204800xi32, #tpu.memory_space<hbm>> -> memref<3200xi32, #tpu.memory_space<hbm>>
      tpu.enqueue_dma source(%dma_start3A_213 : memref<3200xi32, #tpu.memory_space<hbm>>) target(%arg9 : memref<3200xi32, #tpu.memory_space<vmem>>) target_semaphore(%run_scoped3A : memref<!tpu.dma_semaphore, #tpu.memory_space<semaphore_mem>>)
      %dma_wait3A_214 = tpu.memref_slice %arg4[%add3A_107] : memref<204800xi32, #tpu.memory_space<hbm>> -> memref<3200xi32, #tpu.memory_space<hbm>>
      %dma_wait3A_215 = tpu.memref_slice %arg4[%add3A_107] : memref<204800xi32, #tpu.memory_space<hbm>> -> memref<3200xi32, #tpu.memory_space<hbm>>
      tpu.wait_dma2 semaphore(%run_scoped3A : memref<!tpu.dma_semaphore, #tpu.memory_space<semaphore_mem>>) src(%dma_wait3A_215 : memref<3200xi32, #tpu.memory_space<hbm>>) dst(%arg9 : memref<3200xi32, #tpu.memory_space<vmem>>)
      tpu.yield
    }) : () -> ()
    %dma_start3A_112 = arith.constant 0 : i32
    %dma_start3A_113 = arith.constant 0 : i32
    %dma_start3A_114 = tpu.memref_slice %arg2[%dma_start3A_112, %dma_start3A_113] : memref<800000x16xf32, #tpu.memory_space<hbm>> -> memref<800000x16xf32, #tpu.memory_space<hbm>>
    tpu.enqueue_indirect_dma source(%dma_start3A_114 : memref<800000x16xf32, #tpu.memory_space<hbm>>) target(%arg10 : memref<3200x16xf32, #tpu.memory_space<vmem>>) offsets(%arg8 : memref<3200xi32, #tpu.memory_space<vmem>>) semaphore(%arg14 : memref<!tpu.dma_semaphore, #tpu.memory_space<semaphore_mem>>)
    %dma_start3A_115 = arith.constant 0 : i32
    %dma_start3A_116 = arith.constant 0 : i32
    %dma_start3A_117 = tpu.memref_slice %arg2[%dma_start3A_115, %dma_start3A_116] : memref<800000x16xf32, #tpu.memory_space<hbm>> -> memref<800000x16xf32, #tpu.memory_space<hbm>>
    tpu.enqueue_indirect_dma source(%dma_start3A_117 : memref<800000x16xf32, #tpu.memory_space<hbm>>) target(%arg11 : memref<3200x16xf32, #tpu.memory_space<vmem>>) offsets(%arg9 : memref<3200xi32, #tpu.memory_space<vmem>>) semaphore(%arg15 : memref<!tpu.dma_semaphore, #tpu.memory_space<semaphore_mem>>)
    %dma_wait3A_118 = arith.constant 0 : i32
    %dma_wait3A_119 = arith.constant 0 : i32
    %dma_wait3A_120 = tpu.memref_slice %arg2[%dma_wait3A_118, %dma_wait3A_119] : memref<800000x16xf32, #tpu.memory_space<hbm>> -> memref<800000x16xf32, #tpu.memory_space<hbm>>
    tpu.wait_indirect_dma semaphore(%arg14 : memref<!tpu.dma_semaphore, #tpu.memory_space<semaphore_mem>>) src(%dma_wait3A_120 : memref<800000x16xf32, #tpu.memory_space<hbm>>) dst(%arg10 : memref<3200x16xf32, #tpu.memory_space<vmem>>)
    %dma_start3A_121 = arith.constant 0 : i32
    %dma_start3A_122 = tpu.memref_slice %arg5[%add3A_107, %dma_start3A_121] : memref<204800x16xf32, #tpu.memory_space<hbm>> -> memref<3200x16xf32, #tpu.memory_space<hbm>>
    %dma_start3A_123 = arith.constant 0 : i32
    %dma_start3A_124 = tpu.memref_slice %arg5[%add3A_107, %dma_start3A_123] : memref<204800x16xf32, #tpu.memory_space<hbm>> -> memref<3200x16xf32, #tpu.memory_space<hbm>>
    tpu.enqueue_dma source(%arg10 : memref<3200x16xf32, #tpu.memory_space<vmem>>) target(%dma_start3A_124 : memref<3200x16xf32, #tpu.memory_space<hbm>>) target_semaphore(%arg14 : memref<!tpu.dma_semaphore, #tpu.memory_space<semaphore_mem>>)
    %scan3A_125 = arith.constant 0 : i32
    %scan3A_126 = arith.constant 0 : i32
    %scan3A_127 = arith.constant 50 : i32
    %scan3A_128 = arith.addi %scan3A_126, %scan3A_127 : i32
    %scan3A_129 = arith.constant 1 : i32
    scf.for %scan3A_212 = %scan3A_126 to %scan3A_128 step %scan3A_129  : i32 {
      %mul3A_213 = arith.constant 200 : i32
      %mul3A_214 = vector.broadcast %mul3A_213 : i32 to vector<16xi32>
      %mul3A_215 = arith.muli %iota3A, %mul3A_214 : vector<16xi32>
      %add3A_216 = arith.constant 0 : i32
      %add3A_217 = arith.addi %add3A_216, %scan3A_212 : i32
      %add3A_218 = vector.broadcast %add3A_217 : i32 to vector<16xi32>
      %add3A_219 = arith.addi %mul3A_215, %add3A_218 : vector<16xi32>
      %broadcast_in_dim3A = arith.constant 0 : i32
      %broadcast_in_dim3A_220 = vector.broadcast %broadcast_in_dim3A : i32 to vector<16xi32>
      %gather3A = tpu.vector_load_idx %arg10[%add3A_219, %broadcast_in_dim3A_220] : memref<3200x16xf32, #tpu.memory_space<vmem>>[vector<16xi32>, vector<16xi32>], vector<16xf32>,
      %swap3A = arith.constant 0 : i32
      %swap3A_221 = arith.index_cast %swap3A : i32 to index
      %swap3A_222 = arith.index_cast %scan3A_212 : i32 to index
      %swap3A_223 = arith.constant 0 : index
      %swap3A_224 = tpu.vector_load %arg12[%swap3A_221, %swap3A_222, %swap3A_223] {strides = array<i32>} : memref<10x50x16xf32, #tpu.memory_space<vmem>>, vector<16xf32>,
      tpu.vector_store %arg12[%swap3A_221, %swap3A_222, %swap3A_223], %gather3A {strides = array<i32>} : memref<10x50x16xf32, #tpu.memory_space<vmem>>, vector<16xf32>,
      %broadcast_in_dim3A_225 = arith.constant 1 : i32
      %broadcast_in_dim3A_226 = vector.broadcast %broadcast_in_dim3A_225 : i32 to vector<16xi32>
      %gather3A_227 = tpu.vector_load_idx %arg10[%add3A_219, %broadcast_in_dim3A_226] : memref<3200x16xf32, #tpu.memory_space<vmem>>[vector<16xi32>, vector<16xi32>], vector<16xf32>,
      %swap3A_228 = arith.constant 1 : i32
      %swap3A_229 = arith.index_cast %swap3A_228 : i32 to index
      %swap3A_230 = arith.index_cast %scan3A_212 : i32 to index
      %swap3A_231 = arith.constant 0 : index
      %swap3A_232 = tpu.vector_load %arg12[%swap3A_229, %swap3A_230, %swap3A_231] {strides = array<i32>} : memref<10x50x16xf32, #tpu.memory_space<vmem>>, vector<16xf32>,
      tpu.vector_store %arg12[%swap3A_229, %swap3A_230, %swap3A_231], %gather3A_227 {strides = array<i32>} : memref<10x50x16xf32, #tpu.memory_space<vmem>>, vector<16xf32>,
      %broadcast_in_dim3A_233 = arith.constant 2 : i32
      %broadcast_in_dim3A_234 = vector.broadcast %broadcast_in_dim3A_233 : i32 to vector<16xi32>
      %gather3A_235 = tpu.vector_load_idx %arg10[%add3A_219, %broadcast_in_dim3A_234] : memref<3200x16xf32, #tpu.memory_space<vmem>>[vector<16xi32>, vector<16xi32>], vector<16xf32>,
      %swap3A_236 = arith.constant 2 : i32
      %swap3A_237 = arith.index_cast %swap3A_236 : i32 to index
      %swap3A_238 = arith.index_cast %scan3A_212 : i32 to index
      %swap3A_239 = arith.constant 0 : index
      %swap3A_240 = tpu.vector_load %arg12[%swap3A_237, %swap3A_238, %swap3A_239] {strides = array<i32>} : memref<10x50x16xf32, #tpu.memory_space<vmem>>, vector<16xf32>,
      tpu.vector_store %arg12[%swap3A_237, %swap3A_238, %swap3A_239], %gather3A_235 {strides = array<i32>} : memref<10x50x16xf32, #tpu.memory_space<vmem>>, vector<16xf32>,
      %broadcast_in_dim3A_241 = arith.constant 3 : i32
      %broadcast_in_dim3A_242 = vector.broadcast %broadcast_in_dim3A_241 : i32 to vector<16xi32>
      %gather3A_243 = tpu.vector_load_idx %arg10[%add3A_219, %broadcast_in_dim3A_242] : memref<3200x16xf32, #tpu.memory_space<vmem>>[vector<16xi32>, vector<16xi32>], vector<16xf32>,
      %swap3A_244 = arith.constant 3 : i32
      %swap3A_245 = arith.index_cast %swap3A_244 : i32 to index
      %swap3A_246 = arith.index_cast %scan3A_212 : i32 to index
      %swap3A_247 = arith.constant 0 : index
      %swap3A_248 = tpu.vector_load %arg12[%swap3A_245, %swap3A_246, %swap3A_247] {strides = array<i32>} : memref<10x50x16xf32, #tpu.memory_space<vmem>>, vector<16xf32>,
      tpu.vector_store %arg12[%swap3A_245, %swap3A_246, %swap3A_247], %gather3A_243 {strides = array<i32>} : memref<10x50x16xf32, #tpu.memory_space<vmem>>, vector<16xf32>,
      %broadcast_in_dim3A_249 = arith.constant 4 : i32
      %broadcast_in_dim3A_250 = vector.broadcast %broadcast_in_dim3A_249 : i32 to vector<16xi32>
      %gather3A_251 = tpu.vector_load_idx %arg10[%add3A_219, %broadcast_in_dim3A_250] : memref<3200x16xf32, #tpu.memory_space<vmem>>[vector<16xi32>, vector<16xi32>], vector<16xf32>,
      %swap3A_252 = arith.constant 4 : i32
      %swap3A_253 = arith.index_cast %swap3A_252 : i32 to index
      %swap3A_254 = arith.index_cast %scan3A_212 : i32 to index
      %swap3A_255 = arith.constant 0 : index
      %swap3A_256 = tpu.vector_load %arg12[%swap3A_253, %swap3A_254, %swap3A_255] {strides = array<i32>} : memref<10x50x16xf32, #tpu.memory_space<vmem>>, vector<16xf32>,
      tpu.vector_store %arg12[%swap3A_253, %swap3A_254, %swap3A_255], %gather3A_251 {strides = array<i32>} : memref<10x50x16xf32, #tpu.memory_space<vmem>>, vector<16xf32>,
      %broadcast_in_dim3A_257 = arith.constant 5 : i32
      %broadcast_in_dim3A_258 = vector.broadcast %broadcast_in_dim3A_257 : i32 to vector<16xi32>
      %gather3A_259 = tpu.vector_load_idx %arg10[%add3A_219, %broadcast_in_dim3A_258] : memref<3200x16xf32, #tpu.memory_space<vmem>>[vector<16xi32>, vector<16xi32>], vector<16xf32>,
      %swap3A_260 = arith.constant 5 : i32
      %swap3A_261 = arith.index_cast %swap3A_260 : i32 to index
      %swap3A_262 = arith.index_cast %scan3A_212 : i32 to index
      %swap3A_263 = arith.constant 0 : index
      %swap3A_264 = tpu.vector_load %arg12[%swap3A_261, %swap3A_262, %swap3A_263] {strides = array<i32>} : memref<10x50x16xf32, #tpu.memory_space<vmem>>, vector<16xf32>,
      tpu.vector_store %arg12[%swap3A_261, %swap3A_262, %swap3A_263], %gather3A_259 {strides = array<i32>} : memref<10x50x16xf32, #tpu.memory_space<vmem>>, vector<16xf32>,
      %broadcast_in_dim3A_265 = arith.constant 6 : i32
      %broadcast_in_dim3A_266 = vector.broadcast %broadcast_in_dim3A_265 : i32 to vector<16xi32>
      %gather3A_267 = tpu.vector_load_idx %arg10[%add3A_219, %broadcast_in_dim3A_266] : memref<3200x16xf32, #tpu.memory_space<vmem>>[vector<16xi32>, vector<16xi32>], vector<16xf32>,
      %swap3A_268 = arith.constant 6 : i32
      %swap3A_269 = arith.index_cast %swap3A_268 : i32 to index
      %swap3A_270 = arith.index_cast %scan3A_212 : i32 to index
      %swap3A_271 = arith.constant 0 : index
      %swap3A_272 = tpu.vector_load %arg12[%swap3A_269, %swap3A_270, %swap3A_271] {strides = array<i32>} : memref<10x50x16xf32, #tpu.memory_space<vmem>>, vector<16xf32>,
      tpu.vector_store %arg12[%swap3A_269, %swap3A_270, %swap3A_271], %gather3A_267 {strides = array<i32>} : memref<10x50x16xf32, #tpu.memory_space<vmem>>, vector<16xf32>,
      %broadcast_in_dim3A_273 = arith.constant 7 : i32
      %broadcast_in_dim3A_274 = vector.broadcast %broadcast_in_dim3A_273 : i32 to vector<16xi32>
      %gather3A_275 = tpu.vector_load_idx %arg10[%add3A_219, %broadcast_in_dim3A_274] : memref<3200x16xf32, #tpu.memory_space<vmem>>[vector<16xi32>, vector<16xi32>], vector<16xf32>,
      %swap3A_276 = arith.constant 7 : i32
      %swap3A_277 = arith.index_cast %swap3A_276 : i32 to index
      %swap3A_278 = arith.index_cast %scan3A_212 : i32 to index
      %swap3A_279 = arith.constant 0 : index
      %swap3A_280 = tpu.vector_load %arg12[%swap3A_277, %swap3A_278, %swap3A_279] {strides = array<i32>} : memref<10x50x16xf32, #tpu.memory_space<vmem>>, vector<16xf32>,
      tpu.vector_store %arg12[%swap3A_277, %swap3A_278, %swap3A_279], %gather3A_275 {strides = array<i32>} : memref<10x50x16xf32, #tpu.memory_space<vmem>>, vector<16xf32>,
      %broadcast_in_dim3A_281 = arith.constant 8 : i32
      %broadcast_in_dim3A_282 = vector.broadcast %broadcast_in_dim3A_281 : i32 to vector<16xi32>
      %gather3A_283 = tpu.vector_load_idx %arg10[%add3A_219, %broadcast_in_dim3A_282] : memref<3200x16xf32, #tpu.memory_space<vmem>>[vector<16xi32>, vector<16xi32>], vector<16xf32>,
      %swap3A_284 = arith.constant 8 : i32
      %swap3A_285 = arith.index_cast %swap3A_284 : i32 to index
      %swap3A_286 = arith.index_cast %scan3A_212 : i32 to index
      %swap3A_287 = arith.constant 0 : index
      %swap3A_288 = tpu.vector_load %arg12[%swap3A_285, %swap3A_286, %swap3A_287] {strides = array<i32>} : memref<10x50x16xf32, #tpu.memory_space<vmem>>, vector<16xf32>,
      tpu.vector_store %arg12[%swap3A_285, %swap3A_286, %swap3A_287], %gather3A_283 {strides = array<i32>} : memref<10x50x16xf32, #tpu.memory_space<vmem>>, vector<16xf32>,
      %broadcast_in_dim3A_289 = arith.constant 9 : i32
      %broadcast_in_dim3A_290 = vector.broadcast %broadcast_in_dim3A_289 : i32 to vector<16xi32>
      %gather3A_291 = tpu.vector_load_idx %arg10[%add3A_219, %broadcast_in_dim3A_290] : memref<3200x16xf32, #tpu.memory_space<vmem>>[vector<16xi32>, vector<16xi32>], vector<16xf32>,
      %swap3A_292 = arith.constant 9 : i32
      %swap3A_293 = arith.index_cast %swap3A_292 : i32 to index
      %swap3A_294 = arith.index_cast %scan3A_212 : i32 to index
      %swap3A_295 = arith.constant 0 : index
      %swap3A_296 = tpu.vector_load %arg12[%swap3A_293, %swap3A_294, %swap3A_295] {strides = array<i32>} : memref<10x50x16xf32, #tpu.memory_space<vmem>>, vector<16xf32>,
      tpu.vector_store %arg12[%swap3A_293, %swap3A_294, %swap3A_295], %gather3A_291 {strides = array<i32>} : memref<10x50x16xf32, #tpu.memory_space<vmem>>, vector<16xf32>,
    }
    %scan3A_130 = arith.constant 50 : i32
    %dma_start3A_131 = arith.constant 0 : i32
    %dma_start3A_132 = arith.constant 0 : i32
    %dma_start3A_133 = tpu.memref_slice %arg7[%dma_start3A_131, %dma_start3A_132, %add3A_111] : memref<10x200x1024xf32, #tpu.memory_space<hbm>> -> memref<10x50x16xf32, #tpu.memory_space<hbm>>
    %dma_start3A_134 = arith.constant 0 : i32
    %dma_start3A_135 = arith.constant 0 : i32
    %dma_start3A_136 = tpu.memref_slice %arg7[%dma_start3A_134, %dma_start3A_135, %add3A_111] : memref<10x200x1024xf32, #tpu.memory_space<hbm>> -> memref<10x50x16xf32, #tpu.memory_space<hbm>>
    tpu.enqueue_dma source(%arg12 : memref<10x50x16xf32, #tpu.memory_space<vmem>>) target(%dma_start3A_136 : memref<10x50x16xf32, #tpu.memory_space<hbm>>) target_semaphore(%arg14 : memref<!tpu.dma_semaphore, #tpu.memory_space<semaphore_mem>>)
    %scan3A_137 = arith.constant 0 : i32
    %scan3A_138 = arith.constant 0 : i32
    %scan3A_139 = arith.constant 50 : i32
    %scan3A_140 = arith.addi %scan3A_138, %scan3A_139 : i32
    %scan3A_141 = arith.constant 1 : i32
    scf.for %scan3A_212 = %scan3A_138 to %scan3A_140 step %scan3A_141  : i32 {
      %mul3A_213 = arith.constant 200 : i32
      %mul3A_214 = vector.broadcast %mul3A_213 : i32 to vector<16xi32>
      %mul3A_215 = arith.muli %iota3A, %mul3A_214 : vector<16xi32>
      %add3A_216 = arith.constant 50 : i32
      %add3A_217 = arith.addi %add3A_216, %scan3A_212 : i32
      %add3A_218 = vector.broadcast %add3A_217 : i32 to vector<16xi32>
      %add3A_219 = arith.addi %mul3A_215, %add3A_218 : vector<16xi32>
      %broadcast_in_dim3A = arith.constant 0 : i32
      %broadcast_in_dim3A_220 = vector.broadcast %broadcast_in_dim3A : i32 to vector<16xi32>
      %gather3A = tpu.vector_load_idx %arg10[%add3A_219, %broadcast_in_dim3A_220] : memref<3200x16xf32, #tpu.memory_space<vmem>>[vector<16xi32>, vector<16xi32>], vector<16xf32>,
      %swap3A = arith.constant 0 : i32
      %swap3A_221 = arith.index_cast %swap3A : i32 to index
      %swap3A_222 = arith.index_cast %scan3A_212 : i32 to index
      %swap3A_223 = arith.constant 0 : index
      %swap3A_224 = tpu.vector_load %arg13[%swap3A_221, %swap3A_222, %swap3A_223] {strides = array<i32>} : memref<10x50x16xf32, #tpu.memory_space<vmem>>, vector<16xf32>,
      tpu.vector_store %arg13[%swap3A_221, %swap3A_222, %swap3A_223], %gather3A {strides = array<i32>} : memref<10x50x16xf32, #tpu.memory_space<vmem>>, vector<16xf32>,
      %broadcast_in_dim3A_225 = arith.constant 1 : i32
      %broadcast_in_dim3A_226 = vector.broadcast %broadcast_in_dim3A_225 : i32 to vector<16xi32>
      %gather3A_227 = tpu.vector_load_idx %arg10[%add3A_219, %broadcast_in_dim3A_226] : memref<3200x16xf32, #tpu.memory_space<vmem>>[vector<16xi32>, vector<16xi32>], vector<16xf32>,
      %swap3A_228 = arith.constant 1 : i32
      %swap3A_229 = arith.index_cast %swap3A_228 : i32 to index
      %swap3A_230 = arith.index_cast %scan3A_212 : i32 to index
      %swap3A_231 = arith.constant 0 : index
      %swap3A_232 = tpu.vector_load %arg13[%swap3A_229, %swap3A_230, %swap3A_231] {strides = array<i32>} : memref<10x50x16xf32, #tpu.memory_space<vmem>>, vector<16xf32>,
      tpu.vector_store %arg13[%swap3A_229, %swap3A_230, %swap3A_231], %gather3A_227 {strides = array<i32>} : memref<10x50x16xf32, #tpu.memory_space<vmem>>, vector<16xf32>,
      %broadcast_in_dim3A_233 = arith.constant 2 : i32
      %broadcast_in_dim3A_234 = vector.broadcast %broadcast_in_dim3A_233 : i32 to vector<16xi32>
      %gather3A_235 = tpu.vector_load_idx %arg10[%add3A_219, %broadcast_in_dim3A_234] : memref<3200x16xf32, #tpu.memory_space<vmem>>[vector<16xi32>, vector<16xi32>], vector<16xf32>,
      %swap3A_236 = arith.constant 2 : i32
      %swap3A_237 = arith.index_cast %swap3A_236 : i32 to index
      %swap3A_238 = arith.index_cast %scan3A_212 : i32 to index
      %swap3A_239 = arith.constant 0 : index
      %swap3A_240 = tpu.vector_load %arg13[%swap3A_237, %swap3A_238, %swap3A_239] {strides = array<i32>} : memref<10x50x16xf32, #tpu.memory_space<vmem>>, vector<16xf32>,
      tpu.vector_store %arg13[%swap3A_237, %swap3A_238, %swap3A_239], %gather3A_235 {strides = array<i32>} : memref<10x50x16xf32, #tpu.memory_space<vmem>>, vector<16xf32>,
      %broadcast_in_dim3A_241 = arith.constant 3 : i32
      %broadcast_in_dim3A_242 = vector.broadcast %broadcast_in_dim3A_241 : i32 to vector<16xi32>
      %gather3A_243 = tpu.vector_load_idx %arg10[%add3A_219, %broadcast_in_dim3A_242] : memref<3200x16xf32, #tpu.memory_space<vmem>>[vector<16xi32>, vector<16xi32>], vector<16xf32>,
      %swap3A_244 = arith.constant 3 : i32
      %swap3A_245 = arith.index_cast %swap3A_244 : i32 to index
      %swap3A_246 = arith.index_cast %scan3A_212 : i32 to index
      %swap3A_247 = arith.constant 0 : index
      %swap3A_248 = tpu.vector_load %arg13[%swap3A_245, %swap3A_246, %swap3A_247] {strides = array<i32>} : memref<10x50x16xf32, #tpu.memory_space<vmem>>, vector<16xf32>,
      tpu.vector_store %arg13[%swap3A_245, %swap3A_246, %swap3A_247], %gather3A_243 {strides = array<i32>} : memref<10x50x16xf32, #tpu.memory_space<vmem>>, vector<16xf32>,
      %broadcast_in_dim3A_249 = arith.constant 4 : i32
      %broadcast_in_dim3A_250 = vector.broadcast %broadcast_in_dim3A_249 : i32 to vector<16xi32>
      %gather3A_251 = tpu.vector_load_idx %arg10[%add3A_219, %broadcast_in_dim3A_250] : memref<3200x16xf32, #tpu.memory_space<vmem>>[vector<16xi32>, vector<16xi32>], vector<16xf32>,
      %swap3A_252 = arith.constant 4 : i32
      %swap3A_253 = arith.index_cast %swap3A_252 : i32 to index
      %swap3A_254 = arith.index_cast %scan3A_212 : i32 to index
      %swap3A_255 = arith.constant 0 : index
      %swap3A_256 = tpu.vector_load %arg13[%swap3A_253, %swap3A_254, %swap3A_255] {strides = array<i32>} : memref<10x50x16xf32, #tpu.memory_space<vmem>>, vector<16xf32>,
      tpu.vector_store %arg13[%swap3A_253, %swap3A_254, %swap3A_255], %gather3A_251 {strides = array<i32>} : memref<10x50x16xf32, #tpu.memory_space<vmem>>, vector<16xf32>,
      %broadcast_in_dim3A_257 = arith.constant 5 : i32
      %broadcast_in_dim3A_258 = vector.broadcast %broadcast_in_dim3A_257 : i32 to vector<16xi32>
      %gather3A_259 = tpu.vector_load_idx %arg10[%add3A_219, %broadcast_in_dim3A_258] : memref<3200x16xf32, #tpu.memory_space<vmem>>[vector<16xi32>, vector<16xi32>], vector<16xf32>,
      %swap3A_260 = arith.constant 5 : i32
      %swap3A_261 = arith.index_cast %swap3A_260 : i32 to index
      %swap3A_262 = arith.index_cast %scan3A_212 : i32 to index
      %swap3A_263 = arith.constant 0 : index
      %swap3A_264 = tpu.vector_load %arg13[%swap3A_261, %swap3A_262, %swap3A_263] {strides = array<i32>} : memref<10x50x16xf32, #tpu.memory_space<vmem>>, vector<16xf32>,
      tpu.vector_store %arg13[%swap3A_261, %swap3A_262, %swap3A_263], %gather3A_259 {strides = array<i32>} : memref<10x50x16xf32, #tpu.memory_space<vmem>>, vector<16xf32>,
      %broadcast_in_dim3A_265 = arith.constant 6 : i32
      %broadcast_in_dim3A_266 = vector.broadcast %broadcast_in_dim3A_265 : i32 to vector<16xi32>
      %gather3A_267 = tpu.vector_load_idx %arg10[%add3A_219, %broadcast_in_dim3A_266] : memref<3200x16xf32, #tpu.memory_space<vmem>>[vector<16xi32>, vector<16xi32>], vector<16xf32>,
      %swap3A_268 = arith.constant 6 : i32
      %swap3A_269 = arith.index_cast %swap3A_268 : i32 to index
      %swap3A_270 = arith.index_cast %scan3A_212 : i32 to index
      %swap3A_271 = arith.constant 0 : index
      %swap3A_272 = tpu.vector_load %arg13[%swap3A_269, %swap3A_270, %swap3A_271] {strides = array<i32>} : memref<10x50x16xf32, #tpu.memory_space<vmem>>, vector<16xf32>,
      tpu.vector_store %arg13[%swap3A_269, %swap3A_270, %swap3A_271], %gather3A_267 {strides = array<i32>} : memref<10x50x16xf32, #tpu.memory_space<vmem>>, vector<16xf32>,
      %broadcast_in_dim3A_273 = arith.constant 7 : i32
      %broadcast_in_dim3A_274 = vector.broadcast %broadcast_in_dim3A_273 : i32 to vector<16xi32>
      %gather3A_275 = tpu.vector_load_idx %arg10[%add3A_219, %broadcast_in_dim3A_274] : memref<3200x16xf32, #tpu.memory_space<vmem>>[vector<16xi32>, vector<16xi32>], vector<16xf32>,
      %swap3A_276 = arith.constant 7 : i32
      %swap3A_277 = arith.index_cast %swap3A_276 : i32 to index
      %swap3A_278 = arith.index_cast %scan3A_212 : i32 to index
      %swap3A_279 = arith.constant 0 : index
      %swap3A_280 = tpu.vector_load %arg13[%swap3A_277, %swap3A_278, %swap3A_279] {strides = array<i32>} : memref<10x50x16xf32, #tpu.memory_space<vmem>>, vector<16xf32>,
      tpu.vector_store %arg13[%swap3A_277, %swap3A_278, %swap3A_279], %gather3A_275 {strides = array<i32>} : memref<10x50x16xf32, #tpu.memory_space<vmem>>, vector<16xf32>,
      %broadcast_in_dim3A_281 = arith.constant 8 : i32
      %broadcast_in_dim3A_282 = vector.broadcast %broadcast_in_dim3A_281 : i32 to vector<16xi32>
      %gather3A_283 = tpu.vector_load_idx %arg10[%add3A_219, %broadcast_in_dim3A_282] : memref<3200x16xf32, #tpu.memory_space<vmem>>[vector<16xi32>, vector<16xi32>], vector<16xf32>,
      %swap3A_284 = arith.constant 8 : i32
      %swap3A_285 = arith.index_cast %swap3A_284 : i32 to index
      %swap3A_286 = arith.index_cast %scan3A_212 : i32 to index
      %swap3A_287 = arith.constant 0 : index
      %swap3A_288 = tpu.vector_load %arg13[%swap3A_285, %swap3A_286, %swap3A_287] {strides = array<i32>} : memref<10x50x16xf32, #tpu.memory_space<vmem>>, vector<16xf32>,
      tpu.vector_store %arg13[%swap3A_285, %swap3A_286, %swap3A_287], %gather3A_283 {strides = array<i32>} : memref<10x50x16xf32, #tpu.memory_space<vmem>>, vector<16xf32>,
      %broadcast_in_dim3A_289 = arith.constant 9 : i32
      %broadcast_in_dim3A_290 = vector.broadcast %broadcast_in_dim3A_289 : i32 to vector<16xi32>
      %gather3A_291 = tpu.vector_load_idx %arg10[%add3A_219, %broadcast_in_dim3A_290] : memref<3200x16xf32, #tpu.memory_space<vmem>>[vector<16xi32>, vector<16xi32>], vector<16xf32>,
      %swap3A_292 = arith.constant 9 : i32
      %swap3A_293 = arith.index_cast %swap3A_292 : i32 to index
      %swap3A_294 = arith.index_cast %scan3A_212 : i32 to index
      %swap3A_295 = arith.constant 0 : index
      %swap3A_296 = tpu.vector_load %arg13[%swap3A_293, %swap3A_294, %swap3A_295] {strides = array<i32>} : memref<10x50x16xf32, #tpu.memory_space<vmem>>, vector<16xf32>,
      tpu.vector_store %arg13[%swap3A_293, %swap3A_294, %swap3A_295], %gather3A_291 {strides = array<i32>} : memref<10x50x16xf32, #tpu.memory_space<vmem>>, vector<16xf32>,
    }
    %scan3A_142 = arith.constant 50 : i32
    %dma_start3A_143 = arith.constant 0 : i32
    %dma_start3A_144 = arith.constant 50 : i32
    %dma_start3A_145 = tpu.memref_slice %arg7[%dma_start3A_143, %dma_start3A_144, %add3A_111] : memref<10x200x1024xf32, #tpu.memory_space<hbm>> -> memref<10x50x16xf32, #tpu.memory_space<hbm>>
    %dma_start3A_146 = arith.constant 0 : i32
    %dma_start3A_147 = arith.constant 50 : i32
    %dma_start3A_148 = tpu.memref_slice %arg7[%dma_start3A_146, %dma_start3A_147, %add3A_111] : memref<10x200x1024xf32, #tpu.memory_space<hbm>> -> memref<10x50x16xf32, #tpu.memory_space<hbm>>
    tpu.enqueue_dma source(%arg13 : memref<10x50x16xf32, #tpu.memory_space<vmem>>) target(%dma_start3A_148 : memref<10x50x16xf32, #tpu.memory_space<hbm>>) target_semaphore(%arg14 : memref<!tpu.dma_semaphore, #tpu.memory_space<semaphore_mem>>)
    %dma_wait3A_149 = arith.constant 0 : i32
    %dma_wait3A_150 = arith.constant 0 : i32
    %dma_wait3A_151 = tpu.memref_slice %arg7[%dma_wait3A_149, %dma_wait3A_150, %add3A_111] : memref<10x200x1024xf32, #tpu.memory_space<hbm>> -> memref<10x50x16xf32, #tpu.memory_space<hbm>>
    %dma_wait3A_152 = arith.constant 0 : i32
    %dma_wait3A_153 = arith.constant 0 : i32
    %dma_wait3A_154 = tpu.memref_slice %arg7[%dma_wait3A_152, %dma_wait3A_153, %add3A_111] : memref<10x200x1024xf32, #tpu.memory_space<hbm>> -> memref<10x50x16xf32, #tpu.memory_space<hbm>>
    tpu.wait_dma2 semaphore(%arg14 : memref<!tpu.dma_semaphore, #tpu.memory_space<semaphore_mem>>) src(%arg12 : memref<10x50x16xf32, #tpu.memory_space<vmem>>) dst(%dma_wait3A_154 : memref<10x50x16xf32, #tpu.memory_space<hbm>>)
    %scan3A_155 = arith.constant 0 : i32
    %scan3A_156 = arith.constant 0 : i32
    %scan3A_157 = arith.constant 50 : i32
    %scan3A_158 = arith.addi %scan3A_156, %scan3A_157 : i32
    %scan3A_159 = arith.constant 1 : i32
    scf.for %scan3A_212 = %scan3A_156 to %scan3A_158 step %scan3A_159  : i32 {
      %mul3A_213 = arith.constant 200 : i32
      %mul3A_214 = vector.broadcast %mul3A_213 : i32 to vector<16xi32>
      %mul3A_215 = arith.muli %iota3A, %mul3A_214 : vector<16xi32>
      %add3A_216 = arith.constant 100 : i32
      %add3A_217 = arith.addi %add3A_216, %scan3A_212 : i32
      %add3A_218 = vector.broadcast %add3A_217 : i32 to vector<16xi32>
      %add3A_219 = arith.addi %mul3A_215, %add3A_218 : vector<16xi32>
      %broadcast_in_dim3A = arith.constant 0 : i32
      %broadcast_in_dim3A_220 = vector.broadcast %broadcast_in_dim3A : i32 to vector<16xi32>
      %gather3A = tpu.vector_load_idx %arg10[%add3A_219, %broadcast_in_dim3A_220] : memref<3200x16xf32, #tpu.memory_space<vmem>>[vector<16xi32>, vector<16xi32>], vector<16xf32>,
      %swap3A = arith.constant 0 : i32
      %swap3A_221 = arith.index_cast %swap3A : i32 to index
      %swap3A_222 = arith.index_cast %scan3A_212 : i32 to index
      %swap3A_223 = arith.constant 0 : index
      %swap3A_224 = tpu.vector_load %arg12[%swap3A_221, %swap3A_222, %swap3A_223] {strides = array<i32>} : memref<10x50x16xf32, #tpu.memory_space<vmem>>, vector<16xf32>,
      tpu.vector_store %arg12[%swap3A_221, %swap3A_222, %swap3A_223], %gather3A {strides = array<i32>} : memref<10x50x16xf32, #tpu.memory_space<vmem>>, vector<16xf32>,
      %broadcast_in_dim3A_225 = arith.constant 1 : i32
      %broadcast_in_dim3A_226 = vector.broadcast %broadcast_in_dim3A_225 : i32 to vector<16xi32>
      %gather3A_227 = tpu.vector_load_idx %arg10[%add3A_219, %broadcast_in_dim3A_226] : memref<3200x16xf32, #tpu.memory_space<vmem>>[vector<16xi32>, vector<16xi32>], vector<16xf32>,
      %swap3A_228 = arith.constant 1 : i32
      %swap3A_229 = arith.index_cast %swap3A_228 : i32 to index
      %swap3A_230 = arith.index_cast %scan3A_212 : i32 to index
      %swap3A_231 = arith.constant 0 : index
      %swap3A_232 = tpu.vector_load %arg12[%swap3A_229, %swap3A_230, %swap3A_231] {strides = array<i32>} : memref<10x50x16xf32, #tpu.memory_space<vmem>>, vector<16xf32>,
      tpu.vector_store %arg12[%swap3A_229, %swap3A_230, %swap3A_231], %gather3A_227 {strides = array<i32>} : memref<10x50x16xf32, #tpu.memory_space<vmem>>, vector<16xf32>,
      %broadcast_in_dim3A_233 = arith.constant 2 : i32
      %broadcast_in_dim3A_234 = vector.broadcast %broadcast_in_dim3A_233 : i32 to vector<16xi32>
      %gather3A_235 = tpu.vector_load_idx %arg10[%add3A_219, %broadcast_in_dim3A_234] : memref<3200x16xf32, #tpu.memory_space<vmem>>[vector<16xi32>, vector<16xi32>], vector<16xf32>,
      %swap3A_236 = arith.constant 2 : i32
      %swap3A_237 = arith.index_cast %swap3A_236 : i32 to index
      %swap3A_238 = arith.index_cast %scan3A_212 : i32 to index
      %swap3A_239 = arith.constant 0 : index
      %swap3A_240 = tpu.vector_load %arg12[%swap3A_237, %swap3A_238, %swap3A_239] {strides = array<i32>} : memref<10x50x16xf32, #tpu.memory_space<vmem>>, vector<16xf32>,
      tpu.vector_store %arg12[%swap3A_237, %swap3A_238, %swap3A_239], %gather3A_235 {strides = array<i32>} : memref<10x50x16xf32, #tpu.memory_space<vmem>>, vector<16xf32>,
      %broadcast_in_dim3A_241 = arith.constant 3 : i32
      %broadcast_in_dim3A_242 = vector.broadcast %broadcast_in_dim3A_241 : i32 to vector<16xi32>
      %gather3A_243 = tpu.vector_load_idx %arg10[%add3A_219, %broadcast_in_dim3A_242] : memref<3200x16xf32, #tpu.memory_space<vmem>>[vector<16xi32>, vector<16xi32>], vector<16xf32>,
      %swap3A_244 = arith.constant 3 : i32
      %swap3A_245 = arith.index_cast %swap3A_244 : i32 to index
      %swap3A_246 = arith.index_cast %scan3A_212 : i32 to index
      %swap3A_247 = arith.constant 0 : index
      %swap3A_248 = tpu.vector_load %arg12[%swap3A_245, %swap3A_246, %swap3A_247] {strides = array<i32>} : memref<10x50x16xf32, #tpu.memory_space<vmem>>, vector<16xf32>,
      tpu.vector_store %arg12[%swap3A_245, %swap3A_246, %swap3A_247], %gather3A_243 {strides = array<i32>} : memref<10x50x16xf32, #tpu.memory_space<vmem>>, vector<16xf32>,
      %broadcast_in_dim3A_249 = arith.constant 4 : i32
      %broadcast_in_dim3A_250 = vector.broadcast %broadcast_in_dim3A_249 : i32 to vector<16xi32>
      %gather3A_251 = tpu.vector_load_idx %arg10[%add3A_219, %broadcast_in_dim3A_250] : memref<3200x16xf32, #tpu.memory_space<vmem>>[vector<16xi32>, vector<16xi32>], vector<16xf32>,
      %swap3A_252 = arith.constant 4 : i32
      %swap3A_253 = arith.index_cast %swap3A_252 : i32 to index
      %swap3A_254 = arith.index_cast %scan3A_212 : i32 to index
      %swap3A_255 = arith.constant 0 : index
      %swap3A_256 = tpu.vector_load %arg12[%swap3A_253, %swap3A_254, %swap3A_255] {strides = array<i32>} : memref<10x50x16xf32, #tpu.memory_space<vmem>>, vector<16xf32>,
      tpu.vector_store %arg12[%swap3A_253, %swap3A_254, %swap3A_255], %gather3A_251 {strides = array<i32>} : memref<10x50x16xf32, #tpu.memory_space<vmem>>, vector<16xf32>,
      %broadcast_in_dim3A_257 = arith.constant 5 : i32
      %broadcast_in_dim3A_258 = vector.broadcast %broadcast_in_dim3A_257 : i32 to vector<16xi32>
      %gather3A_259 = tpu.vector_load_idx %arg10[%add3A_219, %broadcast_in_dim3A_258] : memref<3200x16xf32, #tpu.memory_space<vmem>>[vector<16xi32>, vector<16xi32>], vector<16xf32>,
      %swap3A_260 = arith.constant 5 : i32
      %swap3A_261 = arith.index_cast %swap3A_260 : i32 to index
      %swap3A_262 = arith.index_cast %scan3A_212 : i32 to index
      %swap3A_263 = arith.constant 0 : index
      %swap3A_264 = tpu.vector_load %arg12[%swap3A_261, %swap3A_262, %swap3A_263] {strides = array<i32>} : memref<10x50x16xf32, #tpu.memory_space<vmem>>, vector<16xf32>,
      tpu.vector_store %arg12[%swap3A_261, %swap3A_262, %swap3A_263], %gather3A_259 {strides = array<i32>} : memref<10x50x16xf32, #tpu.memory_space<vmem>>, vector<16xf32>,
      %broadcast_in_dim3A_265 = arith.constant 6 : i32
      %broadcast_in_dim3A_266 = vector.broadcast %broadcast_in_dim3A_265 : i32 to vector<16xi32>
      %gather3A_267 = tpu.vector_load_idx %arg10[%add3A_219, %broadcast_in_dim3A_266] : memref<3200x16xf32, #tpu.memory_space<vmem>>[vector<16xi32>, vector<16xi32>], vector<16xf32>,
      %swap3A_268 = arith.constant 6 : i32
      %swap3A_269 = arith.index_cast %swap3A_268 : i32 to index
      %swap3A_270 = arith.index_cast %scan3A_212 : i32 to index
      %swap3A_271 = arith.constant 0 : index
      %swap3A_272 = tpu.vector_load %arg12[%swap3A_269, %swap3A_270, %swap3A_271] {strides = array<i32>} : memref<10x50x16xf32, #tpu.memory_space<vmem>>, vector<16xf32>,
      tpu.vector_store %arg12[%swap3A_269, %swap3A_270, %swap3A_271], %gather3A_267 {strides = array<i32>} : memref<10x50x16xf32, #tpu.memory_space<vmem>>, vector<16xf32>,
      %broadcast_in_dim3A_273 = arith.constant 7 : i32
      %broadcast_in_dim3A_274 = vector.broadcast %broadcast_in_dim3A_273 : i32 to vector<16xi32>
      %gather3A_275 = tpu.vector_load_idx %arg10[%add3A_219, %broadcast_in_dim3A_274] : memref<3200x16xf32, #tpu.memory_space<vmem>>[vector<16xi32>, vector<16xi32>], vector<16xf32>,
      %swap3A_276 = arith.constant 7 : i32
      %swap3A_277 = arith.index_cast %swap3A_276 : i32 to index
      %swap3A_278 = arith.index_cast %scan3A_212 : i32 to index
      %swap3A_279 = arith.constant 0 : index
      %swap3A_280 = tpu.vector_load %arg12[%swap3A_277, %swap3A_278, %swap3A_279] {strides = array<i32>} : memref<10x50x16xf32, #tpu.memory_space<vmem>>, vector<16xf32>,
      tpu.vector_store %arg12[%swap3A_277, %swap3A_278, %swap3A_279], %gather3A_275 {strides = array<i32>} : memref<10x50x16xf32, #tpu.memory_space<vmem>>, vector<16xf32>,
      %broadcast_in_dim3A_281 = arith.constant 8 : i32
      %broadcast_in_dim3A_282 = vector.broadcast %broadcast_in_dim3A_281 : i32 to vector<16xi32>
      %gather3A_283 = tpu.vector_load_idx %arg10[%add3A_219, %broadcast_in_dim3A_282] : memref<3200x16xf32, #tpu.memory_space<vmem>>[vector<16xi32>, vector<16xi32>], vector<16xf32>,
      %swap3A_284 = arith.constant 8 : i32
      %swap3A_285 = arith.index_cast %swap3A_284 : i32 to index
      %swap3A_286 = arith.index_cast %scan3A_212 : i32 to index
      %swap3A_287 = arith.constant 0 : index
      %swap3A_288 = tpu.vector_load %arg12[%swap3A_285, %swap3A_286, %swap3A_287] {strides = array<i32>} : memref<10x50x16xf32, #tpu.memory_space<vmem>>, vector<16xf32>,
      tpu.vector_store %arg12[%swap3A_285, %swap3A_286, %swap3A_287], %gather3A_283 {strides = array<i32>} : memref<10x50x16xf32, #tpu.memory_space<vmem>>, vector<16xf32>,
      %broadcast_in_dim3A_289 = arith.constant 9 : i32
      %broadcast_in_dim3A_290 = vector.broadcast %broadcast_in_dim3A_289 : i32 to vector<16xi32>
      %gather3A_291 = tpu.vector_load_idx %arg10[%add3A_219, %broadcast_in_dim3A_290] : memref<3200x16xf32, #tpu.memory_space<vmem>>[vector<16xi32>, vector<16xi32>], vector<16xf32>,
      %swap3A_292 = arith.constant 9 : i32
      %swap3A_293 = arith.index_cast %swap3A_292 : i32 to index
      %swap3A_294 = arith.index_cast %scan3A_212 : i32 to index
      %swap3A_295 = arith.constant 0 : index
      %swap3A_296 = tpu.vector_load %arg12[%swap3A_293, %swap3A_294, %swap3A_295] {strides = array<i32>} : memref<10x50x16xf32, #tpu.memory_space<vmem>>, vector<16xf32>,
      tpu.vector_store %arg12[%swap3A_293, %swap3A_294, %swap3A_295], %gather3A_291 {strides = array<i32>} : memref<10x50x16xf32, #tpu.memory_space<vmem>>, vector<16xf32>,
    }
    %scan3A_160 = arith.constant 50 : i32
    %dma_start3A_161 = arith.constant 0 : i32
    %dma_start3A_162 = arith.constant 100 : i32
    %dma_start3A_163 = tpu.memref_slice %arg7[%dma_start3A_161, %dma_start3A_162, %add3A_111] : memref<10x200x1024xf32, #tpu.memory_space<hbm>> -> memref<10x50x16xf32, #tpu.memory_space<hbm>>
    %dma_start3A_164 = arith.constant 0 : i32
    %dma_start3A_165 = arith.constant 100 : i32
    %dma_start3A_166 = tpu.memref_slice %arg7[%dma_start3A_164, %dma_start3A_165, %add3A_111] : memref<10x200x1024xf32, #tpu.memory_space<hbm>> -> memref<10x50x16xf32, #tpu.memory_space<hbm>>
    tpu.enqueue_dma source(%arg12 : memref<10x50x16xf32, #tpu.memory_space<vmem>>) target(%dma_start3A_166 : memref<10x50x16xf32, #tpu.memory_space<hbm>>) target_semaphore(%arg14 : memref<!tpu.dma_semaphore, #tpu.memory_space<semaphore_mem>>)
    %dma_wait3A_167 = arith.constant 0 : i32
    %dma_wait3A_168 = arith.constant 50 : i32
    %dma_wait3A_169 = tpu.memref_slice %arg7[%dma_wait3A_167, %dma_wait3A_168, %add3A_111] : memref<10x200x1024xf32, #tpu.memory_space<hbm>> -> memref<10x50x16xf32, #tpu.memory_space<hbm>>
    %dma_wait3A_170 = arith.constant 0 : i32
    %dma_wait3A_171 = arith.constant 50 : i32
    %dma_wait3A_172 = tpu.memref_slice %arg7[%dma_wait3A_170, %dma_wait3A_171, %add3A_111] : memref<10x200x1024xf32, #tpu.memory_space<hbm>> -> memref<10x50x16xf32, #tpu.memory_space<hbm>>
    tpu.wait_dma2 semaphore(%arg14 : memref<!tpu.dma_semaphore, #tpu.memory_space<semaphore_mem>>) src(%arg13 : memref<10x50x16xf32, #tpu.memory_space<vmem>>) dst(%dma_wait3A_172 : memref<10x50x16xf32, #tpu.memory_space<hbm>>)
    %scan3A_173 = arith.constant 0 : i32
    %scan3A_174 = arith.constant 0 : i32
    %scan3A_175 = arith.constant 50 : i32
    %scan3A_176 = arith.addi %scan3A_174, %scan3A_175 : i32
    %scan3A_177 = arith.constant 1 : i32
    scf.for %scan3A_212 = %scan3A_174 to %scan3A_176 step %scan3A_177  : i32 {
      %mul3A_213 = arith.constant 200 : i32
      %mul3A_214 = vector.broadcast %mul3A_213 : i32 to vector<16xi32>
      %mul3A_215 = arith.muli %iota3A, %mul3A_214 : vector<16xi32>
      %add3A_216 = arith.constant 150 : i32
      %add3A_217 = arith.addi %add3A_216, %scan3A_212 : i32
      %add3A_218 = vector.broadcast %add3A_217 : i32 to vector<16xi32>
      %add3A_219 = arith.addi %mul3A_215, %add3A_218 : vector<16xi32>
      %broadcast_in_dim3A = arith.constant 0 : i32
      %broadcast_in_dim3A_220 = vector.broadcast %broadcast_in_dim3A : i32 to vector<16xi32>
      %gather3A = tpu.vector_load_idx %arg10[%add3A_219, %broadcast_in_dim3A_220] : memref<3200x16xf32, #tpu.memory_space<vmem>>[vector<16xi32>, vector<16xi32>], vector<16xf32>,
      %swap3A = arith.constant 0 : i32
      %swap3A_221 = arith.index_cast %swap3A : i32 to index
      %swap3A_222 = arith.index_cast %scan3A_212 : i32 to index
      %swap3A_223 = arith.constant 0 : index
      %swap3A_224 = tpu.vector_load %arg13[%swap3A_221, %swap3A_222, %swap3A_223] {strides = array<i32>} : memref<10x50x16xf32, #tpu.memory_space<vmem>>, vector<16xf32>,
      tpu.vector_store %arg13[%swap3A_221, %swap3A_222, %swap3A_223], %gather3A {strides = array<i32>} : memref<10x50x16xf32, #tpu.memory_space<vmem>>, vector<16xf32>,
      %broadcast_in_dim3A_225 = arith.constant 1 : i32
      %broadcast_in_dim3A_226 = vector.broadcast %broadcast_in_dim3A_225 : i32 to vector<16xi32>
      %gather3A_227 = tpu.vector_load_idx %arg10[%add3A_219, %broadcast_in_dim3A_226] : memref<3200x16xf32, #tpu.memory_space<vmem>>[vector<16xi32>, vector<16xi32>], vector<16xf32>,
      %swap3A_228 = arith.constant 1 : i32
      %swap3A_229 = arith.index_cast %swap3A_228 : i32 to index
      %swap3A_230 = arith.index_cast %scan3A_212 : i32 to index
      %swap3A_231 = arith.constant 0 : index
      %swap3A_232 = tpu.vector_load %arg13[%swap3A_229, %swap3A_230, %swap3A_231] {strides = array<i32>} : memref<10x50x16xf32, #tpu.memory_space<vmem>>, vector<16xf32>,
      tpu.vector_store %arg13[%swap3A_229, %swap3A_230, %swap3A_231], %gather3A_227 {strides = array<i32>} : memref<10x50x16xf32, #tpu.memory_space<vmem>>, vector<16xf32>,
      %broadcast_in_dim3A_233 = arith.constant 2 : i32
      %broadcast_in_dim3A_234 = vector.broadcast %broadcast_in_dim3A_233 : i32 to vector<16xi32>
      %gather3A_235 = tpu.vector_load_idx %arg10[%add3A_219, %broadcast_in_dim3A_234] : memref<3200x16xf32, #tpu.memory_space<vmem>>[vector<16xi32>, vector<16xi32>], vector<16xf32>,
      %swap3A_236 = arith.constant 2 : i32
      %swap3A_237 = arith.index_cast %swap3A_236 : i32 to index
      %swap3A_238 = arith.index_cast %scan3A_212 : i32 to index
      %swap3A_239 = arith.constant 0 : index
      %swap3A_240 = tpu.vector_load %arg13[%swap3A_237, %swap3A_238, %swap3A_239] {strides = array<i32>} : memref<10x50x16xf32, #tpu.memory_space<vmem>>, vector<16xf32>,
      tpu.vector_store %arg13[%swap3A_237, %swap3A_238, %swap3A_239], %gather3A_235 {strides = array<i32>} : memref<10x50x16xf32, #tpu.memory_space<vmem>>, vector<16xf32>,
      %broadcast_in_dim3A_241 = arith.constant 3 : i32
      %broadcast_in_dim3A_242 = vector.broadcast %broadcast_in_dim3A_241 : i32 to vector<16xi32>
      %gather3A_243 = tpu.vector_load_idx %arg10[%add3A_219, %broadcast_in_dim3A_242] : memref<3200x16xf32, #tpu.memory_space<vmem>>[vector<16xi32>, vector<16xi32>], vector<16xf32>,
      %swap3A_244 = arith.constant 3 : i32
      %swap3A_245 = arith.index_cast %swap3A_244 : i32 to index
      %swap3A_246 = arith.index_cast %scan3A_212 : i32 to index
      %swap3A_247 = arith.constant 0 : index
      %swap3A_248 = tpu.vector_load %arg13[%swap3A_245, %swap3A_246, %swap3A_247] {strides = array<i32>} : memref<10x50x16xf32, #tpu.memory_space<vmem>>, vector<16xf32>,
      tpu.vector_store %arg13[%swap3A_245, %swap3A_246, %swap3A_247], %gather3A_243 {strides = array<i32>} : memref<10x50x16xf32, #tpu.memory_space<vmem>>, vector<16xf32>,
      %broadcast_in_dim3A_249 = arith.constant 4 : i32
      %broadcast_in_dim3A_250 = vector.broadcast %broadcast_in_dim3A_249 : i32 to vector<16xi32>
      %gather3A_251 = tpu.vector_load_idx %arg10[%add3A_219, %broadcast_in_dim3A_250] : memref<3200x16xf32, #tpu.memory_space<vmem>>[vector<16xi32>, vector<16xi32>], vector<16xf32>,
      %swap3A_252 = arith.constant 4 : i32
      %swap3A_253 = arith.index_cast %swap3A_252 : i32 to index
      %swap3A_254 = arith.index_cast %scan3A_212 : i32 to index
      %swap3A_255 = arith.constant 0 : index
      %swap3A_256 = tpu.vector_load %arg13[%swap3A_253, %swap3A_254, %swap3A_255] {strides = array<i32>} : memref<10x50x16xf32, #tpu.memory_space<vmem>>, vector<16xf32>,
      tpu.vector_store %arg13[%swap3A_253, %swap3A_254, %swap3A_255], %gather3A_251 {strides = array<i32>} : memref<10x50x16xf32, #tpu.memory_space<vmem>>, vector<16xf32>,
      %broadcast_in_dim3A_257 = arith.constant 5 : i32
      %broadcast_in_dim3A_258 = vector.broadcast %broadcast_in_dim3A_257 : i32 to vector<16xi32>
      %gather3A_259 = tpu.vector_load_idx %arg10[%add3A_219, %broadcast_in_dim3A_258] : memref<3200x16xf32, #tpu.memory_space<vmem>>[vector<16xi32>, vector<16xi32>], vector<16xf32>,
      %swap3A_260 = arith.constant 5 : i32
      %swap3A_261 = arith.index_cast %swap3A_260 : i32 to index
      %swap3A_262 = arith.index_cast %scan3A_212 : i32 to index
      %swap3A_263 = arith.constant 0 : index
      %swap3A_264 = tpu.vector_load %arg13[%swap3A_261, %swap3A_262, %swap3A_263] {strides = array<i32>} : memref<10x50x16xf32, #tpu.memory_space<vmem>>, vector<16xf32>,
      tpu.vector_store %arg13[%swap3A_261, %swap3A_262, %swap3A_263], %gather3A_259 {strides = array<i32>} : memref<10x50x16xf32, #tpu.memory_space<vmem>>, vector<16xf32>,
      %broadcast_in_dim3A_265 = arith.constant 6 : i32
      %broadcast_in_dim3A_266 = vector.broadcast %broadcast_in_dim3A_265 : i32 to vector<16xi32>
      %gather3A_267 = tpu.vector_load_idx %arg10[%add3A_219, %broadcast_in_dim3A_266] : memref<3200x16xf32, #tpu.memory_space<vmem>>[vector<16xi32>, vector<16xi32>], vector<16xf32>,
      %swap3A_268 = arith.constant 6 : i32
      %swap3A_269 = arith.index_cast %swap3A_268 : i32 to index
      %swap3A_270 = arith.index_cast %scan3A_212 : i32 to index
      %swap3A_271 = arith.constant 0 : index
      %swap3A_272 = tpu.vector_load %arg13[%swap3A_269, %swap3A_270, %swap3A_271] {strides = array<i32>} : memref<10x50x16xf32, #tpu.memory_space<vmem>>, vector<16xf32>,
      tpu.vector_store %arg13[%swap3A_269, %swap3A_270, %swap3A_271], %gather3A_267 {strides = array<i32>} : memref<10x50x16xf32, #tpu.memory_space<vmem>>, vector<16xf32>,
      %broadcast_in_dim3A_273 = arith.constant 7 : i32
      %broadcast_in_dim3A_274 = vector.broadcast %broadcast_in_dim3A_273 : i32 to vector<16xi32>
      %gather3A_275 = tpu.vector_load_idx %arg10[%add3A_219, %broadcast_in_dim3A_274] : memref<3200x16xf32, #tpu.memory_space<vmem>>[vector<16xi32>, vector<16xi32>], vector<16xf32>,
      %swap3A_276 = arith.constant 7 : i32
      %swap3A_277 = arith.index_cast %swap3A_276 : i32 to index
      %swap3A_278 = arith.index_cast %scan3A_212 : i32 to index
      %swap3A_279 = arith.constant 0 : index
      %swap3A_280 = tpu.vector_load %arg13[%swap3A_277, %swap3A_278, %swap3A_279] {strides = array<i32>} : memref<10x50x16xf32, #tpu.memory_space<vmem>>, vector<16xf32>,
      tpu.vector_store %arg13[%swap3A_277, %swap3A_278, %swap3A_279], %gather3A_275 {strides = array<i32>} : memref<10x50x16xf32, #tpu.memory_space<vmem>>, vector<16xf32>,
      %broadcast_in_dim3A_281 = arith.constant 8 : i32
      %broadcast_in_dim3A_282 = vector.broadcast %broadcast_in_dim3A_281 : i32 to vector<16xi32>
      %gather3A_283 = tpu.vector_load_idx %arg10[%add3A_219, %broadcast_in_dim3A_282] : memref<3200x16xf32, #tpu.memory_space<vmem>>[vector<16xi32>, vector<16xi32>], vector<16xf32>,
      %swap3A_284 = arith.constant 8 : i32
      %swap3A_285 = arith.index_cast %swap3A_284 : i32 to index
      %swap3A_286 = arith.index_cast %scan3A_212 : i32 to index
      %swap3A_287 = arith.constant 0 : index
      %swap3A_288 = tpu.vector_load %arg13[%swap3A_285, %swap3A_286, %swap3A_287] {strides = array<i32>} : memref<10x50x16xf32, #tpu.memory_space<vmem>>, vector<16xf32>,
      tpu.vector_store %arg13[%swap3A_285, %swap3A_286, %swap3A_287], %gather3A_283 {strides = array<i32>} : memref<10x50x16xf32, #tpu.memory_space<vmem>>, vector<16xf32>,
      %broadcast_in_dim3A_289 = arith.constant 9 : i32
      %broadcast_in_dim3A_290 = vector.broadcast %broadcast_in_dim3A_289 : i32 to vector<16xi32>
      %gather3A_291 = tpu.vector_load_idx %arg10[%add3A_219, %broadcast_in_dim3A_290] : memref<3200x16xf32, #tpu.memory_space<vmem>>[vector<16xi32>, vector<16xi32>], vector<16xf32>,
      %swap3A_292 = arith.constant 9 : i32
      %swap3A_293 = arith.index_cast %swap3A_292 : i32 to index
      %swap3A_294 = arith.index_cast %scan3A_212 : i32 to index
      %swap3A_295 = arith.constant 0 : index
      %swap3A_296 = tpu.vector_load %arg13[%swap3A_293, %swap3A_294, %swap3A_295] {strides = array<i32>} : memref<10x50x16xf32, #tpu.memory_space<vmem>>, vector<16xf32>,
      tpu.vector_store %arg13[%swap3A_293, %swap3A_294, %swap3A_295], %gather3A_291 {strides = array<i32>} : memref<10x50x16xf32, #tpu.memory_space<vmem>>, vector<16xf32>,
    }
    %scan3A_178 = arith.constant 50 : i32
    %dma_start3A_179 = arith.constant 0 : i32
    %dma_start3A_180 = arith.constant 150 : i32
    %dma_start3A_181 = tpu.memref_slice %arg7[%dma_start3A_179, %dma_start3A_180, %add3A_111] : memref<10x200x1024xf32, #tpu.memory_space<hbm>> -> memref<10x50x16xf32, #tpu.memory_space<hbm>>
    %dma_start3A_182 = arith.constant 0 : i32
    %dma_start3A_183 = arith.constant 150 : i32
    %dma_start3A_184 = tpu.memref_slice %arg7[%dma_start3A_182, %dma_start3A_183, %add3A_111] : memref<10x200x1024xf32, #tpu.memory_space<hbm>> -> memref<10x50x16xf32, #tpu.memory_space<hbm>>
    tpu.enqueue_dma source(%arg13 : memref<10x50x16xf32, #tpu.memory_space<vmem>>) target(%dma_start3A_184 : memref<10x50x16xf32, #tpu.memory_space<hbm>>) target_semaphore(%arg14 : memref<!tpu.dma_semaphore, #tpu.memory_space<semaphore_mem>>)
    %dma_wait3A_185 = arith.constant 0 : i32
    %dma_wait3A_186 = arith.constant 0 : i32
    %dma_wait3A_187 = tpu.memref_slice %arg2[%dma_wait3A_185, %dma_wait3A_186] : memref<800000x16xf32, #tpu.memory_space<hbm>> -> memref<800000x16xf32, #tpu.memory_space<hbm>>
    tpu.wait_indirect_dma semaphore(%arg15 : memref<!tpu.dma_semaphore, #tpu.memory_space<semaphore_mem>>) src(%dma_wait3A_187 : memref<800000x16xf32, #tpu.memory_space<hbm>>) dst(%arg11 : memref<3200x16xf32, #tpu.memory_space<vmem>>)
    %dma_start3A_188 = arith.constant 0 : i32
    %dma_start3A_189 = tpu.memref_slice %arg6[%add3A_107, %dma_start3A_188] : memref<204800x16xf32, #tpu.memory_space<hbm>> -> memref<3200x16xf32, #tpu.memory_space<hbm>>
    %dma_start3A_190 = arith.constant 0 : i32
    %dma_start3A_191 = tpu.memref_slice %arg6[%add3A_107, %dma_start3A_190] : memref<204800x16xf32, #tpu.memory_space<hbm>> -> memref<3200x16xf32, #tpu.memory_space<hbm>>
    tpu.enqueue_dma source(%arg11 : memref<3200x16xf32, #tpu.memory_space<vmem>>) target(%dma_start3A_191 : memref<3200x16xf32, #tpu.memory_space<hbm>>) target_semaphore(%arg15 : memref<!tpu.dma_semaphore, #tpu.memory_space<semaphore_mem>>)
    %dma_wait3A_192 = arith.constant 0 : i32
    %dma_wait3A_193 = tpu.memref_slice %arg5[%add3A_107, %dma_wait3A_192] : memref<204800x16xf32, #tpu.memory_space<hbm>> -> memref<3200x16xf32, #tpu.memory_space<hbm>>
    %dma_wait3A_194 = arith.constant 0 : i32
    %dma_wait3A_195 = tpu.memref_slice %arg5[%add3A_107, %dma_wait3A_194] : memref<204800x16xf32, #tpu.memory_space<hbm>> -> memref<3200x16xf32, #tpu.memory_space<hbm>>
    tpu.wait_dma2 semaphore(%arg14 : memref<!tpu.dma_semaphore, #tpu.memory_space<semaphore_mem>>) src(%arg10 : memref<3200x16xf32, #tpu.memory_space<vmem>>) dst(%dma_wait3A_195 : memref<3200x16xf32, #tpu.memory_space<hbm>>)
    %dma_wait3A_196 = arith.constant 0 : i32
    %dma_wait3A_197 = arith.constant 100 : i32
    %dma_wait3A_198 = tpu.memref_slice %arg7[%dma_wait3A_196, %dma_wait3A_197, %add3A_111] : memref<10x200x1024xf32, #tpu.memory_space<hbm>> -> memref<10x50x16xf32, #tpu.memory_space<hbm>>
    %dma_wait3A_199 = arith.constant 0 : i32
    %dma_wait3A_200 = arith.constant 100 : i32
    %dma_wait3A_201 = tpu.memref_slice %arg7[%dma_wait3A_199, %dma_wait3A_200, %add3A_111] : memref<10x200x1024xf32, #tpu.memory_space<hbm>> -> memref<10x50x16xf32, #tpu.memory_space<hbm>>
    tpu.wait_dma2 semaphore(%arg14 : memref<!tpu.dma_semaphore, #tpu.memory_space<semaphore_mem>>) src(%arg12 : memref<10x50x16xf32, #tpu.memory_space<vmem>>) dst(%dma_wait3A_201 : memref<10x50x16xf32, #tpu.memory_space<hbm>>)
    %dma_wait3A_202 = arith.constant 0 : i32
    %dma_wait3A_203 = arith.constant 150 : i32
    %dma_wait3A_204 = tpu.memref_slice %arg7[%dma_wait3A_202, %dma_wait3A_203, %add3A_111] : memref<10x200x1024xf32, #tpu.memory_space<hbm>> -> memref<10x50x16xf32, #tpu.memory_space<hbm>>
    %dma_wait3A_205 = arith.constant 0 : i32
    %dma_wait3A_206 = arith.constant 150 : i32
    %dma_wait3A_207 = tpu.memref_slice %arg7[%dma_wait3A_205, %dma_wait3A_206, %add3A_111] : memref<10x200x1024xf32, #tpu.memory_space<hbm>> -> memref<10x50x16xf32, #tpu.memory_space<hbm>>
    tpu.wait_dma2 semaphore(%arg14 : memref<!tpu.dma_semaphore, #tpu.memory_space<semaphore_mem>>) src(%arg13 : memref<10x50x16xf32, #tpu.memory_space<vmem>>) dst(%dma_wait3A_207 : memref<10x50x16xf32, #tpu.memory_space<hbm>>)
    %dma_wait3A_208 = arith.constant 0 : i32
    %dma_wait3A_209 = tpu.memref_slice %arg6[%add3A_107, %dma_wait3A_208] : memref<204800x16xf32, #tpu.memory_space<hbm>> -> memref<3200x16xf32, #tpu.memory_space<hbm>>
    %dma_wait3A_210 = arith.constant 0 : i32
    %dma_wait3A_211 = tpu.memref_slice %arg6[%add3A_107, %dma_wait3A_210] : memref<204800x16xf32, #tpu.memory_space<hbm>> -> memref<3200x16xf32, #tpu.memory_space<hbm>>
    tpu.wait_dma2 semaphore(%arg15 : memref<!tpu.dma_semaphore, #tpu.memory_space<semaphore_mem>>) src(%arg11 : memref<3200x16xf32, #tpu.memory_space<vmem>>) dst(%dma_wait3A_211 : memref<3200x16xf32, #tpu.memory_space<hbm>>)
    return
  }
}

#map = affine_map<(d0, d1) -> (0, 0)>
#map1 = affine_map<(d0, d1) -> (0)>
module attributes {stable_mosaic.version = 14 : i64} {
  func.func @_gather_k_body(%arg0: i32, %arg1: i32, %arg2: memref<100000x128xf32, #tpu.memory_space<hbm>>, %arg3: memref<204800xi32, #tpu.memory_space<hbm>>, %arg4: memref<204800x128xf32, #tpu.memory_space<hbm>>, %arg5: memref<400xi32, #tpu.memory_space<vmem>>, %arg6: memref<400xi32, #tpu.memory_space<vmem>>, %arg7: memref<400x128xf32, #tpu.memory_space<vmem>>, %arg8: memref<400x128xf32, #tpu.memory_space<vmem>>, %arg9: memref<!tpu.dma_semaphore, #tpu.memory_space<semaphore_mem>>, %arg10: memref<!tpu.dma_semaphore, #tpu.memory_space<semaphore_mem>>, %arg11: memref<!tpu.dma_semaphore, #tpu.memory_space<semaphore_mem>>, %arg12: memref<!tpu.dma_semaphore, #tpu.memory_space<semaphore_mem>>) attributes {dimension_semantics = [#tpu.dimension_semantics<core_parallel>, #tpu.dimension_semantics<subcore_parallel>], iteration_bounds = array<i64: 2, 16>, scalar_prefetch = 0 : i64, scratch_operands = 8 : i64, tpu.core_type = #tpu.core_type<sc_vector_subcore>, window_params = [{transform_indices = #map}, {transform_indices = #map1}, {transform_indices = #map}]} {
    %mul3A = arith.constant 2 : i32
    %mul3A_0 = arith.muli %arg1, %mul3A : i32
    %add3A = arith.addi %mul3A_0, %arg0 : i32
    %mul3A_1 = arith.constant 6400 : i32
    %mul3A_2 = arith.muli %add3A, %mul3A_1 : i32
    "tpu.region"() ({
      %run_scoped3A = tpu.sem_alloc : memref<!tpu.dma_semaphore, #tpu.memory_space<semaphore_mem>>
      %dma_start3A_287 = tpu.memref_slice %arg3[%mul3A_2] : memref<204800xi32, #tpu.memory_space<hbm>> -> memref<400xi32, #tpu.memory_space<hbm>>
      %dma_start3A_288 = tpu.memref_slice %arg3[%mul3A_2] : memref<204800xi32, #tpu.memory_space<hbm>> -> memref<400xi32, #tpu.memory_space<hbm>>
      tpu.enqueue_dma source(%dma_start3A_288 : memref<400xi32, #tpu.memory_space<hbm>>) target(%arg5 : memref<400xi32, #tpu.memory_space<vmem>>) target_semaphore(%run_scoped3A : memref<!tpu.dma_semaphore, #tpu.memory_space<semaphore_mem>>)
      %dma_wait3A_289 = tpu.memref_slice %arg3[%mul3A_2] : memref<204800xi32, #tpu.memory_space<hbm>> -> memref<400xi32, #tpu.memory_space<hbm>>
      %dma_wait3A_290 = tpu.memref_slice %arg3[%mul3A_2] : memref<204800xi32, #tpu.memory_space<hbm>> -> memref<400xi32, #tpu.memory_space<hbm>>
      tpu.wait_dma2 semaphore(%run_scoped3A : memref<!tpu.dma_semaphore, #tpu.memory_space<semaphore_mem>>) src(%dma_wait3A_290 : memref<400xi32, #tpu.memory_space<hbm>>) dst(%arg5 : memref<400xi32, #tpu.memory_space<vmem>>)
      tpu.yield
    }) : () -> ()
    %dma_start3A = arith.constant 0 : i32
    %dma_start3A_3 = arith.constant 0 : i32
    %dma_start3A_4 = tpu.memref_slice %arg2[%dma_start3A, %dma_start3A_3] : memref<100000x128xf32, #tpu.memory_space<hbm>> -> memref<100000x128xf32, #tpu.memory_space<hbm>>
    tpu.enqueue_indirect_dma source(%dma_start3A_4 : memref<100000x128xf32, #tpu.memory_space<hbm>>) target(%arg7 : memref<400x128xf32, #tpu.memory_space<vmem>>) offsets(%arg5 : memref<400xi32, #tpu.memory_space<vmem>>) semaphore(%arg9 : memref<!tpu.dma_semaphore, #tpu.memory_space<semaphore_mem>>)
    %dma_wait3A = arith.constant 0 : i32
    %dma_wait3A_5 = arith.constant 0 : i32
    %dma_wait3A_6 = tpu.memref_slice %arg2[%dma_wait3A, %dma_wait3A_5] : memref<100000x128xf32, #tpu.memory_space<hbm>> -> memref<100000x128xf32, #tpu.memory_space<hbm>>
    tpu.wait_indirect_dma semaphore(%arg9 : memref<!tpu.dma_semaphore, #tpu.memory_space<semaphore_mem>>) src(%dma_wait3A_6 : memref<100000x128xf32, #tpu.memory_space<hbm>>) dst(%arg7 : memref<400x128xf32, #tpu.memory_space<vmem>>)
    %add3A_7 = arith.constant 400 : i32
    %add3A_8 = arith.addi %mul3A_2, %add3A_7 : i32
    "tpu.region"() ({
      %run_scoped3A = tpu.sem_alloc : memref<!tpu.dma_semaphore, #tpu.memory_space<semaphore_mem>>
      %dma_start3A_287 = tpu.memref_slice %arg3[%add3A_8] : memref<204800xi32, #tpu.memory_space<hbm>> -> memref<400xi32, #tpu.memory_space<hbm>>
      %dma_start3A_288 = tpu.memref_slice %arg3[%add3A_8] : memref<204800xi32, #tpu.memory_space<hbm>> -> memref<400xi32, #tpu.memory_space<hbm>>
      tpu.enqueue_dma source(%dma_start3A_288 : memref<400xi32, #tpu.memory_space<hbm>>) target(%arg6 : memref<400xi32, #tpu.memory_space<vmem>>) target_semaphore(%run_scoped3A : memref<!tpu.dma_semaphore, #tpu.memory_space<semaphore_mem>>)
      %dma_wait3A_289 = tpu.memref_slice %arg3[%add3A_8] : memref<204800xi32, #tpu.memory_space<hbm>> -> memref<400xi32, #tpu.memory_space<hbm>>
      %dma_wait3A_290 = tpu.memref_slice %arg3[%add3A_8] : memref<204800xi32, #tpu.memory_space<hbm>> -> memref<400xi32, #tpu.memory_space<hbm>>
      tpu.wait_dma2 semaphore(%run_scoped3A : memref<!tpu.dma_semaphore, #tpu.memory_space<semaphore_mem>>) src(%dma_wait3A_290 : memref<400xi32, #tpu.memory_space<hbm>>) dst(%arg6 : memref<400xi32, #tpu.memory_space<vmem>>)
      tpu.yield
    }) : () -> ()
    %dma_start3A_9 = arith.constant 0 : i32
    %dma_start3A_10 = arith.constant 0 : i32
    %dma_start3A_11 = tpu.memref_slice %arg2[%dma_start3A_9, %dma_start3A_10] : memref<100000x128xf32, #tpu.memory_space<hbm>> -> memref<100000x128xf32, #tpu.memory_space<hbm>>
    tpu.enqueue_indirect_dma source(%dma_start3A_11 : memref<100000x128xf32, #tpu.memory_space<hbm>>) target(%arg8 : memref<400x128xf32, #tpu.memory_space<vmem>>) offsets(%arg6 : memref<400xi32, #tpu.memory_space<vmem>>) semaphore(%arg10 : memref<!tpu.dma_semaphore, #tpu.memory_space<semaphore_mem>>)
    %add3A_12 = arith.constant 0 : i32
    %add3A_13 = arith.addi %mul3A_2, %add3A_12 : i32
    %dma_start3A_14 = arith.constant 0 : i32
    %dma_start3A_15 = tpu.memref_slice %arg4[%add3A_13, %dma_start3A_14] : memref<204800x128xf32, #tpu.memory_space<hbm>> -> memref<400x128xf32, #tpu.memory_space<hbm>>
    %dma_start3A_16 = arith.constant 0 : i32
    %dma_start3A_17 = tpu.memref_slice %arg4[%add3A_13, %dma_start3A_16] : memref<204800x128xf32, #tpu.memory_space<hbm>> -> memref<400x128xf32, #tpu.memory_space<hbm>>
    tpu.enqueue_dma source(%arg7 : memref<400x128xf32, #tpu.memory_space<vmem>>) target(%dma_start3A_17 : memref<400x128xf32, #tpu.memory_space<hbm>>) target_semaphore(%arg11 : memref<!tpu.dma_semaphore, #tpu.memory_space<semaphore_mem>>)
    %dma_wait3A_18 = arith.constant 0 : i32
    %dma_wait3A_19 = arith.constant 0 : i32
    %dma_wait3A_20 = tpu.memref_slice %arg2[%dma_wait3A_18, %dma_wait3A_19] : memref<100000x128xf32, #tpu.memory_space<hbm>> -> memref<100000x128xf32, #tpu.memory_space<hbm>>
    tpu.wait_indirect_dma semaphore(%arg10 : memref<!tpu.dma_semaphore, #tpu.memory_space<semaphore_mem>>) src(%dma_wait3A_20 : memref<100000x128xf32, #tpu.memory_space<hbm>>) dst(%arg8 : memref<400x128xf32, #tpu.memory_space<vmem>>)
    %dma_wait3A_21 = arith.constant 0 : i32
    %dma_wait3A_22 = tpu.memref_slice %arg4[%add3A_13, %dma_wait3A_21] : memref<204800x128xf32, #tpu.memory_space<hbm>> -> memref<400x128xf32, #tpu.memory_space<hbm>>
    %dma_wait3A_23 = arith.constant 0 : i32
    %dma_wait3A_24 = tpu.memref_slice %arg4[%add3A_13, %dma_wait3A_23] : memref<204800x128xf32, #tpu.memory_space<hbm>> -> memref<400x128xf32, #tpu.memory_space<hbm>>
    tpu.wait_dma2 semaphore(%arg11 : memref<!tpu.dma_semaphore, #tpu.memory_space<semaphore_mem>>) src(%arg7 : memref<400x128xf32, #tpu.memory_space<vmem>>) dst(%dma_wait3A_24 : memref<400x128xf32, #tpu.memory_space<hbm>>)
    %add3A_25 = arith.constant 800 : i32
    %add3A_26 = arith.addi %mul3A_2, %add3A_25 : i32
    "tpu.region"() ({
      %run_scoped3A = tpu.sem_alloc : memref<!tpu.dma_semaphore, #tpu.memory_space<semaphore_mem>>
      %dma_start3A_287 = tpu.memref_slice %arg3[%add3A_26] : memref<204800xi32, #tpu.memory_space<hbm>> -> memref<400xi32, #tpu.memory_space<hbm>>
      %dma_start3A_288 = tpu.memref_slice %arg3[%add3A_26] : memref<204800xi32, #tpu.memory_space<hbm>> -> memref<400xi32, #tpu.memory_space<hbm>>
      tpu.enqueue_dma source(%dma_start3A_288 : memref<400xi32, #tpu.memory_space<hbm>>) target(%arg5 : memref<400xi32, #tpu.memory_space<vmem>>) target_semaphore(%run_scoped3A : memref<!tpu.dma_semaphore, #tpu.memory_space<semaphore_mem>>)
      %dma_wait3A_289 = tpu.memref_slice %arg3[%add3A_26] : memref<204800xi32, #tpu.memory_space<hbm>> -> memref<400xi32, #tpu.memory_space<hbm>>
      %dma_wait3A_290 = tpu.memref_slice %arg3[%add3A_26] : memref<204800xi32, #tpu.memory_space<hbm>> -> memref<400xi32, #tpu.memory_space<hbm>>
      tpu.wait_dma2 semaphore(%run_scoped3A : memref<!tpu.dma_semaphore, #tpu.memory_space<semaphore_mem>>) src(%dma_wait3A_290 : memref<400xi32, #tpu.memory_space<hbm>>) dst(%arg5 : memref<400xi32, #tpu.memory_space<vmem>>)
      tpu.yield
    }) : () -> ()
    %dma_start3A_27 = arith.constant 0 : i32
    %dma_start3A_28 = arith.constant 0 : i32
    %dma_start3A_29 = tpu.memref_slice %arg2[%dma_start3A_27, %dma_start3A_28] : memref<100000x128xf32, #tpu.memory_space<hbm>> -> memref<100000x128xf32, #tpu.memory_space<hbm>>
    tpu.enqueue_indirect_dma source(%dma_start3A_29 : memref<100000x128xf32, #tpu.memory_space<hbm>>) target(%arg7 : memref<400x128xf32, #tpu.memory_space<vmem>>) offsets(%arg5 : memref<400xi32, #tpu.memory_space<vmem>>) semaphore(%arg9 : memref<!tpu.dma_semaphore, #tpu.memory_space<semaphore_mem>>)
    %add3A_30 = arith.constant 400 : i32
    %add3A_31 = arith.addi %mul3A_2, %add3A_30 : i32
    %dma_start3A_32 = arith.constant 0 : i32
    %dma_start3A_33 = tpu.memref_slice %arg4[%add3A_31, %dma_start3A_32] : memref<204800x128xf32, #tpu.memory_space<hbm>> -> memref<400x128xf32, #tpu.memory_space<hbm>>
    %dma_start3A_34 = arith.constant 0 : i32
    %dma_start3A_35 = tpu.memref_slice %arg4[%add3A_31, %dma_start3A_34] : memref<204800x128xf32, #tpu.memory_space<hbm>> -> memref<400x128xf32, #tpu.memory_space<hbm>>
    tpu.enqueue_dma source(%arg8 : memref<400x128xf32, #tpu.memory_space<vmem>>) target(%dma_start3A_35 : memref<400x128xf32, #tpu.memory_space<hbm>>) target_semaphore(%arg12 : memref<!tpu.dma_semaphore, #tpu.memory_space<semaphore_mem>>)
    %dma_wait3A_36 = arith.constant 0 : i32
    %dma_wait3A_37 = arith.constant 0 : i32
    %dma_wait3A_38 = tpu.memref_slice %arg2[%dma_wait3A_36, %dma_wait3A_37] : memref<100000x128xf32, #tpu.memory_space<hbm>> -> memref<100000x128xf32, #tpu.memory_space<hbm>>
    tpu.wait_indirect_dma semaphore(%arg9 : memref<!tpu.dma_semaphore, #tpu.memory_space<semaphore_mem>>) src(%dma_wait3A_38 : memref<100000x128xf32, #tpu.memory_space<hbm>>) dst(%arg7 : memref<400x128xf32, #tpu.memory_space<vmem>>)
    %dma_wait3A_39 = arith.constant 0 : i32
    %dma_wait3A_40 = tpu.memref_slice %arg4[%add3A_31, %dma_wait3A_39] : memref<204800x128xf32, #tpu.memory_space<hbm>> -> memref<400x128xf32, #tpu.memory_space<hbm>>
    %dma_wait3A_41 = arith.constant 0 : i32
    %dma_wait3A_42 = tpu.memref_slice %arg4[%add3A_31, %dma_wait3A_41] : memref<204800x128xf32, #tpu.memory_space<hbm>> -> memref<400x128xf32, #tpu.memory_space<hbm>>
    tpu.wait_dma2 semaphore(%arg12 : memref<!tpu.dma_semaphore, #tpu.memory_space<semaphore_mem>>) src(%arg8 : memref<400x128xf32, #tpu.memory_space<vmem>>) dst(%dma_wait3A_42 : memref<400x128xf32, #tpu.memory_space<hbm>>)
    %add3A_43 = arith.constant 1200 : i32
    %add3A_44 = arith.addi %mul3A_2, %add3A_43 : i32
    "tpu.region"() ({
      %run_scoped3A = tpu.sem_alloc : memref<!tpu.dma_semaphore, #tpu.memory_space<semaphore_mem>>
      %dma_start3A_287 = tpu.memref_slice %arg3[%add3A_44] : memref<204800xi32, #tpu.memory_space<hbm>> -> memref<400xi32, #tpu.memory_space<hbm>>
      %dma_start3A_288 = tpu.memref_slice %arg3[%add3A_44] : memref<204800xi32, #tpu.memory_space<hbm>> -> memref<400xi32, #tpu.memory_space<hbm>>
      tpu.enqueue_dma source(%dma_start3A_288 : memref<400xi32, #tpu.memory_space<hbm>>) target(%arg6 : memref<400xi32, #tpu.memory_space<vmem>>) target_semaphore(%run_scoped3A : memref<!tpu.dma_semaphore, #tpu.memory_space<semaphore_mem>>)
      %dma_wait3A_289 = tpu.memref_slice %arg3[%add3A_44] : memref<204800xi32, #tpu.memory_space<hbm>> -> memref<400xi32, #tpu.memory_space<hbm>>
      %dma_wait3A_290 = tpu.memref_slice %arg3[%add3A_44] : memref<204800xi32, #tpu.memory_space<hbm>> -> memref<400xi32, #tpu.memory_space<hbm>>
      tpu.wait_dma2 semaphore(%run_scoped3A : memref<!tpu.dma_semaphore, #tpu.memory_space<semaphore_mem>>) src(%dma_wait3A_290 : memref<400xi32, #tpu.memory_space<hbm>>) dst(%arg6 : memref<400xi32, #tpu.memory_space<vmem>>)
      tpu.yield
    }) : () -> ()
    %dma_start3A_45 = arith.constant 0 : i32
    %dma_start3A_46 = arith.constant 0 : i32
    %dma_start3A_47 = tpu.memref_slice %arg2[%dma_start3A_45, %dma_start3A_46] : memref<100000x128xf32, #tpu.memory_space<hbm>> -> memref<100000x128xf32, #tpu.memory_space<hbm>>
    tpu.enqueue_indirect_dma source(%dma_start3A_47 : memref<100000x128xf32, #tpu.memory_space<hbm>>) target(%arg8 : memref<400x128xf32, #tpu.memory_space<vmem>>) offsets(%arg6 : memref<400xi32, #tpu.memory_space<vmem>>) semaphore(%arg10 : memref<!tpu.dma_semaphore, #tpu.memory_space<semaphore_mem>>)
    %add3A_48 = arith.constant 800 : i32
    %add3A_49 = arith.addi %mul3A_2, %add3A_48 : i32
    %dma_start3A_50 = arith.constant 0 : i32
    %dma_start3A_51 = tpu.memref_slice %arg4[%add3A_49, %dma_start3A_50] : memref<204800x128xf32, #tpu.memory_space<hbm>> -> memref<400x128xf32, #tpu.memory_space<hbm>>
    %dma_start3A_52 = arith.constant 0 : i32
    %dma_start3A_53 = tpu.memref_slice %arg4[%add3A_49, %dma_start3A_52] : memref<204800x128xf32, #tpu.memory_space<hbm>> -> memref<400x128xf32, #tpu.memory_space<hbm>>
    tpu.enqueue_dma source(%arg7 : memref<400x128xf32, #tpu.memory_space<vmem>>) target(%dma_start3A_53 : memref<400x128xf32, #tpu.memory_space<hbm>>) target_semaphore(%arg11 : memref<!tpu.dma_semaphore, #tpu.memory_space<semaphore_mem>>)
    %dma_wait3A_54 = arith.constant 0 : i32
    %dma_wait3A_55 = arith.constant 0 : i32
    %dma_wait3A_56 = tpu.memref_slice %arg2[%dma_wait3A_54, %dma_wait3A_55] : memref<100000x128xf32, #tpu.memory_space<hbm>> -> memref<100000x128xf32, #tpu.memory_space<hbm>>
    tpu.wait_indirect_dma semaphore(%arg10 : memref<!tpu.dma_semaphore, #tpu.memory_space<semaphore_mem>>) src(%dma_wait3A_56 : memref<100000x128xf32, #tpu.memory_space<hbm>>) dst(%arg8 : memref<400x128xf32, #tpu.memory_space<vmem>>)
    %dma_wait3A_57 = arith.constant 0 : i32
    %dma_wait3A_58 = tpu.memref_slice %arg4[%add3A_49, %dma_wait3A_57] : memref<204800x128xf32, #tpu.memory_space<hbm>> -> memref<400x128xf32, #tpu.memory_space<hbm>>
    %dma_wait3A_59 = arith.constant 0 : i32
    %dma_wait3A_60 = tpu.memref_slice %arg4[%add3A_49, %dma_wait3A_59] : memref<204800x128xf32, #tpu.memory_space<hbm>> -> memref<400x128xf32, #tpu.memory_space<hbm>>
    tpu.wait_dma2 semaphore(%arg11 : memref<!tpu.dma_semaphore, #tpu.memory_space<semaphore_mem>>) src(%arg7 : memref<400x128xf32, #tpu.memory_space<vmem>>) dst(%dma_wait3A_60 : memref<400x128xf32, #tpu.memory_space<hbm>>)
    %add3A_61 = arith.constant 1600 : i32
    %add3A_62 = arith.addi %mul3A_2, %add3A_61 : i32
    "tpu.region"() ({
      %run_scoped3A = tpu.sem_alloc : memref<!tpu.dma_semaphore, #tpu.memory_space<semaphore_mem>>
      %dma_start3A_287 = tpu.memref_slice %arg3[%add3A_62] : memref<204800xi32, #tpu.memory_space<hbm>> -> memref<400xi32, #tpu.memory_space<hbm>>
      %dma_start3A_288 = tpu.memref_slice %arg3[%add3A_62] : memref<204800xi32, #tpu.memory_space<hbm>> -> memref<400xi32, #tpu.memory_space<hbm>>
      tpu.enqueue_dma source(%dma_start3A_288 : memref<400xi32, #tpu.memory_space<hbm>>) target(%arg5 : memref<400xi32, #tpu.memory_space<vmem>>) target_semaphore(%run_scoped3A : memref<!tpu.dma_semaphore, #tpu.memory_space<semaphore_mem>>)
      %dma_wait3A_289 = tpu.memref_slice %arg3[%add3A_62] : memref<204800xi32, #tpu.memory_space<hbm>> -> memref<400xi32, #tpu.memory_space<hbm>>
      %dma_wait3A_290 = tpu.memref_slice %arg3[%add3A_62] : memref<204800xi32, #tpu.memory_space<hbm>> -> memref<400xi32, #tpu.memory_space<hbm>>
      tpu.wait_dma2 semaphore(%run_scoped3A : memref<!tpu.dma_semaphore, #tpu.memory_space<semaphore_mem>>) src(%dma_wait3A_290 : memref<400xi32, #tpu.memory_space<hbm>>) dst(%arg5 : memref<400xi32, #tpu.memory_space<vmem>>)
      tpu.yield
    }) : () -> ()
    %dma_start3A_63 = arith.constant 0 : i32
    %dma_start3A_64 = arith.constant 0 : i32
    %dma_start3A_65 = tpu.memref_slice %arg2[%dma_start3A_63, %dma_start3A_64] : memref<100000x128xf32, #tpu.memory_space<hbm>> -> memref<100000x128xf32, #tpu.memory_space<hbm>>
    tpu.enqueue_indirect_dma source(%dma_start3A_65 : memref<100000x128xf32, #tpu.memory_space<hbm>>) target(%arg7 : memref<400x128xf32, #tpu.memory_space<vmem>>) offsets(%arg5 : memref<400xi32, #tpu.memory_space<vmem>>) semaphore(%arg9 : memref<!tpu.dma_semaphore, #tpu.memory_space<semaphore_mem>>)
    %add3A_66 = arith.constant 1200 : i32
    %add3A_67 = arith.addi %mul3A_2, %add3A_66 : i32
    %dma_start3A_68 = arith.constant 0 : i32
    %dma_start3A_69 = tpu.memref_slice %arg4[%add3A_67, %dma_start3A_68] : memref<204800x128xf32, #tpu.memory_space<hbm>> -> memref<400x128xf32, #tpu.memory_space<hbm>>
    %dma_start3A_70 = arith.constant 0 : i32
    %dma_start3A_71 = tpu.memref_slice %arg4[%add3A_67, %dma_start3A_70] : memref<204800x128xf32, #tpu.memory_space<hbm>> -> memref<400x128xf32, #tpu.memory_space<hbm>>
    tpu.enqueue_dma source(%arg8 : memref<400x128xf32, #tpu.memory_space<vmem>>) target(%dma_start3A_71 : memref<400x128xf32, #tpu.memory_space<hbm>>) target_semaphore(%arg12 : memref<!tpu.dma_semaphore, #tpu.memory_space<semaphore_mem>>)
    %dma_wait3A_72 = arith.constant 0 : i32
    %dma_wait3A_73 = arith.constant 0 : i32
    %dma_wait3A_74 = tpu.memref_slice %arg2[%dma_wait3A_72, %dma_wait3A_73] : memref<100000x128xf32, #tpu.memory_space<hbm>> -> memref<100000x128xf32, #tpu.memory_space<hbm>>
    tpu.wait_indirect_dma semaphore(%arg9 : memref<!tpu.dma_semaphore, #tpu.memory_space<semaphore_mem>>) src(%dma_wait3A_74 : memref<100000x128xf32, #tpu.memory_space<hbm>>) dst(%arg7 : memref<400x128xf32, #tpu.memory_space<vmem>>)
    %dma_wait3A_75 = arith.constant 0 : i32
    %dma_wait3A_76 = tpu.memref_slice %arg4[%add3A_67, %dma_wait3A_75] : memref<204800x128xf32, #tpu.memory_space<hbm>> -> memref<400x128xf32, #tpu.memory_space<hbm>>
    %dma_wait3A_77 = arith.constant 0 : i32
    %dma_wait3A_78 = tpu.memref_slice %arg4[%add3A_67, %dma_wait3A_77] : memref<204800x128xf32, #tpu.memory_space<hbm>> -> memref<400x128xf32, #tpu.memory_space<hbm>>
    tpu.wait_dma2 semaphore(%arg12 : memref<!tpu.dma_semaphore, #tpu.memory_space<semaphore_mem>>) src(%arg8 : memref<400x128xf32, #tpu.memory_space<vmem>>) dst(%dma_wait3A_78 : memref<400x128xf32, #tpu.memory_space<hbm>>)
    %add3A_79 = arith.constant 2000 : i32
    %add3A_80 = arith.addi %mul3A_2, %add3A_79 : i32
    "tpu.region"() ({
      %run_scoped3A = tpu.sem_alloc : memref<!tpu.dma_semaphore, #tpu.memory_space<semaphore_mem>>
      %dma_start3A_287 = tpu.memref_slice %arg3[%add3A_80] : memref<204800xi32, #tpu.memory_space<hbm>> -> memref<400xi32, #tpu.memory_space<hbm>>
      %dma_start3A_288 = tpu.memref_slice %arg3[%add3A_80] : memref<204800xi32, #tpu.memory_space<hbm>> -> memref<400xi32, #tpu.memory_space<hbm>>
      tpu.enqueue_dma source(%dma_start3A_288 : memref<400xi32, #tpu.memory_space<hbm>>) target(%arg6 : memref<400xi32, #tpu.memory_space<vmem>>) target_semaphore(%run_scoped3A : memref<!tpu.dma_semaphore, #tpu.memory_space<semaphore_mem>>)
      %dma_wait3A_289 = tpu.memref_slice %arg3[%add3A_80] : memref<204800xi32, #tpu.memory_space<hbm>> -> memref<400xi32, #tpu.memory_space<hbm>>
      %dma_wait3A_290 = tpu.memref_slice %arg3[%add3A_80] : memref<204800xi32, #tpu.memory_space<hbm>> -> memref<400xi32, #tpu.memory_space<hbm>>
      tpu.wait_dma2 semaphore(%run_scoped3A : memref<!tpu.dma_semaphore, #tpu.memory_space<semaphore_mem>>) src(%dma_wait3A_290 : memref<400xi32, #tpu.memory_space<hbm>>) dst(%arg6 : memref<400xi32, #tpu.memory_space<vmem>>)
      tpu.yield
    }) : () -> ()
    %dma_start3A_81 = arith.constant 0 : i32
    %dma_start3A_82 = arith.constant 0 : i32
    %dma_start3A_83 = tpu.memref_slice %arg2[%dma_start3A_81, %dma_start3A_82] : memref<100000x128xf32, #tpu.memory_space<hbm>> -> memref<100000x128xf32, #tpu.memory_space<hbm>>
    tpu.enqueue_indirect_dma source(%dma_start3A_83 : memref<100000x128xf32, #tpu.memory_space<hbm>>) target(%arg8 : memref<400x128xf32, #tpu.memory_space<vmem>>) offsets(%arg6 : memref<400xi32, #tpu.memory_space<vmem>>) semaphore(%arg10 : memref<!tpu.dma_semaphore, #tpu.memory_space<semaphore_mem>>)
    %add3A_84 = arith.constant 1600 : i32
    %add3A_85 = arith.addi %mul3A_2, %add3A_84 : i32
    %dma_start3A_86 = arith.constant 0 : i32
    %dma_start3A_87 = tpu.memref_slice %arg4[%add3A_85, %dma_start3A_86] : memref<204800x128xf32, #tpu.memory_space<hbm>> -> memref<400x128xf32, #tpu.memory_space<hbm>>
    %dma_start3A_88 = arith.constant 0 : i32
    %dma_start3A_89 = tpu.memref_slice %arg4[%add3A_85, %dma_start3A_88] : memref<204800x128xf32, #tpu.memory_space<hbm>> -> memref<400x128xf32, #tpu.memory_space<hbm>>
    tpu.enqueue_dma source(%arg7 : memref<400x128xf32, #tpu.memory_space<vmem>>) target(%dma_start3A_89 : memref<400x128xf32, #tpu.memory_space<hbm>>) target_semaphore(%arg11 : memref<!tpu.dma_semaphore, #tpu.memory_space<semaphore_mem>>)
    %dma_wait3A_90 = arith.constant 0 : i32
    %dma_wait3A_91 = arith.constant 0 : i32
    %dma_wait3A_92 = tpu.memref_slice %arg2[%dma_wait3A_90, %dma_wait3A_91] : memref<100000x128xf32, #tpu.memory_space<hbm>> -> memref<100000x128xf32, #tpu.memory_space<hbm>>
    tpu.wait_indirect_dma semaphore(%arg10 : memref<!tpu.dma_semaphore, #tpu.memory_space<semaphore_mem>>) src(%dma_wait3A_92 : memref<100000x128xf32, #tpu.memory_space<hbm>>) dst(%arg8 : memref<400x128xf32, #tpu.memory_space<vmem>>)
    %dma_wait3A_93 = arith.constant 0 : i32
    %dma_wait3A_94 = tpu.memref_slice %arg4[%add3A_85, %dma_wait3A_93] : memref<204800x128xf32, #tpu.memory_space<hbm>> -> memref<400x128xf32, #tpu.memory_space<hbm>>
    %dma_wait3A_95 = arith.constant 0 : i32
    %dma_wait3A_96 = tpu.memref_slice %arg4[%add3A_85, %dma_wait3A_95] : memref<204800x128xf32, #tpu.memory_space<hbm>> -> memref<400x128xf32, #tpu.memory_space<hbm>>
    tpu.wait_dma2 semaphore(%arg11 : memref<!tpu.dma_semaphore, #tpu.memory_space<semaphore_mem>>) src(%arg7 : memref<400x128xf32, #tpu.memory_space<vmem>>) dst(%dma_wait3A_96 : memref<400x128xf32, #tpu.memory_space<hbm>>)
    %add3A_97 = arith.constant 2400 : i32
    %add3A_98 = arith.addi %mul3A_2, %add3A_97 : i32
    "tpu.region"() ({
      %run_scoped3A = tpu.sem_alloc : memref<!tpu.dma_semaphore, #tpu.memory_space<semaphore_mem>>
      %dma_start3A_287 = tpu.memref_slice %arg3[%add3A_98] : memref<204800xi32, #tpu.memory_space<hbm>> -> memref<400xi32, #tpu.memory_space<hbm>>
      %dma_start3A_288 = tpu.memref_slice %arg3[%add3A_98] : memref<204800xi32, #tpu.memory_space<hbm>> -> memref<400xi32, #tpu.memory_space<hbm>>
      tpu.enqueue_dma source(%dma_start3A_288 : memref<400xi32, #tpu.memory_space<hbm>>) target(%arg5 : memref<400xi32, #tpu.memory_space<vmem>>) target_semaphore(%run_scoped3A : memref<!tpu.dma_semaphore, #tpu.memory_space<semaphore_mem>>)
      %dma_wait3A_289 = tpu.memref_slice %arg3[%add3A_98] : memref<204800xi32, #tpu.memory_space<hbm>> -> memref<400xi32, #tpu.memory_space<hbm>>
      %dma_wait3A_290 = tpu.memref_slice %arg3[%add3A_98] : memref<204800xi32, #tpu.memory_space<hbm>> -> memref<400xi32, #tpu.memory_space<hbm>>
      tpu.wait_dma2 semaphore(%run_scoped3A : memref<!tpu.dma_semaphore, #tpu.memory_space<semaphore_mem>>) src(%dma_wait3A_290 : memref<400xi32, #tpu.memory_space<hbm>>) dst(%arg5 : memref<400xi32, #tpu.memory_space<vmem>>)
      tpu.yield
    }) : () -> ()
    %dma_start3A_99 = arith.constant 0 : i32
    %dma_start3A_100 = arith.constant 0 : i32
    %dma_start3A_101 = tpu.memref_slice %arg2[%dma_start3A_99, %dma_start3A_100] : memref<100000x128xf32, #tpu.memory_space<hbm>> -> memref<100000x128xf32, #tpu.memory_space<hbm>>
    tpu.enqueue_indirect_dma source(%dma_start3A_101 : memref<100000x128xf32, #tpu.memory_space<hbm>>) target(%arg7 : memref<400x128xf32, #tpu.memory_space<vmem>>) offsets(%arg5 : memref<400xi32, #tpu.memory_space<vmem>>) semaphore(%arg9 : memref<!tpu.dma_semaphore, #tpu.memory_space<semaphore_mem>>)
    %add3A_102 = arith.constant 2000 : i32
    %add3A_103 = arith.addi %mul3A_2, %add3A_102 : i32
    %dma_start3A_104 = arith.constant 0 : i32
    %dma_start3A_105 = tpu.memref_slice %arg4[%add3A_103, %dma_start3A_104] : memref<204800x128xf32, #tpu.memory_space<hbm>> -> memref<400x128xf32, #tpu.memory_space<hbm>>
    %dma_start3A_106 = arith.constant 0 : i32
    %dma_start3A_107 = tpu.memref_slice %arg4[%add3A_103, %dma_start3A_106] : memref<204800x128xf32, #tpu.memory_space<hbm>> -> memref<400x128xf32, #tpu.memory_space<hbm>>
    tpu.enqueue_dma source(%arg8 : memref<400x128xf32, #tpu.memory_space<vmem>>) target(%dma_start3A_107 : memref<400x128xf32, #tpu.memory_space<hbm>>) target_semaphore(%arg12 : memref<!tpu.dma_semaphore, #tpu.memory_space<semaphore_mem>>)
    %dma_wait3A_108 = arith.constant 0 : i32
    %dma_wait3A_109 = arith.constant 0 : i32
    %dma_wait3A_110 = tpu.memref_slice %arg2[%dma_wait3A_108, %dma_wait3A_109] : memref<100000x128xf32, #tpu.memory_space<hbm>> -> memref<100000x128xf32, #tpu.memory_space<hbm>>
    tpu.wait_indirect_dma semaphore(%arg9 : memref<!tpu.dma_semaphore, #tpu.memory_space<semaphore_mem>>) src(%dma_wait3A_110 : memref<100000x128xf32, #tpu.memory_space<hbm>>) dst(%arg7 : memref<400x128xf32, #tpu.memory_space<vmem>>)
    %dma_wait3A_111 = arith.constant 0 : i32
    %dma_wait3A_112 = tpu.memref_slice %arg4[%add3A_103, %dma_wait3A_111] : memref<204800x128xf32, #tpu.memory_space<hbm>> -> memref<400x128xf32, #tpu.memory_space<hbm>>
    %dma_wait3A_113 = arith.constant 0 : i32
    %dma_wait3A_114 = tpu.memref_slice %arg4[%add3A_103, %dma_wait3A_113] : memref<204800x128xf32, #tpu.memory_space<hbm>> -> memref<400x128xf32, #tpu.memory_space<hbm>>
    tpu.wait_dma2 semaphore(%arg12 : memref<!tpu.dma_semaphore, #tpu.memory_space<semaphore_mem>>) src(%arg8 : memref<400x128xf32, #tpu.memory_space<vmem>>) dst(%dma_wait3A_114 : memref<400x128xf32, #tpu.memory_space<hbm>>)
    %add3A_115 = arith.constant 2800 : i32
    %add3A_116 = arith.addi %mul3A_2, %add3A_115 : i32
    "tpu.region"() ({
      %run_scoped3A = tpu.sem_alloc : memref<!tpu.dma_semaphore, #tpu.memory_space<semaphore_mem>>
      %dma_start3A_287 = tpu.memref_slice %arg3[%add3A_116] : memref<204800xi32, #tpu.memory_space<hbm>> -> memref<400xi32, #tpu.memory_space<hbm>>
      %dma_start3A_288 = tpu.memref_slice %arg3[%add3A_116] : memref<204800xi32, #tpu.memory_space<hbm>> -> memref<400xi32, #tpu.memory_space<hbm>>
      tpu.enqueue_dma source(%dma_start3A_288 : memref<400xi32, #tpu.memory_space<hbm>>) target(%arg6 : memref<400xi32, #tpu.memory_space<vmem>>) target_semaphore(%run_scoped3A : memref<!tpu.dma_semaphore, #tpu.memory_space<semaphore_mem>>)
      %dma_wait3A_289 = tpu.memref_slice %arg3[%add3A_116] : memref<204800xi32, #tpu.memory_space<hbm>> -> memref<400xi32, #tpu.memory_space<hbm>>
      %dma_wait3A_290 = tpu.memref_slice %arg3[%add3A_116] : memref<204800xi32, #tpu.memory_space<hbm>> -> memref<400xi32, #tpu.memory_space<hbm>>
      tpu.wait_dma2 semaphore(%run_scoped3A : memref<!tpu.dma_semaphore, #tpu.memory_space<semaphore_mem>>) src(%dma_wait3A_290 : memref<400xi32, #tpu.memory_space<hbm>>) dst(%arg6 : memref<400xi32, #tpu.memory_space<vmem>>)
      tpu.yield
    }) : () -> ()
    %dma_start3A_117 = arith.constant 0 : i32
    %dma_start3A_118 = arith.constant 0 : i32
    %dma_start3A_119 = tpu.memref_slice %arg2[%dma_start3A_117, %dma_start3A_118] : memref<100000x128xf32, #tpu.memory_space<hbm>> -> memref<100000x128xf32, #tpu.memory_space<hbm>>
    tpu.enqueue_indirect_dma source(%dma_start3A_119 : memref<100000x128xf32, #tpu.memory_space<hbm>>) target(%arg8 : memref<400x128xf32, #tpu.memory_space<vmem>>) offsets(%arg6 : memref<400xi32, #tpu.memory_space<vmem>>) semaphore(%arg10 : memref<!tpu.dma_semaphore, #tpu.memory_space<semaphore_mem>>)
    %add3A_120 = arith.constant 2400 : i32
    %add3A_121 = arith.addi %mul3A_2, %add3A_120 : i32
    %dma_start3A_122 = arith.constant 0 : i32
    %dma_start3A_123 = tpu.memref_slice %arg4[%add3A_121, %dma_start3A_122] : memref<204800x128xf32, #tpu.memory_space<hbm>> -> memref<400x128xf32, #tpu.memory_space<hbm>>
    %dma_start3A_124 = arith.constant 0 : i32
    %dma_start3A_125 = tpu.memref_slice %arg4[%add3A_121, %dma_start3A_124] : memref<204800x128xf32, #tpu.memory_space<hbm>> -> memref<400x128xf32, #tpu.memory_space<hbm>>
    tpu.enqueue_dma source(%arg7 : memref<400x128xf32, #tpu.memory_space<vmem>>) target(%dma_start3A_125 : memref<400x128xf32, #tpu.memory_space<hbm>>) target_semaphore(%arg11 : memref<!tpu.dma_semaphore, #tpu.memory_space<semaphore_mem>>)
    %dma_wait3A_126 = arith.constant 0 : i32
    %dma_wait3A_127 = arith.constant 0 : i32
    %dma_wait3A_128 = tpu.memref_slice %arg2[%dma_wait3A_126, %dma_wait3A_127] : memref<100000x128xf32, #tpu.memory_space<hbm>> -> memref<100000x128xf32, #tpu.memory_space<hbm>>
    tpu.wait_indirect_dma semaphore(%arg10 : memref<!tpu.dma_semaphore, #tpu.memory_space<semaphore_mem>>) src(%dma_wait3A_128 : memref<100000x128xf32, #tpu.memory_space<hbm>>) dst(%arg8 : memref<400x128xf32, #tpu.memory_space<vmem>>)
    %dma_wait3A_129 = arith.constant 0 : i32
    %dma_wait3A_130 = tpu.memref_slice %arg4[%add3A_121, %dma_wait3A_129] : memref<204800x128xf32, #tpu.memory_space<hbm>> -> memref<400x128xf32, #tpu.memory_space<hbm>>
    %dma_wait3A_131 = arith.constant 0 : i32
    %dma_wait3A_132 = tpu.memref_slice %arg4[%add3A_121, %dma_wait3A_131] : memref<204800x128xf32, #tpu.memory_space<hbm>> -> memref<400x128xf32, #tpu.memory_space<hbm>>
    tpu.wait_dma2 semaphore(%arg11 : memref<!tpu.dma_semaphore, #tpu.memory_space<semaphore_mem>>) src(%arg7 : memref<400x128xf32, #tpu.memory_space<vmem>>) dst(%dma_wait3A_132 : memref<400x128xf32, #tpu.memory_space<hbm>>)
    %add3A_133 = arith.constant 3200 : i32
    %add3A_134 = arith.addi %mul3A_2, %add3A_133 : i32
    "tpu.region"() ({
      %run_scoped3A = tpu.sem_alloc : memref<!tpu.dma_semaphore, #tpu.memory_space<semaphore_mem>>
      %dma_start3A_287 = tpu.memref_slice %arg3[%add3A_134] : memref<204800xi32, #tpu.memory_space<hbm>> -> memref<400xi32, #tpu.memory_space<hbm>>
      %dma_start3A_288 = tpu.memref_slice %arg3[%add3A_134] : memref<204800xi32, #tpu.memory_space<hbm>> -> memref<400xi32, #tpu.memory_space<hbm>>
      tpu.enqueue_dma source(%dma_start3A_288 : memref<400xi32, #tpu.memory_space<hbm>>) target(%arg5 : memref<400xi32, #tpu.memory_space<vmem>>) target_semaphore(%run_scoped3A : memref<!tpu.dma_semaphore, #tpu.memory_space<semaphore_mem>>)
      %dma_wait3A_289 = tpu.memref_slice %arg3[%add3A_134] : memref<204800xi32, #tpu.memory_space<hbm>> -> memref<400xi32, #tpu.memory_space<hbm>>
      %dma_wait3A_290 = tpu.memref_slice %arg3[%add3A_134] : memref<204800xi32, #tpu.memory_space<hbm>> -> memref<400xi32, #tpu.memory_space<hbm>>
      tpu.wait_dma2 semaphore(%run_scoped3A : memref<!tpu.dma_semaphore, #tpu.memory_space<semaphore_mem>>) src(%dma_wait3A_290 : memref<400xi32, #tpu.memory_space<hbm>>) dst(%arg5 : memref<400xi32, #tpu.memory_space<vmem>>)
      tpu.yield
    }) : () -> ()
    %dma_start3A_135 = arith.constant 0 : i32
    %dma_start3A_136 = arith.constant 0 : i32
    %dma_start3A_137 = tpu.memref_slice %arg2[%dma_start3A_135, %dma_start3A_136] : memref<100000x128xf32, #tpu.memory_space<hbm>> -> memref<100000x128xf32, #tpu.memory_space<hbm>>
    tpu.enqueue_indirect_dma source(%dma_start3A_137 : memref<100000x128xf32, #tpu.memory_space<hbm>>) target(%arg7 : memref<400x128xf32, #tpu.memory_space<vmem>>) offsets(%arg5 : memref<400xi32, #tpu.memory_space<vmem>>) semaphore(%arg9 : memref<!tpu.dma_semaphore, #tpu.memory_space<semaphore_mem>>)
    %add3A_138 = arith.constant 2800 : i32
    %add3A_139 = arith.addi %mul3A_2, %add3A_138 : i32
    %dma_start3A_140 = arith.constant 0 : i32
    %dma_start3A_141 = tpu.memref_slice %arg4[%add3A_139, %dma_start3A_140] : memref<204800x128xf32, #tpu.memory_space<hbm>> -> memref<400x128xf32, #tpu.memory_space<hbm>>
    %dma_start3A_142 = arith.constant 0 : i32
    %dma_start3A_143 = tpu.memref_slice %arg4[%add3A_139, %dma_start3A_142] : memref<204800x128xf32, #tpu.memory_space<hbm>> -> memref<400x128xf32, #tpu.memory_space<hbm>>
    tpu.enqueue_dma source(%arg8 : memref<400x128xf32, #tpu.memory_space<vmem>>) target(%dma_start3A_143 : memref<400x128xf32, #tpu.memory_space<hbm>>) target_semaphore(%arg12 : memref<!tpu.dma_semaphore, #tpu.memory_space<semaphore_mem>>)
    %dma_wait3A_144 = arith.constant 0 : i32
    %dma_wait3A_145 = arith.constant 0 : i32
    %dma_wait3A_146 = tpu.memref_slice %arg2[%dma_wait3A_144, %dma_wait3A_145] : memref<100000x128xf32, #tpu.memory_space<hbm>> -> memref<100000x128xf32, #tpu.memory_space<hbm>>
    tpu.wait_indirect_dma semaphore(%arg9 : memref<!tpu.dma_semaphore, #tpu.memory_space<semaphore_mem>>) src(%dma_wait3A_146 : memref<100000x128xf32, #tpu.memory_space<hbm>>) dst(%arg7 : memref<400x128xf32, #tpu.memory_space<vmem>>)
    %dma_wait3A_147 = arith.constant 0 : i32
    %dma_wait3A_148 = tpu.memref_slice %arg4[%add3A_139, %dma_wait3A_147] : memref<204800x128xf32, #tpu.memory_space<hbm>> -> memref<400x128xf32, #tpu.memory_space<hbm>>
    %dma_wait3A_149 = arith.constant 0 : i32
    %dma_wait3A_150 = tpu.memref_slice %arg4[%add3A_139, %dma_wait3A_149] : memref<204800x128xf32, #tpu.memory_space<hbm>> -> memref<400x128xf32, #tpu.memory_space<hbm>>
    tpu.wait_dma2 semaphore(%arg12 : memref<!tpu.dma_semaphore, #tpu.memory_space<semaphore_mem>>) src(%arg8 : memref<400x128xf32, #tpu.memory_space<vmem>>) dst(%dma_wait3A_150 : memref<400x128xf32, #tpu.memory_space<hbm>>)
    %add3A_151 = arith.constant 3600 : i32
    %add3A_152 = arith.addi %mul3A_2, %add3A_151 : i32
    "tpu.region"() ({
      %run_scoped3A = tpu.sem_alloc : memref<!tpu.dma_semaphore, #tpu.memory_space<semaphore_mem>>
      %dma_start3A_287 = tpu.memref_slice %arg3[%add3A_152] : memref<204800xi32, #tpu.memory_space<hbm>> -> memref<400xi32, #tpu.memory_space<hbm>>
      %dma_start3A_288 = tpu.memref_slice %arg3[%add3A_152] : memref<204800xi32, #tpu.memory_space<hbm>> -> memref<400xi32, #tpu.memory_space<hbm>>
      tpu.enqueue_dma source(%dma_start3A_288 : memref<400xi32, #tpu.memory_space<hbm>>) target(%arg6 : memref<400xi32, #tpu.memory_space<vmem>>) target_semaphore(%run_scoped3A : memref<!tpu.dma_semaphore, #tpu.memory_space<semaphore_mem>>)
      %dma_wait3A_289 = tpu.memref_slice %arg3[%add3A_152] : memref<204800xi32, #tpu.memory_space<hbm>> -> memref<400xi32, #tpu.memory_space<hbm>>
      %dma_wait3A_290 = tpu.memref_slice %arg3[%add3A_152] : memref<204800xi32, #tpu.memory_space<hbm>> -> memref<400xi32, #tpu.memory_space<hbm>>
      tpu.wait_dma2 semaphore(%run_scoped3A : memref<!tpu.dma_semaphore, #tpu.memory_space<semaphore_mem>>) src(%dma_wait3A_290 : memref<400xi32, #tpu.memory_space<hbm>>) dst(%arg6 : memref<400xi32, #tpu.memory_space<vmem>>)
      tpu.yield
    }) : () -> ()
    %dma_start3A_153 = arith.constant 0 : i32
    %dma_start3A_154 = arith.constant 0 : i32
    %dma_start3A_155 = tpu.memref_slice %arg2[%dma_start3A_153, %dma_start3A_154] : memref<100000x128xf32, #tpu.memory_space<hbm>> -> memref<100000x128xf32, #tpu.memory_space<hbm>>
    tpu.enqueue_indirect_dma source(%dma_start3A_155 : memref<100000x128xf32, #tpu.memory_space<hbm>>) target(%arg8 : memref<400x128xf32, #tpu.memory_space<vmem>>) offsets(%arg6 : memref<400xi32, #tpu.memory_space<vmem>>) semaphore(%arg10 : memref<!tpu.dma_semaphore, #tpu.memory_space<semaphore_mem>>)
    %add3A_156 = arith.constant 3200 : i32
    %add3A_157 = arith.addi %mul3A_2, %add3A_156 : i32
    %dma_start3A_158 = arith.constant 0 : i32
    %dma_start3A_159 = tpu.memref_slice %arg4[%add3A_157, %dma_start3A_158] : memref<204800x128xf32, #tpu.memory_space<hbm>> -> memref<400x128xf32, #tpu.memory_space<hbm>>
    %dma_start3A_160 = arith.constant 0 : i32
    %dma_start3A_161 = tpu.memref_slice %arg4[%add3A_157, %dma_start3A_160] : memref<204800x128xf32, #tpu.memory_space<hbm>> -> memref<400x128xf32, #tpu.memory_space<hbm>>
    tpu.enqueue_dma source(%arg7 : memref<400x128xf32, #tpu.memory_space<vmem>>) target(%dma_start3A_161 : memref<400x128xf32, #tpu.memory_space<hbm>>) target_semaphore(%arg11 : memref<!tpu.dma_semaphore, #tpu.memory_space<semaphore_mem>>)
    %dma_wait3A_162 = arith.constant 0 : i32
    %dma_wait3A_163 = arith.constant 0 : i32
    %dma_wait3A_164 = tpu.memref_slice %arg2[%dma_wait3A_162, %dma_wait3A_163] : memref<100000x128xf32, #tpu.memory_space<hbm>> -> memref<100000x128xf32, #tpu.memory_space<hbm>>
    tpu.wait_indirect_dma semaphore(%arg10 : memref<!tpu.dma_semaphore, #tpu.memory_space<semaphore_mem>>) src(%dma_wait3A_164 : memref<100000x128xf32, #tpu.memory_space<hbm>>) dst(%arg8 : memref<400x128xf32, #tpu.memory_space<vmem>>)
    %dma_wait3A_165 = arith.constant 0 : i32
    %dma_wait3A_166 = tpu.memref_slice %arg4[%add3A_157, %dma_wait3A_165] : memref<204800x128xf32, #tpu.memory_space<hbm>> -> memref<400x128xf32, #tpu.memory_space<hbm>>
    %dma_wait3A_167 = arith.constant 0 : i32
    %dma_wait3A_168 = tpu.memref_slice %arg4[%add3A_157, %dma_wait3A_167] : memref<204800x128xf32, #tpu.memory_space<hbm>> -> memref<400x128xf32, #tpu.memory_space<hbm>>
    tpu.wait_dma2 semaphore(%arg11 : memref<!tpu.dma_semaphore, #tpu.memory_space<semaphore_mem>>) src(%arg7 : memref<400x128xf32, #tpu.memory_space<vmem>>) dst(%dma_wait3A_168 : memref<400x128xf32, #tpu.memory_space<hbm>>)
    %add3A_169 = arith.constant 4000 : i32
    %add3A_170 = arith.addi %mul3A_2, %add3A_169 : i32
    "tpu.region"() ({
      %run_scoped3A = tpu.sem_alloc : memref<!tpu.dma_semaphore, #tpu.memory_space<semaphore_mem>>
      %dma_start3A_287 = tpu.memref_slice %arg3[%add3A_170] : memref<204800xi32, #tpu.memory_space<hbm>> -> memref<400xi32, #tpu.memory_space<hbm>>
      %dma_start3A_288 = tpu.memref_slice %arg3[%add3A_170] : memref<204800xi32, #tpu.memory_space<hbm>> -> memref<400xi32, #tpu.memory_space<hbm>>
      tpu.enqueue_dma source(%dma_start3A_288 : memref<400xi32, #tpu.memory_space<hbm>>) target(%arg5 : memref<400xi32, #tpu.memory_space<vmem>>) target_semaphore(%run_scoped3A : memref<!tpu.dma_semaphore, #tpu.memory_space<semaphore_mem>>)
      %dma_wait3A_289 = tpu.memref_slice %arg3[%add3A_170] : memref<204800xi32, #tpu.memory_space<hbm>> -> memref<400xi32, #tpu.memory_space<hbm>>
      %dma_wait3A_290 = tpu.memref_slice %arg3[%add3A_170] : memref<204800xi32, #tpu.memory_space<hbm>> -> memref<400xi32, #tpu.memory_space<hbm>>
      tpu.wait_dma2 semaphore(%run_scoped3A : memref<!tpu.dma_semaphore, #tpu.memory_space<semaphore_mem>>) src(%dma_wait3A_290 : memref<400xi32, #tpu.memory_space<hbm>>) dst(%arg5 : memref<400xi32, #tpu.memory_space<vmem>>)
      tpu.yield
    }) : () -> ()
    %dma_start3A_171 = arith.constant 0 : i32
    %dma_start3A_172 = arith.constant 0 : i32
    %dma_start3A_173 = tpu.memref_slice %arg2[%dma_start3A_171, %dma_start3A_172] : memref<100000x128xf32, #tpu.memory_space<hbm>> -> memref<100000x128xf32, #tpu.memory_space<hbm>>
    tpu.enqueue_indirect_dma source(%dma_start3A_173 : memref<100000x128xf32, #tpu.memory_space<hbm>>) target(%arg7 : memref<400x128xf32, #tpu.memory_space<vmem>>) offsets(%arg5 : memref<400xi32, #tpu.memory_space<vmem>>) semaphore(%arg9 : memref<!tpu.dma_semaphore, #tpu.memory_space<semaphore_mem>>)
    %add3A_174 = arith.constant 3600 : i32
    %add3A_175 = arith.addi %mul3A_2, %add3A_174 : i32
    %dma_start3A_176 = arith.constant 0 : i32
    %dma_start3A_177 = tpu.memref_slice %arg4[%add3A_175, %dma_start3A_176] : memref<204800x128xf32, #tpu.memory_space<hbm>> -> memref<400x128xf32, #tpu.memory_space<hbm>>
    %dma_start3A_178 = arith.constant 0 : i32
    %dma_start3A_179 = tpu.memref_slice %arg4[%add3A_175, %dma_start3A_178] : memref<204800x128xf32, #tpu.memory_space<hbm>> -> memref<400x128xf32, #tpu.memory_space<hbm>>
    tpu.enqueue_dma source(%arg8 : memref<400x128xf32, #tpu.memory_space<vmem>>) target(%dma_start3A_179 : memref<400x128xf32, #tpu.memory_space<hbm>>) target_semaphore(%arg12 : memref<!tpu.dma_semaphore, #tpu.memory_space<semaphore_mem>>)
    %dma_wait3A_180 = arith.constant 0 : i32
    %dma_wait3A_181 = arith.constant 0 : i32
    %dma_wait3A_182 = tpu.memref_slice %arg2[%dma_wait3A_180, %dma_wait3A_181] : memref<100000x128xf32, #tpu.memory_space<hbm>> -> memref<100000x128xf32, #tpu.memory_space<hbm>>
    tpu.wait_indirect_dma semaphore(%arg9 : memref<!tpu.dma_semaphore, #tpu.memory_space<semaphore_mem>>) src(%dma_wait3A_182 : memref<100000x128xf32, #tpu.memory_space<hbm>>) dst(%arg7 : memref<400x128xf32, #tpu.memory_space<vmem>>)
    %dma_wait3A_183 = arith.constant 0 : i32
    %dma_wait3A_184 = tpu.memref_slice %arg4[%add3A_175, %dma_wait3A_183] : memref<204800x128xf32, #tpu.memory_space<hbm>> -> memref<400x128xf32, #tpu.memory_space<hbm>>
    %dma_wait3A_185 = arith.constant 0 : i32
    %dma_wait3A_186 = tpu.memref_slice %arg4[%add3A_175, %dma_wait3A_185] : memref<204800x128xf32, #tpu.memory_space<hbm>> -> memref<400x128xf32, #tpu.memory_space<hbm>>
    tpu.wait_dma2 semaphore(%arg12 : memref<!tpu.dma_semaphore, #tpu.memory_space<semaphore_mem>>) src(%arg8 : memref<400x128xf32, #tpu.memory_space<vmem>>) dst(%dma_wait3A_186 : memref<400x128xf32, #tpu.memory_space<hbm>>)
    %add3A_187 = arith.constant 4400 : i32
    %add3A_188 = arith.addi %mul3A_2, %add3A_187 : i32
    "tpu.region"() ({
      %run_scoped3A = tpu.sem_alloc : memref<!tpu.dma_semaphore, #tpu.memory_space<semaphore_mem>>
      %dma_start3A_287 = tpu.memref_slice %arg3[%add3A_188] : memref<204800xi32, #tpu.memory_space<hbm>> -> memref<400xi32, #tpu.memory_space<hbm>>
      %dma_start3A_288 = tpu.memref_slice %arg3[%add3A_188] : memref<204800xi32, #tpu.memory_space<hbm>> -> memref<400xi32, #tpu.memory_space<hbm>>
      tpu.enqueue_dma source(%dma_start3A_288 : memref<400xi32, #tpu.memory_space<hbm>>) target(%arg6 : memref<400xi32, #tpu.memory_space<vmem>>) target_semaphore(%run_scoped3A : memref<!tpu.dma_semaphore, #tpu.memory_space<semaphore_mem>>)
      %dma_wait3A_289 = tpu.memref_slice %arg3[%add3A_188] : memref<204800xi32, #tpu.memory_space<hbm>> -> memref<400xi32, #tpu.memory_space<hbm>>
      %dma_wait3A_290 = tpu.memref_slice %arg3[%add3A_188] : memref<204800xi32, #tpu.memory_space<hbm>> -> memref<400xi32, #tpu.memory_space<hbm>>
      tpu.wait_dma2 semaphore(%run_scoped3A : memref<!tpu.dma_semaphore, #tpu.memory_space<semaphore_mem>>) src(%dma_wait3A_290 : memref<400xi32, #tpu.memory_space<hbm>>) dst(%arg6 : memref<400xi32, #tpu.memory_space<vmem>>)
      tpu.yield
    }) : () -> ()
    %dma_start3A_189 = arith.constant 0 : i32
    %dma_start3A_190 = arith.constant 0 : i32
    %dma_start3A_191 = tpu.memref_slice %arg2[%dma_start3A_189, %dma_start3A_190] : memref<100000x128xf32, #tpu.memory_space<hbm>> -> memref<100000x128xf32, #tpu.memory_space<hbm>>
    tpu.enqueue_indirect_dma source(%dma_start3A_191 : memref<100000x128xf32, #tpu.memory_space<hbm>>) target(%arg8 : memref<400x128xf32, #tpu.memory_space<vmem>>) offsets(%arg6 : memref<400xi32, #tpu.memory_space<vmem>>) semaphore(%arg10 : memref<!tpu.dma_semaphore, #tpu.memory_space<semaphore_mem>>)
    %add3A_192 = arith.constant 4000 : i32
    %add3A_193 = arith.addi %mul3A_2, %add3A_192 : i32
    %dma_start3A_194 = arith.constant 0 : i32
    %dma_start3A_195 = tpu.memref_slice %arg4[%add3A_193, %dma_start3A_194] : memref<204800x128xf32, #tpu.memory_space<hbm>> -> memref<400x128xf32, #tpu.memory_space<hbm>>
    %dma_start3A_196 = arith.constant 0 : i32
    %dma_start3A_197 = tpu.memref_slice %arg4[%add3A_193, %dma_start3A_196] : memref<204800x128xf32, #tpu.memory_space<hbm>> -> memref<400x128xf32, #tpu.memory_space<hbm>>
    tpu.enqueue_dma source(%arg7 : memref<400x128xf32, #tpu.memory_space<vmem>>) target(%dma_start3A_197 : memref<400x128xf32, #tpu.memory_space<hbm>>) target_semaphore(%arg11 : memref<!tpu.dma_semaphore, #tpu.memory_space<semaphore_mem>>)
    %dma_wait3A_198 = arith.constant 0 : i32
    %dma_wait3A_199 = arith.constant 0 : i32
    %dma_wait3A_200 = tpu.memref_slice %arg2[%dma_wait3A_198, %dma_wait3A_199] : memref<100000x128xf32, #tpu.memory_space<hbm>> -> memref<100000x128xf32, #tpu.memory_space<hbm>>
    tpu.wait_indirect_dma semaphore(%arg10 : memref<!tpu.dma_semaphore, #tpu.memory_space<semaphore_mem>>) src(%dma_wait3A_200 : memref<100000x128xf32, #tpu.memory_space<hbm>>) dst(%arg8 : memref<400x128xf32, #tpu.memory_space<vmem>>)
    %dma_wait3A_201 = arith.constant 0 : i32
    %dma_wait3A_202 = tpu.memref_slice %arg4[%add3A_193, %dma_wait3A_201] : memref<204800x128xf32, #tpu.memory_space<hbm>> -> memref<400x128xf32, #tpu.memory_space<hbm>>
    %dma_wait3A_203 = arith.constant 0 : i32
    %dma_wait3A_204 = tpu.memref_slice %arg4[%add3A_193, %dma_wait3A_203] : memref<204800x128xf32, #tpu.memory_space<hbm>> -> memref<400x128xf32, #tpu.memory_space<hbm>>
    tpu.wait_dma2 semaphore(%arg11 : memref<!tpu.dma_semaphore, #tpu.memory_space<semaphore_mem>>) src(%arg7 : memref<400x128xf32, #tpu.memory_space<vmem>>) dst(%dma_wait3A_204 : memref<400x128xf32, #tpu.memory_space<hbm>>)
    %add3A_205 = arith.constant 4800 : i32
    %add3A_206 = arith.addi %mul3A_2, %add3A_205 : i32
    "tpu.region"() ({
      %run_scoped3A = tpu.sem_alloc : memref<!tpu.dma_semaphore, #tpu.memory_space<semaphore_mem>>
      %dma_start3A_287 = tpu.memref_slice %arg3[%add3A_206] : memref<204800xi32, #tpu.memory_space<hbm>> -> memref<400xi32, #tpu.memory_space<hbm>>
      %dma_start3A_288 = tpu.memref_slice %arg3[%add3A_206] : memref<204800xi32, #tpu.memory_space<hbm>> -> memref<400xi32, #tpu.memory_space<hbm>>
      tpu.enqueue_dma source(%dma_start3A_288 : memref<400xi32, #tpu.memory_space<hbm>>) target(%arg5 : memref<400xi32, #tpu.memory_space<vmem>>) target_semaphore(%run_scoped3A : memref<!tpu.dma_semaphore, #tpu.memory_space<semaphore_mem>>)
      %dma_wait3A_289 = tpu.memref_slice %arg3[%add3A_206] : memref<204800xi32, #tpu.memory_space<hbm>> -> memref<400xi32, #tpu.memory_space<hbm>>
      %dma_wait3A_290 = tpu.memref_slice %arg3[%add3A_206] : memref<204800xi32, #tpu.memory_space<hbm>> -> memref<400xi32, #tpu.memory_space<hbm>>
      tpu.wait_dma2 semaphore(%run_scoped3A : memref<!tpu.dma_semaphore, #tpu.memory_space<semaphore_mem>>) src(%dma_wait3A_290 : memref<400xi32, #tpu.memory_space<hbm>>) dst(%arg5 : memref<400xi32, #tpu.memory_space<vmem>>)
      tpu.yield
    }) : () -> ()
    %dma_start3A_207 = arith.constant 0 : i32
    %dma_start3A_208 = arith.constant 0 : i32
    %dma_start3A_209 = tpu.memref_slice %arg2[%dma_start3A_207, %dma_start3A_208] : memref<100000x128xf32, #tpu.memory_space<hbm>> -> memref<100000x128xf32, #tpu.memory_space<hbm>>
    tpu.enqueue_indirect_dma source(%dma_start3A_209 : memref<100000x128xf32, #tpu.memory_space<hbm>>) target(%arg7 : memref<400x128xf32, #tpu.memory_space<vmem>>) offsets(%arg5 : memref<400xi32, #tpu.memory_space<vmem>>) semaphore(%arg9 : memref<!tpu.dma_semaphore, #tpu.memory_space<semaphore_mem>>)
    %add3A_210 = arith.constant 4400 : i32
    %add3A_211 = arith.addi %mul3A_2, %add3A_210 : i32
    %dma_start3A_212 = arith.constant 0 : i32
    %dma_start3A_213 = tpu.memref_slice %arg4[%add3A_211, %dma_start3A_212] : memref<204800x128xf32, #tpu.memory_space<hbm>> -> memref<400x128xf32, #tpu.memory_space<hbm>>
    %dma_start3A_214 = arith.constant 0 : i32
    %dma_start3A_215 = tpu.memref_slice %arg4[%add3A_211, %dma_start3A_214] : memref<204800x128xf32, #tpu.memory_space<hbm>> -> memref<400x128xf32, #tpu.memory_space<hbm>>
    tpu.enqueue_dma source(%arg8 : memref<400x128xf32, #tpu.memory_space<vmem>>) target(%dma_start3A_215 : memref<400x128xf32, #tpu.memory_space<hbm>>) target_semaphore(%arg12 : memref<!tpu.dma_semaphore, #tpu.memory_space<semaphore_mem>>)
    %dma_wait3A_216 = arith.constant 0 : i32
    %dma_wait3A_217 = arith.constant 0 : i32
    %dma_wait3A_218 = tpu.memref_slice %arg2[%dma_wait3A_216, %dma_wait3A_217] : memref<100000x128xf32, #tpu.memory_space<hbm>> -> memref<100000x128xf32, #tpu.memory_space<hbm>>
    tpu.wait_indirect_dma semaphore(%arg9 : memref<!tpu.dma_semaphore, #tpu.memory_space<semaphore_mem>>) src(%dma_wait3A_218 : memref<100000x128xf32, #tpu.memory_space<hbm>>) dst(%arg7 : memref<400x128xf32, #tpu.memory_space<vmem>>)
    %dma_wait3A_219 = arith.constant 0 : i32
    %dma_wait3A_220 = tpu.memref_slice %arg4[%add3A_211, %dma_wait3A_219] : memref<204800x128xf32, #tpu.memory_space<hbm>> -> memref<400x128xf32, #tpu.memory_space<hbm>>
    %dma_wait3A_221 = arith.constant 0 : i32
    %dma_wait3A_222 = tpu.memref_slice %arg4[%add3A_211, %dma_wait3A_221] : memref<204800x128xf32, #tpu.memory_space<hbm>> -> memref<400x128xf32, #tpu.memory_space<hbm>>
    tpu.wait_dma2 semaphore(%arg12 : memref<!tpu.dma_semaphore, #tpu.memory_space<semaphore_mem>>) src(%arg8 : memref<400x128xf32, #tpu.memory_space<vmem>>) dst(%dma_wait3A_222 : memref<400x128xf32, #tpu.memory_space<hbm>>)
    %add3A_223 = arith.constant 5200 : i32
    %add3A_224 = arith.addi %mul3A_2, %add3A_223 : i32
    "tpu.region"() ({
      %run_scoped3A = tpu.sem_alloc : memref<!tpu.dma_semaphore, #tpu.memory_space<semaphore_mem>>
      %dma_start3A_287 = tpu.memref_slice %arg3[%add3A_224] : memref<204800xi32, #tpu.memory_space<hbm>> -> memref<400xi32, #tpu.memory_space<hbm>>
      %dma_start3A_288 = tpu.memref_slice %arg3[%add3A_224] : memref<204800xi32, #tpu.memory_space<hbm>> -> memref<400xi32, #tpu.memory_space<hbm>>
      tpu.enqueue_dma source(%dma_start3A_288 : memref<400xi32, #tpu.memory_space<hbm>>) target(%arg6 : memref<400xi32, #tpu.memory_space<vmem>>) target_semaphore(%run_scoped3A : memref<!tpu.dma_semaphore, #tpu.memory_space<semaphore_mem>>)
      %dma_wait3A_289 = tpu.memref_slice %arg3[%add3A_224] : memref<204800xi32, #tpu.memory_space<hbm>> -> memref<400xi32, #tpu.memory_space<hbm>>
      %dma_wait3A_290 = tpu.memref_slice %arg3[%add3A_224] : memref<204800xi32, #tpu.memory_space<hbm>> -> memref<400xi32, #tpu.memory_space<hbm>>
      tpu.wait_dma2 semaphore(%run_scoped3A : memref<!tpu.dma_semaphore, #tpu.memory_space<semaphore_mem>>) src(%dma_wait3A_290 : memref<400xi32, #tpu.memory_space<hbm>>) dst(%arg6 : memref<400xi32, #tpu.memory_space<vmem>>)
      tpu.yield
    }) : () -> ()
    %dma_start3A_225 = arith.constant 0 : i32
    %dma_start3A_226 = arith.constant 0 : i32
    %dma_start3A_227 = tpu.memref_slice %arg2[%dma_start3A_225, %dma_start3A_226] : memref<100000x128xf32, #tpu.memory_space<hbm>> -> memref<100000x128xf32, #tpu.memory_space<hbm>>
    tpu.enqueue_indirect_dma source(%dma_start3A_227 : memref<100000x128xf32, #tpu.memory_space<hbm>>) target(%arg8 : memref<400x128xf32, #tpu.memory_space<vmem>>) offsets(%arg6 : memref<400xi32, #tpu.memory_space<vmem>>) semaphore(%arg10 : memref<!tpu.dma_semaphore, #tpu.memory_space<semaphore_mem>>)
    %add3A_228 = arith.constant 4800 : i32
    %add3A_229 = arith.addi %mul3A_2, %add3A_228 : i32
    %dma_start3A_230 = arith.constant 0 : i32
    %dma_start3A_231 = tpu.memref_slice %arg4[%add3A_229, %dma_start3A_230] : memref<204800x128xf32, #tpu.memory_space<hbm>> -> memref<400x128xf32, #tpu.memory_space<hbm>>
    %dma_start3A_232 = arith.constant 0 : i32
    %dma_start3A_233 = tpu.memref_slice %arg4[%add3A_229, %dma_start3A_232] : memref<204800x128xf32, #tpu.memory_space<hbm>> -> memref<400x128xf32, #tpu.memory_space<hbm>>
    tpu.enqueue_dma source(%arg7 : memref<400x128xf32, #tpu.memory_space<vmem>>) target(%dma_start3A_233 : memref<400x128xf32, #tpu.memory_space<hbm>>) target_semaphore(%arg11 : memref<!tpu.dma_semaphore, #tpu.memory_space<semaphore_mem>>)
    %dma_wait3A_234 = arith.constant 0 : i32
    %dma_wait3A_235 = arith.constant 0 : i32
    %dma_wait3A_236 = tpu.memref_slice %arg2[%dma_wait3A_234, %dma_wait3A_235] : memref<100000x128xf32, #tpu.memory_space<hbm>> -> memref<100000x128xf32, #tpu.memory_space<hbm>>
    tpu.wait_indirect_dma semaphore(%arg10 : memref<!tpu.dma_semaphore, #tpu.memory_space<semaphore_mem>>) src(%dma_wait3A_236 : memref<100000x128xf32, #tpu.memory_space<hbm>>) dst(%arg8 : memref<400x128xf32, #tpu.memory_space<vmem>>)
    %dma_wait3A_237 = arith.constant 0 : i32
    %dma_wait3A_238 = tpu.memref_slice %arg4[%add3A_229, %dma_wait3A_237] : memref<204800x128xf32, #tpu.memory_space<hbm>> -> memref<400x128xf32, #tpu.memory_space<hbm>>
    %dma_wait3A_239 = arith.constant 0 : i32
    %dma_wait3A_240 = tpu.memref_slice %arg4[%add3A_229, %dma_wait3A_239] : memref<204800x128xf32, #tpu.memory_space<hbm>> -> memref<400x128xf32, #tpu.memory_space<hbm>>
    tpu.wait_dma2 semaphore(%arg11 : memref<!tpu.dma_semaphore, #tpu.memory_space<semaphore_mem>>) src(%arg7 : memref<400x128xf32, #tpu.memory_space<vmem>>) dst(%dma_wait3A_240 : memref<400x128xf32, #tpu.memory_space<hbm>>)
    %add3A_241 = arith.constant 5600 : i32
    %add3A_242 = arith.addi %mul3A_2, %add3A_241 : i32
    "tpu.region"() ({
      %run_scoped3A = tpu.sem_alloc : memref<!tpu.dma_semaphore, #tpu.memory_space<semaphore_mem>>
      %dma_start3A_287 = tpu.memref_slice %arg3[%add3A_242] : memref<204800xi32, #tpu.memory_space<hbm>> -> memref<400xi32, #tpu.memory_space<hbm>>
      %dma_start3A_288 = tpu.memref_slice %arg3[%add3A_242] : memref<204800xi32, #tpu.memory_space<hbm>> -> memref<400xi32, #tpu.memory_space<hbm>>
      tpu.enqueue_dma source(%dma_start3A_288 : memref<400xi32, #tpu.memory_space<hbm>>) target(%arg5 : memref<400xi32, #tpu.memory_space<vmem>>) target_semaphore(%run_scoped3A : memref<!tpu.dma_semaphore, #tpu.memory_space<semaphore_mem>>)
      %dma_wait3A_289 = tpu.memref_slice %arg3[%add3A_242] : memref<204800xi32, #tpu.memory_space<hbm>> -> memref<400xi32, #tpu.memory_space<hbm>>
      %dma_wait3A_290 = tpu.memref_slice %arg3[%add3A_242] : memref<204800xi32, #tpu.memory_space<hbm>> -> memref<400xi32, #tpu.memory_space<hbm>>
      tpu.wait_dma2 semaphore(%run_scoped3A : memref<!tpu.dma_semaphore, #tpu.memory_space<semaphore_mem>>) src(%dma_wait3A_290 : memref<400xi32, #tpu.memory_space<hbm>>) dst(%arg5 : memref<400xi32, #tpu.memory_space<vmem>>)
      tpu.yield
    }) : () -> ()
    %dma_start3A_243 = arith.constant 0 : i32
    %dma_start3A_244 = arith.constant 0 : i32
    %dma_start3A_245 = tpu.memref_slice %arg2[%dma_start3A_243, %dma_start3A_244] : memref<100000x128xf32, #tpu.memory_space<hbm>> -> memref<100000x128xf32, #tpu.memory_space<hbm>>
    tpu.enqueue_indirect_dma source(%dma_start3A_245 : memref<100000x128xf32, #tpu.memory_space<hbm>>) target(%arg7 : memref<400x128xf32, #tpu.memory_space<vmem>>) offsets(%arg5 : memref<400xi32, #tpu.memory_space<vmem>>) semaphore(%arg9 : memref<!tpu.dma_semaphore, #tpu.memory_space<semaphore_mem>>)
    %add3A_246 = arith.constant 5200 : i32
    %add3A_247 = arith.addi %mul3A_2, %add3A_246 : i32
    %dma_start3A_248 = arith.constant 0 : i32
    %dma_start3A_249 = tpu.memref_slice %arg4[%add3A_247, %dma_start3A_248] : memref<204800x128xf32, #tpu.memory_space<hbm>> -> memref<400x128xf32, #tpu.memory_space<hbm>>
    %dma_start3A_250 = arith.constant 0 : i32
    %dma_start3A_251 = tpu.memref_slice %arg4[%add3A_247, %dma_start3A_250] : memref<204800x128xf32, #tpu.memory_space<hbm>> -> memref<400x128xf32, #tpu.memory_space<hbm>>
    tpu.enqueue_dma source(%arg8 : memref<400x128xf32, #tpu.memory_space<vmem>>) target(%dma_start3A_251 : memref<400x128xf32, #tpu.memory_space<hbm>>) target_semaphore(%arg12 : memref<!tpu.dma_semaphore, #tpu.memory_space<semaphore_mem>>)
    %dma_wait3A_252 = arith.constant 0 : i32
    %dma_wait3A_253 = arith.constant 0 : i32
    %dma_wait3A_254 = tpu.memref_slice %arg2[%dma_wait3A_252, %dma_wait3A_253] : memref<100000x128xf32, #tpu.memory_space<hbm>> -> memref<100000x128xf32, #tpu.memory_space<hbm>>
    tpu.wait_indirect_dma semaphore(%arg9 : memref<!tpu.dma_semaphore, #tpu.memory_space<semaphore_mem>>) src(%dma_wait3A_254 : memref<100000x128xf32, #tpu.memory_space<hbm>>) dst(%arg7 : memref<400x128xf32, #tpu.memory_space<vmem>>)
    %dma_wait3A_255 = arith.constant 0 : i32
    %dma_wait3A_256 = tpu.memref_slice %arg4[%add3A_247, %dma_wait3A_255] : memref<204800x128xf32, #tpu.memory_space<hbm>> -> memref<400x128xf32, #tpu.memory_space<hbm>>
    %dma_wait3A_257 = arith.constant 0 : i32
    %dma_wait3A_258 = tpu.memref_slice %arg4[%add3A_247, %dma_wait3A_257] : memref<204800x128xf32, #tpu.memory_space<hbm>> -> memref<400x128xf32, #tpu.memory_space<hbm>>
    tpu.wait_dma2 semaphore(%arg12 : memref<!tpu.dma_semaphore, #tpu.memory_space<semaphore_mem>>) src(%arg8 : memref<400x128xf32, #tpu.memory_space<vmem>>) dst(%dma_wait3A_258 : memref<400x128xf32, #tpu.memory_space<hbm>>)
    %add3A_259 = arith.constant 6000 : i32
    %add3A_260 = arith.addi %mul3A_2, %add3A_259 : i32
    "tpu.region"() ({
      %run_scoped3A = tpu.sem_alloc : memref<!tpu.dma_semaphore, #tpu.memory_space<semaphore_mem>>
      %dma_start3A_287 = tpu.memref_slice %arg3[%add3A_260] : memref<204800xi32, #tpu.memory_space<hbm>> -> memref<400xi32, #tpu.memory_space<hbm>>
      %dma_start3A_288 = tpu.memref_slice %arg3[%add3A_260] : memref<204800xi32, #tpu.memory_space<hbm>> -> memref<400xi32, #tpu.memory_space<hbm>>
      tpu.enqueue_dma source(%dma_start3A_288 : memref<400xi32, #tpu.memory_space<hbm>>) target(%arg6 : memref<400xi32, #tpu.memory_space<vmem>>) target_semaphore(%run_scoped3A : memref<!tpu.dma_semaphore, #tpu.memory_space<semaphore_mem>>)
      %dma_wait3A_289 = tpu.memref_slice %arg3[%add3A_260] : memref<204800xi32, #tpu.memory_space<hbm>> -> memref<400xi32, #tpu.memory_space<hbm>>
      %dma_wait3A_290 = tpu.memref_slice %arg3[%add3A_260] : memref<204800xi32, #tpu.memory_space<hbm>> -> memref<400xi32, #tpu.memory_space<hbm>>
      tpu.wait_dma2 semaphore(%run_scoped3A : memref<!tpu.dma_semaphore, #tpu.memory_space<semaphore_mem>>) src(%dma_wait3A_290 : memref<400xi32, #tpu.memory_space<hbm>>) dst(%arg6 : memref<400xi32, #tpu.memory_space<vmem>>)
      tpu.yield
    }) : () -> ()
    %dma_start3A_261 = arith.constant 0 : i32
    %dma_start3A_262 = arith.constant 0 : i32
    %dma_start3A_263 = tpu.memref_slice %arg2[%dma_start3A_261, %dma_start3A_262] : memref<100000x128xf32, #tpu.memory_space<hbm>> -> memref<100000x128xf32, #tpu.memory_space<hbm>>
    tpu.enqueue_indirect_dma source(%dma_start3A_263 : memref<100000x128xf32, #tpu.memory_space<hbm>>) target(%arg8 : memref<400x128xf32, #tpu.memory_space<vmem>>) offsets(%arg6 : memref<400xi32, #tpu.memory_space<vmem>>) semaphore(%arg10 : memref<!tpu.dma_semaphore, #tpu.memory_space<semaphore_mem>>)
    %add3A_264 = arith.constant 5600 : i32
    %add3A_265 = arith.addi %mul3A_2, %add3A_264 : i32
    %dma_start3A_266 = arith.constant 0 : i32
    %dma_start3A_267 = tpu.memref_slice %arg4[%add3A_265, %dma_start3A_266] : memref<204800x128xf32, #tpu.memory_space<hbm>> -> memref<400x128xf32, #tpu.memory_space<hbm>>
    %dma_start3A_268 = arith.constant 0 : i32
    %dma_start3A_269 = tpu.memref_slice %arg4[%add3A_265, %dma_start3A_268] : memref<204800x128xf32, #tpu.memory_space<hbm>> -> memref<400x128xf32, #tpu.memory_space<hbm>>
    tpu.enqueue_dma source(%arg7 : memref<400x128xf32, #tpu.memory_space<vmem>>) target(%dma_start3A_269 : memref<400x128xf32, #tpu.memory_space<hbm>>) target_semaphore(%arg11 : memref<!tpu.dma_semaphore, #tpu.memory_space<semaphore_mem>>)
    %dma_wait3A_270 = arith.constant 0 : i32
    %dma_wait3A_271 = arith.constant 0 : i32
    %dma_wait3A_272 = tpu.memref_slice %arg2[%dma_wait3A_270, %dma_wait3A_271] : memref<100000x128xf32, #tpu.memory_space<hbm>> -> memref<100000x128xf32, #tpu.memory_space<hbm>>
    tpu.wait_indirect_dma semaphore(%arg10 : memref<!tpu.dma_semaphore, #tpu.memory_space<semaphore_mem>>) src(%dma_wait3A_272 : memref<100000x128xf32, #tpu.memory_space<hbm>>) dst(%arg8 : memref<400x128xf32, #tpu.memory_space<vmem>>)
    %add3A_273 = arith.constant 6000 : i32
    %add3A_274 = arith.addi %mul3A_2, %add3A_273 : i32
    %dma_start3A_275 = arith.constant 0 : i32
    %dma_start3A_276 = tpu.memref_slice %arg4[%add3A_274, %dma_start3A_275] : memref<204800x128xf32, #tpu.memory_space<hbm>> -> memref<400x128xf32, #tpu.memory_space<hbm>>
    %dma_start3A_277 = arith.constant 0 : i32
    %dma_start3A_278 = tpu.memref_slice %arg4[%add3A_274, %dma_start3A_277] : memref<204800x128xf32, #tpu.memory_space<hbm>> -> memref<400x128xf32, #tpu.memory_space<hbm>>
    tpu.enqueue_dma source(%arg8 : memref<400x128xf32, #tpu.memory_space<vmem>>) target(%dma_start3A_278 : memref<400x128xf32, #tpu.memory_space<hbm>>) target_semaphore(%arg12 : memref<!tpu.dma_semaphore, #tpu.memory_space<semaphore_mem>>)
    %dma_wait3A_279 = arith.constant 0 : i32
    %dma_wait3A_280 = tpu.memref_slice %arg4[%add3A_274, %dma_wait3A_279] : memref<204800x128xf32, #tpu.memory_space<hbm>> -> memref<400x128xf32, #tpu.memory_space<hbm>>
    %dma_wait3A_281 = arith.constant 0 : i32
    %dma_wait3A_282 = tpu.memref_slice %arg4[%add3A_274, %dma_wait3A_281] : memref<204800x128xf32, #tpu.memory_space<hbm>> -> memref<400x128xf32, #tpu.memory_space<hbm>>
    tpu.wait_dma2 semaphore(%arg12 : memref<!tpu.dma_semaphore, #tpu.memory_space<semaphore_mem>>) src(%arg8 : memref<400x128xf32, #tpu.memory_space<vmem>>) dst(%dma_wait3A_282 : memref<400x128xf32, #tpu.memory_space<hbm>>)
    %dma_wait3A_283 = arith.constant 0 : i32
    %dma_wait3A_284 = tpu.memref_slice %arg4[%add3A_265, %dma_wait3A_283] : memref<204800x128xf32, #tpu.memory_space<hbm>> -> memref<400x128xf32, #tpu.memory_space<hbm>>
    %dma_wait3A_285 = arith.constant 0 : i32
    %dma_wait3A_286 = tpu.memref_slice %arg4[%add3A_265, %dma_wait3A_285] : memref<204800x128xf32, #tpu.memory_space<hbm>> -> memref<400x128xf32, #tpu.memory_space<hbm>>
    tpu.wait_dma2 semaphore(%arg11 : memref<!tpu.dma_semaphore, #tpu.memory_space<semaphore_mem>>) src(%arg7 : memref<400x128xf32, #tpu.memory_space<vmem>>) dst(%dma_wait3A_286 : memref<400x128xf32, #tpu.memory_space<hbm>>)
    return
  }
}

module attributes {stable_mosaic.version = 14 : i64} {
  func.func @_qk_body(%arg0: i32, %arg1: memref<2048x128xf32, #tpu.memory_space<vmem>>, %arg2: memref<10x2048xf32, #tpu.memory_space<vmem>>, %arg3: memref<16x128xf32, #tpu.memory_space<vmem>>, %arg4: memref<1x16xf32, #tpu.memory_space<vmem>>, %arg5: memref<2048x128xf32, #tpu.memory_space<vmem>>) attributes {dimension_semantics = [#tpu.dimension_semantics<arbitrary>], iteration_bounds = array<i64: 49>, scalar_prefetch = 0 : i64, scratch_operands = 0 : i64, tpu.core_type = #tpu.core_type<tc>, window_params = [{transform_indices = @transform_0, window_bounds = array<i64: 2048, 128>}, {transform_indices = @transform_1, window_bounds = array<i64: 10, 2048>}, {pipeline_mode = #tpu.pipeline_mode<synchronous>, transform_indices = @transform_2, window_bounds = array<i64: 16, 128>}, {pipeline_mode = #tpu.pipeline_mode<synchronous>, transform_indices = @transform_3, window_bounds = array<i64: 1, 16>}, {transform_indices = @transform_4, window_bounds = array<i64: 2048, 128>}]} {
    %get3A = arith.constant 0 : index
    %get3A_0 = arith.constant 0 : index
    %get3A_1 = vector.load %arg1[%get3A, %get3A_0] : memref<2048x128xf32, #tpu.memory_space<vmem>>, vector<2048x128xf32>
    %get3A_2 = arith.constant 0 : index
    %get3A_3 = arith.constant 0 : index
    %get3A_4 = vector.load %arg3[%get3A_2, %get3A_3] : memref<16x128xf32, #tpu.memory_space<vmem>>, vector<16x128xf32>
    %dot_general3A = arith.constant dense<0.000000e+00> : vector<2048x16xf32>
    %dot_general3A_5 = tpu.matmul %get3A_1, %get3A_4, %dot_general3A {dimension_numbers = #tpu.dot_dimension_numbers<[1], [1], [0], [0], [0, 0, 1, 0], [], []>, transpose_lhs_hint = false} : vector<2048x128xf32>, vector<16x128xf32>, vector<2048x16xf32> -> vector<2048x16xf32>
    %get3A_6 = arith.constant 0 : index
    %get3A_7 = arith.constant 0 : index
    %get3A_8 = vector.load %arg4[%get3A_6, %get3A_7] : memref<1x16xf32, #tpu.memory_space<vmem>>, vector<1x16xf32>
    %add3A = vector.broadcast %get3A_8 : vector<1x16xf32> to vector<2048x16xf32>
    %add3A_9 = arith.addf %dot_general3A_5, %add3A : vector<2048x16xf32>
    %mul3A = arith.constant 0.0883883461 : f32
    %mul3A_10 = vector.broadcast %mul3A : f32 to vector<2048x16xf32>
    %mul3A_11 = arith.mulf %add3A_9, %mul3A_10 : vector<2048x16xf32>
    %iota3A = tpu.iota {dimensions = array<i32: 0>} : vector<10x128xi32>
    %iota3A_12 = tpu.iota {dimensions = array<i32: 1>} : vector<10x128xi32>
    %add3A_13 = arith.constant 16 : i32
    %add3A_14 = vector.broadcast %add3A_13 : i32 to vector<10x128xi32>
    %add3A_15 = arith.addi %iota3A, %add3A_14 : vector<10x128xi32>
    %eq3A = arith.cmpi eq, %add3A_15, %iota3A_12 : vector<10x128xi32>
    %convert_element_type3A = arith.extui %eq3A : vector<10x128xi1> to vector<10x128xi32>
    %convert_element_type3A_16 = arith.sitofp %convert_element_type3A : vector<10x128xi32> to vector<10x128xf32>
    %get3A_17 = arith.constant 0 : index
    %get3A_18 = arith.constant 0 : index
    %get3A_19 = vector.load %arg2[%get3A_17, %get3A_18] : memref<10x2048xf32, #tpu.memory_space<vmem>>, vector<10x2048xf32>
    %dot_general3A_20 = arith.constant dense<0.000000e+00> : vector<2048x128xf32>
    %dot_general3A_21 = tpu.matmul %get3A_19, %convert_element_type3A_16, %dot_general3A_20 {dimension_numbers = #tpu.dot_dimension_numbers<[0], [0], [1], [1], [0, 1, 1, 1], [], []>, transpose_lhs_hint = false} : vector<10x2048xf32>, vector<10x128xf32>, vector<2048x128xf32> -> vector<2048x128xf32>
    %broadcast_in_dim3A = arith.constant 0.000000e+00 : f32
    %broadcast_in_dim3A_22 = vector.broadcast %broadcast_in_dim3A : f32 to vector<2048x112xf32>
    %concatenate3A = tpu.concatenate %mul3A_11, %broadcast_in_dim3A_22 in 1 : vector<2048x16xf32>, vector<2048x112xf32> -> vector<2048x128xf32>
    %add3A_23 = arith.addf %dot_general3A_21, %concatenate3A : vector<2048x128xf32>
    %swap3A = arith.constant 0 : index
    %swap3A_24 = arith.constant 0 : index
    %swap3A_25 = vector.load %arg5[%swap3A, %swap3A_24] : memref<2048x128xf32, #tpu.memory_space<vmem>>, vector<2048x128xf32>
    tpu.vector_store %arg5[%swap3A, %swap3A_24], %add3A_23 {strides = array<i32>} : memref<2048x128xf32, #tpu.memory_space<vmem>>, vector<2048x128xf32>,
    return
  }
  func.func @transform_0(%arg0: i32) -> (i32, i32) {
    %c0_i32 = arith.constant 0 : i32
    %c0_i32_0 = arith.constant 0 : i32
    return %arg0, %c0_i32 : i32, i32
  }
  func.func @transform_1(%arg0: i32) -> (i32, i32) {
    %c0_i32 = arith.constant 0 : i32
    %c0_i32_0 = arith.constant 0 : i32
    return %c0_i32, %arg0 : i32, i32
  }
  func.func @transform_2(%arg0: i32) -> (i32, i32) {
    %c0_i32 = arith.constant 0 : i32
    %c0_i32_0 = arith.constant 0 : i32
    %c0_i32_1 = arith.constant 0 : i32
    return %c0_i32, %c0_i32_0 : i32, i32
  }
  func.func @transform_3(%arg0: i32) -> (i32, i32) {
    %c0_i32 = arith.constant 0 : i32
    %c0_i32_0 = arith.constant 0 : i32
    %c0_i32_1 = arith.constant 0 : i32
    return %c0_i32, %c0_i32_0 : i32, i32
  }
  func.func @transform_4(%arg0: i32) -> (i32, i32) {
    %c0_i32 = arith.constant 0 : i32
    %c0_i32_0 = arith.constant 0 : i32
    return %arg0, %c0_i32 : i32, i32
  }
}

module attributes {stable_mosaic.version = 14 : i64} {
  func.func @_attn_body(%arg0: i32, %arg1: memref<1024x640xf32, #tpu.memory_space<vmem>>, %arg2: memref<1024x640xf32, #tpu.memory_space<vmem>>, %arg3: memref<2x16xf32, #tpu.memory_space<vmem>>, %arg4: memref<1x2xf32, #tpu.memory_space<vmem>>, %arg5: memref<1024x2xf32, #tpu.memory_space<vmem>>, %arg6: memref<1024x16xf32, #tpu.memory_space<vmem>>) attributes {dimension_semantics = [#tpu.dimension_semantics<arbitrary>], iteration_bounds = array<i64: 5>, scalar_prefetch = 0 : i64, scratch_operands = 1 : i64, tpu.core_type = #tpu.core_type<tc>, window_params = [{transform_indices = @transform_0, window_bounds = array<i64: 1024, 640>}, {transform_indices = @transform_1, window_bounds = array<i64: 1024, 640>}, {pipeline_mode = #tpu.pipeline_mode<synchronous>, transform_indices = @transform_2, window_bounds = array<i64: 2, 16>}, {pipeline_mode = #tpu.pipeline_mode<synchronous>, transform_indices = @transform_3, window_bounds = array<i64: 1, 2>}, {pipeline_mode = #tpu.pipeline_mode<synchronous>, transform_indices = @transform_4, window_bounds = array<i64: 1024, 2>}]} {
    %get3A = arith.constant 0 : index
    %get3A_0 = arith.constant 0 : index
    %get3A_1 = vector.load %arg1[%get3A, %get3A_0] : memref<1024x640xf32, #tpu.memory_space<vmem>>, vector<1024x640xf32>
    %reduce_max3A = arith.constant dense<0xFF800000> : vector<640xf32>
    %reduce_max3A_2 = vector.multi_reduction <maximumf>, %get3A_1, %reduce_max3A [0] : vector<1024x640xf32> to vector<640xf32>
    %broadcast_in_dim3A = vector.shape_cast %reduce_max3A_2 : vector<640xf32> to vector<1x640xf32>
    %sub3A = vector.broadcast %broadcast_in_dim3A : vector<1x640xf32> to vector<1024x640xf32>
    %sub3A_3 = arith.subf %get3A_1, %sub3A : vector<1024x640xf32>
    %exp3A = math.exp %sub3A_3 : vector<1024x640xf32>
    %reduce_sum3A = arith.constant dense<0.000000e+00> : vector<640xf32>
    %reduce_sum3A_4 = vector.multi_reduction <add>, %exp3A, %reduce_sum3A [0] : vector<1024x640xf32> to vector<640xf32>
    %broadcast_in_dim3A_5 = vector.shape_cast %reduce_sum3A_4 : vector<640xf32> to vector<1x640xf32>
    %div3A = vector.broadcast %broadcast_in_dim3A_5 : vector<1x640xf32> to vector<1024x640xf32>
    %div3A_6 = arith.divf %exp3A, %div3A : vector<1024x640xf32>
    %get3A_7 = arith.constant 0 : index
    %get3A_8 = arith.constant 0 : index
    %get3A_9 = vector.load %arg2[%get3A_7, %get3A_8] : memref<1024x640xf32, #tpu.memory_space<vmem>>, vector<1024x640xf32>
    %mul3A = arith.mulf %div3A_6, %get3A_9 : vector<1024x640xf32>
    %iota3A = tpu.iota {dimensions = array<i32: 0>} : vector<640x16xi32>
    %jit3A = arith.constant 16 : i32
    %eq3A = arith.constant 0 : i32
    %eq3A_10 = arith.cmpi eq, %jit3A, %eq3A : i32
    %jit3A_11 = arith.constant 1 : i32
    %select_n3A = arith.select %eq3A_10, %jit3A_11, %jit3A : i32
    %rem3A = vector.broadcast %select_n3A : i32 to vector<640x16xi32>
    %rem3A_12 = arith.remsi %iota3A, %rem3A : vector<640x16xi32>
    %ne3A = arith.constant 0 : i32
    %ne3A_13 = vector.broadcast %ne3A : i32 to vector<640x16xi32>
    %ne3A_14 = arith.cmpi ne, %rem3A_12, %ne3A_13 : vector<640x16xi32>
    %lt3A = arith.constant 0 : i32
    %lt3A_15 = vector.broadcast %lt3A : i32 to vector<640x16xi32>
    %lt3A_16 = arith.cmpi slt, %rem3A_12, %lt3A_15 : vector<640x16xi32>
    %lt3A_17 = arith.constant 0 : i32
    %lt3A_18 = arith.cmpi slt, %select_n3A, %lt3A_17 : i32
    %ne3A_19 = vector.broadcast %lt3A_18 : i1 to vector<640x16xi1>
    %ne3A_20 = vector.broadcast %ne3A_19 : vector<640x16xi1> to vector<640x16xi1>
    %ne3A_21 = arith.xori %lt3A_16, %ne3A_20 : vector<640x16xi1>
    %and3A = arith.andi %ne3A_21, %ne3A_14 : vector<640x16xi1>
    %add3A = vector.broadcast %select_n3A : i32 to vector<640x16xi32>
    %add3A_22 = arith.addi %rem3A_12, %add3A : vector<640x16xi32>
    %select_n3A_23 = arith.select %and3A, %add3A_22, %rem3A_12 : vector<640x16xi1>, vector<640x16xi32>
    %iota3A_24 = tpu.iota {dimensions = array<i32: 1>} : vector<640x16xi32>
    %eq3A_25 = arith.cmpi eq, %select_n3A_23, %iota3A_24 : vector<640x16xi32>
    %convert_element_type3A = arith.extui %eq3A_25 : vector<640x16xi1> to vector<640x16xi32>
    %convert_element_type3A_26 = arith.sitofp %convert_element_type3A : vector<640x16xi32> to vector<640x16xf32>
    %dot_general3A = arith.constant dense<0.000000e+00> : vector<1024x16xf32>
    %dot_general3A_27 = tpu.matmul %mul3A, %convert_element_type3A_26, %dot_general3A {dimension_numbers = #tpu.dot_dimension_numbers<[1], [0], [0], [1], [0, 0, 1, 1], [], []>, transpose_lhs_hint = false} : vector<1024x640xf32>, vector<640x16xf32>, vector<1024x16xf32> -> vector<1024x16xf32>
    %eq3A_28 = arith.constant 0 : i32
    %eq3A_29 = arith.cmpi eq, %arg0, %eq3A_28 : i32
    %convert_element_type3A_30 = arith.extui %eq3A_29 : i1 to i32
    %cond3A = arith.constant 0 : i32
    %cond3A_31 = arith.cmpi ne, %convert_element_type3A_30, %cond3A : i32
    scf.if %cond3A_31 {
      %broadcast_in_dim3A_43 = arith.constant 0.000000e+00 : f32
      %broadcast_in_dim3A_44 = vector.broadcast %broadcast_in_dim3A_43 : f32 to vector<1024x16xf32>
      %swap3A_45 = arith.constant 0 : index
      %swap3A_46 = arith.constant 0 : index
      %swap3A_47 = vector.load %arg6[%swap3A_45, %swap3A_46] : memref<1024x16xf32, #tpu.memory_space<vmem>>, vector<1024x16xf32>
      tpu.vector_store %arg6[%swap3A_45, %swap3A_46], %broadcast_in_dim3A_44 {strides = array<i32>} : memref<1024x16xf32, #tpu.memory_space<vmem>>, vector<1024x16xf32>,
    } else {
    }
    %get3A_32 = arith.constant 0 : index
    %get3A_33 = arith.constant 0 : index
    %get3A_34 = vector.load %arg6[%get3A_32, %get3A_33] : memref<1024x16xf32, #tpu.memory_space<vmem>>, vector<1024x16xf32>
    %add3A_35 = arith.addf %get3A_34, %dot_general3A_27 : vector<1024x16xf32>
    %swap3A = arith.constant 0 : index
    %swap3A_36 = arith.constant 0 : index
    %swap3A_37 = vector.load %arg6[%swap3A, %swap3A_36] : memref<1024x16xf32, #tpu.memory_space<vmem>>, vector<1024x16xf32>
    tpu.vector_store %arg6[%swap3A, %swap3A_36], %add3A_35 {strides = array<i32>} : memref<1024x16xf32, #tpu.memory_space<vmem>>, vector<1024x16xf32>,
    %eq3A_38 = arith.constant 4 : i32
    %eq3A_39 = arith.cmpi eq, %arg0, %eq3A_38 : i32
    %convert_element_type3A_40 = arith.extui %eq3A_39 : i1 to i32
    %cond3A_41 = arith.constant 0 : i32
    %cond3A_42 = arith.cmpi ne, %convert_element_type3A_40, %cond3A_41 : i32
    scf.if %cond3A_42 {
      %get3A_43 = arith.constant 0 : index
      %get3A_44 = arith.constant 0 : index
      %get3A_45 = vector.load %arg6[%get3A_43, %get3A_44] : memref<1024x16xf32, #tpu.memory_space<vmem>>, vector<1024x16xf32>
      %get3A_46 = arith.constant 0 : index
      %get3A_47 = arith.constant 0 : index
      %get3A_48 = vector.load %arg3[%get3A_46, %get3A_47] : memref<2x16xf32, #tpu.memory_space<vmem>>, vector<2x16xf32>
      %dot_general3A_49 = arith.constant dense<0.000000e+00> : vector<1024x2xf32>
      %dot_general3A_50 = tpu.matmul %get3A_45, %get3A_48, %dot_general3A_49 {dimension_numbers = #tpu.dot_dimension_numbers<[1], [1], [0], [0], [0, 0, 1, 0], [], []>, transpose_lhs_hint = false} : vector<1024x16xf32>, vector<2x16xf32>, vector<1024x2xf32> -> vector<1024x2xf32>
      %get3A_51 = arith.constant 0 : index
      %get3A_52 = arith.constant 0 : index
      %get3A_53 = vector.load %arg4[%get3A_51, %get3A_52] : memref<1x2xf32, #tpu.memory_space<vmem>>, vector<1x2xf32>
      %add3A_54 = vector.broadcast %get3A_53 : vector<1x2xf32> to vector<1024x2xf32>
      %add3A_55 = arith.addf %dot_general3A_50, %add3A_54 : vector<1024x2xf32>
      %swap3A_56 = arith.constant 0 : index
      %swap3A_57 = arith.constant 0 : index
      %swap3A_58 = vector.load %arg5[%swap3A_56, %swap3A_57] : memref<1024x2xf32, #tpu.memory_space<vmem>>, vector<1024x2xf32>
      tpu.vector_store %arg5[%swap3A_56, %swap3A_57], %add3A_55 {strides = array<i32>} : memref<1024x2xf32, #tpu.memory_space<vmem>>, vector<1024x2xf32>,
    } else {
    }
    return
  }
  func.func @transform_0(%arg0: i32) -> (i32, i32) {
    %c0_i32 = arith.constant 0 : i32
    %c0_i32_0 = arith.constant 0 : i32
    return %c0_i32, %arg0 : i32, i32
  }
  func.func @transform_1(%arg0: i32) -> (i32, i32) {
    %c0_i32 = arith.constant 0 : i32
    %c0_i32_0 = arith.constant 0 : i32
    return %c0_i32, %arg0 : i32, i32
  }
  func.func @transform_2(%arg0: i32) -> (i32, i32) {
    %c0_i32 = arith.constant 0 : i32
    %c0_i32_0 = arith.constant 0 : i32
    %c0_i32_1 = arith.constant 0 : i32
    return %c0_i32, %c0_i32_0 : i32, i32
  }
  func.func @transform_3(%arg0: i32) -> (i32, i32) {
    %c0_i32 = arith.constant 0 : i32
    %c0_i32_0 = arith.constant 0 : i32
    %c0_i32_1 = arith.constant 0 : i32
    return %c0_i32, %c0_i32_0 : i32, i32
  }
  func.func @transform_4(%arg0: i32) -> (i32, i32) {
    %c0_i32 = arith.constant 0 : i32
    %c0_i32_0 = arith.constant 0 : i32
    %c0_i32_1 = arith.constant 0 : i32
    return %c0_i32, %c0_i32_0 : i32, i32
  }
}

</mosaic_0001>

<sc_bundles>
// kernel: kernel.6.cloned.1.call-start
scs
__scs_entry_jumppad:
0x0: {  	(pc) =	sbr.rel $0x88, $3  }
0x1: {  	(tag) =	ssettag $0x0;
	lr =	simm.s32 $0x1  }
0x2: {  	[smem:$0x3F9A] =	sst lr;
	_ =	strace $0xD0000000  }
0x3: {  	_ = 	snop  }
0x4: {  	_ = 	snop  }
0x5: {  	_ = 	snop  }
0x6: {  	_ = 	snop  }
0x7: {  	_ = 	snop  }
__scs_overlays_trampoline_lowered:
0x8: {  	[smem:$0x3FA9] =	sst s0  }
0x9: {  	[smem:$0x3FAA] =	sst s1  }
0xa: {  	[smem:$0x3FAB] =	sst s2  }
0xb: {  	[smem:$0x3FAC] =	sst s3  }
0xc: {  	[smem:$0x3FAD] =	sst s4  }
0xd: {  	[smem:$0x3FAE] =	sst s5  }
0xe: {  	[smem:$0x3FAF] =	sst s6  }
0xf: {  	[smem:$0x3FB0] =	sst s7  }
0x10: {  	[smem:$0x3FB1] =	sst s8  }
0x11: {  	[smem:$0x3FB2] =	sst s9;
	s0 =	simm.s32 @!p0 $0x0  }
0x12: {  	s1 =	sld [smem:$0x3F98];
	s0 =	simm.s32 @p0 $0x1  }
0x13: {  	[smem:$0x3FB3] =	sst s0;
	s0 =	simm.s32 @!p1 $0x0  }
0x14: {  	s2 =	sld [smem:$0x3F97];
	s0 =	simm.s32 @p1 $0x1  }
0x15: {  	[smem:$0x3FB4] =	sst s0;
	s0 =	simm.s32 @!p2 $0x0  }
0x16: {  	s3 =	sld [smem:$0x3FDB];
	s0 =	simm.s32 @p2 $0x1  }
0x17: {  	s4 =	simm.s32 $0x1BF5;
	[smem:$0x3FB6] =	sst s0  }
0x18: {  	s0 =	sld [smem:$0x3F99];
	_ =	swait.ge [sflag:s4], $0x0  }
0x19: {  	s7 =	sld [smem:$0x3F9A]  }
0x1a: {  	s8 =	sadd.s32 $0xFFFFE003, lr  }
0x1b: {  	s9 =	sadd.s32 $0xFFFFFEF7, lr;
	s5 =	simm.s32 $0xFFFFFFFF;
	p2 =	slt.u32 s8, $0xFFFFF086  }
0x1c: {  	p1 =	slt.u32 s9, $0xF7A;
	s5 =	simm.s32 @!p2 $0x0  }
0x1d: {  	s5 =	simm.s32 @p1 $0x1;
	p0 =	seq.s32 s7, s2  }
0x1e: {  	s7 =	smul.u32 @!p0 $0xF7A, s2;
	p2 =	seq.s32 @!p0 s5, $0x0  }
0x1f: {  	s9 =	smul.u32 $0xF7A, s1;
	s8 =	simm.s32 @!p0 $0x1BF5;
	p2 =	por !p2, p0  }
0x20: {  	[sflag:s8] =	ssyncset.s32 @!p0 $0xFFFFF086;
	s6 =	sadd.s32 @!p0 s3, s7;
	s7 =	simm.s32 @!p0 $0x108  }
0x21: {  	s3 =	sadd.s32 s3, s9;
	s6 =	sadd.s32 @!p0 $0x88, s6;
	s7 =	simm.s32 @p2 $0x1082  }
0x22: {  	[simem:s7], [sflag:s8] =	dma.local @!p0 [hbm:s6], $0xF7A  }
0x23: {  	s9 =	sor.u32 $0xD0000000, s2;
	s6 =	simm.s32 $0x108;
	_ =	swait.ge @!p0 [sflag:s8], $0x0  }
0x24: {  	s3 =	sadd.s32 $0x88, s3;
	s6 =	simm.s32 @!p1 $0x1082;
	[sflag:s4] =	ssyncset.s32 $0xFFFFF086  }
0x25: {  	[simem:s6], [sflag:s4] =	dma.local [hbm:s3], $0xF7A  }
0x26: {  	[smem:$0x3F9A] =	sst s1;
	(tag) =	ssettag s2;
	_ =	strace s9  }
0x27: {  	s1 =	sld [smem:$0x3FAA]  }
0x28: {  	s2 =	sld [smem:$0x3FAB]  }
0x29: {  	s4 =	sld [smem:$0x3FAD]  }
0x2a: {  	p0 =	seq.s32 s5, $0x0;
	s5 =	sld [smem:$0x3FAE]  }
0x2b: {  	s6 =	sld [smem:$0x3FAF]  }
0x2c: {  	s7 =	sld [smem:$0x3FB0]  }
0x2d: {  	s3 =	simm.s32 $0x108;
	s8 =	sld [smem:$0x3FB1]  }
0x2e: {  	s3 =	simm.s32 @!p0 $0x1082;
	s9 =	sld [smem:$0x3FB2]  }
0x2f: {  	lr =	sadd.s32 s0, s3;
	s0 =	sld [smem:$0x3FA9]  }
0x30: {  	s3 =	sld [smem:$0x3FAC]  }
0x31: {  	[smem:$0x3FB5] =	sst s10  }
0x32: {  	s10 =	sld [smem:$0x3FB3];
	_ =	sdelay $0x3  }
0x33: {  	p0 =	seq.s32 s10, $0x1;
	s10 =	sld [smem:$0x3FB5];
	_ =	sdelay $0x3  }
0x34: {  	[smem:$0x3FB5] =	sst s10  }
0x35: {  	s10 =	sld [smem:$0x3FB4];
	_ =	sdelay $0x3  }
0x36: {  	p1 =	seq.s32 s10, $0x1;
	s10 =	sld [smem:$0x3FB5];
	_ =	sdelay $0x3  }
0x37: {  	[smem:$0x3FB5] =	sst s10  }
0x38: {  	s10 =	sld [smem:$0x3FB6]  }
0x39: {  	_ = 	snop;
	(pc) =	sbr.ind lr, $3  }
0x3a: {  	_ = 	snop  }
0x3b: {  	_ = 	snop  }
0x3c: {  	p2 =	seq.s32 s10, $0x1;
	s10 =	sld [smem:$0x3FB5]  }
0x3d: {  	_ =	shalt  }
0x3e: {  	_ =	shalt  }
0x3f: {  	_ =	shalt  }
0x40: {  	_ =	shalt  }
0x41: {  	_ =	shalt  }
0x42: {  	_ =	shalt  }
0x43: {  	_ =	shalt  }
0x44: {  	_ =	shalt  }
0x45: {  	_ =	shalt  }
0x46: {  	_ =	shalt  }
0x47: {  	_ =	shalt  }
0x48: {  	_ =	shalt  }
0x49: {  	_ =	shalt  }
0x4a: {  	_ =	shalt  }
0x4b: {  	_ =	shalt  }
0x4c: {  	_ =	shalt  }
0x4d: {  	_ =	shalt  }
0x4e: {  	_ =	shalt  }
0x4f: {  	_ =	shalt  }
0x50: {  	_ =	shalt  }
0x51: {  	_ =	shalt  }
0x52: {  	_ =	shalt  }
0x53: {  	_ =	shalt  }
0x54: {  	_ =	shalt  }
0x55: {  	_ =	shalt  }
0x56: {  	_ =	shalt  }
0x57: {  	_ =	shalt  }
0x58: {  	_ =	shalt  }
0x59: {  	_ =	shalt  }
0x5a: {  	_ =	shalt  }
0x5b: {  	_ =	shalt  }
0x5c: {  	_ =	shalt  }
0x5d: {  	_ =	shalt  }
0x5e: {  	_ =	shalt  }
0x5f: {  	_ =	shalt  }
0x60: {  	_ =	shalt  }
0x61: {  	_ =	shalt  }
0x62: {  	_ =	shalt  }
0x63: {  	_ =	shalt  }
0x64: {  	_ =	shalt  }
0x65: {  	_ =	shalt  }
0x66: {  	_ =	shalt  }
0x67: {  	_ =	shalt  }
0x68: {  	_ =	shalt  }
0x69: {  	_ =	shalt  }
0x6a: {  	_ =	shalt  }
0x6b: {  	_ =	shalt  }
0x6c: {  	_ =	shalt  }
0x6d: {  	_ =	shalt  }
0x6e: {  	_ =	shalt  }
0x6f: {  	_ =	shalt  }
0x70: {  	_ =	shalt  }
0x71: {  	_ =	shalt  }
0x72: {  	_ =	shalt  }
0x73: {  	_ =	shalt  }
0x74: {  	_ =	shalt  }
0x75: {  	_ =	shalt  }
0x76: {  	_ =	shalt  }
0x77: {  	_ =	shalt  }
0x78: {  	_ =	shalt  }
0x79: {  	_ =	shalt  }
0x7a: {  	_ =	shalt  }
0x7b: {  	_ =	shalt  }
0x7c: {  	_ =	shalt  }
0x7d: {  	_ =	shalt  }
0x7e: {  	_ =	shalt  }
0x7f: {  	_ =	shalt  }
0x80: {  	_ =	shalt  }
0x81: {  	_ =	shalt  }
0x82: {  	_ =	shalt  }
0x83: {  	_ =	shalt  }
0x84: {  	_ =	shalt  }
0x85: {  	_ =	shalt  }
0x86: {  	_ =	shalt  }
0x87: {  	_ =	shalt  }
.Lfunc_end0:
.L_simem_size_0:
called_computation_lowered:
.L_overlay_start_0:
0x88: {  	s2 =	sld [smem:$0x3FD9]  }
0x89: {  	s3 =	sld [smem:$0x3FFE];
	_ =	sdelay $0x1  }
0x8a: {  	s1 =	srdreg.scid  }
0x8b: {  	s0 =	sand.u32 $0x1, s1  }
0x8c: {  	s15 =	sshll.u32 s0, $0xA;
	s2 =	sadd.s32 s3, s2  }
0x8d: {  	s2 =	sadd.s32 s2, s15  }
0x8e: {  	[smem:$0x3FC1] =	sst s2  }
0x8f: {  	_ = 	snop  }
0x90: {  	s16 =	sld [smem:$0x3FD0];
	_ =	sdelay $0x2  }
0x91: {  	s4 =	simm.s32 $0xB;
	s5 =	simm.s32 $0x10;
	s2 =	sld [smem:$0x3FC8]  }
0x92: {  	[smem:s5], [sflag:s4] =	dma.local [hbm:s16], $0x1  }
0x93: {  	_ =	swait.eq [sflag:s4], $0x1  }
0x94: {  	[sflag:s4] =	ssyncset.done $0x0  }
0x95: {  	[sflag:s4] =	ssyncadd.s32 $0xFFFFFFFF  }
0x96: {  	s17 =	sld [smem:$0x11];
	(tm) =	ssettm $0x1  }
0x97: {  	s18 =	sld [smem:$0x3FFB];
	_ =	sdelay $0x3  }
0x98: {  	_ =	strace s18  }
0x99: {  	s3 =	sld [smem:$0x3FFC];
	_ =	sdelay $0x3  }
0x9a: {  	_ =	strace s3  }
0x9b: {  	s3 =	sld [smem:$0x3FFD];
	_ =	sdelay $0x3  }
0x9c: {  	_ =	strace s3  }
0x9d: {  	_ =	strace $0x8FFFFFFF  }
0x9e: {  	s19 =	sld [smem:$0x3FDB];
	_ =	sdelay $0x1  }
0x9f: {  	s20 =	simm.s32 $_scs_section_size  }
0xa0: {  	s6 =	simm.s32 $_size__tile_overlayer_lowered;
	s7 =	simm.s32 $_tile_overlayer_lowered  }
0xa1: {  	s8 =	simm.s32 $0x1BFF;
	s21 =	sshll.u32 s7, $0x1;
	s5 =	sadd.s32 s20, s19  }
0xa2: {  	s22 =	simm.s32 $0x0;
	s6 =	sshll.u32 s6, $0x1;
	s7 =	sadd.s32 s21, s5  }
0xa3: {  	[timem:s22], [sflag:s8] =	dma.local [hbm:s7], s6  }
0xa4: {  	_ =	swait.ge [sflag:s8], s6  }
0xa5: {  	s6 =	ssub.s32 $0x0, s6;
	[sflag:s8] =	ssyncset.done $0x0  }
0xa6: {  	[sflag:s8] =	ssyncadd.s32 s6;
	_ =	sdelay $0x1  }
0xa7: {  	s23 =	simm.s32 $0x1B8B  }
0xa8: {  	_ =	swait.ge [sflag:s23], $0x1  }
0xa9: {  	[sflag:s23] =	ssyncset.done $0x0  }
0xaa: {  	[sflag:s23] =	ssyncadd.s32 $0xFFFFFFFF  }
0xab: {  	s6 =	sld [smem:$0x0]  }
0xac: {  	s7 =	sand.u32 $0xFFFFFFFE, s1  }
0xad: {  	p0 =	sne.s32 s1, s7  }
0xae: {  	s7 =	sshll.u32 @p0 s7, $0xE  }
0xaf: {  	s7 =	sadd.s32 @p0 $0x11B8D, s7;
	s8 =	sshll.u32 @p0 s6, $0x11  }
0xb0: {  	s7 =	sor.u32 @p0 s8, s7  }
0xb1: {  	[sflag:s7] =	ssyncadd.remote.s32 @p0 $0x1;
	_ =	sdelay $0x1  }
0xb2: {  	s7 =	simm.s32 @p0 $0x1B8D  }
0xb3: {  	_ =	swait.eq @p0 [sflag:s7], $0x1  }
0xb4: {  	[sflag:s7] =	ssyncadd.s32 @p0 $0xFFFFFFFF  }
0xb5: {  	s8 =	sshll.u32 @!p0 s1, $0xE  }
0xb6: {  	s8 =	sor.u32 @!p0 $0x4000, s8;
	s7 =	simm.s32 @!p0 $0x1B8D  }
0xb7: {  	s6 =	sshll.u32 @!p0 s6, $0x11;
	s8 =	sadd.s32 @!p0 $0x11B8D, s8;
	_ =	swait.eq @!p0 [sflag:s7], $0x1  }
0xb8: {  	s6 =	sor.u32 @!p0 s6, s8;
	[sflag:s7] =	ssyncadd.s32 @!p0 $0xFFFFFFFF  }
0xb9: {  	s25 =	simm.s32 $0x1B8E;
	s24 =	sld [smem:$0x3FFE];
	[sflag:s6] =	ssyncadd.remote.s32 @!p0 $0x1  }
0xba: {  	s26 =	simm.s32 $execute0_lowered;
	[smem:$0x3FD2] =	sst s25  }
0xbb: {  	s7 =	sshll.u32 s26, $0x1;
	_ =	strace $0x80000049;
	[dreg:$0x1] =	wrdreg $0xFFFFFFFF  }
0xbc: {  	s28 =	simm.s32 $_size_execute0_lowered;
	s5 =	sadd.s32 s5, s7;
	[dreg:$0x0] =	wrdreg $0x0  }
0xbd: {  	s7 =	sshll.u32 s28, $0x1;
	[dreg:$0x2] =	wrdreg s5  }
0xbe: {  	[dreg:$0x3] =	wrdreg s7  }
0xbf: {  	[dreg:$0x4] =	wrdreg $0xC0  }
0xc0: {  	_ =	task [dreg:s22], $0x5FFFF  }
0xc1: {  	[dreg:$0x1] =	wrdreg $0xFFFFFFFF  }
0xc2: {  	[dreg:$0x0] =	wrdreg $0x60  }
0xc3: {  	[dreg:$0x2] =	wrdreg s2  }
0xc4: {  	[dreg:$0x3] =	wrdreg s24  }
0xc5: {  	[dreg:$0x4] =	wrdreg s17  }
0xc6: {  	[dreg:$0x5] =	wrdreg $0x9  }
0xc7: {  	_ =	task.clear_ibuf [dreg:s22], $0x6FFFF;
	_ =	strace $0x90000049  }
0xc8: {  	s29 =	simm.s32 $0x9;
	_ =	strace $0x8000004B  }
0xc9: {  	_ =	swait.ge [sflag:s29], $0x1  }
0xca: {  	[sflag:s29] =	ssyncadd.s32 $0xFFFFFFFF  }
0xcb: {  	_ =	strace $0x9000004B  }
0xcc: {  	_ =	sfence  }
0xcd: {  	s30 =	sld [smem:$0x0];
	_ =	sdelay $0x2  }
0xce: {  	s31 =	sshll.u32 s1, $0xD;
	s1 =	sshrl.u32 s1, $0x2  }
0xcf: {  	s4 =	sand.u32 $0x4000, s31;
	s1 =	sadd.s32 s1, s30  }
0xd0: {  	s0 =	sor.u32 s4, s0;
	s1 =	sshll.u32 s1, $0x11  }
0xd1: {  	s0 =	sor.u32 s1, s0  }
0xd2: {  	s0 =	sadd.s32 $0x8F2B, s0  }
0xd3: {  	[sflag:s0] =	ssyncadd.remote.s32 $0x1  }
0xd4: {  	_ =	sfence.sel $0xFFFF  }
0xd5: {  	[dreg:$0x0] =	wrdreg $0xFFFFFFFF;
	(pc) =	sbr.abs _section_cstart, $3  }
0xd6: {  	[dreg:$0x1] =	wrdreg $0xFFFFFFFF  }
0xd7: {  	_ =	task.clear_ibuf [dreg:s22], $0x2FFFF;
	_ =	strace $0x9FFFFFFF  }
0xd8: {  	(tm) =	ssettm $0x7FFFFFFF  }
0xd9: {  	_ =	shalt  }
tec
execute0_lowered:
.L_overlay_start_1:
0x0: {  	(tag) =	ssettag $0x1  }
0x1: {  	s2 =	rddreg [dreg:$0x0]  }
0x2: {  	s0 =	rddreg [dreg:$0x1]  }
0x3: {  	s3 =	srdreg.scid;
	s4 =	stileid.u32  }
0x4: {  	s1 =	rddreg [dreg:$0x2];
	s6 =	sand.u32 $0x1, s3;
	s4 =	sshll.u32 s4, $0x1  }
0x5: {  	p0 =	por $0x0, $0x0;
	s3 =	simm.s32 $0x0;
	s7 =	sor.u32 s6, s4  }
0x6: {  	[smem:$0x7FF] =	sst s3;
	s4 =	sadd.s32 $0x1600, s0;
	s5 =	smul.u32 $0x1900, s7  }
0x7: {  	s6 =	ssub.s32 $0x2, s6;
	_ =	strace $0x8000004A;
	s7 =	smul.u32 $0x19000, s7  }
0x8: {  	s13 =	sshrl.u32 s5, $0x3;
	s8 =	sadd.s32 $0x190, s5;
	s15 =	sadd.s32 $0x320, s5  }
0x9: {  	s16 =	sadd.s32 s1, s7;
	s21 =	sadd.s32 $0x4B0, s5;
	s24 =	sadd.s32 $0x640, s5  }
0xa: {  	s12 =	sadd.s32 $0x7D0, s5;
	s0 =	sadd.s32 s4, s13;
	s9 =	sshrl.u32 s8, $0x3  }
0xb: {  	s17 =	sshrl.u32 s15, $0x3;
	[dreg:$0x6] =	wrdreg s16;
	s19 =	sshll.u32 s8, $0x4  }
0xc: {  	s22 =	sshrl.u32 s21, $0x3;
	s23 =	sshll.u32 s15, $0x4;
	s26 =	sshrl.u32 s24, $0x3  }
0xd: {  	s7 =	sshll.u32 s21, $0x4;
	[dreg:$0x4] =	wrdreg s0;
	s14 =	sadd.s32 s4, s9  }
0xe: {  	s13 =	sshrl.u32 s6, $0x1;
	s18 =	sadd.s32 s4, s17;
	[dreg:$0x5] =	wrdreg s14  }
0xf: {  	s20 =	sadd.s32 s1, s19;
	s0 =	sadd.s32 s4, s22;
	[dreg:$0x7] =	wrdreg s18  }
0x10: {  	s25 =	sadd.s32 s1, s23;
	s10 =	sadd.s32 s4, s26;
	[dreg:$0x8] =	wrdreg s20  }
0x11: {  	s11 =	sadd.s32 s1, s7;
	s9 =	sshll.u32 s24, $0x4;
	[dreg:$0x9] =	wrdreg s0  }
0x12: {  	s7 =	sshll.u32 s12, $0x4;
	s19 =	sadd.s32 $0xAF0, s5;
	[dreg:$0xa] =	wrdreg s25  }
0x13: {  	s8 =	ssub.s32 s6, s13;
	s22 =	sadd.s32 $0xC80, s5;
	[dreg:$0xb] =	wrdreg s10  }
0x14: {  	[dreg:$0xc] =	wrdreg s11;
	s14 =	sshrl.u32 s12, $0x3;
	s10 =	sadd.s32 $0x960, s5  }
0x15: {  	s15 =	sadd.s32 s1, s9;
	s18 =	sadd.s32 s1, s7;
	s20 =	sshrl.u32 s19, $0x3  }
0x16: {  	s23 =	sshrl.u32 s22, $0x3;
	s24 =	sshll.u32 s19, $0x4;
	s25 =	sadd.s32 $0xE10, s5  }
0x17: {  	s11 =	sshll.u32 s22, $0x4;
	s12 =	sadd.s32 $0xFA0, s5;
	s19 =	sadd.s32 $0x1450, s5  }
0x18: {  	s7 =	simm.s32 $0x3;
	s0 =	sadd.s32 s4, s14;
	[dreg:$0xe] =	wrdreg s15  }
0x19: {  	s16 =	sshrl.u32 s10, $0x3;
	[dreg:$0x10] =	wrdreg s18;
	s21 =	sshll.u32 s10, $0x4  }
0x1a: {  	s30 =	sadd.s32 s4, s23;
	s29 =	sadd.s32 s1, s24;
	s10 =	sshrl.u32 s25, $0x3  }
0x1b: {  	s26 =	sadd.s32 s1, s11;
	s13 =	sshrl.u32 s12, $0x3;
	s6 =	sshll.u32 s25, $0x4  }
0x1c: {  	s14 =	sadd.s32 $0x1130, s5;
	s9 =	sshrl.u32 s19, $0x3;
	[dreg:$0xd] =	wrdreg s0  }
0x1d: {  	s17 =	sadd.s32 s4, s16;
	s0 =	sadd.s32 s4, s20;
	s31 =	sadd.s32 s1, s21  }
0x1e: {  	s28 =	sadd.s32 s4, s10;
	s25 =	sadd.s32 s4, s13;
	s24 =	sadd.s32 s1, s6  }
0x1f: {  	s15 =	sshrl.u32 s14, $0x3;
	s16 =	sadd.s32 $0x12C0, s5;
	[dreg:$0xf] =	wrdreg s17  }
0x20: {  	s18 =	sshll.u32 s14, $0x4;
	s10 =	sadd.s32 $0x15E0, s5;
	[dreg:$0x11] =	wrdreg s0  }
0x21: {  	s23 =	sadd.s32 s4, s15;
	s0 =	sshll.u32 s12, $0x4;
	s17 =	sshrl.u32 s16, $0x3  }
0x22: {  	s20 =	sadd.s32 s1, s18;
	s6 =	sshll.u32 s16, $0x4;
	s18 =	sadd.s32 s4, s9  }
0x23: {  	s11 =	sshrl.u32 s10, $0x3;
	s12 =	sadd.s32 $0x1770, s5;
	s15 =	sshll.u32 s10, $0x4  }
0x24: {  	s9 =	simm.s32 $0x190;
	s10 =	simm.s32 $0x400;
	s22 =	sadd.s32 s1, s0  }
0x25: {  	s21 =	sadd.s32 s4, s17;
	s0 =	sshll.u32 s19, $0x4;
	s19 =	smax.u32 s8, $0x1  }
0x26: {  	s17 =	sadd.s32 s1, s6;
	s14 =	sadd.s32 s4, s11;
	p1 =	sne.s32 s19, $0x1  }
.Ltmp0:
0x27: {  	s13 =	sshrl.u32 s12, $0x3;
	s5 =	sadd.s32 s1, s15;
	(pc) =	sbr.rel @!p1 .LBB2_3-.Ltmp0, $4  }
0x28: {  	s16 =	sshll.u32 s12, $0x4;
	s8 =	simm.s32 $0x5;
	s12 =	simm.s32 $0xCC00  }
0x29: {  	s15 =	simm.s32 $0x2;
	s11 =	sadd.s32 s1, s0;
	s6 =	sadd.s32 s4, s13  }
0x2a: {  	s4 =	sadd.s32 s1, s16;
	s1 =	sadd.s32 $0xFFFFFFFF, s19;
	s19 =	simm.s32 $0x1  }
0x2b: {  	s16 =	simm.s32 $0x200;
	s13 =	simm.s32 $0x4;
	s0 =	rddreg [dreg:$0x4]  }
0x2c: {  	[tilespmem:s3], [sflag:$0x5] =	stream.linear.gather [hbm4b:s0+s3], $0x190, $0x38;
	[tilespmem:$0x19400] =	vst v63  }
0x2d: {  	_ =	swait.ge [sflag:s8], $0x190  }
0x2e: {  	[sflag:s8] =	ssyncset.done $0x0  }
0x2f: {  	[sflag:s8] =	ssyncadd.s32 $0xFFFFFE70  }
0x30: {  	[tilespmem:s10], [sflag:$0x1] =	stream.indirect.gather [hbm4b:s2+s9], $0x80, s3, s9, $0xb8;
	[tilespmem:$0x19400] =	vst v63  }
0x31: {  	_ =	swait.ge [sflag:s19], $0xC800  }
0x32: {  	[sflag:s19] =	ssyncset.done $0x0  }
0x33: {  	s0 =	rddreg [dreg:$0x5];
	[sflag:s19] =	ssyncadd.s32 $0xFFFF3800  }
0x34: {  	[tilespmem:s16], [sflag:$0x5] =	stream.linear.gather [hbm4b:s0+s3], $0x190, $0x38;
	[tilespmem:$0x19400] =	vst v63  }
0x35: {  	_ =	swait.ge [sflag:s8], $0x190  }
0x36: {  	[sflag:s8] =	ssyncset.done $0x0  }
0x37: {  	[sflag:s8] =	ssyncadd.s32 $0xFFFFFE70  }
0x38: {  	[tilespmem:s12], [sflag:$0x2] =	stream.indirect.gather [hbm4b:s2+s9], $0x80, s16, s9, $0xb8;
	[tilespmem:$0x19400] =	vst v63  }
0x39: {  	s0 =	rddreg [dreg:$0x6]  }
0x3a: {  	[hbm4b:s0+s3] =	stream.linear.scatter [tilespmem:s10], [sflag:$0x3], $0xC800, $0x38;
	[tilespmem:$0x19400] =	vst v63  }
0x3b: {  	_ =	swait.ge [sflag:s15], $0xC800  }
0x3c: {  	[sflag:s15] =	ssyncset.done $0x0  }
0x3d: {  	[sflag:s15] =	ssyncadd.s32 $0xFFFF3800  }
0x3e: {  	_ =	swait.ge [sflag:s7], $0xC800  }
0x3f: {  	[sflag:s7] =	ssyncset.done $0x0  }
0x40: {  	s0 =	rddreg [dreg:$0x7];
	[sflag:s7] =	ssyncadd.s32 $0xFFFF3800  }
0x41: {  	[tilespmem:s3], [sflag:$0x5] =	stream.linear.gather [hbm4b:s0+s3], $0x190, $0x38;
	[tilespmem:$0x19400] =	vst v63  }
0x42: {  	_ =	swait.ge [sflag:s8], $0x190  }
0x43: {  	[sflag:s8] =	ssyncset.done $0x0  }
0x44: {  	[sflag:s8] =	ssyncadd.s32 $0xFFFFFE70  }
0x45: {  	[tilespmem:s10], [sflag:$0x1] =	stream.indirect.gather [hbm4b:s2+s9], $0x80, s3, s9, $0xb8;
	[tilespmem:$0x19400] =	vst v63  }
0x46: {  	s0 =	rddreg [dreg:$0x8]  }
0x47: {  	[hbm4b:s0+s3] =	stream.linear.scatter [tilespmem:s12], [sflag:$0x4], $0xC800, $0x38;
	[tilespmem:$0x19400] =	vst v63  }
0x48: {  	_ =	swait.ge [sflag:s19], $0xC800  }
0x49: {  	[sflag:s19] =	ssyncset.done $0x0  }
0x4a: {  	[sflag:s19] =	ssyncadd.s32 $0xFFFF3800  }
0x4b: {  	_ =	swait.ge [sflag:s13], $0xC800  }
0x4c: {  	[sflag:s13] =	ssyncset.done $0x0  }
0x4d: {  	s0 =	rddreg [dreg:$0x9];
	[sflag:s13] =	ssyncadd.s32 $0xFFFF3800  }
0x4e: {  	[tilespmem:s16], [sflag:$0x5] =	stream.linear.gather [hbm4b:s0+s3], $0x190, $0x38;
	[tilespmem:$0x19400] =	vst v63  }
0x4f: {  	_ =	swait.ge [sflag:s8], $0x190  }
0x50: {  	[sflag:s8] =	ssyncset.done $0x0  }
0x51: {  	[sflag:s8] =	ssyncadd.s32 $0xFFFFFE70  }
0x52: {  	[tilespmem:s12], [sflag:$0x2] =	stream.indirect.gather [hbm4b:s2+s9], $0x80, s16, s9, $0xb8;
	[tilespmem:$0x19400] =	vst v63  }
0x53: {  	s0 =	rddreg [dreg:$0xa]  }
0x54: {  	[hbm4b:s0+s3] =	stream.linear.scatter [tilespmem:s10], [sflag:$0x3], $0xC800, $0x38;
	[tilespmem:$0x19400] =	vst v63  }
0x55: {  	_ =	swait.ge [sflag:s15], $0xC800  }
0x56: {  	[sflag:s15] =	ssyncset.done $0x0  }
0x57: {  	[sflag:s15] =	ssyncadd.s32 $0xFFFF3800  }
0x58: {  	_ =	swait.ge [sflag:s7], $0xC800  }
0x59: {  	[sflag:s7] =	ssyncset.done $0x0  }
0x5a: {  	s0 =	rddreg [dreg:$0xb];
	[sflag:s7] =	ssyncadd.s32 $0xFFFF3800  }
0x5b: {  	[tilespmem:s3], [sflag:$0x5] =	stream.linear.gather [hbm4b:s0+s3], $0x190, $0x38;
	[tilespmem:$0x19400] =	vst v63  }
0x5c: {  	_ =	swait.ge [sflag:s8], $0x190  }
0x5d: {  	[sflag:s8] =	ssyncset.done $0x0  }
0x5e: {  	[sflag:s8] =	ssyncadd.s32 $0xFFFFFE70  }
0x5f: {  	[tilespmem:s10], [sflag:$0x1] =	stream.indirect.gather [hbm4b:s2+s9], $0x80, s3, s9, $0xb8;
	[tilespmem:$0x19400] =	vst v63  }
0x60: {  	s0 =	rddreg [dreg:$0xc]  }
0x61: {  	[hbm4b:s0+s3] =	stream.linear.scatter [tilespmem:s12], [sflag:$0x4], $0xC800, $0x38;
	[tilespmem:$0x19400] =	vst v63  }
0x62: {  	_ =	swait.ge [sflag:s19], $0xC800  }
0x63: {  	[sflag:s19] =	ssyncset.done $0x0  }
0x64: {  	[sflag:s19] =	ssyncadd.s32 $0xFFFF3800  }
0x65: {  	_ =	swait.ge [sflag:s13], $0xC800  }
0x66: {  	[sflag:s13] =	ssyncset.done $0x0  }
0x67: {  	s0 =	rddreg [dreg:$0xd];
	[sflag:s13] =	ssyncadd.s32 $0xFFFF3800  }
0x68: {  	[tilespmem:s16], [sflag:$0x5] =	stream.linear.gather [hbm4b:s0+s3], $0x190, $0x38;
	[tilespmem:$0x19400] =	vst v63  }
0x69: {  	_ =	swait.ge [sflag:s8], $0x190  }
0x6a: {  	[sflag:s8] =	ssyncset.done $0x0  }
0x6b: {  	[sflag:s8] =	ssyncadd.s32 $0xFFFFFE70  }
0x6c: {  	[tilespmem:s12], [sflag:$0x2] =	stream.indirect.gather [hbm4b:s2+s9], $0x80, s16, s9, $0xb8;
	[tilespmem:$0x19400] =	vst v63  }
0x6d: {  	s0 =	rddreg [dreg:$0xe]  }
0x6e: {  	[hbm4b:s0+s3] =	stream.linear.scatter [tilespmem:s10], [sflag:$0x3], $0xC800, $0x38;
	[tilespmem:$0x19400] =	vst v63  }
0x6f: {  	_ =	swait.ge [sflag:s15], $0xC800  }
0x70: {  	[sflag:s15] =	ssyncset.done $0x0  }
0x71: {  	[sflag:s15] =	ssyncadd.s32 $0xFFFF3800  }
0x72: {  	_ =	swait.ge [sflag:s7], $0xC800  }
0x73: {  	[sflag:s7] =	ssyncset.done $0x0  }
0x74: {  	s0 =	rddreg [dreg:$0xf];
	[sflag:s7] =	ssyncadd.s32 $0xFFFF3800  }
0x75: {  	[tilespmem:s3], [sflag:$0x5] =	stream.linear.gather [hbm4b:s0+s3], $0x190, $0x38;
	[tilespmem:$0x19400] =	vst v63  }
0x76: {  	_ =	swait.ge [sflag:s8], $0x190  }
0x77: {  	[sflag:s8] =	ssyncset.done $0x0  }
0x78: {  	[sflag:s8] =	ssyncadd.s32 $0xFFFFFE70  }
0x79: {  	[tilespmem:s10], [sflag:$0x1] =	stream.indirect.gather [hbm4b:s2+s9], $0x80, s3, s9, $0xb8;
	[tilespmem:$0x19400] =	vst v63  }
0x7a: {  	s0 =	rddreg [dreg:$0x10]  }
0x7b: {  	[hbm4b:s0+s3] =	stream.linear.scatter [tilespmem:s12], [sflag:$0x4], $0xC800, $0x38;
	[tilespmem:$0x19400] =	vst v63  }
0x7c: {  	_ =	swait.ge [sflag:s19], $0xC800  }
0x7d: {  	[sflag:s19] =	ssyncset.done $0x0  }
0x7e: {  	[sflag:s19] =	ssyncadd.s32 $0xFFFF3800  }
0x7f: {  	_ =	swait.ge [sflag:s13], $0xC800  }
0x80: {  	[sflag:s13] =	ssyncset.done $0x0  }
0x81: {  	s0 =	rddreg [dreg:$0x11];
	[sflag:s13] =	ssyncadd.s32 $0xFFFF3800  }
0x82: {  	[tilespmem:s16], [sflag:$0x5] =	stream.linear.gather [hbm4b:s0+s3], $0x190, $0x38;
	[tilespmem:$0x19400] =	vst v63  }
0x83: {  	_ =	swait.ge [sflag:s8], $0x190  }
0x84: {  	[sflag:s8] =	ssyncset.done $0x0  }
0x85: {  	[sflag:s8] =	ssyncadd.s32 $0xFFFFFE70  }
0x86: {  	[tilespmem:s12], [sflag:$0x2] =	stream.indirect.gather [hbm4b:s2+s9], $0x80, s16, s9, $0xb8;
	[tilespmem:$0x19400] =	vst v63  }
0x87: {  	_ = 	snop  }
0x88: {  	[hbm4b:s31+s3] =	stream.linear.scatter [tilespmem:s10], [sflag:$0x3], $0xC800, $0x38;
	[tilespmem:$0x19400] =	vst v63  }
0x89: {  	_ =	swait.ge [sflag:s15], $0xC800  }
0x8a: {  	[sflag:s15] =	ssyncset.done $0x0  }
0x8b: {  	[sflag:s15] =	ssyncadd.s32 $0xFFFF3800  }
0x8c: {  	_ =	swait.ge [sflag:s7], $0xC800  }
0x8d: {  	[sflag:s7] =	ssyncset.done $0x0  }
0x8e: {  	[sflag:s7] =	ssyncadd.s32 $0xFFFF3800  }
0x8f: {  	[tilespmem:s3], [sflag:$0x5] =	stream.linear.gather [hbm4b:s30+s3], $0x190, $0x38;
	[tilespmem:$0x19400] =	vst v63  }
0x90: {  	_ =	swait.ge [sflag:s8], $0x190  }
0x91: {  	[sflag:s8] =	ssyncset.done $0x0  }
0x92: {  	[sflag:s8] =	ssyncadd.s32 $0xFFFFFE70  }
0x93: {  	[tilespmem:s10], [sflag:$0x1] =	stream.indirect.gather [hbm4b:s2+s9], $0x80, s3, s9, $0xb8;
	[tilespmem:$0x19400] =	vst v63  }
0x94: {  	_ = 	snop  }
0x95: {  	[hbm4b:s29+s3] =	stream.linear.scatter [tilespmem:s12], [sflag:$0x4], $0xC800, $0x38;
	[tilespmem:$0x19400] =	vst v63  }
0x96: {  	_ =	swait.ge [sflag:s19], $0xC800  }
0x97: {  	[sflag:s19] =	ssyncset.done $0x0  }
0x98: {  	[sflag:s19] =	ssyncadd.s32 $0xFFFF3800  }
0x99: {  	_ =	swait.ge [sflag:s13], $0xC800  }
0x9a: {  	[sflag:s13] =	ssyncset.done $0x0  }
0x9b: {  	[sflag:s13] =	ssyncadd.s32 $0xFFFF3800  }
0x9c: {  	[tilespmem:s16], [sflag:$0x5] =	stream.linear.gather [hbm4b:s28+s3], $0x190, $0x38;
	[tilespmem:$0x19400] =	vst v63  }
0x9d: {  	_ =	swait.ge [sflag:s8], $0x190  }
0x9e: {  	[sflag:s8] =	ssyncset.done $0x0  }
0x9f: {  	[sflag:s8] =	ssyncadd.s32 $0xFFFFFE70  }
0xa0: {  	[tilespmem:s12], [sflag:$0x2] =	stream.indirect.gather [hbm4b:s2+s9], $0x80, s16, s9, $0xb8;
	[tilespmem:$0x19400] =	vst v63  }
0xa1: {  	_ = 	snop  }
0xa2: {  	[hbm4b:s26+s3] =	stream.linear.scatter [tilespmem:s10], [sflag:$0x3], $0xC800, $0x38;
	[tilespmem:$0x19400] =	vst v63  }
0xa3: {  	_ =	swait.ge [sflag:s15], $0xC800  }
0xa4: {  	[sflag:s15] =	ssyncset.done $0x0  }
0xa5: {  	[sflag:s15] =	ssyncadd.s32 $0xFFFF3800  }
0xa6: {  	_ =	swait.ge [sflag:s7], $0xC800  }
0xa7: {  	[sflag:s7] =	ssyncset.done $0x0  }
0xa8: {  	[sflag:s7] =	ssyncadd.s32 $0xFFFF3800  }
0xa9: {  	[tilespmem:s3], [sflag:$0x5] =	stream.linear.gather [hbm4b:s25+s3], $0x190, $0x38;
	[tilespmem:$0x19400] =	vst v63  }
0xaa: {  	_ =	swait.ge [sflag:s8], $0x190  }
0xab: {  	[sflag:s8] =	ssyncset.done $0x0  }
0xac: {  	[sflag:s8] =	ssyncadd.s32 $0xFFFFFE70  }
0xad: {  	[tilespmem:s10], [sflag:$0x1] =	stream.indirect.gather [hbm4b:s2+s9], $0x80, s3, s9, $0xb8;
	[tilespmem:$0x19400] =	vst v63  }
0xae: {  	_ = 	snop  }
0xaf: {  	[hbm4b:s24+s3] =	stream.linear.scatter [tilespmem:s12], [sflag:$0x4], $0xC800, $0x38;
	[tilespmem:$0x19400] =	vst v63  }
0xb0: {  	_ =	swait.ge [sflag:s19], $0xC800  }
0xb1: {  	[sflag:s19] =	ssyncset.done $0x0  }
0xb2: {  	[sflag:s19] =	ssyncadd.s32 $0xFFFF3800  }
0xb3: {  	_ =	swait.ge [sflag:s13], $0xC800  }
0xb4: {  	[sflag:s13] =	ssyncset.done $0x0  }
0xb5: {  	[sflag:s13] =	ssyncadd.s32 $0xFFFF3800  }
0xb6: {  	[tilespmem:s16], [sflag:$0x5] =	stream.linear.gather [hbm4b:s23+s3], $0x190, $0x38;
	[tilespmem:$0x19400] =	vst v63  }
0xb7: {  	_ =	swait.ge [sflag:s8], $0x190  }
0xb8: {  	[sflag:s8] =	ssyncset.done $0x0  }
0xb9: {  	[sflag:s8] =	ssyncadd.s32 $0xFFFFFE70  }
0xba: {  	[tilespmem:s12], [sflag:$0x2] =	stream.indirect.gather [hbm4b:s2+s9], $0x80, s16, s9, $0xb8;
	[tilespmem:$0x19400] =	vst v63  }
0xbb: {  	_ = 	snop  }
0xbc: {  	[hbm4b:s22+s3] =	stream.linear.scatter [tilespmem:s10], [sflag:$0x3], $0xC800, $0x38;
	[tilespmem:$0x19400] =	vst v63  }
0xbd: {  	_ =	swait.ge [sflag:s15], $0xC800  }
0xbe: {  	[sflag:s15] =	ssyncset.done $0x0  }
0xbf: {  	[sflag:s15] =	ssyncadd.s32 $0xFFFF3800  }
0xc0: {  	_ =	swait.ge [sflag:s7], $0xC800  }
0xc1: {  	[sflag:s7] =	ssyncset.done $0x0  }
0xc2: {  	[sflag:s7] =	ssyncadd.s32 $0xFFFF3800  }
0xc3: {  	[tilespmem:s3], [sflag:$0x5] =	stream.linear.gather [hbm4b:s21+s3], $0x190, $0x38;
	[tilespmem:$0x19400] =	vst v63  }
0xc4: {  	_ =	swait.ge [sflag:s8], $0x190  }
0xc5: {  	[sflag:s8] =	ssyncset.done $0x0  }
0xc6: {  	[sflag:s8] =	ssyncadd.s32 $0xFFFFFE70  }
0xc7: {  	[tilespmem:s10], [sflag:$0x1] =	stream.indirect.gather [hbm4b:s2+s9], $0x80, s3, s9, $0xb8;
	[tilespmem:$0x19400] =	vst v63  }
0xc8: {  	_ = 	snop  }
0xc9: {  	[hbm4b:s20+s3] =	stream.linear.scatter [tilespmem:s12], [sflag:$0x4], $0xC800, $0x38;
	[tilespmem:$0x19400] =	vst v63  }
0xca: {  	_ =	swait.ge [sflag:s19], $0xC800  }
0xcb: {  	[sflag:s19] =	ssyncset.done $0x0  }
0xcc: {  	[sflag:s19] =	ssyncadd.s32 $0xFFFF3800  }
0xcd: {  	_ =	swait.ge [sflag:s13], $0xC800  }
0xce: {  	[sflag:s13] =	ssyncset.done $0x0  }
0xcf: {  	[sflag:s13] =	ssyncadd.s32 $0xFFFF3800  }
0xd0: {  	[tilespmem:s16], [sflag:$0x5] =	stream.linear.gather [hbm4b:s18+s3], $0x190, $0x38;
	[tilespmem:$0x19400] =	vst v63  }
0xd1: {  	_ =	swait.ge [sflag:s8], $0x190  }
0xd2: {  	[sflag:s8] =	ssyncset.done $0x0  }
0xd3: {  	[sflag:s8] =	ssyncadd.s32 $0xFFFFFE70  }
0xd4: {  	[tilespmem:s12], [sflag:$0x2] =	stream.indirect.gather [hbm4b:s2+s9], $0x80, s16, s9, $0xb8;
	[tilespmem:$0x19400] =	vst v63  }
0xd5: {  	_ = 	snop  }
0xd6: {  	[hbm4b:s17+s3] =	stream.linear.scatter [tilespmem:s10], [sflag:$0x3], $0xC800, $0x38;
	[tilespmem:$0x19400] =	vst v63  }
0xd7: {  	_ =	swait.ge [sflag:s15], $0xC800  }
0xd8: {  	[sflag:s15] =	ssyncset.done $0x0  }
0xd9: {  	[sflag:s15] =	ssyncadd.s32 $0xFFFF3800  }
0xda: {  	_ =	swait.ge [sflag:s7], $0xC800  }
0xdb: {  	[sflag:s7] =	ssyncset.done $0x0  }
0xdc: {  	[sflag:s7] =	ssyncadd.s32 $0xFFFF3800  }
0xdd: {  	[tilespmem:s3], [sflag:$0x5] =	stream.linear.gather [hbm4b:s14+s3], $0x190, $0x38;
	[tilespmem:$0x19400] =	vst v63  }
0xde: {  	_ =	swait.ge [sflag:s8], $0x190  }
0xdf: {  	[sflag:s8] =	ssyncset.done $0x0  }
0xe0: {  	[sflag:s8] =	ssyncadd.s32 $0xFFFFFE70  }
0xe1: {  	[tilespmem:s10], [sflag:$0x1] =	stream.indirect.gather [hbm4b:s2+s9], $0x80, s3, s9, $0xb8;
	[tilespmem:$0x19400] =	vst v63  }
0xe2: {  	_ = 	snop  }
0xe3: {  	[hbm4b:s11+s3] =	stream.linear.scatter [tilespmem:s12], [sflag:$0x4], $0xC800, $0x38;
	[tilespmem:$0x19400] =	vst v63  }
0xe4: {  	_ =	swait.ge [sflag:s19], $0xC800  }
0xe5: {  	[sflag:s19] =	ssyncset.done $0x0  }
0xe6: {  	[sflag:s19] =	ssyncadd.s32 $0xFFFF3800  }
0xe7: {  	_ =	swait.ge [sflag:s13], $0xC800  }
0xe8: {  	[sflag:s13] =	ssyncset.done $0x0  }
0xe9: {  	[sflag:s13] =	ssyncadd.s32 $0xFFFF3800  }
0xea: {  	[tilespmem:s16], [sflag:$0x5] =	stream.linear.gather [hbm4b:s6+s3], $0x190, $0x38;
	[tilespmem:$0x19400] =	vst v63  }
0xeb: {  	_ =	swait.ge [sflag:s8], $0x190  }
0xec: {  	[sflag:s8] =	ssyncset.done $0x0  }
0xed: {  	[sflag:s8] =	ssyncadd.s32 $0xFFFFFE70  }
0xee: {  	[tilespmem:s12], [sflag:$0x2] =	stream.indirect.gather [hbm4b:s2+s9], $0x80, s16, s9, $0xb8;
	[tilespmem:$0x19400] =	vst v63  }
0xef: {  	_ = 	snop  }
0xf0: {  	[hbm4b:s5+s3] =	stream.linear.scatter [tilespmem:s10], [sflag:$0x3], $0xC800, $0x38;
	[tilespmem:$0x19400] =	vst v63  }
0xf1: {  	_ =	swait.ge [sflag:s15], $0xC800  }
0xf2: {  	[sflag:s15] =	ssyncset.done $0x0  }
0xf3: {  	p1 =	sne.s32 s1, $0x1;
	[sflag:s15] =	ssyncadd.s32 $0xFFFF3800  }
0xf4: {  	[hbm4b:s4+s3] =	stream.linear.scatter [tilespmem:s12], [sflag:$0x4], $0xC800, $0x38;
	[tilespmem:$0x19400] =	vst v63  }
.Ltmp1:
0xf5: {  	_ =	swait.ge [sflag:s13], $0xC800;
	(pc) =	sbr.rel @!p1 .LBB2_3-.Ltmp1, $4  }
0xf6: {  	[sflag:s13] =	ssyncset.done $0x0  }
0xf7: {  	[sflag:s13] =	ssyncadd.s32 $0xFFFF3800  }
0xf8: {  	s1 =	sadd.s32 $0xFFFFFFFF, s1;
	_ =	swait.ge [sflag:s7], $0xC800  }
0xf9: {  	p0 =	por $0x1, $0x1;
	s0 =	rddreg [dreg:$0x4];
	[sflag:s7] =	ssyncset.done $0x0  }
.LBB2_2:
0xfa: {  	[sflag:s7] =	ssyncadd.s32 $0xFFFF3800  }
0xfb: {  	[tilespmem:s3], [sflag:$0x5] =	stream.linear.gather [hbm4b:s0+s3], $0x190, $0x38;
	[tilespmem:$0x19400] =	vst v63  }
0xfc: {  	_ =	swait.ge [sflag:s8], $0x190  }
0xfd: {  	[sflag:s8] =	ssyncset.done $0x0  }
0xfe: {  	[sflag:s8] =	ssyncadd.s32 $0xFFFFFE70  }
0xff: {  	[tilespmem:s10], [sflag:$0x1] =	stream.indirect.gather [hbm4b:s2+s9], $0x80, s3, s9, $0xb8;
	[tilespmem:$0x19400] =	vst v63  }
0x100: {  	_ =	swait.ge [sflag:s19], $0xC800  }
0x101: {  	[sflag:s19] =	ssyncset.done $0x0  }
0x102: {  	s0 =	rddreg [dreg:$0x5];
	[sflag:s19] =	ssyncadd.s32 $0xFFFF3800  }
0x103: {  	[tilespmem:s16], [sflag:$0x5] =	stream.linear.gather [hbm4b:s0+s3], $0x190, $0x38;
	[tilespmem:$0x19400] =	vst v63  }
0x104: {  	_ =	swait.ge [sflag:s8], $0x190  }
0x105: {  	[sflag:s8] =	ssyncset.done $0x0  }
0x106: {  	[sflag:s8] =	ssyncadd.s32 $0xFFFFFE70  }
0x107: {  	[tilespmem:s12], [sflag:$0x2] =	stream.indirect.gather [hbm4b:s2+s9], $0x80, s16, s9, $0xb8;
	[tilespmem:$0x19400] =	vst v63  }
0x108: {  	s0 =	rddreg [dreg:$0x6]  }
0x109: {  	[hbm4b:s0+s3] =	stream.linear.scatter [tilespmem:s10], [sflag:$0x3], $0xC800, $0x38;
	[tilespmem:$0x19400] =	vst v63  }
0x10a: {  	_ =	swait.ge [sflag:s15], $0xC800  }
0x10b: {  	[sflag:s15] =	ssyncset.done $0x0  }
0x10c: {  	[sflag:s15] =	ssyncadd.s32 $0xFFFF3800  }
0x10d: {  	_ =	swait.ge [sflag:s7], $0xC800  }
0x10e: {  	[sflag:s7] =	ssyncset.done $0x0  }
0x10f: {  	s0 =	rddreg [dreg:$0x7];
	[sflag:s7] =	ssyncadd.s32 $0xFFFF3800  }
0x110: {  	[tilespmem:s3], [sflag:$0x5] =	stream.linear.gather [hbm4b:s0+s3], $0x190, $0x38;
	[tilespmem:$0x19400] =	vst v63  }
0x111: {  	_ =	swait.ge [sflag:s8], $0x190  }
0x112: {  	[sflag:s8] =	ssyncset.done $0x0  }
0x113: {  	[sflag:s8] =	ssyncadd.s32 $0xFFFFFE70  }
0x114: {  	[tilespmem:s10], [sflag:$0x1] =	stream.indirect.gather [hbm4b:s2+s9], $0x80, s3, s9, $0xb8;
	[tilespmem:$0x19400] =	vst v63  }
0x115: {  	s0 =	rddreg [dreg:$0x8]  }
0x116: {  	[hbm4b:s0+s3] =	stream.linear.scatter [tilespmem:s12], [sflag:$0x4], $0xC800, $0x38;
	[tilespmem:$0x19400] =	vst v63  }
0x117: {  	_ =	swait.ge [sflag:s19], $0xC800  }
0x118: {  	[sflag:s19] =	ssyncset.done $0x0  }
0x119: {  	[sflag:s19] =	ssyncadd.s32 $0xFFFF3800  }
0x11a: {  	_ =	swait.ge [sflag:s13], $0xC800  }
0x11b: {  	[sflag:s13] =	ssyncset.done $0x0  }
0x11c: {  	s0 =	rddreg [dreg:$0x9];
	[sflag:s13] =	ssyncadd.s32 $0xFFFF3800  }
0x11d: {  	[tilespmem:s16], [sflag:$0x5] =	stream.linear.gather [hbm4b:s0+s3], $0x190, $0x38;
	[tilespmem:$0x19400] =	vst v63  }
0x11e: {  	_ =	swait.ge [sflag:s8], $0x190  }
0x11f: {  	[sflag:s8] =	ssyncset.done $0x0  }
0x120: {  	[sflag:s8] =	ssyncadd.s32 $0xFFFFFE70  }
0x121: {  	[tilespmem:s12], [sflag:$0x2] =	stream.indirect.gather [hbm4b:s2+s9], $0x80, s16, s9, $0xb8;
	[tilespmem:$0x19400] =	vst v63  }
0x122: {  	s0 =	rddreg [dreg:$0xa]  }
0x123: {  	[hbm4b:s0+s3] =	stream.linear.scatter [tilespmem:s10], [sflag:$0x3], $0xC800, $0x38;
	[tilespmem:$0x19400] =	vst v63  }
0x124: {  	_ =	swait.ge [sflag:s15], $0xC800  }
0x125: {  	[sflag:s15] =	ssyncset.done $0x0  }
0x126: {  	[sflag:s15] =	ssyncadd.s32 $0xFFFF3800  }
0x127: {  	_ =	swait.ge [sflag:s7], $0xC800  }
0x128: {  	[sflag:s7] =	ssyncset.done $0x0  }
0x129: {  	s0 =	rddreg [dreg:$0xb];
	[sflag:s7] =	ssyncadd.s32 $0xFFFF3800  }
0x12a: {  	[tilespmem:s3], [sflag:$0x5] =	stream.linear.gather [hbm4b:s0+s3], $0x190, $0x38;
	[tilespmem:$0x19400] =	vst v63  }
0x12b: {  	_ =	swait.ge [sflag:s8], $0x190  }
0x12c: {  	[sflag:s8] =	ssyncset.done $0x0  }
0x12d: {  	[sflag:s8] =	ssyncadd.s32 $0xFFFFFE70  }
0x12e: {  	[tilespmem:s10], [sflag:$0x1] =	stream.indirect.gather [hbm4b:s2+s9], $0x80, s3, s9, $0xb8;
	[tilespmem:$0x19400] =	vst v63  }
0x12f: {  	s0 =	rddreg [dreg:$0xc]  }
0x130: {  	[hbm4b:s0+s3] =	stream.linear.scatter [tilespmem:s12], [sflag:$0x4], $0xC800, $0x38;
	[tilespmem:$0x19400] =	vst v63  }
0x131: {  	_ =	swait.ge [sflag:s19], $0xC800  }
0x132: {  	[sflag:s19] =	ssyncset.done $0x0  }
0x133: {  	[sflag:s19] =	ssyncadd.s32 $0xFFFF3800  }
0x134: {  	_ =	swait.ge [sflag:s13], $0xC800  }
0x135: {  	[sflag:s13] =	ssyncset.done $0x0  }
0x136: {  	s0 =	rddreg [dreg:$0xd];
	[sflag:s13] =	ssyncadd.s32 $0xFFFF3800  }
0x137: {  	[tilespmem:s16], [sflag:$0x5] =	stream.linear.gather [hbm4b:s0+s3], $0x190, $0x38;
	[tilespmem:$0x19400] =	vst v63  }
0x138: {  	_ =	swait.ge [sflag:s8], $0x190  }
0x139: {  	[sflag:s8] =	ssyncset.done $0x0  }
0x13a: {  	[sflag:s8] =	ssyncadd.s32 $0xFFFFFE70  }
0x13b: {  	[tilespmem:s12], [sflag:$0x2] =	stream.indirect.gather [hbm4b:s2+s9], $0x80, s16, s9, $0xb8;
	[tilespmem:$0x19400] =	vst v63  }
0x13c: {  	s0 =	rddreg [dreg:$0xe]  }
0x13d: {  	[hbm4b:s0+s3] =	stream.linear.scatter [tilespmem:s10], [sflag:$0x3], $0xC800, $0x38;
	[tilespmem:$0x19400] =	vst v63  }
0x13e: {  	_ =	swait.ge [sflag:s15], $0xC800  }
0x13f: {  	[sflag:s15] =	ssyncset.done $0x0  }
0x140: {  	[sflag:s15] =	ssyncadd.s32 $0xFFFF3800  }
0x141: {  	_ =	swait.ge [sflag:s7], $0xC800  }
0x142: {  	[sflag:s7] =	ssyncset.done $0x0  }
0x143: {  	s0 =	rddreg [dreg:$0xf];
	[sflag:s7] =	ssyncadd.s32 $0xFFFF3800  }
0x144: {  	[tilespmem:s3], [sflag:$0x5] =	stream.linear.gather [hbm4b:s0+s3], $0x190, $0x38;
	[tilespmem:$0x19400] =	vst v63  }
0x145: {  	_ =	swait.ge [sflag:s8], $0x190  }
0x146: {  	[sflag:s8] =	ssyncset.done $0x0  }
0x147: {  	[sflag:s8] =	ssyncadd.s32 $0xFFFFFE70  }
0x148: {  	[tilespmem:s10], [sflag:$0x1] =	stream.indirect.gather [hbm4b:s2+s9], $0x80, s3, s9, $0xb8;
	[tilespmem:$0x19400] =	vst v63  }
0x149: {  	s0 =	rddreg [dreg:$0x10]  }
0x14a: {  	[hbm4b:s0+s3] =	stream.linear.scatter [tilespmem:s12], [sflag:$0x4], $0xC800, $0x38;
	[tilespmem:$0x19400] =	vst v63  }
0x14b: {  	_ =	swait.ge [sflag:s19], $0xC800  }
0x14c: {  	[sflag:s19] =	ssyncset.done $0x0  }
0x14d: {  	[sflag:s19] =	ssyncadd.s32 $0xFFFF3800  }
0x14e: {  	_ =	swait.ge [sflag:s13], $0xC800  }
0x14f: {  	[sflag:s13] =	ssyncset.done $0x0  }
0x150: {  	s0 =	rddreg [dreg:$0x11];
	[sflag:s13] =	ssyncadd.s32 $0xFFFF3800  }
0x151: {  	[tilespmem:s16], [sflag:$0x5] =	stream.linear.gather [hbm4b:s0+s3], $0x190, $0x38;
	[tilespmem:$0x19400] =	vst v63  }
0x152: {  	_ =	swait.ge [sflag:s8], $0x190  }
0x153: {  	[sflag:s8] =	ssyncset.done $0x0  }
0x154: {  	[sflag:s8] =	ssyncadd.s32 $0xFFFFFE70  }
0x155: {  	[tilespmem:s12], [sflag:$0x2] =	stream.indirect.gather [hbm4b:s2+s9], $0x80, s16, s9, $0xb8;
	[tilespmem:$0x19400] =	vst v63  }
0x156: {  	_ = 	snop  }
0x157: {  	[hbm4b:s31+s3] =	stream.linear.scatter [tilespmem:s10], [sflag:$0x3], $0xC800, $0x38;
	[tilespmem:$0x19400] =	vst v63  }
0x158: {  	_ =	swait.ge [sflag:s15], $0xC800  }
0x159: {  	[sflag:s15] =	ssyncset.done $0x0  }
0x15a: {  	[sflag:s15] =	ssyncadd.s32 $0xFFFF3800  }
0x15b: {  	_ =	swait.ge [sflag:s7], $0xC800  }
0x15c: {  	[sflag:s7] =	ssyncset.done $0x0  }
0x15d: {  	[sflag:s7] =	ssyncadd.s32 $0xFFFF3800  }
0x15e: {  	[tilespmem:s3], [sflag:$0x5] =	stream.linear.gather [hbm4b:s30+s3], $0x190, $0x38;
	[tilespmem:$0x19400] =	vst v63  }
0x15f: {  	_ =	swait.ge [sflag:s8], $0x190  }
0x160: {  	[sflag:s8] =	ssyncset.done $0x0  }
0x161: {  	[sflag:s8] =	ssyncadd.s32 $0xFFFFFE70  }
0x162: {  	[tilespmem:s10], [sflag:$0x1] =	stream.indirect.gather [hbm4b:s2+s9], $0x80, s3, s9, $0xb8;
	[tilespmem:$0x19400] =	vst v63  }
0x163: {  	_ = 	snop  }
0x164: {  	[hbm4b:s29+s3] =	stream.linear.scatter [tilespmem:s12], [sflag:$0x4], $0xC800, $0x38;
	[tilespmem:$0x19400] =	vst v63  }
0x165: {  	_ =	swait.ge [sflag:s19], $0xC800  }
0x166: {  	[sflag:s19] =	ssyncset.done $0x0  }
0x167: {  	[sflag:s19] =	ssyncadd.s32 $0xFFFF3800  }
0x168: {  	_ =	swait.ge [sflag:s13], $0xC800  }
0x169: {  	[sflag:s13] =	ssyncset.done $0x0  }
0x16a: {  	[sflag:s13] =	ssyncadd.s32 $0xFFFF3800  }
0x16b: {  	[tilespmem:s16], [sflag:$0x5] =	stream.linear.gather [hbm4b:s28+s3], $0x190, $0x38;
	[tilespmem:$0x19400] =	vst v63  }
0x16c: {  	_ =	swait.ge [sflag:s8], $0x190  }
0x16d: {  	[sflag:s8] =	ssyncset.done $0x0  }
0x16e: {  	[sflag:s8] =	ssyncadd.s32 $0xFFFFFE70  }
0x16f: {  	[tilespmem:s12], [sflag:$0x2] =	stream.indirect.gather [hbm4b:s2+s9], $0x80, s16, s9, $0xb8;
	[tilespmem:$0x19400] =	vst v63  }
0x170: {  	_ = 	snop  }
0x171: {  	[hbm4b:s26+s3] =	stream.linear.scatter [tilespmem:s10], [sflag:$0x3], $0xC800, $0x38;
	[tilespmem:$0x19400] =	vst v63  }
0x172: {  	_ =	swait.ge [sflag:s15], $0xC800  }
0x173: {  	[sflag:s15] =	ssyncset.done $0x0  }
0x174: {  	[sflag:s15] =	ssyncadd.s32 $0xFFFF3800  }
0x175: {  	_ =	swait.ge [sflag:s7], $0xC800  }
0x176: {  	[sflag:s7] =	ssyncset.done $0x0  }
0x177: {  	[sflag:s7] =	ssyncadd.s32 $0xFFFF3800  }
0x178: {  	[tilespmem:s3], [sflag:$0x5] =	stream.linear.gather [hbm4b:s25+s3], $0x190, $0x38;
	[tilespmem:$0x19400] =	vst v63  }
0x179: {  	_ =	swait.ge [sflag:s8], $0x190  }
0x17a: {  	[sflag:s8] =	ssyncset.done $0x0  }
0x17b: {  	[sflag:s8] =	ssyncadd.s32 $0xFFFFFE70  }
0x17c: {  	[tilespmem:s10], [sflag:$0x1] =	stream.indirect.gather [hbm4b:s2+s9], $0x80, s3, s9, $0xb8;
	[tilespmem:$0x19400] =	vst v63  }
0x17d: {  	_ = 	snop  }
0x17e: {  	[hbm4b:s24+s3] =	stream.linear.scatter [tilespmem:s12], [sflag:$0x4], $0xC800, $0x38;
	[tilespmem:$0x19400] =	vst v63  }
0x17f: {  	_ =	swait.ge [sflag:s19], $0xC800  }
0x180: {  	[sflag:s19] =	ssyncset.done $0x0  }
0x181: {  	[sflag:s19] =	ssyncadd.s32 $0xFFFF3800  }
0x182: {  	_ =	swait.ge [sflag:s13], $0xC800  }
0x183: {  	[sflag:s13] =	ssyncset.done $0x0  }
0x184: {  	[sflag:s13] =	ssyncadd.s32 $0xFFFF3800  }
0x185: {  	[tilespmem:s16], [sflag:$0x5] =	stream.linear.gather [hbm4b:s23+s3], $0x190, $0x38;
	[tilespmem:$0x19400] =	vst v63  }
0x186: {  	_ =	swait.ge [sflag:s8], $0x190  }
0x187: {  	[sflag:s8] =	ssyncset.done $0x0  }
0x188: {  	[sflag:s8] =	ssyncadd.s32 $0xFFFFFE70  }
0x189: {  	[tilespmem:s12], [sflag:$0x2] =	stream.indirect.gather [hbm4b:s2+s9], $0x80, s16, s9, $0xb8;
	[tilespmem:$0x19400] =	vst v63  }
0x18a: {  	_ = 	snop  }
0x18b: {  	[hbm4b:s22+s3] =	stream.linear.scatter [tilespmem:s10], [sflag:$0x3], $0xC800, $0x38;
	[tilespmem:$0x19400] =	vst v63  }
0x18c: {  	_ =	swait.ge [sflag:s15], $0xC800  }
0x18d: {  	[sflag:s15] =	ssyncset.done $0x0  }
0x18e: {  	[sflag:s15] =	ssyncadd.s32 $0xFFFF3800  }
0x18f: {  	_ =	swait.ge [sflag:s7], $0xC800  }
0x190: {  	[sflag:s7] =	ssyncset.done $0x0  }
0x191: {  	[sflag:s7] =	ssyncadd.s32 $0xFFFF3800  }
0x192: {  	[tilespmem:s3], [sflag:$0x5] =	stream.linear.gather [hbm4b:s21+s3], $0x190, $0x38;
	[tilespmem:$0x19400] =	vst v63  }
0x193: {  	_ =	swait.ge [sflag:s8], $0x190  }
0x194: {  	[sflag:s8] =	ssyncset.done $0x0  }
0x195: {  	[sflag:s8] =	ssyncadd.s32 $0xFFFFFE70  }
0x196: {  	[tilespmem:s10], [sflag:$0x1] =	stream.indirect.gather [hbm4b:s2+s9], $0x80, s3, s9, $0xb8;
	[tilespmem:$0x19400] =	vst v63  }
0x197: {  	_ = 	snop  }
0x198: {  	[hbm4b:s20+s3] =	stream.linear.scatter [tilespmem:s12], [sflag:$0x4], $0xC800, $0x38;
	[tilespmem:$0x19400] =	vst v63  }
0x199: {  	_ =	swait.ge [sflag:s19], $0xC800  }
0x19a: {  	[sflag:s19] =	ssyncset.done $0x0  }
0x19b: {  	[sflag:s19] =	ssyncadd.s32 $0xFFFF3800  }
0x19c: {  	_ =	swait.ge [sflag:s13], $0xC800  }
0x19d: {  	[sflag:s13] =	ssyncset.done $0x0  }
0x19e: {  	[sflag:s13] =	ssyncadd.s32 $0xFFFF3800  }
0x19f: {  	[tilespmem:s16], [sflag:$0x5] =	stream.linear.gather [hbm4b:s18+s3], $0x190, $0x38;
	[tilespmem:$0x19400] =	vst v63  }
0x1a0: {  	_ =	swait.ge [sflag:s8], $0x190  }
0x1a1: {  	[sflag:s8] =	ssyncset.done $0x0  }
0x1a2: {  	[sflag:s8] =	ssyncadd.s32 $0xFFFFFE70  }
0x1a3: {  	[tilespmem:s12], [sflag:$0x2] =	stream.indirect.gather [hbm4b:s2+s9], $0x80, s16, s9, $0xb8;
	[tilespmem:$0x19400] =	vst v63  }
0x1a4: {  	_ = 	snop  }
0x1a5: {  	[hbm4b:s17+s3] =	stream.linear.scatter [tilespmem:s10], [sflag:$0x3], $0xC800, $0x38;
	[tilespmem:$0x19400] =	vst v63  }
0x1a6: {  	_ =	swait.ge [sflag:s15], $0xC800  }
0x1a7: {  	[sflag:s15] =	ssyncset.done $0x0  }
0x1a8: {  	[sflag:s15] =	ssyncadd.s32 $0xFFFF3800  }
0x1a9: {  	_ =	swait.ge [sflag:s7], $0xC800  }
0x1aa: {  	[sflag:s7] =	ssyncset.done $0x0  }
0x1ab: {  	[sflag:s7] =	ssyncadd.s32 $0xFFFF3800  }
0x1ac: {  	[tilespmem:s3], [sflag:$0x5] =	stream.linear.gather [hbm4b:s14+s3], $0x190, $0x38;
	[tilespmem:$0x19400] =	vst v63  }
0x1ad: {  	_ =	swait.ge [sflag:s8], $0x190  }
0x1ae: {  	[sflag:s8] =	ssyncset.done $0x0  }
0x1af: {  	[sflag:s8] =	ssyncadd.s32 $0xFFFFFE70  }
0x1b0: {  	[tilespmem:s10], [sflag:$0x1] =	stream.indirect.gather [hbm4b:s2+s9], $0x80, s3, s9, $0xb8;
	[tilespmem:$0x19400] =	vst v63  }
0x1b1: {  	_ = 	snop  }
0x1b2: {  	[hbm4b:s11+s3] =	stream.linear.scatter [tilespmem:s12], [sflag:$0x4], $0xC800, $0x38;
	[tilespmem:$0x19400] =	vst v63  }
0x1b3: {  	_ =	swait.ge [sflag:s19], $0xC800  }
0x1b4: {  	[sflag:s19] =	ssyncset.done $0x0  }
0x1b5: {  	[sflag:s19] =	ssyncadd.s32 $0xFFFF3800  }
0x1b6: {  	_ =	swait.ge [sflag:s13], $0xC800  }
0x1b7: {  	[sflag:s13] =	ssyncset.done $0x0  }
0x1b8: {  	[sflag:s13] =	ssyncadd.s32 $0xFFFF3800  }
0x1b9: {  	[tilespmem:s16], [sflag:$0x5] =	stream.linear.gather [hbm4b:s6+s3], $0x190, $0x38;
	[tilespmem:$0x19400] =	vst v63  }
0x1ba: {  	_ =	swait.ge [sflag:s8], $0x190  }
0x1bb: {  	[sflag:s8] =	ssyncset.done $0x0  }
0x1bc: {  	[sflag:s8] =	ssyncadd.s32 $0xFFFFFE70  }
0x1bd: {  	[tilespmem:s12], [sflag:$0x2] =	stream.indirect.gather [hbm4b:s2+s9], $0x80, s16, s9, $0xb8;
	[tilespmem:$0x19400] =	vst v63  }
0x1be: {  	_ = 	snop  }
0x1bf: {  	[hbm4b:s5+s3] =	stream.linear.scatter [tilespmem:s10], [sflag:$0x3], $0xC800, $0x38;
	[tilespmem:$0x19400] =	vst v63  }
0x1c0: {  	_ =	swait.ge [sflag:s15], $0xC800  }
0x1c1: {  	[sflag:s15] =	ssyncset.done $0x0  }
0x1c2: {  	p1 =	sne.s32 s1, $0x1;
	[sflag:s15] =	ssyncadd.s32 $0xFFFF3800  }
0x1c3: {  	[hbm4b:s4+s3] =	stream.linear.scatter [tilespmem:s12], [sflag:$0x4], $0xC800, $0x38;
	[tilespmem:$0x19400] =	vst v63  }
.Ltmp2:
0x1c4: {  	_ =	swait.ge [sflag:s13], $0xC800;
	(pc) =	sbr.rel @p1 .LBB2_2-.Ltmp2, $4  }
0x1c5: {  	[sflag:s13] =	ssyncset.done $0x0  }
0x1c6: {  	[sflag:s13] =	ssyncadd.s32 $0xFFFF3800  }
0x1c7: {  	_ =	swait.ge [sflag:s7], $0xC800  }
0x1c8: {  	s1 =	sadd.s32 $0xFFFFFFFF, s1;
	s0 =	rddreg [dreg:$0x4];
	[sflag:s7] =	ssyncset.done $0x0  }
.LBB2_3:
0x1c9: {  	[sflag:s7] =	ssyncadd.s32 @p0 $0xFFFF3800  }
0x1ca: {  	[tilespmem:s3], [sflag:$0x5] =	stream.linear.gather [hbm4b:s0+s3], $0x190, $0x38;
	[tilespmem:$0x19400] =	vst v63  }
0x1cb: {  	_ =	swait.ge [sflag:s8], $0x190  }
0x1cc: {  	[sflag:s8] =	ssyncset.done $0x0  }
0x1cd: {  	[sflag:s8] =	ssyncadd.s32 $0xFFFFFE70  }
0x1ce: {  	[tilespmem:s10], [sflag:$0x1] =	stream.indirect.gather [hbm4b:s2+s9], $0x80, s3, s9, $0xb8;
	[tilespmem:$0x19400] =	vst v63  }
0x1cf: {  	_ =	swait.ge [sflag:s19], $0xC800  }
0x1d0: {  	[sflag:s19] =	ssyncset.done $0x0  }
0x1d1: {  	s1 =	rddreg [dreg:$0x5];
	[sflag:s19] =	ssyncadd.s32 $0xFFFF3800  }
0x1d2: {  	[tilespmem:s16], [sflag:$0x5] =	stream.linear.gather [hbm4b:s1+s3], $0x190, $0x38;
	[tilespmem:$0x19400] =	vst v63  }
0x1d3: {  	_ =	swait.ge [sflag:s8], $0x190  }
0x1d4: {  	[sflag:s8] =	ssyncset.done $0x0  }
0x1d5: {  	[sflag:s8] =	ssyncadd.s32 $0xFFFFFE70  }
0x1d6: {  	[tilespmem:s12], [sflag:$0x2] =	stream.indirect.gather [hbm4b:s2+s9], $0x80, s16, s9, $0xb8;
	[tilespmem:$0x19400] =	vst v63  }
0x1d7: {  	s1 =	rddreg [dreg:$0x6]  }
0x1d8: {  	[hbm4b:s1+s3] =	stream.linear.scatter [tilespmem:s10], [sflag:$0x3], $0xC800, $0x38;
	[tilespmem:$0x19400] =	vst v63  }
0x1d9: {  	_ =	swait.ge [sflag:s15], $0xC800  }
0x1da: {  	[sflag:s15] =	ssyncset.done $0x0  }
0x1db: {  	[sflag:s15] =	ssyncadd.s32 $0xFFFF3800  }
0x1dc: {  	_ =	swait.ge [sflag:s7], $0xC800  }
0x1dd: {  	[sflag:s7] =	ssyncset.done $0x0  }
0x1de: {  	s1 =	rddreg [dreg:$0x7];
	[sflag:s7] =	ssyncadd.s32 $0xFFFF3800  }
0x1df: {  	[tilespmem:s3], [sflag:$0x5] =	stream.linear.gather [hbm4b:s1+s3], $0x190, $0x38;
	[tilespmem:$0x19400] =	vst v63  }
0x1e0: {  	_ =	swait.ge [sflag:s8], $0x190  }
0x1e1: {  	[sflag:s8] =	ssyncset.done $0x0  }
0x1e2: {  	[sflag:s8] =	ssyncadd.s32 $0xFFFFFE70  }
0x1e3: {  	[tilespmem:s10], [sflag:$0x1] =	stream.indirect.gather [hbm4b:s2+s9], $0x80, s3, s9, $0xb8;
	[tilespmem:$0x19400] =	vst v63  }
0x1e4: {  	s1 =	rddreg [dreg:$0x8]  }
0x1e5: {  	[hbm4b:s1+s3] =	stream.linear.scatter [tilespmem:s12], [sflag:$0x4], $0xC800, $0x38;
	[tilespmem:$0x19400] =	vst v63  }
0x1e6: {  	_ =	swait.ge [sflag:s19], $0xC800  }
0x1e7: {  	[sflag:s19] =	ssyncset.done $0x0  }
0x1e8: {  	[sflag:s19] =	ssyncadd.s32 $0xFFFF3800  }
0x1e9: {  	_ =	swait.ge [sflag:s13], $0xC800  }
0x1ea: {  	[sflag:s13] =	ssyncset.done $0x0  }
0x1eb: {  	s1 =	rddreg [dreg:$0x9];
	[sflag:s13] =	ssyncadd.s32 $0xFFFF3800  }
0x1ec: {  	[tilespmem:s16], [sflag:$0x5] =	stream.linear.gather [hbm4b:s1+s3], $0x190, $0x38;
	[tilespmem:$0x19400] =	vst v63  }
0x1ed: {  	_ =	swait.ge [sflag:s8], $0x190  }
0x1ee: {  	[sflag:s8] =	ssyncset.done $0x0  }
0x1ef: {  	[sflag:s8] =	ssyncadd.s32 $0xFFFFFE70  }
0x1f0: {  	[tilespmem:s12], [sflag:$0x2] =	stream.indirect.gather [hbm4b:s2+s9], $0x80, s16, s9, $0xb8;
	[tilespmem:$0x19400] =	vst v63  }
0x1f1: {  	s1 =	rddreg [dreg:$0xa]  }
0x1f2: {  	[hbm4b:s1+s3] =	stream.linear.scatter [tilespmem:s10], [sflag:$0x3], $0xC800, $0x38;
	[tilespmem:$0x19400] =	vst v63  }
0x1f3: {  	_ =	swait.ge [sflag:s15], $0xC800  }
0x1f4: {  	[sflag:s15] =	ssyncset.done $0x0  }
0x1f5: {  	[sflag:s15] =	ssyncadd.s32 $0xFFFF3800  }
0x1f6: {  	_ =	swait.ge [sflag:s7], $0xC800  }
0x1f7: {  	[sflag:s7] =	ssyncset.done $0x0  }
0x1f8: {  	s1 =	rddreg [dreg:$0xb];
	[sflag:s7] =	ssyncadd.s32 $0xFFFF3800  }
0x1f9: {  	[tilespmem:s3], [sflag:$0x5] =	stream.linear.gather [hbm4b:s1+s3], $0x190, $0x38;
	[tilespmem:$0x19400] =	vst v63  }
0x1fa: {  	_ =	swait.ge [sflag:s8], $0x190  }
0x1fb: {  	[sflag:s8] =	ssyncset.done $0x0  }
0x1fc: {  	[sflag:s8] =	ssyncadd.s32 $0xFFFFFE70  }
0x1fd: {  	[tilespmem:s10], [sflag:$0x1] =	stream.indirect.gather [hbm4b:s2+s9], $0x80, s3, s9, $0xb8;
	[tilespmem:$0x19400] =	vst v63  }
0x1fe: {  	s1 =	rddreg [dreg:$0xc]  }
0x1ff: {  	[hbm4b:s1+s3] =	stream.linear.scatter [tilespmem:s12], [sflag:$0x4], $0xC800, $0x38;
	[tilespmem:$0x19400] =	vst v63  }
0x200: {  	_ =	swait.ge [sflag:s19], $0xC800  }
0x201: {  	[sflag:s19] =	ssyncset.done $0x0  }
0x202: {  	[sflag:s19] =	ssyncadd.s32 $0xFFFF3800  }
0x203: {  	_ =	swait.ge [sflag:s13], $0xC800  }
0x204: {  	[sflag:s13] =	ssyncset.done $0x0  }
0x205: {  	s1 =	rddreg [dreg:$0xd];
	[sflag:s13] =	ssyncadd.s32 $0xFFFF3800  }
0x206: {  	[tilespmem:s16], [sflag:$0x5] =	stream.linear.gather [hbm4b:s1+s3], $0x190, $0x38;
	[tilespmem:$0x19400] =	vst v63  }
0x207: {  	_ =	swait.ge [sflag:s8], $0x190  }
0x208: {  	[sflag:s8] =	ssyncset.done $0x0  }
0x209: {  	[sflag:s8] =	ssyncadd.s32 $0xFFFFFE70  }
0x20a: {  	[tilespmem:s12], [sflag:$0x2] =	stream.indirect.gather [hbm4b:s2+s9], $0x80, s16, s9, $0xb8;
	[tilespmem:$0x19400] =	vst v63  }
0x20b: {  	s1 =	rddreg [dreg:$0xe]  }
0x20c: {  	[hbm4b:s1+s3] =	stream.linear.scatter [tilespmem:s10], [sflag:$0x3], $0xC800, $0x38;
	[tilespmem:$0x19400] =	vst v63  }
0x20d: {  	_ =	swait.ge [sflag:s15], $0xC800  }
0x20e: {  	[sflag:s15] =	ssyncset.done $0x0  }
0x20f: {  	[sflag:s15] =	ssyncadd.s32 $0xFFFF3800  }
0x210: {  	_ =	swait.ge [sflag:s7], $0xC800  }
0x211: {  	[sflag:s7] =	ssyncset.done $0x0  }
0x212: {  	s1 =	rddreg [dreg:$0xf];
	[sflag:s7] =	ssyncadd.s32 $0xFFFF3800  }
0x213: {  	[tilespmem:s3], [sflag:$0x5] =	stream.linear.gather [hbm4b:s1+s3], $0x190, $0x38;
	[tilespmem:$0x19400] =	vst v63  }
0x214: {  	_ =	swait.ge [sflag:s8], $0x190  }
0x215: {  	[sflag:s8] =	ssyncset.done $0x0  }
0x216: {  	[sflag:s8] =	ssyncadd.s32 $0xFFFFFE70  }
0x217: {  	[tilespmem:s10], [sflag:$0x1] =	stream.indirect.gather [hbm4b:s2+s9], $0x80, s3, s9, $0xb8;
	[tilespmem:$0x19400] =	vst v63  }
0x218: {  	s1 =	rddreg [dreg:$0x10]  }
0x219: {  	[hbm4b:s1+s3] =	stream.linear.scatter [tilespmem:s12], [sflag:$0x4], $0xC800, $0x38;
	[tilespmem:$0x19400] =	vst v63  }
0x21a: {  	_ =	swait.ge [sflag:s19], $0xC800  }
0x21b: {  	[sflag:s19] =	ssyncset.done $0x0  }
0x21c: {  	[sflag:s19] =	ssyncadd.s32 $0xFFFF3800  }
0x21d: {  	_ =	swait.ge [sflag:s13], $0xC800  }
0x21e: {  	[sflag:s13] =	ssyncset.done $0x0  }
0x21f: {  	s1 =	rddreg [dreg:$0x11];
	[sflag:s13] =	ssyncadd.s32 $0xFFFF3800  }
0x220: {  	[tilespmem:s16], [sflag:$0x5] =	stream.linear.gather [hbm4b:s1+s3], $0x190, $0x38;
	[tilespmem:$0x19400] =	vst v63  }
0x221: {  	_ =	swait.ge [sflag:s8], $0x190  }
0x222: {  	[sflag:s8] =	ssyncset.done $0x0  }
0x223: {  	[sflag:s8] =	ssyncadd.s32 $0xFFFFFE70  }
0x224: {  	[tilespmem:s12], [sflag:$0x2] =	stream.indirect.gather [hbm4b:s2+s9], $0x80, s16, s9, $0xb8;
	[tilespmem:$0x19400] =	vst v63  }
0x225: {  	_ = 	snop  }
0x226: {  	[hbm4b:s31+s3] =	stream.linear.scatter [tilespmem:s10], [sflag:$0x3], $0xC800, $0x38;
	[tilespmem:$0x19400] =	vst v63  }
0x227: {  	_ =	swait.ge [sflag:s15], $0xC800  }
0x228: {  	[sflag:s15] =	ssyncset.done $0x0  }
0x229: {  	[sflag:s15] =	ssyncadd.s32 $0xFFFF3800  }
0x22a: {  	_ =	swait.ge [sflag:s7], $0xC800  }
0x22b: {  	[sflag:s7] =	ssyncset.done $0x0  }
0x22c: {  	[sflag:s7] =	ssyncadd.s32 $0xFFFF3800  }
0x22d: {  	[tilespmem:s3], [sflag:$0x5] =	stream.linear.gather [hbm4b:s30+s3], $0x190, $0x38;
	[tilespmem:$0x19400] =	vst v63  }
0x22e: {  	_ =	swait.ge [sflag:s8], $0x190  }
0x22f: {  	[sflag:s8] =	ssyncset.done $0x0  }
0x230: {  	[sflag:s8] =	ssyncadd.s32 $0xFFFFFE70  }
0x231: {  	[tilespmem:s10], [sflag:$0x1] =	stream.indirect.gather [hbm4b:s2+s9], $0x80, s3, s9, $0xb8;
	[tilespmem:$0x19400] =	vst v63  }
0x232: {  	_ = 	snop  }
0x233: {  	[hbm4b:s29+s3] =	stream.linear.scatter [tilespmem:s12], [sflag:$0x4], $0xC800, $0x38;
	[tilespmem:$0x19400] =	vst v63  }
0x234: {  	_ =	swait.ge [sflag:s19], $0xC800  }
0x235: {  	[sflag:s19] =	ssyncset.done $0x0  }
0x236: {  	[sflag:s19] =	ssyncadd.s32 $0xFFFF3800  }
0x237: {  	_ =	swait.ge [sflag:s13], $0xC800  }
0x238: {  	[sflag:s13] =	ssyncset.done $0x0  }
0x239: {  	[sflag:s13] =	ssyncadd.s32 $0xFFFF3800  }
0x23a: {  	[tilespmem:s16], [sflag:$0x5] =	stream.linear.gather [hbm4b:s28+s3], $0x190, $0x38;
	[tilespmem:$0x19400] =	vst v63  }
0x23b: {  	_ =	swait.ge [sflag:s8], $0x190  }
0x23c: {  	[sflag:s8] =	ssyncset.done $0x0  }
0x23d: {  	[sflag:s8] =	ssyncadd.s32 $0xFFFFFE70  }
0x23e: {  	[tilespmem:s12], [sflag:$0x2] =	stream.indirect.gather [hbm4b:s2+s9], $0x80, s16, s9, $0xb8;
	[tilespmem:$0x19400] =	vst v63  }
0x23f: {  	_ = 	snop  }
0x240: {  	[hbm4b:s26+s3] =	stream.linear.scatter [tilespmem:s10], [sflag:$0x3], $0xC800, $0x38;
	[tilespmem:$0x19400] =	vst v63  }
0x241: {  	_ =	swait.ge [sflag:s15], $0xC800  }
0x242: {  	[sflag:s15] =	ssyncset.done $0x0  }
0x243: {  	[sflag:s15] =	ssyncadd.s32 $0xFFFF3800  }
0x244: {  	_ =	swait.ge [sflag:s7], $0xC800  }
0x245: {  	[sflag:s7] =	ssyncset.done $0x0  }
0x246: {  	[sflag:s7] =	ssyncadd.s32 $0xFFFF3800  }
0x247: {  	[tilespmem:s3], [sflag:$0x5] =	stream.linear.gather [hbm4b:s25+s3], $0x190, $0x38;
	[tilespmem:$0x19400] =	vst v63  }
0x248: {  	_ =	swait.ge [sflag:s8], $0x190  }
0x249: {  	[sflag:s8] =	ssyncset.done $0x0  }
0x24a: {  	[sflag:s8] =	ssyncadd.s32 $0xFFFFFE70  }
0x24b: {  	[tilespmem:s10], [sflag:$0x1] =	stream.indirect.gather [hbm4b:s2+s9], $0x80, s3, s9, $0xb8;
	[tilespmem:$0x19400] =	vst v63  }
0x24c: {  	_ = 	snop  }
0x24d: {  	[hbm4b:s24+s3] =	stream.linear.scatter [tilespmem:s12], [sflag:$0x4], $0xC800, $0x38;
	[tilespmem:$0x19400] =	vst v63  }
0x24e: {  	_ =	swait.ge [sflag:s19], $0xC800  }
0x24f: {  	[sflag:s19] =	ssyncset.done $0x0  }
0x250: {  	[sflag:s19] =	ssyncadd.s32 $0xFFFF3800  }
0x251: {  	_ =	swait.ge [sflag:s13], $0xC800  }
0x252: {  	[sflag:s13] =	ssyncset.done $0x0  }
0x253: {  	[sflag:s13] =	ssyncadd.s32 $0xFFFF3800  }
0x254: {  	[tilespmem:s16], [sflag:$0x5] =	stream.linear.gather [hbm4b:s23+s3], $0x190, $0x38;
	[tilespmem:$0x19400] =	vst v63  }
0x255: {  	_ =	swait.ge [sflag:s8], $0x190  }
0x256: {  	[sflag:s8] =	ssyncset.done $0x0  }
0x257: {  	[sflag:s8] =	ssyncadd.s32 $0xFFFFFE70  }
0x258: {  	[tilespmem:s12], [sflag:$0x2] =	stream.indirect.gather [hbm4b:s2+s9], $0x80, s16, s9, $0xb8;
	[tilespmem:$0x19400] =	vst v63  }
0x259: {  	_ = 	snop  }
0x25a: {  	[hbm4b:s22+s3] =	stream.linear.scatter [tilespmem:s10], [sflag:$0x3], $0xC800, $0x38;
	[tilespmem:$0x19400] =	vst v63  }
0x25b: {  	_ =	swait.ge [sflag:s15], $0xC800  }
0x25c: {  	[sflag:s15] =	ssyncset.done $0x0  }
0x25d: {  	[sflag:s15] =	ssyncadd.s32 $0xFFFF3800  }
0x25e: {  	_ =	swait.ge [sflag:s7], $0xC800  }
0x25f: {  	[sflag:s7] =	ssyncset.done $0x0  }
0x260: {  	[sflag:s7] =	ssyncadd.s32 $0xFFFF3800  }
0x261: {  	[tilespmem:s3], [sflag:$0x5] =	stream.linear.gather [hbm4b:s21+s3], $0x190, $0x38;
	[tilespmem:$0x19400] =	vst v63  }
0x262: {  	_ =	swait.ge [sflag:s8], $0x190  }
0x263: {  	[sflag:s8] =	ssyncset.done $0x0  }
0x264: {  	[sflag:s8] =	ssyncadd.s32 $0xFFFFFE70  }
0x265: {  	[tilespmem:s10], [sflag:$0x1] =	stream.indirect.gather [hbm4b:s2+s9], $0x80, s3, s9, $0xb8;
	[tilespmem:$0x19400] =	vst v63  }
0x266: {  	_ = 	snop  }
0x267: {  	[hbm4b:s20+s3] =	stream.linear.scatter [tilespmem:s12], [sflag:$0x4], $0xC800, $0x38;
	[tilespmem:$0x19400] =	vst v63  }
0x268: {  	_ =	swait.ge [sflag:s19], $0xC800  }
0x269: {  	[sflag:s19] =	ssyncset.done $0x0  }
0x26a: {  	[sflag:s19] =	ssyncadd.s32 $0xFFFF3800  }
0x26b: {  	_ =	swait.ge [sflag:s13], $0xC800  }
0x26c: {  	[sflag:s13] =	ssyncset.done $0x0  }
0x26d: {  	[sflag:s13] =	ssyncadd.s32 $0xFFFF3800  }
0x26e: {  	[tilespmem:s16], [sflag:$0x5] =	stream.linear.gather [hbm4b:s18+s3], $0x190, $0x38;
	[tilespmem:$0x19400] =	vst v63  }
0x26f: {  	_ =	swait.ge [sflag:s8], $0x190  }
0x270: {  	[sflag:s8] =	ssyncset.done $0x0  }
0x271: {  	[sflag:s8] =	ssyncadd.s32 $0xFFFFFE70  }
0x272: {  	[tilespmem:s12], [sflag:$0x2] =	stream.indirect.gather [hbm4b:s2+s9], $0x80, s16, s9, $0xb8;
	[tilespmem:$0x19400] =	vst v63  }
0x273: {  	_ = 	snop  }
0x274: {  	[hbm4b:s17+s3] =	stream.linear.scatter [tilespmem:s10], [sflag:$0x3], $0xC800, $0x38;
	[tilespmem:$0x19400] =	vst v63  }
0x275: {  	_ =	swait.ge [sflag:s15], $0xC800  }
0x276: {  	[sflag:s15] =	ssyncset.done $0x0  }
0x277: {  	[sflag:s15] =	ssyncadd.s32 $0xFFFF3800  }
0x278: {  	_ =	swait.ge [sflag:s7], $0xC800  }
0x279: {  	[sflag:s7] =	ssyncset.done $0x0  }
0x27a: {  	[sflag:s7] =	ssyncadd.s32 $0xFFFF3800  }
0x27b: {  	[tilespmem:s3], [sflag:$0x5] =	stream.linear.gather [hbm4b:s14+s3], $0x190, $0x38;
	[tilespmem:$0x19400] =	vst v63  }
0x27c: {  	_ =	swait.ge [sflag:s8], $0x190  }
0x27d: {  	[sflag:s8] =	ssyncset.done $0x0  }
0x27e: {  	[sflag:s8] =	ssyncadd.s32 $0xFFFFFE70  }
0x27f: {  	[tilespmem:s10], [sflag:$0x1] =	stream.indirect.gather [hbm4b:s2+s9], $0x80, s3, s9, $0xb8;
	[tilespmem:$0x19400] =	vst v63  }
0x280: {  	_ = 	snop  }
0x281: {  	[hbm4b:s11+s3] =	stream.linear.scatter [tilespmem:s12], [sflag:$0x4], $0xC800, $0x38;
	[tilespmem:$0x19400] =	vst v63  }
0x282: {  	_ =	swait.ge [sflag:s19], $0xC800  }
0x283: {  	[sflag:s19] =	ssyncset.done $0x0  }
0x284: {  	[sflag:s19] =	ssyncadd.s32 $0xFFFF3800  }
0x285: {  	_ =	swait.ge [sflag:s13], $0xC800  }
0x286: {  	[sflag:s13] =	ssyncset.done $0x0  }
0x287: {  	[sflag:s13] =	ssyncadd.s32 $0xFFFF3800  }
0x288: {  	[tilespmem:s16], [sflag:$0x5] =	stream.linear.gather [hbm4b:s6+s3], $0x190, $0x38;
	[tilespmem:$0x19400] =	vst v63  }
0x289: {  	_ =	swait.ge [sflag:s8], $0x190  }
0x28a: {  	[sflag:s8] =	ssyncset.done $0x0  }
0x28b: {  	[sflag:s8] =	ssyncadd.s32 $0xFFFFFE70  }
0x28c: {  	[tilespmem:s12], [sflag:$0x2] =	stream.indirect.gather [hbm4b:s2+s9], $0x80, s16, s9, $0xb8;
	[tilespmem:$0x19400] =	vst v63  }
0x28d: {  	_ = 	snop  }
0x28e: {  	[hbm4b:s5+s3] =	stream.linear.scatter [tilespmem:s10], [sflag:$0x3], $0xC800, $0x38;
	[tilespmem:$0x19400] =	vst v63  }
0x28f: {  	_ =	swait.ge [sflag:s15], $0xC800  }
0x290: {  	[sflag:s15] =	ssyncset.done $0x0  }
0x291: {  	[sflag:s15] =	ssyncadd.s32 $0xFFFF3800  }
0x292: {  	[hbm4b:s4+s3] =	stream.linear.scatter [tilespmem:s12], [sflag:$0x4], $0xC800, $0x38;
	[tilespmem:$0x19400] =	vst v63  }
0x293: {  	_ =	swait.ge [sflag:s13], $0xC800  }
0x294: {  	[sflag:s13] =	ssyncset.done $0x0  }
0x295: {  	[sflag:s13] =	ssyncadd.s32 $0xFFFF3800  }
0x296: {  	_ =	swait.ge [sflag:s7], $0xC800  }
0x297: {  	[sflag:s7] =	ssyncset.done $0x0  }
0x298: {  	[sflag:s7] =	ssyncadd.s32 $0xFFFF3800  }
0x299: {  	_ =	sfence.sel $0x180000  }
0x29a: {  	[bflag:$0x0] =	sbarrier.arrive $0xFFFF  }
0x29b: {  	_ =	strace $0x9000004A  }
0x29c: {  	s31 =	stileid.u32;
	[bflag:$0x2] =	sbarrier.arrive $0xFFFF  }
0x29d: {  	p0 =	sne.s32 s31, $0x0;
	s0 =	rddreg [dreg:$0x3]  }
0x29e: {  	s0 =	sadd.s32 @!p0 $0x100000, s0  }
0x29f: {  	[sflag:s0] =	ssyncadd.tile.s32 @!p0 $0x1;
	_ =	shalt  }
.Lfunc_end2:
_tile_overlayer_lowered:
.L_overlay_start_2:
0x2a0: {  	(tag) =	ssettag $0x2  }
0x2a1: {  	s0 =	rddreg [dreg:$0x0];
	s2 =	stileid.u32  }
0x2a2: {  	s1 =	rddreg [dreg:$0x1];
	p0 =	sne.s32 s2, $0x0  }
0x2a3: {  	s3 =	rddreg [dreg:$0x2];
	[bflag:$0x3] =	sbarrier.arrive $0xFFFF;
	s2 =	simm.s32 @!p0 $0x1C05  }
0x2a4: {  	[timem:s3], [sflag:s2] =	dma.local @!p0 [hbm:s0], s1  }
0x2a5: {  	s0 =	simm.s32 @!p0 $0x5  }
0x2a6: {  	_ =	swait.ge @!p0 [sflag:s0], s1  }
0x2a7: {  	s1 =	ssub.s32 @!p0 $0x0, s1;
	[sflag:s0] =	ssyncset.done @!p0 $0x0  }
0x2a8: {  	[sflag:s0] =	ssyncadd.s32 @!p0 s1  }
0x2a9: {  	[bflag:$0x3] =	sbarrier.arrive $0xFFFF  }
0x2aa: {  	_ =	shalt  }

// kernel: kernel.9.cloned.1.call-start
scs
__scs_entry_jumppad:
0x0: {  	(pc) =	sbr.rel $0x88, $3  }
0x1: {  	(tag) =	ssettag $0x0;
	lr =	simm.s32 $0x1  }
0x2: {  	[smem:$0x3F9A] =	sst lr;
	_ =	strace $0xD0000000  }
0x3: {  	_ = 	snop  }
0x4: {  	_ = 	snop  }
0x5: {  	_ = 	snop  }
0x6: {  	_ = 	snop  }
0x7: {  	_ = 	snop  }
__scs_overlays_trampoline_lowered:
0x8: {  	[smem:$0x3FA9] =	sst s0  }
0x9: {  	[smem:$0x3FAA] =	sst s1  }
0xa: {  	[smem:$0x3FAB] =	sst s2  }
0xb: {  	[smem:$0x3FAC] =	sst s3  }
0xc: {  	[smem:$0x3FAD] =	sst s4  }
0xd: {  	[smem:$0x3FAE] =	sst s5  }
0xe: {  	[smem:$0x3FAF] =	sst s6  }
0xf: {  	[smem:$0x3FB0] =	sst s7  }
0x10: {  	[smem:$0x3FB1] =	sst s8  }
0x11: {  	[smem:$0x3FB2] =	sst s9;
	s0 =	simm.s32 @!p0 $0x0  }
0x12: {  	s1 =	sld [smem:$0x3F98];
	s0 =	simm.s32 @p0 $0x1  }
0x13: {  	[smem:$0x3FB3] =	sst s0;
	s0 =	simm.s32 @!p1 $0x0  }
0x14: {  	s2 =	sld [smem:$0x3F97];
	s0 =	simm.s32 @p1 $0x1  }
0x15: {  	[smem:$0x3FB4] =	sst s0;
	s0 =	simm.s32 @!p2 $0x0  }
0x16: {  	s3 =	sld [smem:$0x3FDB];
	s0 =	simm.s32 @p2 $0x1  }
0x17: {  	s4 =	simm.s32 $0x1BF5;
	[smem:$0x3FB6] =	sst s0  }
0x18: {  	s0 =	sld [smem:$0x3F99];
	_ =	swait.ge [sflag:s4], $0x0  }
0x19: {  	s7 =	sld [smem:$0x3F9A]  }
0x1a: {  	s8 =	sadd.s32 $0xFFFFE003, lr  }
0x1b: {  	s9 =	sadd.s32 $0xFFFFFEF7, lr;
	s5 =	simm.s32 $0xFFFFFFFF;
	p2 =	slt.u32 s8, $0xFFFFF086  }
0x1c: {  	p1 =	slt.u32 s9, $0xF7A;
	s5 =	simm.s32 @!p2 $0x0  }
0x1d: {  	s5 =	simm.s32 @p1 $0x1;
	p0 =	seq.s32 s7, s2  }
0x1e: {  	s7 =	smul.u32 @!p0 $0xF7A, s2;
	p2 =	seq.s32 @!p0 s5, $0x0  }
0x1f: {  	s9 =	smul.u32 $0xF7A, s1;
	s8 =	simm.s32 @!p0 $0x1BF5;
	p2 =	por !p2, p0  }
0x20: {  	[sflag:s8] =	ssyncset.s32 @!p0 $0xFFFFF086;
	s6 =	sadd.s32 @!p0 s3, s7;
	s7 =	simm.s32 @!p0 $0x108  }
0x21: {  	s3 =	sadd.s32 s3, s9;
	s6 =	sadd.s32 @!p0 $0x88, s6;
	s7 =	simm.s32 @p2 $0x1082  }
0x22: {  	[simem:s7], [sflag:s8] =	dma.local @!p0 [hbm:s6], $0xF7A  }
0x23: {  	s9 =	sor.u32 $0xD0000000, s2;
	s6 =	simm.s32 $0x108;
	_ =	swait.ge @!p0 [sflag:s8], $0x0  }
0x24: {  	s3 =	sadd.s32 $0x88, s3;
	s6 =	simm.s32 @!p1 $0x1082;
	[sflag:s4] =	ssyncset.s32 $0xFFFFF086  }
0x25: {  	[simem:s6], [sflag:s4] =	dma.local [hbm:s3], $0xF7A  }
0x26: {  	[smem:$0x3F9A] =	sst s1;
	(tag) =	ssettag s2;
	_ =	strace s9  }
0x27: {  	s1 =	sld [smem:$0x3FAA]  }
0x28: {  	s2 =	sld [smem:$0x3FAB]  }
0x29: {  	s4 =	sld [smem:$0x3FAD]  }
0x2a: {  	p0 =	seq.s32 s5, $0x0;
	s5 =	sld [smem:$0x3FAE]  }
0x2b: {  	s6 =	sld [smem:$0x3FAF]  }
0x2c: {  	s7 =	sld [smem:$0x3FB0]  }
0x2d: {  	s3 =	simm.s32 $0x108;
	s8 =	sld [smem:$0x3FB1]  }
0x2e: {  	s3 =	simm.s32 @!p0 $0x1082;
	s9 =	sld [smem:$0x3FB2]  }
0x2f: {  	lr =	sadd.s32 s0, s3;
	s0 =	sld [smem:$0x3FA9]  }
0x30: {  	s3 =	sld [smem:$0x3FAC]  }
0x31: {  	[smem:$0x3FB5] =	sst s10  }
0x32: {  	s10 =	sld [smem:$0x3FB3];
	_ =	sdelay $0x3  }
0x33: {  	p0 =	seq.s32 s10, $0x1;
	s10 =	sld [smem:$0x3FB5];
	_ =	sdelay $0x3  }
0x34: {  	[smem:$0x3FB5] =	sst s10  }
0x35: {  	s10 =	sld [smem:$0x3FB4];
	_ =	sdelay $0x3  }
0x36: {  	p1 =	seq.s32 s10, $0x1;
	s10 =	sld [smem:$0x3FB5];
	_ =	sdelay $0x3  }
0x37: {  	[smem:$0x3FB5] =	sst s10  }
0x38: {  	s10 =	sld [smem:$0x3FB6]  }
0x39: {  	_ = 	snop;
	(pc) =	sbr.ind lr, $3  }
0x3a: {  	_ = 	snop  }
0x3b: {  	_ = 	snop  }
0x3c: {  	p2 =	seq.s32 s10, $0x1;
	s10 =	sld [smem:$0x3FB5]  }
0x3d: {  	_ =	shalt  }
0x3e: {  	_ =	shalt  }
0x3f: {  	_ =	shalt  }
0x40: {  	_ =	shalt  }
0x41: {  	_ =	shalt  }
0x42: {  	_ =	shalt  }
0x43: {  	_ =	shalt  }
0x44: {  	_ =	shalt  }
0x45: {  	_ =	shalt  }
0x46: {  	_ =	shalt  }
0x47: {  	_ =	shalt  }
0x48: {  	_ =	shalt  }
0x49: {  	_ =	shalt  }
0x4a: {  	_ =	shalt  }
0x4b: {  	_ =	shalt  }
0x4c: {  	_ =	shalt  }
0x4d: {  	_ =	shalt  }
0x4e: {  	_ =	shalt  }
0x4f: {  	_ =	shalt  }
0x50: {  	_ =	shalt  }
0x51: {  	_ =	shalt  }
0x52: {  	_ =	shalt  }
0x53: {  	_ =	shalt  }
0x54: {  	_ =	shalt  }
0x55: {  	_ =	shalt  }
0x56: {  	_ =	shalt  }
0x57: {  	_ =	shalt  }
0x58: {  	_ =	shalt  }
0x59: {  	_ =	shalt  }
0x5a: {  	_ =	shalt  }
0x5b: {  	_ =	shalt  }
0x5c: {  	_ =	shalt  }
0x5d: {  	_ =	shalt  }
0x5e: {  	_ =	shalt  }
0x5f: {  	_ =	shalt  }
0x60: {  	_ =	shalt  }
0x61: {  	_ =	shalt  }
0x62: {  	_ =	shalt  }
0x63: {  	_ =	shalt  }
0x64: {  	_ =	shalt  }
0x65: {  	_ =	shalt  }
0x66: {  	_ =	shalt  }
0x67: {  	_ =	shalt  }
0x68: {  	_ =	shalt  }
0x69: {  	_ =	shalt  }
0x6a: {  	_ =	shalt  }
0x6b: {  	_ =	shalt  }
0x6c: {  	_ =	shalt  }
0x6d: {  	_ =	shalt  }
0x6e: {  	_ =	shalt  }
0x6f: {  	_ =	shalt  }
0x70: {  	_ =	shalt  }
0x71: {  	_ =	shalt  }
0x72: {  	_ =	shalt  }
0x73: {  	_ =	shalt  }
0x74: {  	_ =	shalt  }
0x75: {  	_ =	shalt  }
0x76: {  	_ =	shalt  }
0x77: {  	_ =	shalt  }
0x78: {  	_ =	shalt  }
0x79: {  	_ =	shalt  }
0x7a: {  	_ =	shalt  }
0x7b: {  	_ =	shalt  }
0x7c: {  	_ =	shalt  }
0x7d: {  	_ =	shalt  }
0x7e: {  	_ =	shalt  }
0x7f: {  	_ =	shalt  }
0x80: {  	_ =	shalt  }
0x81: {  	_ =	shalt  }
0x82: {  	_ =	shalt  }
0x83: {  	_ =	shalt  }
0x84: {  	_ =	shalt  }
0x85: {  	_ =	shalt  }
0x86: {  	_ =	shalt  }
0x87: {  	_ =	shalt  }
.Lfunc_end0:
.L_simem_size_0:
called_computation.1_lowered:
.L_overlay_start_0:
0x88: {  	s2 =	sld [smem:$0x3FD9]  }
0x89: {  	s3 =	sld [smem:$0x3FFE];
	_ =	sdelay $0x1  }
0x8a: {  	s1 =	srdreg.scid  }
0x8b: {  	s0 =	sand.u32 $0x1, s1  }
0x8c: {  	s14 =	sshll.u32 s0, $0xA;
	s2 =	sadd.s32 s3, s2  }
0x8d: {  	s2 =	sadd.s32 s2, s14  }
0x8e: {  	[smem:$0x3FC1] =	sst s2  }
0x8f: {  	_ = 	snop  }
0x90: {  	s2 =	sld [smem:$0x3FD0];
	_ =	sdelay $0x2  }
0x91: {  	s15 =	simm.s32 $0xB;
	s4 =	simm.s32 $0x10  }
0x92: {  	[smem:s4], [sflag:s15] =	dma.local [hbm:s2], $0x1  }
0x93: {  	_ =	swait.eq [sflag:s15], $0x1  }
0x94: {  	[sflag:s15] =	ssyncset.done $0x0  }
0x95: {  	[sflag:s15] =	ssyncadd.s32 $0xFFFFFFFF  }
0x96: {  	s16 =	sld [smem:$0x12];
	(tm) =	ssettm $0x1  }
0x97: {  	s17 =	sld [smem:$0x3FFB];
	_ =	sdelay $0x3  }
0x98: {  	_ =	strace s17  }
0x99: {  	s3 =	sld [smem:$0x3FFC];
	_ =	sdelay $0x3  }
0x9a: {  	_ =	strace s3  }
0x9b: {  	s3 =	sld [smem:$0x3FFD];
	_ =	sdelay $0x3  }
0x9c: {  	_ =	strace s3  }
0x9d: {  	_ =	strace $0x8FFFFFFF  }
0x9e: {  	s18 =	sld [smem:$0x3FDB];
	_ =	sdelay $0x1  }
0x9f: {  	s19 =	simm.s32 $_scs_section_size  }
0xa0: {  	s5 =	simm.s32 $_size__tile_overlayer_lowered;
	s6 =	simm.s32 $_tile_overlayer_lowered  }
0xa1: {  	s22 =	simm.s32 $0x1BFF;
	s21 =	sshll.u32 s6, $0x1;
	s3 =	sadd.s32 s19, s18  }
0xa2: {  	s7 =	simm.s32 $0x0;
	s20 =	sshll.u32 s5, $0x1;
	s5 =	sadd.s32 s21, s3  }
0xa3: {  	[timem:s7], [sflag:s22] =	dma.local [hbm:s5], s20  }
0xa4: {  	_ =	swait.ge [sflag:s22], s20  }
0xa5: {  	s4 =	ssub.s32 $0x0, s20;
	[sflag:s22] =	ssyncset.done $0x0  }
0xa6: {  	[sflag:s22] =	ssyncadd.s32 s4;
	_ =	sdelay $0x1  }
0xa7: {  	s23 =	simm.s32 $0x1B8B  }
0xa8: {  	_ =	swait.ge [sflag:s23], $0x1  }
0xa9: {  	[sflag:s23] =	ssyncset.done $0x0  }
0xaa: {  	s25 =	simm.s32 $0x1B8E;
	s24 =	sld [smem:$0x3FFE];
	[sflag:s23] =	ssyncadd.s32 $0xFFFFFFFF  }
0xab: {  	s26 =	simm.s32 $execute0_lowered;
	[smem:$0x3FD2] =	sst s25  }
0xac: {  	s5 =	sshll.u32 s26, $0x1;
	_ =	strace $0x80000046;
	[dreg:$0x1] =	wrdreg $0xFFFFFFFF  }
0xad: {  	s28 =	simm.s32 $_size_execute0_lowered;
	s3 =	sadd.s32 s3, s5;
	[dreg:$0x0] =	wrdreg $0x0  }
0xae: {  	s5 =	sshll.u32 s28, $0x1;
	[dreg:$0x2] =	wrdreg s3  }
0xaf: {  	[dreg:$0x3] =	wrdreg s5  }
0xb0: {  	[dreg:$0x4] =	wrdreg $0xC0  }
0xb1: {  	_ =	task [dreg:s7], $0x5FFFF  }
0xb2: {  	[dreg:$0x1] =	wrdreg $0xFFFFFFFF  }
0xb3: {  	[dreg:$0x0] =	wrdreg $0x60  }
0xb4: {  	[dreg:$0x2] =	wrdreg s24  }
0xb5: {  	[dreg:$0x3] =	wrdreg s16  }
0xb6: {  	[dreg:$0x4] =	wrdreg $0xA  }
0xb7: {  	_ =	task.clear_ibuf [dreg:s7], $0x5FFFF;
	_ =	strace $0x90000046  }
0xb8: {  	s29 =	simm.s32 $0xA;
	_ =	strace $0x80000048  }
0xb9: {  	_ =	swait.ge [sflag:s29], $0x1  }
0xba: {  	[sflag:s29] =	ssyncadd.s32 $0xFFFFFFFF  }
0xbb: {  	_ =	strace $0x90000048  }
0xbc: {  	_ =	sfence  }
0xbd: {  	s30 =	sld [smem:$0x0];
	_ =	sdelay $0x2  }
0xbe: {  	s31 =	sshll.u32 s1, $0xD;
	s1 =	sshrl.u32 s1, $0x2  }
0xbf: {  	s3 =	sand.u32 $0x4000, s31;
	s1 =	sadd.s32 s1, s30  }
0xc0: {  	s0 =	sor.u32 s3, s0;
	s1 =	sshll.u32 s1, $0x11  }
0xc1: {  	s0 =	sor.u32 s1, s0  }
0xc2: {  	s0 =	sadd.s32 $0x8F2B, s0  }
0xc3: {  	[sflag:s0] =	ssyncadd.remote.s32 $0x1  }
0xc4: {  	_ =	sfence.sel $0xFFFF  }
0xc5: {  	[dreg:$0x0] =	wrdreg $0xFFFFFFFF;
	(pc) =	sbr.abs _section_cstart, $3  }
0xc6: {  	[dreg:$0x1] =	wrdreg $0xFFFFFFFF  }
0xc7: {  	_ =	task.clear_ibuf [dreg:s7], $0x2FFFF;
	_ =	strace $0x9FFFFFFF  }
0xc8: {  	(tm) =	ssettm $0x7FFFFFFF  }
0xc9: {  	_ =	shalt  }
tec
execute0_lowered:
.L_overlay_start_1:
0x0: {  	(tag) =	ssettag $0x1  }
0x1: {  	s0 =	rddreg [dreg:$0x0]  }
0x2: {  	s1 =	rddreg [dreg:$0x1];
	s2 =	simm.s32 $0x0;
	s3 =	srdreg.scid  }
0x3: {  	s5 =	stileid.u32;
	s28 =	simm.s32 $0x400;
	s29 =	simm.s32 $0x1D7E0  }
0x4: {  	s30 =	simm.s32 $0x1DB00;
	s31 =	simm.s32 $0x1DE20;
	[smem:$0x7FF] =	sst s2  }
0x5: {  	s4 =	sand.u32 $0x1, s3;
	s5 =	sshll.u32 s5, $0x1;
	s3 =	sadd.s32 $0x14200, s0  }
0x6: {  	s6 =	sadd.s32 $0xDE00, s0;
	s11 =	sadd.s32 $0x7A00, s0;
	s5 =	sor.u32 s4, s5  }
0x7: {  	s12 =	sadd.s32 $0x1FEC00, s0;
	s4 =	ssub.s32 $0x2, s4;
	s10 =	smul.u32 $0x1900, s5  }
0x8: {  	s0 =	sadd.s32 $0x19AC00, s0;
	s7 =	sshrl.u32 s4, $0x1;
	s13 =	smul.u32 $0x3200, s5  }
0x9: {  	_ =	strace $0x80000047;
	s5 =	sshll.u32 s5, $0x2;
	s4 =	ssub.s32 s4, s7  }
0xa: {  	s7 =	sadd.s32 s1, s5;
	s8 =	sshrl.u32 s10, $0x3;
	s21 =	sadd.s32 s12, s13  }
0xb: {  	s9 =	sadd.s32 $0x3200, s7;
	s22 =	sadd.s32 $0xC80, s10;
	s10 =	sadd.s32 $0x4B00, s7  }
0xc: {  	s23 =	sadd.s32 s0, s13;
	s15 =	sadd.s32 $0x2, s7;
	s16 =	sadd.s32 $0x1902, s7  }
0xd: {  	s17 =	sadd.s32 $0x3202, s7;
	s18 =	sadd.s32 $0x4B02, s7;
	s26 =	smax.u32 s4, $0x1  }
0xe: {  	s13 =	simm.s32 $0x1A900;
	s4 =	simm.s32 $0x1B8A0;
	s19 =	sadd.s32 s6, s8  }
0xf: {  	s20 =	sadd.s32 s11, s8;
	[dreg:$0x5] =	wrdreg s21;
	s8 =	sadd.s32 $0x1900, s7  }
0x10: {  	[dreg:$0x6] =	wrdreg s23;
	s24 =	sshrl.u32 s22, $0x3;
	s1 =	sshll.u32 s22, $0x1  }
0x11: {  	[dreg:$0xb] =	wrdreg s26;
	s21 =	simm.s32 $0x3;
	s22 =	simm.s32 $0xC80  }
0x12: {  	s23 =	simm.s32 $0x1900;
	s26 =	simm.s32 $0x10;
	[dreg:$0x3] =	wrdreg s19  }
0x13: {  	[dreg:$0x4] =	wrdreg s20;
	s6 =	sadd.s32 s6, s24;
	s5 =	sadd.s32 s11, s24  }
0x14: {  	s25 =	sadd.s32 s12, s1;
	s0 =	sadd.s32 s0, s1;
	[dreg:$0x7] =	wrdreg s6  }
0x15: {  	s12 =	simm.s32 $0xE100;
	s19 =	simm.s32 $0x1CE80;
	[dreg:$0x8] =	wrdreg s5  }
0x16: {  	s20 =	simm.s32 $0x1D1A0;
	s24 =	simm.s32 $0x1D4C0;
	[dreg:$0x9] =	wrdreg s25  }
0x17: {  	v0 =	vlaneseq.u32;
	s1 =	simm.s32 $0x1E460;
	[dreg:$0xa] =	wrdreg s0;
	s25 =	simm.s32 $0x1  }
0x18: {  	v0 =	vmul.u32 $0xC80, v0;
	s0 =	simm.s32 $0x1E140;
	s5 =	simm.s32 $0x2;
	s6 =	simm.s32 $0x0  }
.LBB2_1:
0x19: {  	s11 =	rddreg [dreg:$0x3]  }
0x1a: {  	[tilespmem:s2], [sflag:$0x3] =	stream.linear.gather [hbm4b:s11+s2], $0xC80, $0x38;
	[tilespmem:$0x1E780] =	vst v63  }
0x1b: {  	_ =	swait.ge [sflag:s21], $0xC80  }
0x1c: {  	[sflag:s21] =	ssyncset.done $0x0  }
0x1d: {  	s14 =	rddreg [dreg:$0x4];
	[sflag:s21] =	ssyncadd.s32 $0xFFFFF380  }
0x1e: {  	[tilespmem:s22], [sflag:$0x3] =	stream.linear.gather [hbm4b:s14+s2], $0xC80, $0x38;
	[tilespmem:$0x1E780] =	vst v63  }
0x1f: {  	_ =	swait.ge [sflag:s21], $0xC80  }
0x20: {  	[sflag:s21] =	ssyncset.done $0x0  }
0x21: {  	[sflag:s21] =	ssyncadd.s32 $0xFFFFF380  }
0x22: {  	v1 =	vmov s2;
	[tilespmem:s23], [sflag:$0x1] =	stream.indirect.gather [hbm4b:s3+s22], $0x10, s2, s22, $0xb8;
	[tilespmem:$0x1E780] =	vst v63  }
0x23: {  	v1 =	vshll.u32 v1, $0x4  }
0x24: {  	v1 =	vadd.s32 v0, v1;
	[tilespmem:s12], [sflag:$0x2] =	stream.indirect.gather [hbm4b:s3+s22], $0x10, s22, s22, $0xb8;
	[tilespmem:$0x1E780] =	vst v63  }
0x25: {  	_ =	swait.ge [sflag:s25], $0xC800  }
0x26: {  	[sflag:s25] =	ssyncset.done $0x0  }
0x27: {  	s12 =	rddreg [dreg:$0x5];
	[sflag:s25] =	ssyncadd.s32 $0xFFFF3800  }
0x28: {  	[hbm4b:s12+s2] =	stream.linear.scatter [tilespmem:s23], [sflag:$0x1], $0xC800, $0x38;
	[tilespmem:$0x1E780] =	vst v63  }
0x29: {  	v2 =	vld.idx.msk [tilespmem:v1+s23+$0x0], $0xffff  }
0x2a: {  	v3 =	vor.u32 $0x1, v1;
	_ =	sdelay $0x3  }
0x2b: {  	[tilespmem:s4+$0xFFFFF060] =	vst v2  }
0x2c: {  	v2 =	vld.idx.msk [tilespmem:v3+s23+$0x0], $0xffff  }
0x2d: {  	v3 =	vor.u32 $0x2, v1;
	_ =	sdelay $0x3  }
0x2e: {  	[tilespmem:s4+$0xFFFFF380] =	vst v2  }
0x2f: {  	v2 =	vld.idx.msk [tilespmem:v3+s23+$0x0], $0xffff  }
0x30: {  	v3 =	vor.u32 $0x3, v1;
	_ =	sdelay $0x3  }
0x31: {  	[tilespmem:s4+$0xFFFFF6A0] =	vst v2  }
0x32: {  	v2 =	vld.idx.msk [tilespmem:v3+s23+$0x0], $0xffff  }
0x33: {  	v3 =	vor.u32 $0x4, v1;
	_ =	sdelay $0x3  }
0x34: {  	[tilespmem:s4+$0xFFFFF9C0] =	vst v2  }
0x35: {  	v2 =	vld.idx.msk [tilespmem:v3+s23+$0x0], $0xffff  }
0x36: {  	v3 =	vor.u32 $0x5, v1;
	_ =	sdelay $0x3  }
0x37: {  	[tilespmem:s4+$0xFFFFFCE0] =	vst v2  }
0x38: {  	v2 =	vld.idx.msk [tilespmem:v3+s23+$0x0], $0xffff  }
0x39: {  	v3 =	vor.u32 $0x6, v1;
	_ =	sdelay $0x3  }
0x3a: {  	[tilespmem:s4+$0x0] =	vst v2  }
0x3b: {  	v2 =	vld.idx.msk [tilespmem:v3+s23+$0x0], $0xffff  }
0x3c: {  	v3 =	vor.u32 $0x7, v1;
	_ =	sdelay $0x3  }
0x3d: {  	[tilespmem:s4+$0x320] =	vst v2  }
0x3e: {  	v2 =	vld.idx.msk [tilespmem:v3+s23+$0x0], $0xffff  }
0x3f: {  	v3 =	vor.u32 $0x8, v1;
	_ =	sdelay $0x3  }
0x40: {  	[tilespmem:s4+$0x640] =	vst v2  }
0x41: {  	v2 =	vld.idx.msk [tilespmem:v3+s23+$0x0], $0xffff  }
0x42: {  	v1 =	vor.u32 $0x9, v1;
	_ =	sdelay $0x3  }
0x43: {  	s14 =	simm.s32 $0x1;
	[tilespmem:s4+$0x960] =	vst v2  }
0x44: {  	s11 =	simm.s32 $0x1B8A0;
	s12 =	simm.s32 $0x2;
	v2 =	vmov s14;
	v1 =	vld.idx.msk [tilespmem:v1+s23+$0x0], $0xffff  }
.LBB2_2:
0x45: {  	p0 =	sne.s32 s12, $0x31;
	v2 =	vshll.u32 v2, $0x4  }
0x46: {  	v2 =	vadd.s32 v0, v2;
	_ =	sdelay $0x3  }
0x47: {  	[tilespmem:s11+$0xC80] =	vst v1  }
0x48: {  	v1 =	vld.idx.msk [tilespmem:v2+s23+$0x0], $0xffff;
	_ =	sdelay $0x1  }
0x49: {  	v3 =	vor.u32 $0x1, v2;
	_ =	sdelay $0x2  }
0x4a: {  	s11 =	sadd.s32 $0x10, s11  }
0x4b: {  	[tilespmem:s11+$0xFFFFF060] =	vst v1  }
0x4c: {  	v1 =	vld.idx.msk [tilespmem:v3+s23+$0x0], $0xffff;
	_ =	sdelay $0x1  }
0x4d: {  	v3 =	vor.u32 $0x2, v2;
	_ =	sdelay $0x3  }
0x4e: {  	[tilespmem:s11+$0xFFFFF380] =	vst v1  }
0x4f: {  	v1 =	vld.idx.msk [tilespmem:v3+s23+$0x0], $0xffff;
	_ =	sdelay $0x1  }
0x50: {  	v3 =	vor.u32 $0x3, v2;
	_ =	sdelay $0x3  }
0x51: {  	[tilespmem:s11+$0xFFFFF6A0] =	vst v1  }
0x52: {  	v1 =	vld.idx.msk [tilespmem:v3+s23+$0x0], $0xffff;
	_ =	sdelay $0x1  }
0x53: {  	v3 =	vor.u32 $0x4, v2;
	_ =	sdelay $0x3  }
0x54: {  	[tilespmem:s11+$0xFFFFF9C0] =	vst v1  }
0x55: {  	v1 =	vld.idx.msk [tilespmem:v3+s23+$0x0], $0xffff;
	_ =	sdelay $0x1  }
0x56: {  	v3 =	vor.u32 $0x5, v2;
	_ =	sdelay $0x3  }
0x57: {  	[tilespmem:s11+$0xFFFFFCE0] =	vst v1  }
0x58: {  	v1 =	vld.idx.msk [tilespmem:v3+s23+$0x0], $0xffff;
	_ =	sdelay $0x1  }
0x59: {  	v3 =	vor.u32 $0x6, v2;
	_ =	sdelay $0x3  }
0x5a: {  	[tilespmem:s11+$0x0] =	vst v1  }
0x5b: {  	v1 =	vld.idx.msk [tilespmem:v3+s23+$0x0], $0xffff;
	_ =	sdelay $0x1  }
0x5c: {  	v3 =	vor.u32 $0x7, v2;
	_ =	sdelay $0x3  }
0x5d: {  	[tilespmem:s11+$0x320] =	vst v1  }
0x5e: {  	v1 =	vld.idx.msk [tilespmem:v3+s23+$0x0], $0xffff;
	_ =	sdelay $0x1  }
0x5f: {  	v3 =	vor.u32 $0x8, v2;
	_ =	sdelay $0x3  }
0x60: {  	[tilespmem:s11+$0x640] =	vst v1  }
0x61: {  	v1 =	vld.idx.msk [tilespmem:v3+s23+$0x0], $0xffff;
	_ =	sdelay $0x1  }
0x62: {  	v3 =	vor.u32 $0x9, v2  }
.Ltmp0:
0x63: {  	(pc) =	sbr.rel @p0 .LBB2_2-.Ltmp0, $3  }
0x64: {  	_ =	sdelay $0x1  }
0x65: {  	[tilespmem:s11+$0x960] =	vst v1  }
0x66: {  	v2 =	vmov s12;
	s12 =	sadd.s32 $0x1, s12;
	v1 =	vld.idx.msk [tilespmem:v3+s23+$0x0], $0xffff  }
0x67: {  	v2 =	vshll.u32 v2, $0x4  }
0x68: {  	v2 =	vadd.s32 v0, v2;
	_ =	sdelay $0x3  }
0x69: {  	[tilespmem:s11+$0xC80] =	vst v1  }
0x6a: {  	v1 =	vld.idx.msk [tilespmem:v2+s23+$0x0], $0xffff  }
0x6b: {  	v3 =	vor.u32 $0x1, v2;
	_ =	sdelay $0x2  }
0x6c: {  	s12 =	sadd.s32 $0x10, s11  }
0x6d: {  	[tilespmem:s12+$0xFFFFF060] =	vst v1  }
0x6e: {  	v1 =	vld.idx.msk [tilespmem:v3+s23+$0x0], $0xffff  }
0x6f: {  	v3 =	vor.u32 $0x2, v2;
	_ =	sdelay $0x3  }
0x70: {  	[tilespmem:s12+$0xFFFFF380] =	vst v1  }
0x71: {  	v1 =	vld.idx.msk [tilespmem:v3+s23+$0x0], $0xffff  }
0x72: {  	v3 =	vor.u32 $0x3, v2;
	_ =	sdelay $0x3  }
0x73: {  	[tilespmem:s12+$0xFFFFF6A0] =	vst v1  }
0x74: {  	v1 =	vld.idx.msk [tilespmem:v3+s23+$0x0], $0xffff  }
0x75: {  	v3 =	vor.u32 $0x4, v2;
	_ =	sdelay $0x3  }
0x76: {  	[tilespmem:s12+$0xFFFFF9C0] =	vst v1  }
0x77: {  	v1 =	vld.idx.msk [tilespmem:v3+s23+$0x0], $0xffff  }
0x78: {  	v3 =	vor.u32 $0x5, v2;
	_ =	sdelay $0x3  }
0x79: {  	[tilespmem:s12+$0xFFFFFCE0] =	vst v1  }
0x7a: {  	v1 =	vld.idx.msk [tilespmem:v3+s23+$0x0], $0xffff  }
0x7b: {  	v3 =	vor.u32 $0x6, v2;
	_ =	sdelay $0x3  }
0x7c: {  	[tilespmem:s12+$0x0] =	vst v1  }
0x7d: {  	v1 =	vld.idx.msk [tilespmem:v3+s23+$0x0], $0xffff  }
0x7e: {  	v3 =	vor.u32 $0x7, v2;
	_ =	sdelay $0x3  }
0x7f: {  	[tilespmem:s12+$0x320] =	vst v1  }
0x80: {  	v1 =	vld.idx.msk [tilespmem:v3+s23+$0x0], $0xffff  }
0x81: {  	v3 =	vor.u32 $0x8, v2;
	_ =	sdelay $0x3  }
0x82: {  	[tilespmem:s12+$0x640] =	vst v1  }
0x83: {  	v1 =	vld.idx.msk [tilespmem:v3+s23+$0x0], $0xffff  }
0x84: {  	v2 =	vor.u32 $0x9, v2;
	_ =	sdelay $0x3  }
0x85: {  	[tilespmem:s12+$0x960] =	vst v1  }
0x86: {  	v1 =	vld.idx.msk [tilespmem:v2+s23+$0x0], $0xffff;
	_ =	sdelay $0x4  }
0x87: {  	[tilespmem:s12+$0xC80] =	vst v1  }
0x88: {  	[hbm4b:s7+s26] =	stream.strided.scatter [tilespmem:s13], [sflag:$0x1], $0x320, s28, s26, $0x38;
	[tilespmem:$0x1E780] =	vst v63  }
0x89: {  	s14 =	sadd.s32 $0x6400, s7;
	s12 =	simm.s32 $0x1AC20  }
0x8a: {  	[hbm4b:s14+s26] =	stream.strided.scatter [tilespmem:s12], [sflag:$0x1], $0x320, s28, s26, $0x38;
	[tilespmem:$0x1E780] =	vst v63  }
0x8b: {  	s12 =	sadd.s32 $0xC800, s7;
	s14 =	simm.s32 $0x1AF40  }
0x8c: {  	[hbm4b:s12+s26] =	stream.strided.scatter [tilespmem:s14], [sflag:$0x1], $0x320, s28, s26, $0x38;
	[tilespmem:$0x1E780] =	vst v63  }
0x8d: {  	s12 =	sadd.s32 $0x12C00, s7;
	s14 =	simm.s32 $0x1B260  }
0x8e: {  	[hbm4b:s12+s26] =	stream.strided.scatter [tilespmem:s14], [sflag:$0x1], $0x320, s28, s26, $0x38;
	[tilespmem:$0x1E780] =	vst v63  }
0x8f: {  	s12 =	sadd.s32 $0x19000, s7;
	s14 =	simm.s32 $0x1B580  }
0x90: {  	[hbm4b:s12+s26] =	stream.strided.scatter [tilespmem:s14], [sflag:$0x1], $0x320, s28, s26, $0x38;
	[tilespmem:$0x1E780] =	vst v63  }
0x91: {  	s14 =	sadd.s32 $0x1F400, s7  }
0x92: {  	[hbm4b:s14+s26] =	stream.strided.scatter [tilespmem:s4], [sflag:$0x1], $0x320, s28, s26, $0x38;
	[tilespmem:$0x1E780] =	vst v63  }
0x93: {  	s11 =	sadd.s32 $0x25800, s7;
	s12 =	simm.s32 $0x32;
	s14 =	simm.s32 $0x1BBC0  }
0x94: {  	v1 =	vmov s12;
	[hbm4b:s11+s26] =	stream.strided.scatter [tilespmem:s14], [sflag:$0x1], $0x320, s28, s26, $0x38;
	[tilespmem:$0x1E780] =	vst v63  }
0x95: {  	s12 =	sadd.s32 $0x2BC00, s7;
	v1 =	vshll.u32 v1, $0x4;
	s14 =	simm.s32 $0x1BEE0  }
0x96: {  	v1 =	vadd.s32 v0, v1;
	[hbm4b:s12+s26] =	stream.strided.scatter [tilespmem:s14], [sflag:$0x1], $0x320, s28, s26, $0x38;
	[tilespmem:$0x1E780] =	vst v63  }
0x97: {  	s11 =	sadd.s32 $0x32000, s7;
	s12 =	simm.s32 $0x1C200  }
0x98: {  	[hbm4b:s11+s26] =	stream.strided.scatter [tilespmem:s12], [sflag:$0x1], $0x320, s28, s26, $0x38;
	[tilespmem:$0x1E780] =	vst v63  }
0x99: {  	s11 =	sadd.s32 $0x38400, s7;
	s12 =	simm.s32 $0x1C520  }
0x9a: {  	[hbm4b:s11+s26] =	stream.strided.scatter [tilespmem:s12], [sflag:$0x1], $0x320, s28, s26, $0x38;
	[tilespmem:$0x1E780] =	vst v63  }
0x9b: {  	v2 =	vld.idx.msk [tilespmem:v1+s23+$0x0], $0xffff  }
0x9c: {  	v3 =	vor.u32 $0x1, v1;
	_ =	sdelay $0x2  }
0x9d: {  	s11 =	simm.s32 $0x1D7E0  }
0x9e: {  	[tilespmem:s11+$0xFFFFF060] =	vst v2  }
0x9f: {  	v2 =	vld.idx.msk [tilespmem:v3+s23+$0x0], $0xffff  }
0xa0: {  	v3 =	vor.u32 $0x2, v1;
	_ =	sdelay $0x3  }
0xa1: {  	[tilespmem:s11+$0xFFFFF380] =	vst v2  }
0xa2: {  	v2 =	vld.idx.msk [tilespmem:v3+s23+$0x0], $0xffff  }
0xa3: {  	v3 =	vor.u32 $0x3, v1;
	_ =	sdelay $0x3  }
0xa4: {  	[tilespmem:s11+$0xFFFFF6A0] =	vst v2  }
0xa5: {  	v2 =	vld.idx.msk [tilespmem:v3+s23+$0x0], $0xffff  }
0xa6: {  	v3 =	vor.u32 $0x4, v1;
	_ =	sdelay $0x3  }
0xa7: {  	[tilespmem:s11+$0xFFFFF9C0] =	vst v2  }
0xa8: {  	v2 =	vld.idx.msk [tilespmem:v3+s23+$0x0], $0xffff  }
0xa9: {  	v3 =	vor.u32 $0x5, v1;
	_ =	sdelay $0x3  }
0xaa: {  	[tilespmem:s11+$0xFFFFFCE0] =	vst v2  }
0xab: {  	v2 =	vld.idx.msk [tilespmem:v3+s23+$0x0], $0xffff  }
0xac: {  	v3 =	vor.u32 $0x6, v1;
	_ =	sdelay $0x3  }
0xad: {  	[tilespmem:s11+$0x0] =	vst v2  }
0xae: {  	v2 =	vld.idx.msk [tilespmem:v3+s23+$0x0], $0xffff  }
0xaf: {  	v3 =	vor.u32 $0x7, v1;
	_ =	sdelay $0x3  }
0xb0: {  	[tilespmem:s11+$0x320] =	vst v2  }
0xb1: {  	v2 =	vld.idx.msk [tilespmem:v3+s23+$0x0], $0xffff  }
0xb2: {  	v3 =	vor.u32 $0x8, v1;
	_ =	sdelay $0x3  }
0xb3: {  	[tilespmem:s11+$0x640] =	vst v2  }
0xb4: {  	v2 =	vld.idx.msk [tilespmem:v3+s23+$0x0], $0xffff  }
0xb5: {  	v1 =	vor.u32 $0x9, v1;
	_ =	sdelay $0x3  }
0xb6: {  	s12 =	simm.s32 $0x33;
	[tilespmem:s11+$0x960] =	vst v2  }
0xb7: {  	v2 =	vmov s12;
	s12 =	simm.s32 $0x34;
	v1 =	vld.idx.msk [tilespmem:v1+s23+$0x0], $0xffff  }
.LBB2_4:
0xb8: {  	p0 =	sne.s32 s12, $0x63;
	v2 =	vshll.u32 v2, $0x4  }
0xb9: {  	v2 =	vadd.s32 v0, v2;
	_ =	sdelay $0x3  }
0xba: {  	[tilespmem:s11+$0xC80] =	vst v1  }
0xbb: {  	v1 =	vld.idx.msk [tilespmem:v2+s23+$0x0], $0xffff;
	_ =	sdelay $0x1  }
0xbc: {  	v3 =	vor.u32 $0x1, v2;
	_ =	sdelay $0x2  }
0xbd: {  	s11 =	sadd.s32 $0x10, s11  }
0xbe: {  	[tilespmem:s11+$0xFFFFF060] =	vst v1  }
0xbf: {  	v1 =	vld.idx.msk [tilespmem:v3+s23+$0x0], $0xffff;
	_ =	sdelay $0x1  }
0xc0: {  	v3 =	vor.u32 $0x2, v2;
	_ =	sdelay $0x3  }
0xc1: {  	[tilespmem:s11+$0xFFFFF380] =	vst v1  }
0xc2: {  	v1 =	vld.idx.msk [tilespmem:v3+s23+$0x0], $0xffff;
	_ =	sdelay $0x1  }
0xc3: {  	v3 =	vor.u32 $0x3, v2;
	_ =	sdelay $0x3  }
0xc4: {  	[tilespmem:s11+$0xFFFFF6A0] =	vst v1  }
0xc5: {  	v1 =	vld.idx.msk [tilespmem:v3+s23+$0x0], $0xffff;
	_ =	sdelay $0x1  }
0xc6: {  	v3 =	vor.u32 $0x4, v2;
	_ =	sdelay $0x3  }
0xc7: {  	[tilespmem:s11+$0xFFFFF9C0] =	vst v1  }
0xc8: {  	v1 =	vld.idx.msk [tilespmem:v3+s23+$0x0], $0xffff;
	_ =	sdelay $0x1  }
0xc9: {  	v3 =	vor.u32 $0x5, v2;
	_ =	sdelay $0x3  }
0xca: {  	[tilespmem:s11+$0xFFFFFCE0] =	vst v1  }
0xcb: {  	v1 =	vld.idx.msk [tilespmem:v3+s23+$0x0], $0xffff;
	_ =	sdelay $0x1  }
0xcc: {  	v3 =	vor.u32 $0x6, v2;
	_ =	sdelay $0x3  }
0xcd: {  	[tilespmem:s11+$0x0] =	vst v1  }
0xce: {  	v1 =	vld.idx.msk [tilespmem:v3+s23+$0x0], $0xffff;
	_ =	sdelay $0x1  }
0xcf: {  	v3 =	vor.u32 $0x7, v2;
	_ =	sdelay $0x3  }
0xd0: {  	[tilespmem:s11+$0x320] =	vst v1  }
0xd1: {  	v1 =	vld.idx.msk [tilespmem:v3+s23+$0x0], $0xffff;
	_ =	sdelay $0x1  }
0xd2: {  	v3 =	vor.u32 $0x8, v2;
	_ =	sdelay $0x3  }
0xd3: {  	[tilespmem:s11+$0x640] =	vst v1  }
0xd4: {  	v1 =	vld.idx.msk [tilespmem:v3+s23+$0x0], $0xffff;
	_ =	sdelay $0x1  }
0xd5: {  	v3 =	vor.u32 $0x9, v2  }
.Ltmp1:
0xd6: {  	(pc) =	sbr.rel @p0 .LBB2_4-.Ltmp1, $3  }
0xd7: {  	_ =	sdelay $0x1  }
0xd8: {  	[tilespmem:s11+$0x960] =	vst v1  }
0xd9: {  	v2 =	vmov s12;
	s12 =	sadd.s32 $0x1, s12;
	v1 =	vld.idx.msk [tilespmem:v3+s23+$0x0], $0xffff  }
0xda: {  	v2 =	vshll.u32 v2, $0x4  }
0xdb: {  	v2 =	vadd.s32 v0, v2;
	_ =	sdelay $0x3  }
0xdc: {  	[tilespmem:s11+$0xC80] =	vst v1  }
0xdd: {  	v1 =	vld.idx.msk [tilespmem:v2+s23+$0x0], $0xffff  }
0xde: {  	v3 =	vor.u32 $0x1, v2;
	_ =	sdelay $0x2  }
0xdf: {  	s12 =	sadd.s32 $0x10, s11  }
0xe0: {  	[tilespmem:s12+$0xFFFFF060] =	vst v1  }
0xe1: {  	v1 =	vld.idx.msk [tilespmem:v3+s23+$0x0], $0xffff  }
0xe2: {  	v3 =	vor.u32 $0x2, v2;
	_ =	sdelay $0x3  }
0xe3: {  	[tilespmem:s12+$0xFFFFF380] =	vst v1  }
0xe4: {  	v1 =	vld.idx.msk [tilespmem:v3+s23+$0x0], $0xffff  }
0xe5: {  	v3 =	vor.u32 $0x3, v2;
	_ =	sdelay $0x3  }
0xe6: {  	[tilespmem:s12+$0xFFFFF6A0] =	vst v1  }
0xe7: {  	v1 =	vld.idx.msk [tilespmem:v3+s23+$0x0], $0xffff  }
0xe8: {  	v3 =	vor.u32 $0x4, v2;
	_ =	sdelay $0x3  }
0xe9: {  	[tilespmem:s12+$0xFFFFF9C0] =	vst v1  }
0xea: {  	v1 =	vld.idx.msk [tilespmem:v3+s23+$0x0], $0xffff  }
0xeb: {  	v3 =	vor.u32 $0x5, v2;
	_ =	sdelay $0x3  }
0xec: {  	[tilespmem:s12+$0xFFFFFCE0] =	vst v1  }
0xed: {  	v1 =	vld.idx.msk [tilespmem:v3+s23+$0x0], $0xffff  }
0xee: {  	v3 =	vor.u32 $0x6, v2;
	_ =	sdelay $0x3  }
0xef: {  	[tilespmem:s12+$0x0] =	vst v1  }
0xf0: {  	v1 =	vld.idx.msk [tilespmem:v3+s23+$0x0], $0xffff  }
0xf1: {  	v3 =	vor.u32 $0x7, v2;
	_ =	sdelay $0x3  }
0xf2: {  	[tilespmem:s12+$0x320] =	vst v1  }
0xf3: {  	v1 =	vld.idx.msk [tilespmem:v3+s23+$0x0], $0xffff  }
0xf4: {  	v3 =	vor.u32 $0x8, v2;
	_ =	sdelay $0x3  }
0xf5: {  	[tilespmem:s12+$0x640] =	vst v1  }
0xf6: {  	v1 =	vld.idx.msk [tilespmem:v3+s23+$0x0], $0xffff  }
0xf7: {  	v2 =	vor.u32 $0x9, v2;
	_ =	sdelay $0x3  }
0xf8: {  	[tilespmem:s12+$0x960] =	vst v1  }
0xf9: {  	v1 =	vld.idx.msk [tilespmem:v2+s23+$0x0], $0xffff;
	_ =	sdelay $0x4  }
0xfa: {  	[tilespmem:s12+$0xC80] =	vst v1;
	s12 =	simm.s32 $0x1C840  }
0xfb: {  	[hbm4b:s8+s26] =	stream.strided.scatter [tilespmem:s12], [sflag:$0x1], $0x320, s28, s26, $0x38;
	[tilespmem:$0x1E780] =	vst v63  }
0xfc: {  	s11 =	sadd.s32 $0x6400, s8;
	s12 =	simm.s32 $0x1CB60  }
0xfd: {  	[hbm4b:s11+s26] =	stream.strided.scatter [tilespmem:s12], [sflag:$0x1], $0x320, s28, s26, $0x38;
	[tilespmem:$0x1E780] =	vst v63  }
0xfe: {  	s12 =	sadd.s32 $0xC800, s8  }
0xff: {  	[hbm4b:s12+s26] =	stream.strided.scatter [tilespmem:s19], [sflag:$0x1], $0x320, s28, s26, $0x38;
	[tilespmem:$0x1E780] =	vst v63  }
0x100: {  	s12 =	sadd.s32 $0x12C00, s8  }
0x101: {  	[hbm4b:s12+s26] =	stream.strided.scatter [tilespmem:s20], [sflag:$0x1], $0x320, s28, s26, $0x38;
	[tilespmem:$0x1E780] =	vst v63  }
0x102: {  	s12 =	sadd.s32 $0x19000, s8  }
0x103: {  	[hbm4b:s12+s26] =	stream.strided.scatter [tilespmem:s24], [sflag:$0x1], $0x320, s28, s26, $0x38;
	[tilespmem:$0x1E780] =	vst v63  }
0x104: {  	s12 =	sadd.s32 $0x1F400, s8  }
0x105: {  	[hbm4b:s12+s26] =	stream.strided.scatter [tilespmem:s29], [sflag:$0x1], $0x320, s28, s26, $0x38;
	[tilespmem:$0x1E780] =	vst v63  }
0x106: {  	s12 =	sadd.s32 $0x25800, s8  }
0x107: {  	[hbm4b:s12+s26] =	stream.strided.scatter [tilespmem:s30], [sflag:$0x1], $0x320, s28, s26, $0x38;
	[tilespmem:$0x1E780] =	vst v63  }
0x108: {  	s11 =	simm.s32 $0x64;
	s12 =	sadd.s32 $0x2BC00, s8  }
0x109: {  	[hbm4b:s12+s26] =	stream.strided.scatter [tilespmem:s31], [sflag:$0x1], $0x320, s28, s26, $0x38;
	[tilespmem:$0x1E780] =	vst v63  }
0x10a: {  	v1 =	vmov s11;
	s12 =	sadd.s32 $0x32000, s8  }
0x10b: {  	v1 =	vshll.u32 v1, $0x4;
	[hbm4b:s12+s26] =	stream.strided.scatter [tilespmem:s0], [sflag:$0x1], $0x320, s28, s26, $0x38;
	[tilespmem:$0x1E780] =	vst v63  }
0x10c: {  	v1 =	vadd.s32 v0, v1;
	s12 =	sadd.s32 $0x38400, s8  }
0x10d: {  	[hbm4b:s12+s26] =	stream.strided.scatter [tilespmem:s1], [sflag:$0x1], $0x320, s28, s26, $0x38;
	[tilespmem:$0x1E780] =	vst v63  }
0x10e: {  	_ =	swait.ge [sflag:s25], $0x1F40  }
0x10f: {  	[sflag:s25] =	ssyncset.done $0x0  }
0x110: {  	[sflag:s25] =	ssyncadd.s32 $0xFFFFE0C0  }
0x111: {  	v2 =	vld.idx.msk [tilespmem:v1+s23+$0x0], $0xffff  }
0x112: {  	v3 =	vor.u32 $0x1, v1;
	_ =	sdelay $0x2  }
0x113: {  	s11 =	simm.s32 $0x1B8A0  }
0x114: {  	[tilespmem:s11+$0xFFFFF060] =	vst v2  }
0x115: {  	v2 =	vld.idx.msk [tilespmem:v3+s23+$0x0], $0xffff  }
0x116: {  	v3 =	vor.u32 $0x2, v1;
	_ =	sdelay $0x3  }
0x117: {  	[tilespmem:s11+$0xFFFFF380] =	vst v2  }
0x118: {  	v2 =	vld.idx.msk [tilespmem:v3+s23+$0x0], $0xffff  }
0x119: {  	v3 =	vor.u32 $0x3, v1;
	_ =	sdelay $0x3  }
0x11a: {  	[tilespmem:s11+$0xFFFFF6A0] =	vst v2  }
0x11b: {  	v2 =	vld.idx.msk [tilespmem:v3+s23+$0x0], $0xffff  }
0x11c: {  	v3 =	vor.u32 $0x4, v1;
	_ =	sdelay $0x3  }
0x11d: {  	[tilespmem:s11+$0xFFFFF9C0] =	vst v2  }
0x11e: {  	v2 =	vld.idx.msk [tilespmem:v3+s23+$0x0], $0xffff  }
0x11f: {  	v3 =	vor.u32 $0x5, v1;
	_ =	sdelay $0x3  }
0x120: {  	[tilespmem:s11+$0xFFFFFCE0] =	vst v2  }
0x121: {  	v2 =	vld.idx.msk [tilespmem:v3+s23+$0x0], $0xffff  }
0x122: {  	v3 =	vor.u32 $0x6, v1;
	_ =	sdelay $0x3  }
0x123: {  	[tilespmem:s11+$0x0] =	vst v2  }
0x124: {  	v2 =	vld.idx.msk [tilespmem:v3+s23+$0x0], $0xffff  }
0x125: {  	v3 =	vor.u32 $0x7, v1;
	_ =	sdelay $0x3  }
0x126: {  	[tilespmem:s11+$0x320] =	vst v2  }
0x127: {  	v2 =	vld.idx.msk [tilespmem:v3+s23+$0x0], $0xffff  }
0x128: {  	v3 =	vor.u32 $0x8, v1;
	_ =	sdelay $0x3  }
0x129: {  	[tilespmem:s11+$0x640] =	vst v2  }
0x12a: {  	v2 =	vld.idx.msk [tilespmem:v3+s23+$0x0], $0xffff  }
0x12b: {  	v1 =	vor.u32 $0x9, v1;
	_ =	sdelay $0x3  }
0x12c: {  	s12 =	simm.s32 $0x65;
	[tilespmem:s11+$0x960] =	vst v2  }
0x12d: {  	v2 =	vmov s12;
	s12 =	simm.s32 $0x66;
	v1 =	vld.idx.msk [tilespmem:v1+s23+$0x0], $0xffff  }
.LBB2_6:
0x12e: {  	p0 =	sne.s32 s12, $0x95;
	v2 =	vshll.u32 v2, $0x4  }
0x12f: {  	v2 =	vadd.s32 v0, v2;
	_ =	sdelay $0x3  }
0x130: {  	[tilespmem:s11+$0xC80] =	vst v1  }
0x131: {  	v1 =	vld.idx.msk [tilespmem:v2+s23+$0x0], $0xffff;
	_ =	sdelay $0x1  }
0x132: {  	v3 =	vor.u32 $0x1, v2;
	_ =	sdelay $0x2  }
0x133: {  	s11 =	sadd.s32 $0x10, s11  }
0x134: {  	[tilespmem:s11+$0xFFFFF060] =	vst v1  }
0x135: {  	v1 =	vld.idx.msk [tilespmem:v3+s23+$0x0], $0xffff;
	_ =	sdelay $0x1  }
0x136: {  	v3 =	vor.u32 $0x2, v2;
	_ =	sdelay $0x3  }
0x137: {  	[tilespmem:s11+$0xFFFFF380] =	vst v1  }
0x138: {  	v1 =	vld.idx.msk [tilespmem:v3+s23+$0x0], $0xffff;
	_ =	sdelay $0x1  }
0x139: {  	v3 =	vor.u32 $0x3, v2;
	_ =	sdelay $0x3  }
0x13a: {  	[tilespmem:s11+$0xFFFFF6A0] =	vst v1  }
0x13b: {  	v1 =	vld.idx.msk [tilespmem:v3+s23+$0x0], $0xffff;
	_ =	sdelay $0x1  }
0x13c: {  	v3 =	vor.u32 $0x4, v2;
	_ =	sdelay $0x3  }
0x13d: {  	[tilespmem:s11+$0xFFFFF9C0] =	vst v1  }
0x13e: {  	v1 =	vld.idx.msk [tilespmem:v3+s23+$0x0], $0xffff;
	_ =	sdelay $0x1  }
0x13f: {  	v3 =	vor.u32 $0x5, v2;
	_ =	sdelay $0x3  }
0x140: {  	[tilespmem:s11+$0xFFFFFCE0] =	vst v1  }
0x141: {  	v1 =	vld.idx.msk [tilespmem:v3+s23+$0x0], $0xffff;
	_ =	sdelay $0x1  }
0x142: {  	v3 =	vor.u32 $0x6, v2;
	_ =	sdelay $0x3  }
0x143: {  	[tilespmem:s11+$0x0] =	vst v1  }
0x144: {  	v1 =	vld.idx.msk [tilespmem:v3+s23+$0x0], $0xffff;
	_ =	sdelay $0x1  }
0x145: {  	v3 =	vor.u32 $0x7, v2;
	_ =	sdelay $0x3  }
0x146: {  	[tilespmem:s11+$0x320] =	vst v1  }
0x147: {  	v1 =	vld.idx.msk [tilespmem:v3+s23+$0x0], $0xffff;
	_ =	sdelay $0x1  }
0x148: {  	v3 =	vor.u32 $0x8, v2;
	_ =	sdelay $0x3  }
0x149: {  	[tilespmem:s11+$0x640] =	vst v1  }
0x14a: {  	v1 =	vld.idx.msk [tilespmem:v3+s23+$0x0], $0xffff;
	_ =	sdelay $0x1  }
0x14b: {  	v3 =	vor.u32 $0x9, v2  }
.Ltmp2:
0x14c: {  	(pc) =	sbr.rel @p0 .LBB2_6-.Ltmp2, $3  }
0x14d: {  	_ =	sdelay $0x1  }
0x14e: {  	[tilespmem:s11+$0x960] =	vst v1  }
0x14f: {  	v2 =	vmov s12;
	s12 =	sadd.s32 $0x1, s12;
	v1 =	vld.idx.msk [tilespmem:v3+s23+$0x0], $0xffff  }
0x150: {  	v2 =	vshll.u32 v2, $0x4  }
0x151: {  	v2 =	vadd.s32 v0, v2;
	_ =	sdelay $0x3  }
0x152: {  	[tilespmem:s11+$0xC80] =	vst v1  }
0x153: {  	v1 =	vld.idx.msk [tilespmem:v2+s23+$0x0], $0xffff  }
0x154: {  	v3 =	vor.u32 $0x1, v2;
	_ =	sdelay $0x2  }
0x155: {  	s12 =	sadd.s32 $0x10, s11  }
0x156: {  	[tilespmem:s12+$0xFFFFF060] =	vst v1  }
0x157: {  	v1 =	vld.idx.msk [tilespmem:v3+s23+$0x0], $0xffff  }
0x158: {  	v3 =	vor.u32 $0x2, v2;
	_ =	sdelay $0x3  }
0x159: {  	[tilespmem:s12+$0xFFFFF380] =	vst v1  }
0x15a: {  	v1 =	vld.idx.msk [tilespmem:v3+s23+$0x0], $0xffff  }
0x15b: {  	v3 =	vor.u32 $0x3, v2;
	_ =	sdelay $0x3  }
0x15c: {  	[tilespmem:s12+$0xFFFFF6A0] =	vst v1  }
0x15d: {  	v1 =	vld.idx.msk [tilespmem:v3+s23+$0x0], $0xffff  }
0x15e: {  	v3 =	vor.u32 $0x4, v2;
	_ =	sdelay $0x3  }
0x15f: {  	[tilespmem:s12+$0xFFFFF9C0] =	vst v1  }
0x160: {  	v1 =	vld.idx.msk [tilespmem:v3+s23+$0x0], $0xffff  }
0x161: {  	v3 =	vor.u32 $0x5, v2;
	_ =	sdelay $0x3  }
0x162: {  	[tilespmem:s12+$0xFFFFFCE0] =	vst v1  }
0x163: {  	v1 =	vld.idx.msk [tilespmem:v3+s23+$0x0], $0xffff  }
0x164: {  	v3 =	vor.u32 $0x6, v2;
	_ =	sdelay $0x3  }
0x165: {  	[tilespmem:s12+$0x0] =	vst v1  }
0x166: {  	v1 =	vld.idx.msk [tilespmem:v3+s23+$0x0], $0xffff  }
0x167: {  	v3 =	vor.u32 $0x7, v2;
	_ =	sdelay $0x3  }
0x168: {  	[tilespmem:s12+$0x320] =	vst v1  }
0x169: {  	v1 =	vld.idx.msk [tilespmem:v3+s23+$0x0], $0xffff  }
0x16a: {  	v3 =	vor.u32 $0x8, v2;
	_ =	sdelay $0x3  }
0x16b: {  	[tilespmem:s12+$0x640] =	vst v1  }
0x16c: {  	v1 =	vld.idx.msk [tilespmem:v3+s23+$0x0], $0xffff  }
0x16d: {  	v2 =	vor.u32 $0x9, v2;
	_ =	sdelay $0x3  }
0x16e: {  	[tilespmem:s12+$0x960] =	vst v1  }
0x16f: {  	v1 =	vld.idx.msk [tilespmem:v2+s23+$0x0], $0xffff;
	_ =	sdelay $0x4  }
0x170: {  	[tilespmem:s12+$0xC80] =	vst v1  }
0x171: {  	[hbm4b:s9+s26] =	stream.strided.scatter [tilespmem:s13], [sflag:$0x1], $0x320, s28, s26, $0x38;
	[tilespmem:$0x1E780] =	vst v63  }
0x172: {  	s12 =	simm.s32 $0x1AC20;
	s13 =	sadd.s32 $0x6400, s9  }
0x173: {  	[hbm4b:s13+s26] =	stream.strided.scatter [tilespmem:s12], [sflag:$0x1], $0x320, s28, s26, $0x38;
	[tilespmem:$0x1E780] =	vst v63  }
0x174: {  	s12 =	sadd.s32 $0xC800, s9;
	s13 =	simm.s32 $0x1AF40  }
0x175: {  	[hbm4b:s12+s26] =	stream.strided.scatter [tilespmem:s13], [sflag:$0x1], $0x320, s28, s26, $0x38;
	[tilespmem:$0x1E780] =	vst v63  }
0x176: {  	s12 =	sadd.s32 $0x12C00, s9;
	s13 =	simm.s32 $0x1B260  }
0x177: {  	[hbm4b:s12+s26] =	stream.strided.scatter [tilespmem:s13], [sflag:$0x1], $0x320, s28, s26, $0x38;
	[tilespmem:$0x1E780] =	vst v63  }
0x178: {  	s12 =	sadd.s32 $0x19000, s9;
	s13 =	simm.s32 $0x1B580  }
0x179: {  	[hbm4b:s12+s26] =	stream.strided.scatter [tilespmem:s13], [sflag:$0x1], $0x320, s28, s26, $0x38;
	[tilespmem:$0x1E780] =	vst v63  }
0x17a: {  	s13 =	sadd.s32 $0x1F400, s9  }
0x17b: {  	[hbm4b:s13+s26] =	stream.strided.scatter [tilespmem:s4], [sflag:$0x1], $0x320, s28, s26, $0x38;
	[tilespmem:$0x1E780] =	vst v63  }
0x17c: {  	s12 =	sadd.s32 $0x25800, s9;
	s13 =	simm.s32 $0x1BBC0  }
0x17d: {  	[hbm4b:s12+s26] =	stream.strided.scatter [tilespmem:s13], [sflag:$0x1], $0x320, s28, s26, $0x38;
	[tilespmem:$0x1E780] =	vst v63  }
0x17e: {  	s13 =	sadd.s32 $0x2BC00, s9;
	s12 =	simm.s32 $0x96  }
0x17f: {  	[hbm4b:s13+s26] =	stream.strided.scatter [tilespmem:s14], [sflag:$0x1], $0x320, s28, s26, $0x38;
	[tilespmem:$0x1E780] =	vst v63  }
0x180: {  	v1 =	vmov s12;
	s13 =	sadd.s32 $0x32000, s9;
	s14 =	simm.s32 $0x1C200  }
0x181: {  	v1 =	vshll.u32 v1, $0x4;
	[hbm4b:s13+s26] =	stream.strided.scatter [tilespmem:s14], [sflag:$0x1], $0x320, s28, s26, $0x38;
	[tilespmem:$0x1E780] =	vst v63  }
0x182: {  	s12 =	sadd.s32 $0x38400, s9;
	v1 =	vadd.s32 v0, v1;
	s13 =	simm.s32 $0x1C520  }
0x183: {  	[hbm4b:s12+s26] =	stream.strided.scatter [tilespmem:s13], [sflag:$0x1], $0x320, s28, s26, $0x38;
	[tilespmem:$0x1E780] =	vst v63  }
0x184: {  	_ =	swait.ge [sflag:s25], $0x1F40  }
0x185: {  	[sflag:s25] =	ssyncset.done $0x0  }
0x186: {  	[sflag:s25] =	ssyncadd.s32 $0xFFFFE0C0  }
0x187: {  	v2 =	vld.idx.msk [tilespmem:v1+s23+$0x0], $0xffff  }
0x188: {  	v3 =	vor.u32 $0x1, v1;
	_ =	sdelay $0x2  }
0x189: {  	s11 =	simm.s32 $0x1D7E0  }
0x18a: {  	[tilespmem:s11+$0xFFFFF060] =	vst v2  }
0x18b: {  	v2 =	vld.idx.msk [tilespmem:v3+s23+$0x0], $0xffff  }
0x18c: {  	v3 =	vor.u32 $0x2, v1;
	_ =	sdelay $0x3  }
0x18d: {  	[tilespmem:s11+$0xFFFFF380] =	vst v2  }
0x18e: {  	v2 =	vld.idx.msk [tilespmem:v3+s23+$0x0], $0xffff  }
0x18f: {  	v3 =	vor.u32 $0x3, v1;
	_ =	sdelay $0x3  }
0x190: {  	[tilespmem:s11+$0xFFFFF6A0] =	vst v2  }
0x191: {  	v2 =	vld.idx.msk [tilespmem:v3+s23+$0x0], $0xffff  }
0x192: {  	v3 =	vor.u32 $0x4, v1;
	_ =	sdelay $0x3  }
0x193: {  	[tilespmem:s11+$0xFFFFF9C0] =	vst v2  }
0x194: {  	v2 =	vld.idx.msk [tilespmem:v3+s23+$0x0], $0xffff  }
0x195: {  	v3 =	vor.u32 $0x5, v1;
	_ =	sdelay $0x3  }
0x196: {  	[tilespmem:s11+$0xFFFFFCE0] =	vst v2  }
0x197: {  	v2 =	vld.idx.msk [tilespmem:v3+s23+$0x0], $0xffff  }
0x198: {  	v3 =	vor.u32 $0x6, v1;
	_ =	sdelay $0x3  }
0x199: {  	[tilespmem:s11+$0x0] =	vst v2  }
0x19a: {  	v2 =	vld.idx.msk [tilespmem:v3+s23+$0x0], $0xffff  }
0x19b: {  	v3 =	vor.u32 $0x7, v1;
	_ =	sdelay $0x3  }
0x19c: {  	[tilespmem:s11+$0x320] =	vst v2  }
0x19d: {  	v2 =	vld.idx.msk [tilespmem:v3+s23+$0x0], $0xffff  }
0x19e: {  	v3 =	vor.u32 $0x8, v1;
	_ =	sdelay $0x3  }
0x19f: {  	[tilespmem:s11+$0x640] =	vst v2  }
0x1a0: {  	v2 =	vld.idx.msk [tilespmem:v3+s23+$0x0], $0xffff  }
0x1a1: {  	v1 =	vor.u32 $0x9, v1;
	_ =	sdelay $0x3  }
0x1a2: {  	s14 =	simm.s32 $0x97;
	[tilespmem:s11+$0x960] =	vst v2  }
0x1a3: {  	s12 =	simm.s32 $0x98;
	v2 =	vmov s14;
	v1 =	vld.idx.msk [tilespmem:v1+s23+$0x0], $0xffff  }
.LBB2_8:
0x1a4: {  	p0 =	sne.s32 s12, $0xC7;
	v2 =	vshll.u32 v2, $0x4  }
0x1a5: {  	v2 =	vadd.s32 v0, v2;
	_ =	sdelay $0x3  }
0x1a6: {  	[tilespmem:s11+$0xC80] =	vst v1  }
0x1a7: {  	v1 =	vld.idx.msk [tilespmem:v2+s23+$0x0], $0xffff;
	_ =	sdelay $0x1  }
0x1a8: {  	v3 =	vor.u32 $0x1, v2;
	_ =	sdelay $0x2  }
0x1a9: {  	s11 =	sadd.s32 $0x10, s11  }
0x1aa: {  	[tilespmem:s11+$0xFFFFF060] =	vst v1  }
0x1ab: {  	v1 =	vld.idx.msk [tilespmem:v3+s23+$0x0], $0xffff;
	_ =	sdelay $0x1  }
0x1ac: {  	v3 =	vor.u32 $0x2, v2;
	_ =	sdelay $0x3  }
0x1ad: {  	[tilespmem:s11+$0xFFFFF380] =	vst v1  }
0x1ae: {  	v1 =	vld.idx.msk [tilespmem:v3+s23+$0x0], $0xffff;
	_ =	sdelay $0x1  }
0x1af: {  	v3 =	vor.u32 $0x3, v2;
	_ =	sdelay $0x3  }
0x1b0: {  	[tilespmem:s11+$0xFFFFF6A0] =	vst v1  }
0x1b1: {  	v1 =	vld.idx.msk [tilespmem:v3+s23+$0x0], $0xffff;
	_ =	sdelay $0x1  }
0x1b2: {  	v3 =	vor.u32 $0x4, v2;
	_ =	sdelay $0x3  }
0x1b3: {  	[tilespmem:s11+$0xFFFFF9C0] =	vst v1  }
0x1b4: {  	v1 =	vld.idx.msk [tilespmem:v3+s23+$0x0], $0xffff;
	_ =	sdelay $0x1  }
0x1b5: {  	v3 =	vor.u32 $0x5, v2;
	_ =	sdelay $0x3  }
0x1b6: {  	[tilespmem:s11+$0xFFFFFCE0] =	vst v1  }
0x1b7: {  	v1 =	vld.idx.msk [tilespmem:v3+s23+$0x0], $0xffff;
	_ =	sdelay $0x1  }
0x1b8: {  	v3 =	vor.u32 $0x6, v2;
	_ =	sdelay $0x3  }
0x1b9: {  	[tilespmem:s11+$0x0] =	vst v1  }
0x1ba: {  	v1 =	vld.idx.msk [tilespmem:v3+s23+$0x0], $0xffff;
	_ =	sdelay $0x1  }
0x1bb: {  	v3 =	vor.u32 $0x7, v2;
	_ =	sdelay $0x3  }
0x1bc: {  	[tilespmem:s11+$0x320] =	vst v1  }
0x1bd: {  	v1 =	vld.idx.msk [tilespmem:v3+s23+$0x0], $0xffff;
	_ =	sdelay $0x1  }
0x1be: {  	v3 =	vor.u32 $0x8, v2;
	_ =	sdelay $0x3  }
0x1bf: {  	[tilespmem:s11+$0x640] =	vst v1  }
0x1c0: {  	v1 =	vld.idx.msk [tilespmem:v3+s23+$0x0], $0xffff;
	_ =	sdelay $0x1  }
0x1c1: {  	v3 =	vor.u32 $0x9, v2  }
.Ltmp3:
0x1c2: {  	(pc) =	sbr.rel @p0 .LBB2_8-.Ltmp3, $3  }
0x1c3: {  	_ =	sdelay $0x1  }
0x1c4: {  	[tilespmem:s11+$0x960] =	vst v1  }
0x1c5: {  	v2 =	vmov s12;
	s12 =	sadd.s32 $0x1, s12;
	v1 =	vld.idx.msk [tilespmem:v3+s23+$0x0], $0xffff  }
0x1c6: {  	v2 =	vshll.u32 v2, $0x4  }
0x1c7: {  	v2 =	vadd.s32 v0, v2;
	_ =	sdelay $0x3  }
0x1c8: {  	[tilespmem:s11+$0xC80] =	vst v1  }
0x1c9: {  	v1 =	vld.idx.msk [tilespmem:v2+s23+$0x0], $0xffff  }
0x1ca: {  	v3 =	vor.u32 $0x1, v2;
	_ =	sdelay $0x2  }
0x1cb: {  	s12 =	sadd.s32 $0x10, s11  }
0x1cc: {  	[tilespmem:s12+$0xFFFFF060] =	vst v1  }
0x1cd: {  	v1 =	vld.idx.msk [tilespmem:v3+s23+$0x0], $0xffff  }
0x1ce: {  	v3 =	vor.u32 $0x2, v2;
	_ =	sdelay $0x3  }
0x1cf: {  	[tilespmem:s12+$0xFFFFF380] =	vst v1  }
0x1d0: {  	v1 =	vld.idx.msk [tilespmem:v3+s23+$0x0], $0xffff  }
0x1d1: {  	v3 =	vor.u32 $0x3, v2;
	_ =	sdelay $0x3  }
0x1d2: {  	[tilespmem:s12+$0xFFFFF6A0] =	vst v1  }
0x1d3: {  	v1 =	vld.idx.msk [tilespmem:v3+s23+$0x0], $0xffff  }
0x1d4: {  	v3 =	vor.u32 $0x4, v2;
	_ =	sdelay $0x3  }
0x1d5: {  	[tilespmem:s12+$0xFFFFF9C0] =	vst v1  }
0x1d6: {  	v1 =	vld.idx.msk [tilespmem:v3+s23+$0x0], $0xffff  }
0x1d7: {  	v3 =	vor.u32 $0x5, v2;
	_ =	sdelay $0x3  }
0x1d8: {  	[tilespmem:s12+$0xFFFFFCE0] =	vst v1  }
0x1d9: {  	v1 =	vld.idx.msk [tilespmem:v3+s23+$0x0], $0xffff  }
0x1da: {  	v3 =	vor.u32 $0x6, v2;
	_ =	sdelay $0x3  }
0x1db: {  	[tilespmem:s12+$0x0] =	vst v1  }
0x1dc: {  	v1 =	vld.idx.msk [tilespmem:v3+s23+$0x0], $0xffff  }
0x1dd: {  	v3 =	vor.u32 $0x7, v2;
	_ =	sdelay $0x3  }
0x1de: {  	[tilespmem:s12+$0x320] =	vst v1  }
0x1df: {  	v1 =	vld.idx.msk [tilespmem:v3+s23+$0x0], $0xffff  }
0x1e0: {  	v3 =	vor.u32 $0x8, v2;
	_ =	sdelay $0x3  }
0x1e1: {  	[tilespmem:s12+$0x640] =	vst v1  }
0x1e2: {  	v1 =	vld.idx.msk [tilespmem:v3+s23+$0x0], $0xffff  }
0x1e3: {  	v2 =	vor.u32 $0x9, v2;
	_ =	sdelay $0x3  }
0x1e4: {  	[tilespmem:s12+$0x960] =	vst v1  }
0x1e5: {  	v1 =	vld.idx.msk [tilespmem:v2+s23+$0x0], $0xffff;
	_ =	sdelay $0x4  }
0x1e6: {  	s13 =	simm.s32 $0x1C840;
	[tilespmem:s12+$0xC80] =	vst v1  }
0x1e7: {  	[hbm4b:s10+s26] =	stream.strided.scatter [tilespmem:s13], [sflag:$0x1], $0x320, s28, s26, $0x38;
	[tilespmem:$0x1E780] =	vst v63  }
0x1e8: {  	s14 =	sadd.s32 $0x6400, s10;
	s12 =	simm.s32 $0x1CB60  }
0x1e9: {  	[hbm4b:s14+s26] =	stream.strided.scatter [tilespmem:s12], [sflag:$0x1], $0x320, s28, s26, $0x38;
	[tilespmem:$0x1E780] =	vst v63  }
0x1ea: {  	s12 =	sadd.s32 $0xC800, s10  }
0x1eb: {  	[hbm4b:s12+s26] =	stream.strided.scatter [tilespmem:s19], [sflag:$0x1], $0x320, s28, s26, $0x38;
	[tilespmem:$0x1E780] =	vst v63  }
0x1ec: {  	s13 =	sadd.s32 $0x12C00, s10  }
0x1ed: {  	[hbm4b:s13+s26] =	stream.strided.scatter [tilespmem:s20], [sflag:$0x1], $0x320, s28, s26, $0x38;
	[tilespmem:$0x1E780] =	vst v63  }
0x1ee: {  	s14 =	sadd.s32 $0x19000, s10  }
0x1ef: {  	[hbm4b:s14+s26] =	stream.strided.scatter [tilespmem:s24], [sflag:$0x1], $0x320, s28, s26, $0x38;
	[tilespmem:$0x1E780] =	vst v63  }
0x1f0: {  	s12 =	sadd.s32 $0x1F400, s10  }
0x1f1: {  	[hbm4b:s12+s26] =	stream.strided.scatter [tilespmem:s29], [sflag:$0x1], $0x320, s28, s26, $0x38;
	[tilespmem:$0x1E780] =	vst v63  }
0x1f2: {  	s13 =	sadd.s32 $0x25800, s10  }
0x1f3: {  	[hbm4b:s13+s26] =	stream.strided.scatter [tilespmem:s30], [sflag:$0x1], $0x320, s28, s26, $0x38;
	[tilespmem:$0x1E780] =	vst v63  }
0x1f4: {  	s14 =	sadd.s32 $0x2BC00, s10  }
0x1f5: {  	[hbm4b:s14+s26] =	stream.strided.scatter [tilespmem:s31], [sflag:$0x1], $0x320, s28, s26, $0x38;
	[tilespmem:$0x1E780] =	vst v63  }
0x1f6: {  	s12 =	sadd.s32 $0x32000, s10  }
0x1f7: {  	[hbm4b:s12+s26] =	stream.strided.scatter [tilespmem:s0], [sflag:$0x1], $0x320, s28, s26, $0x38;
	[tilespmem:$0x1E780] =	vst v63  }
0x1f8: {  	s13 =	sadd.s32 $0x38400, s10  }
0x1f9: {  	[hbm4b:s13+s26] =	stream.strided.scatter [tilespmem:s1], [sflag:$0x1], $0x320, s28, s26, $0x38;
	[tilespmem:$0x1E780] =	vst v63  }
0x1fa: {  	_ =	swait.ge [sflag:s5], $0xC800  }
0x1fb: {  	s11 =	simm.s32 $0x0;
	[sflag:s5] =	ssyncset.done $0x0  }
0x1fc: {  	s13 =	simm.s32 $0xE100;
	s14 =	rddreg [dreg:$0x6];
	[sflag:s5] =	ssyncadd.s32 $0xFFFF3800  }
0x1fd: {  	[hbm4b:s14+s11] =	stream.linear.scatter [tilespmem:s13], [sflag:$0x2], $0xC800, $0x38;
	[tilespmem:$0x1E780] =	vst v63  }
0x1fe: {  	_ =	swait.ge [sflag:s25], $0xC800  }
0x1ff: {  	[sflag:s25] =	ssyncset.done $0x0  }
0x200: {  	[sflag:s25] =	ssyncadd.s32 $0xFFFF3800  }
0x201: {  	_ =	swait.ge [sflag:s25], $0x1F40  }
0x202: {  	[sflag:s25] =	ssyncset.done $0x0  }
0x203: {  	[sflag:s25] =	ssyncadd.s32 $0xFFFFE0C0  }
0x204: {  	_ =	swait.ge [sflag:s25], $0x1F40  }
0x205: {  	[sflag:s25] =	ssyncset.done $0x0  }
0x206: {  	[sflag:s25] =	ssyncadd.s32 $0xFFFFE0C0  }
0x207: {  	_ =	swait.ge [sflag:s5], $0xC800  }
0x208: {  	[sflag:s5] =	ssyncset.done $0x0  }
0x209: {  	s14 =	rddreg [dreg:$0x7];
	[sflag:s5] =	ssyncadd.s32 $0xFFFF3800  }
0x20a: {  	[tilespmem:s11], [sflag:$0x3] =	stream.linear.gather [hbm4b:s14+s11], $0xC80, $0x38;
	[tilespmem:$0x1E780] =	vst v63  }
0x20b: {  	_ =	swait.ge [sflag:s21], $0xC80  }
0x20c: {  	[sflag:s21] =	ssyncset.done $0x0  }
0x20d: {  	s14 =	rddreg [dreg:$0x8];
	[sflag:s21] =	ssyncadd.s32 $0xFFFFF380  }
0x20e: {  	[tilespmem:s22], [sflag:$0x3] =	stream.linear.gather [hbm4b:s14+s11], $0xC80, $0x38;
	[tilespmem:$0x1E780] =	vst v63  }
0x20f: {  	_ =	swait.ge [sflag:s21], $0xC80  }
0x210: {  	[sflag:s21] =	ssyncset.done $0x0  }
0x211: {  	[sflag:s21] =	ssyncadd.s32 $0xFFFFF380  }
0x212: {  	v1 =	vmov s11;
	[tilespmem:s23], [sflag:$0x1] =	stream.indirect.gather [hbm4b:s3+s22], $0x10, s11, s22, $0xb8;
	[tilespmem:$0x1E780] =	vst v63  }
0x213: {  	v1 =	vshll.u32 v1, $0x4  }
0x214: {  	v1 =	vadd.s32 v0, v1;
	[tilespmem:s13], [sflag:$0x2] =	stream.indirect.gather [hbm4b:s3+s22], $0x10, s22, s22, $0xb8;
	[tilespmem:$0x1E780] =	vst v63  }
0x215: {  	_ =	swait.ge [sflag:s25], $0xC800  }
0x216: {  	[sflag:s25] =	ssyncset.done $0x0  }
0x217: {  	s13 =	rddreg [dreg:$0x9];
	[sflag:s25] =	ssyncadd.s32 $0xFFFF3800  }
0x218: {  	[hbm4b:s13+s11] =	stream.linear.scatter [tilespmem:s23], [sflag:$0x1], $0xC800, $0x38;
	[tilespmem:$0x1E780] =	vst v63  }
0x219: {  	v2 =	vld.idx.msk [tilespmem:v1+s23+$0x0], $0xffff  }
0x21a: {  	v3 =	vor.u32 $0x1, v1;
	_ =	sdelay $0x2  }
0x21b: {  	s11 =	simm.s32 $0x1B8A0  }
0x21c: {  	[tilespmem:s11+$0xFFFFF060] =	vst v2  }
0x21d: {  	v2 =	vld.idx.msk [tilespmem:v3+s23+$0x0], $0xffff  }
0x21e: {  	v3 =	vor.u32 $0x2, v1;
	_ =	sdelay $0x3  }
0x21f: {  	[tilespmem:s11+$0xFFFFF380] =	vst v2  }
0x220: {  	v2 =	vld.idx.msk [tilespmem:v3+s23+$0x0], $0xffff  }
0x221: {  	v3 =	vor.u32 $0x3, v1;
	_ =	sdelay $0x3  }
0x222: {  	[tilespmem:s11+$0xFFFFF6A0] =	vst v2  }
0x223: {  	v2 =	vld.idx.msk [tilespmem:v3+s23+$0x0], $0xffff  }
0x224: {  	v3 =	vor.u32 $0x4, v1;
	_ =	sdelay $0x3  }
0x225: {  	[tilespmem:s11+$0xFFFFF9C0] =	vst v2  }
0x226: {  	v2 =	vld.idx.msk [tilespmem:v3+s23+$0x0], $0xffff  }
0x227: {  	v3 =	vor.u32 $0x5, v1;
	_ =	sdelay $0x3  }
0x228: {  	[tilespmem:s11+$0xFFFFFCE0] =	vst v2  }
0x229: {  	v2 =	vld.idx.msk [tilespmem:v3+s23+$0x0], $0xffff  }
0x22a: {  	v3 =	vor.u32 $0x6, v1;
	_ =	sdelay $0x3  }
0x22b: {  	[tilespmem:s11+$0x0] =	vst v2  }
0x22c: {  	v2 =	vld.idx.msk [tilespmem:v3+s23+$0x0], $0xffff  }
0x22d: {  	v3 =	vor.u32 $0x7, v1;
	_ =	sdelay $0x3  }
0x22e: {  	[tilespmem:s11+$0x320] =	vst v2  }
0x22f: {  	v2 =	vld.idx.msk [tilespmem:v3+s23+$0x0], $0xffff  }
0x230: {  	v3 =	vor.u32 $0x8, v1;
	_ =	sdelay $0x3  }
0x231: {  	[tilespmem:s11+$0x640] =	vst v2  }
0x232: {  	v2 =	vld.idx.msk [tilespmem:v3+s23+$0x0], $0xffff  }
0x233: {  	v1 =	vor.u32 $0x9, v1;
	_ =	sdelay $0x3  }
0x234: {  	s14 =	simm.s32 $0x1;
	[tilespmem:s11+$0x960] =	vst v2  }
0x235: {  	s12 =	simm.s32 $0x2;
	v2 =	vmov s14;
	v1 =	vld.idx.msk [tilespmem:v1+s23+$0x0], $0xffff  }
.LBB2_10:
0x236: {  	p0 =	sne.s32 s12, $0x31;
	v2 =	vshll.u32 v2, $0x4  }
0x237: {  	v2 =	vadd.s32 v0, v2;
	_ =	sdelay $0x3  }
0x238: {  	[tilespmem:s11+$0xC80] =	vst v1  }
0x239: {  	v1 =	vld.idx.msk [tilespmem:v2+s23+$0x0], $0xffff;
	_ =	sdelay $0x1  }
0x23a: {  	v3 =	vor.u32 $0x1, v2;
	_ =	sdelay $0x2  }
0x23b: {  	s11 =	sadd.s32 $0x10, s11  }
0x23c: {  	[tilespmem:s11+$0xFFFFF060] =	vst v1  }
0x23d: {  	v1 =	vld.idx.msk [tilespmem:v3+s23+$0x0], $0xffff;
	_ =	sdelay $0x1  }
0x23e: {  	v3 =	vor.u32 $0x2, v2;
	_ =	sdelay $0x3  }
0x23f: {  	[tilespmem:s11+$0xFFFFF380] =	vst v1  }
0x240: {  	v1 =	vld.idx.msk [tilespmem:v3+s23+$0x0], $0xffff;
	_ =	sdelay $0x1  }
0x241: {  	v3 =	vor.u32 $0x3, v2;
	_ =	sdelay $0x3  }
0x242: {  	[tilespmem:s11+$0xFFFFF6A0] =	vst v1  }
0x243: {  	v1 =	vld.idx.msk [tilespmem:v3+s23+$0x0], $0xffff;
	_ =	sdelay $0x1  }
0x244: {  	v3 =	vor.u32 $0x4, v2;
	_ =	sdelay $0x3  }
0x245: {  	[tilespmem:s11+$0xFFFFF9C0] =	vst v1  }
0x246: {  	v1 =	vld.idx.msk [tilespmem:v3+s23+$0x0], $0xffff;
	_ =	sdelay $0x1  }
0x247: {  	v3 =	vor.u32 $0x5, v2;
	_ =	sdelay $0x3  }
0x248: {  	[tilespmem:s11+$0xFFFFFCE0] =	vst v1  }
0x249: {  	v1 =	vld.idx.msk [tilespmem:v3+s23+$0x0], $0xffff;
	_ =	sdelay $0x1  }
0x24a: {  	v3 =	vor.u32 $0x6, v2;
	_ =	sdelay $0x3  }
0x24b: {  	[tilespmem:s11+$0x0] =	vst v1  }
0x24c: {  	v1 =	vld.idx.msk [tilespmem:v3+s23+$0x0], $0xffff;
	_ =	sdelay $0x1  }
0x24d: {  	v3 =	vor.u32 $0x7, v2;
	_ =	sdelay $0x3  }
0x24e: {  	[tilespmem:s11+$0x320] =	vst v1  }
0x24f: {  	v1 =	vld.idx.msk [tilespmem:v3+s23+$0x0], $0xffff;
	_ =	sdelay $0x1  }
0x250: {  	v3 =	vor.u32 $0x8, v2;
	_ =	sdelay $0x3  }
0x251: {  	[tilespmem:s11+$0x640] =	vst v1  }
0x252: {  	v1 =	vld.idx.msk [tilespmem:v3+s23+$0x0], $0xffff;
	_ =	sdelay $0x1  }
0x253: {  	v3 =	vor.u32 $0x9, v2  }
.Ltmp4:
0x254: {  	(pc) =	sbr.rel @p0 .LBB2_10-.Ltmp4, $3  }
0x255: {  	_ =	sdelay $0x1  }
0x256: {  	[tilespmem:s11+$0x960] =	vst v1  }
0x257: {  	v2 =	vmov s12;
	s12 =	sadd.s32 $0x1, s12;
	v1 =	vld.idx.msk [tilespmem:v3+s23+$0x0], $0xffff  }
0x258: {  	v2 =	vshll.u32 v2, $0x4  }
0x259: {  	v2 =	vadd.s32 v0, v2;
	_ =	sdelay $0x3  }
0x25a: {  	[tilespmem:s11+$0xC80] =	vst v1  }
0x25b: {  	v1 =	vld.idx.msk [tilespmem:v2+s23+$0x0], $0xffff  }
0x25c: {  	v3 =	vor.u32 $0x1, v2;
	_ =	sdelay $0x2  }
0x25d: {  	s13 =	sadd.s32 $0x10, s11  }
0x25e: {  	[tilespmem:s13+$0xFFFFF060] =	vst v1  }
0x25f: {  	v1 =	vld.idx.msk [tilespmem:v3+s23+$0x0], $0xffff  }
0x260: {  	v3 =	vor.u32 $0x2, v2;
	_ =	sdelay $0x3  }
0x261: {  	[tilespmem:s13+$0xFFFFF380] =	vst v1  }
0x262: {  	v1 =	vld.idx.msk [tilespmem:v3+s23+$0x0], $0xffff  }
0x263: {  	v3 =	vor.u32 $0x3, v2;
	_ =	sdelay $0x3  }
0x264: {  	[tilespmem:s13+$0xFFFFF6A0] =	vst v1  }
0x265: {  	v1 =	vld.idx.msk [tilespmem:v3+s23+$0x0], $0xffff  }
0x266: {  	v3 =	vor.u32 $0x4, v2;
	_ =	sdelay $0x3  }
0x267: {  	[tilespmem:s13+$0xFFFFF9C0] =	vst v1  }
0x268: {  	v1 =	vld.idx.msk [tilespmem:v3+s23+$0x0], $0xffff  }
0x269: {  	v3 =	vor.u32 $0x5, v2;
	_ =	sdelay $0x3  }
0x26a: {  	[tilespmem:s13+$0xFFFFFCE0] =	vst v1  }
0x26b: {  	v1 =	vld.idx.msk [tilespmem:v3+s23+$0x0], $0xffff  }
0x26c: {  	v3 =	vor.u32 $0x6, v2;
	_ =	sdelay $0x3  }
0x26d: {  	[tilespmem:s13+$0x0] =	vst v1  }
0x26e: {  	v1 =	vld.idx.msk [tilespmem:v3+s23+$0x0], $0xffff  }
0x26f: {  	v3 =	vor.u32 $0x7, v2;
	_ =	sdelay $0x3  }
0x270: {  	[tilespmem:s13+$0x320] =	vst v1  }
0x271: {  	v1 =	vld.idx.msk [tilespmem:v3+s23+$0x0], $0xffff  }
0x272: {  	v3 =	vor.u32 $0x8, v2;
	_ =	sdelay $0x3  }
0x273: {  	[tilespmem:s13+$0x640] =	vst v1  }
0x274: {  	v1 =	vld.idx.msk [tilespmem:v3+s23+$0x0], $0xffff  }
0x275: {  	v2 =	vor.u32 $0x9, v2;
	_ =	sdelay $0x3  }
0x276: {  	[tilespmem:s13+$0x960] =	vst v1  }
0x277: {  	v1 =	vld.idx.msk [tilespmem:v2+s23+$0x0], $0xffff;
	_ =	sdelay $0x4  }
0x278: {  	[tilespmem:s13+$0xC80] =	vst v1;
	s13 =	simm.s32 $0x1A900  }
0x279: {  	[hbm4b:s15+s26] =	stream.strided.scatter [tilespmem:s13], [sflag:$0x1], $0x320, s28, s26, $0x38;
	[tilespmem:$0x1E780] =	vst v63  }
0x27a: {  	s14 =	sadd.s32 $0x6400, s15;
	s12 =	simm.s32 $0x1AC20  }
0x27b: {  	[hbm4b:s14+s26] =	stream.strided.scatter [tilespmem:s12], [sflag:$0x1], $0x320, s28, s26, $0x38;
	[tilespmem:$0x1E780] =	vst v63  }
0x27c: {  	s12 =	sadd.s32 $0xC800, s15;
	s14 =	simm.s32 $0x1AF40  }
0x27d: {  	[hbm4b:s12+s26] =	stream.strided.scatter [tilespmem:s14], [sflag:$0x1], $0x320, s28, s26, $0x38;
	[tilespmem:$0x1E780] =	vst v63  }
0x27e: {  	s12 =	sadd.s32 $0x12C00, s15;
	s14 =	simm.s32 $0x1B260  }
0x27f: {  	[hbm4b:s12+s26] =	stream.strided.scatter [tilespmem:s14], [sflag:$0x1], $0x320, s28, s26, $0x38;
	[tilespmem:$0x1E780] =	vst v63  }
0x280: {  	s12 =	sadd.s32 $0x19000, s15;
	s14 =	simm.s32 $0x1B580  }
0x281: {  	[hbm4b:s12+s26] =	stream.strided.scatter [tilespmem:s14], [sflag:$0x1], $0x320, s28, s26, $0x38;
	[tilespmem:$0x1E780] =	vst v63  }
0x282: {  	s14 =	sadd.s32 $0x1F400, s15  }
0x283: {  	[hbm4b:s14+s26] =	stream.strided.scatter [tilespmem:s4], [sflag:$0x1], $0x320, s28, s26, $0x38;
	[tilespmem:$0x1E780] =	vst v63  }
0x284: {  	s11 =	sadd.s32 $0x25800, s15;
	s12 =	simm.s32 $0x32;
	s14 =	simm.s32 $0x1BBC0  }
0x285: {  	v1 =	vmov s12;
	[hbm4b:s11+s26] =	stream.strided.scatter [tilespmem:s14], [sflag:$0x1], $0x320, s28, s26, $0x38;
	[tilespmem:$0x1E780] =	vst v63  }
0x286: {  	s12 =	sadd.s32 $0x2BC00, s15;
	v1 =	vshll.u32 v1, $0x4;
	s14 =	simm.s32 $0x1BEE0  }
0x287: {  	v1 =	vadd.s32 v0, v1;
	[hbm4b:s12+s26] =	stream.strided.scatter [tilespmem:s14], [sflag:$0x1], $0x320, s28, s26, $0x38;
	[tilespmem:$0x1E780] =	vst v63  }
0x288: {  	s11 =	sadd.s32 $0x32000, s15;
	s12 =	simm.s32 $0x1C200  }
0x289: {  	[hbm4b:s11+s26] =	stream.strided.scatter [tilespmem:s12], [sflag:$0x1], $0x320, s28, s26, $0x38;
	[tilespmem:$0x1E780] =	vst v63  }
0x28a: {  	s11 =	sadd.s32 $0x38400, s15;
	s12 =	simm.s32 $0x1C520  }
0x28b: {  	[hbm4b:s11+s26] =	stream.strided.scatter [tilespmem:s12], [sflag:$0x1], $0x320, s28, s26, $0x38;
	[tilespmem:$0x1E780] =	vst v63  }
0x28c: {  	v2 =	vld.idx.msk [tilespmem:v1+s23+$0x0], $0xffff  }
0x28d: {  	v3 =	vor.u32 $0x1, v1;
	_ =	sdelay $0x2  }
0x28e: {  	s11 =	simm.s32 $0x1D7E0  }
0x28f: {  	[tilespmem:s11+$0xFFFFF060] =	vst v2  }
0x290: {  	v2 =	vld.idx.msk [tilespmem:v3+s23+$0x0], $0xffff  }
0x291: {  	v3 =	vor.u32 $0x2, v1;
	_ =	sdelay $0x3  }
0x292: {  	[tilespmem:s11+$0xFFFFF380] =	vst v2  }
0x293: {  	v2 =	vld.idx.msk [tilespmem:v3+s23+$0x0], $0xffff  }
0x294: {  	v3 =	vor.u32 $0x3, v1;
	_ =	sdelay $0x3  }
0x295: {  	[tilespmem:s11+$0xFFFFF6A0] =	vst v2  }
0x296: {  	v2 =	vld.idx.msk [tilespmem:v3+s23+$0x0], $0xffff  }
0x297: {  	v3 =	vor.u32 $0x4, v1;
	_ =	sdelay $0x3  }
0x298: {  	[tilespmem:s11+$0xFFFFF9C0] =	vst v2  }
0x299: {  	v2 =	vld.idx.msk [tilespmem:v3+s23+$0x0], $0xffff  }
0x29a: {  	v3 =	vor.u32 $0x5, v1;
	_ =	sdelay $0x3  }
0x29b: {  	[tilespmem:s11+$0xFFFFFCE0] =	vst v2  }
0x29c: {  	v2 =	vld.idx.msk [tilespmem:v3+s23+$0x0], $0xffff  }
0x29d: {  	v3 =	vor.u32 $0x6, v1;
	_ =	sdelay $0x3  }
0x29e: {  	[tilespmem:s11+$0x0] =	vst v2  }
0x29f: {  	v2 =	vld.idx.msk [tilespmem:v3+s23+$0x0], $0xffff  }
0x2a0: {  	v3 =	vor.u32 $0x7, v1;
	_ =	sdelay $0x3  }
0x2a1: {  	[tilespmem:s11+$0x320] =	vst v2  }
0x2a2: {  	v2 =	vld.idx.msk [tilespmem:v3+s23+$0x0], $0xffff  }
0x2a3: {  	v3 =	vor.u32 $0x8, v1;
	_ =	sdelay $0x3  }
0x2a4: {  	[tilespmem:s11+$0x640] =	vst v2  }
0x2a5: {  	v2 =	vld.idx.msk [tilespmem:v3+s23+$0x0], $0xffff  }
0x2a6: {  	v1 =	vor.u32 $0x9, v1;
	_ =	sdelay $0x3  }
0x2a7: {  	s12 =	simm.s32 $0x33;
	[tilespmem:s11+$0x960] =	vst v2  }
0x2a8: {  	v2 =	vmov s12;
	s12 =	simm.s32 $0x34;
	v1 =	vld.idx.msk [tilespmem:v1+s23+$0x0], $0xffff  }
.LBB2_12:
0x2a9: {  	p0 =	sne.s32 s12, $0x63;
	v2 =	vshll.u32 v2, $0x4  }
0x2aa: {  	v2 =	vadd.s32 v0, v2;
	_ =	sdelay $0x3  }
0x2ab: {  	[tilespmem:s11+$0xC80] =	vst v1  }
0x2ac: {  	v1 =	vld.idx.msk [tilespmem:v2+s23+$0x0], $0xffff;
	_ =	sdelay $0x1  }
0x2ad: {  	v3 =	vor.u32 $0x1, v2;
	_ =	sdelay $0x2  }
0x2ae: {  	s11 =	sadd.s32 $0x10, s11  }
0x2af: {  	[tilespmem:s11+$0xFFFFF060] =	vst v1  }
0x2b0: {  	v1 =	vld.idx.msk [tilespmem:v3+s23+$0x0], $0xffff;
	_ =	sdelay $0x1  }
0x2b1: {  	v3 =	vor.u32 $0x2, v2;
	_ =	sdelay $0x3  }
0x2b2: {  	[tilespmem:s11+$0xFFFFF380] =	vst v1  }
0x2b3: {  	v1 =	vld.idx.msk [tilespmem:v3+s23+$0x0], $0xffff;
	_ =	sdelay $0x1  }
0x2b4: {  	v3 =	vor.u32 $0x3, v2;
	_ =	sdelay $0x3  }
0x2b5: {  	[tilespmem:s11+$0xFFFFF6A0] =	vst v1  }
0x2b6: {  	v1 =	vld.idx.msk [tilespmem:v3+s23+$0x0], $0xffff;
	_ =	sdelay $0x1  }
0x2b7: {  	v3 =	vor.u32 $0x4, v2;
	_ =	sdelay $0x3  }
0x2b8: {  	[tilespmem:s11+$0xFFFFF9C0] =	vst v1  }
0x2b9: {  	v1 =	vld.idx.msk [tilespmem:v3+s23+$0x0], $0xffff;
	_ =	sdelay $0x1  }
0x2ba: {  	v3 =	vor.u32 $0x5, v2;
	_ =	sdelay $0x3  }
0x2bb: {  	[tilespmem:s11+$0xFFFFFCE0] =	vst v1  }
0x2bc: {  	v1 =	vld.idx.msk [tilespmem:v3+s23+$0x0], $0xffff;
	_ =	sdelay $0x1  }
0x2bd: {  	v3 =	vor.u32 $0x6, v2;
	_ =	sdelay $0x3  }
0x2be: {  	[tilespmem:s11+$0x0] =	vst v1  }
0x2bf: {  	v1 =	vld.idx.msk [tilespmem:v3+s23+$0x0], $0xffff;
	_ =	sdelay $0x1  }
0x2c0: {  	v3 =	vor.u32 $0x7, v2;
	_ =	sdelay $0x3  }
0x2c1: {  	[tilespmem:s11+$0x320] =	vst v1  }
0x2c2: {  	v1 =	vld.idx.msk [tilespmem:v3+s23+$0x0], $0xffff;
	_ =	sdelay $0x1  }
0x2c3: {  	v3 =	vor.u32 $0x8, v2;
	_ =	sdelay $0x3  }
0x2c4: {  	[tilespmem:s11+$0x640] =	vst v1  }
0x2c5: {  	v1 =	vld.idx.msk [tilespmem:v3+s23+$0x0], $0xffff;
	_ =	sdelay $0x1  }
0x2c6: {  	v3 =	vor.u32 $0x9, v2  }
.Ltmp5:
0x2c7: {  	(pc) =	sbr.rel @p0 .LBB2_12-.Ltmp5, $3  }
0x2c8: {  	_ =	sdelay $0x1  }
0x2c9: {  	[tilespmem:s11+$0x960] =	vst v1  }
0x2ca: {  	v2 =	vmov s12;
	s12 =	sadd.s32 $0x1, s12;
	v1 =	vld.idx.msk [tilespmem:v3+s23+$0x0], $0xffff  }
0x2cb: {  	v2 =	vshll.u32 v2, $0x4  }
0x2cc: {  	v2 =	vadd.s32 v0, v2;
	_ =	sdelay $0x3  }
0x2cd: {  	[tilespmem:s11+$0xC80] =	vst v1  }
0x2ce: {  	v1 =	vld.idx.msk [tilespmem:v2+s23+$0x0], $0xffff  }
0x2cf: {  	v3 =	vor.u32 $0x1, v2;
	_ =	sdelay $0x2  }
0x2d0: {  	s12 =	sadd.s32 $0x10, s11  }
0x2d1: {  	[tilespmem:s12+$0xFFFFF060] =	vst v1  }
0x2d2: {  	v1 =	vld.idx.msk [tilespmem:v3+s23+$0x0], $0xffff  }
0x2d3: {  	v3 =	vor.u32 $0x2, v2;
	_ =	sdelay $0x3  }
0x2d4: {  	[tilespmem:s12+$0xFFFFF380] =	vst v1  }
0x2d5: {  	v1 =	vld.idx.msk [tilespmem:v3+s23+$0x0], $0xffff  }
0x2d6: {  	v3 =	vor.u32 $0x3, v2;
	_ =	sdelay $0x3  }
0x2d7: {  	[tilespmem:s12+$0xFFFFF6A0] =	vst v1  }
0x2d8: {  	v1 =	vld.idx.msk [tilespmem:v3+s23+$0x0], $0xffff  }
0x2d9: {  	v3 =	vor.u32 $0x4, v2;
	_ =	sdelay $0x3  }
0x2da: {  	[tilespmem:s12+$0xFFFFF9C0] =	vst v1  }
0x2db: {  	v1 =	vld.idx.msk [tilespmem:v3+s23+$0x0], $0xffff  }
0x2dc: {  	v3 =	vor.u32 $0x5, v2;
	_ =	sdelay $0x3  }
0x2dd: {  	[tilespmem:s12+$0xFFFFFCE0] =	vst v1  }
0x2de: {  	v1 =	vld.idx.msk [tilespmem:v3+s23+$0x0], $0xffff  }
0x2df: {  	v3 =	vor.u32 $0x6, v2;
	_ =	sdelay $0x3  }
0x2e0: {  	[tilespmem:s12+$0x0] =	vst v1  }
0x2e1: {  	v1 =	vld.idx.msk [tilespmem:v3+s23+$0x0], $0xffff  }
0x2e2: {  	v3 =	vor.u32 $0x7, v2;
	_ =	sdelay $0x3  }
0x2e3: {  	[tilespmem:s12+$0x320] =	vst v1  }
0x2e4: {  	v1 =	vld.idx.msk [tilespmem:v3+s23+$0x0], $0xffff  }
0x2e5: {  	v3 =	vor.u32 $0x8, v2;
	_ =	sdelay $0x3  }
0x2e6: {  	[tilespmem:s12+$0x640] =	vst v1  }
0x2e7: {  	v1 =	vld.idx.msk [tilespmem:v3+s23+$0x0], $0xffff  }
0x2e8: {  	v2 =	vor.u32 $0x9, v2;
	_ =	sdelay $0x3  }
0x2e9: {  	[tilespmem:s12+$0x960] =	vst v1  }
0x2ea: {  	v1 =	vld.idx.msk [tilespmem:v2+s23+$0x0], $0xffff;
	_ =	sdelay $0x4  }
0x2eb: {  	[tilespmem:s12+$0xC80] =	vst v1;
	s12 =	simm.s32 $0x1C840  }
0x2ec: {  	[hbm4b:s16+s26] =	stream.strided.scatter [tilespmem:s12], [sflag:$0x1], $0x320, s28, s26, $0x38;
	[tilespmem:$0x1E780] =	vst v63  }
0x2ed: {  	s11 =	sadd.s32 $0x6400, s16;
	s12 =	simm.s32 $0x1CB60  }
0x2ee: {  	[hbm4b:s11+s26] =	stream.strided.scatter [tilespmem:s12], [sflag:$0x1], $0x320, s28, s26, $0x38;
	[tilespmem:$0x1E780] =	vst v63  }
0x2ef: {  	s12 =	sadd.s32 $0xC800, s16  }
0x2f0: {  	[hbm4b:s12+s26] =	stream.strided.scatter [tilespmem:s19], [sflag:$0x1], $0x320, s28, s26, $0x38;
	[tilespmem:$0x1E780] =	vst v63  }
0x2f1: {  	s12 =	sadd.s32 $0x12C00, s16  }
0x2f2: {  	[hbm4b:s12+s26] =	stream.strided.scatter [tilespmem:s20], [sflag:$0x1], $0x320, s28, s26, $0x38;
	[tilespmem:$0x1E780] =	vst v63  }
0x2f3: {  	s12 =	sadd.s32 $0x19000, s16  }
0x2f4: {  	[hbm4b:s12+s26] =	stream.strided.scatter [tilespmem:s24], [sflag:$0x1], $0x320, s28, s26, $0x38;
	[tilespmem:$0x1E780] =	vst v63  }
0x2f5: {  	s12 =	sadd.s32 $0x1F400, s16  }
0x2f6: {  	[hbm4b:s12+s26] =	stream.strided.scatter [tilespmem:s29], [sflag:$0x1], $0x320, s28, s26, $0x38;
	[tilespmem:$0x1E780] =	vst v63  }
0x2f7: {  	s12 =	sadd.s32 $0x25800, s16  }
0x2f8: {  	[hbm4b:s12+s26] =	stream.strided.scatter [tilespmem:s30], [sflag:$0x1], $0x320, s28, s26, $0x38;
	[tilespmem:$0x1E780] =	vst v63  }
0x2f9: {  	s11 =	simm.s32 $0x64;
	s12 =	sadd.s32 $0x2BC00, s16  }
0x2fa: {  	[hbm4b:s12+s26] =	stream.strided.scatter [tilespmem:s31], [sflag:$0x1], $0x320, s28, s26, $0x38;
	[tilespmem:$0x1E780] =	vst v63  }
0x2fb: {  	v1 =	vmov s11;
	s12 =	sadd.s32 $0x32000, s16  }
0x2fc: {  	v1 =	vshll.u32 v1, $0x4;
	[hbm4b:s12+s26] =	stream.strided.scatter [tilespmem:s0], [sflag:$0x1], $0x320, s28, s26, $0x38;
	[tilespmem:$0x1E780] =	vst v63  }
0x2fd: {  	v1 =	vadd.s32 v0, v1;
	s12 =	sadd.s32 $0x38400, s16  }
0x2fe: {  	[hbm4b:s12+s26] =	stream.strided.scatter [tilespmem:s1], [sflag:$0x1], $0x320, s28, s26, $0x38;
	[tilespmem:$0x1E780] =	vst v63  }
0x2ff: {  	_ =	swait.ge [sflag:s25], $0x1F40  }
0x300: {  	[sflag:s25] =	ssyncset.done $0x0  }
0x301: {  	[sflag:s25] =	ssyncadd.s32 $0xFFFFE0C0  }
0x302: {  	v2 =	vld.idx.msk [tilespmem:v1+s23+$0x0], $0xffff  }
0x303: {  	v3 =	vor.u32 $0x1, v1;
	_ =	sdelay $0x2  }
0x304: {  	s11 =	simm.s32 $0x1B8A0  }
0x305: {  	[tilespmem:s11+$0xFFFFF060] =	vst v2  }
0x306: {  	v2 =	vld.idx.msk [tilespmem:v3+s23+$0x0], $0xffff  }
0x307: {  	v3 =	vor.u32 $0x2, v1;
	_ =	sdelay $0x3  }
0x308: {  	[tilespmem:s11+$0xFFFFF380] =	vst v2  }
0x309: {  	v2 =	vld.idx.msk [tilespmem:v3+s23+$0x0], $0xffff  }
0x30a: {  	v3 =	vor.u32 $0x3, v1;
	_ =	sdelay $0x3  }
0x30b: {  	[tilespmem:s11+$0xFFFFF6A0] =	vst v2  }
0x30c: {  	v2 =	vld.idx.msk [tilespmem:v3+s23+$0x0], $0xffff  }
0x30d: {  	v3 =	vor.u32 $0x4, v1;
	_ =	sdelay $0x3  }
0x30e: {  	[tilespmem:s11+$0xFFFFF9C0] =	vst v2  }
0x30f: {  	v2 =	vld.idx.msk [tilespmem:v3+s23+$0x0], $0xffff  }
0x310: {  	v3 =	vor.u32 $0x5, v1;
	_ =	sdelay $0x3  }
0x311: {  	[tilespmem:s11+$0xFFFFFCE0] =	vst v2  }
0x312: {  	v2 =	vld.idx.msk [tilespmem:v3+s23+$0x0], $0xffff  }
0x313: {  	v3 =	vor.u32 $0x6, v1;
	_ =	sdelay $0x3  }
0x314: {  	[tilespmem:s11+$0x0] =	vst v2  }
0x315: {  	v2 =	vld.idx.msk [tilespmem:v3+s23+$0x0], $0xffff  }
0x316: {  	v3 =	vor.u32 $0x7, v1;
	_ =	sdelay $0x3  }
0x317: {  	[tilespmem:s11+$0x320] =	vst v2  }
0x318: {  	v2 =	vld.idx.msk [tilespmem:v3+s23+$0x0], $0xffff  }
0x319: {  	v3 =	vor.u32 $0x8, v1;
	_ =	sdelay $0x3  }
0x31a: {  	[tilespmem:s11+$0x640] =	vst v2  }
0x31b: {  	v2 =	vld.idx.msk [tilespmem:v3+s23+$0x0], $0xffff  }
0x31c: {  	v1 =	vor.u32 $0x9, v1;
	_ =	sdelay $0x3  }
0x31d: {  	s12 =	simm.s32 $0x65;
	[tilespmem:s11+$0x960] =	vst v2  }
0x31e: {  	v2 =	vmov s12;
	s12 =	simm.s32 $0x66;
	v1 =	vld.idx.msk [tilespmem:v1+s23+$0x0], $0xffff  }
.LBB2_14:
0x31f: {  	p0 =	sne.s32 s12, $0x95;
	v2 =	vshll.u32 v2, $0x4  }
0x320: {  	v2 =	vadd.s32 v0, v2;
	_ =	sdelay $0x3  }
0x321: {  	[tilespmem:s11+$0xC80] =	vst v1  }
0x322: {  	v1 =	vld.idx.msk [tilespmem:v2+s23+$0x0], $0xffff;
	_ =	sdelay $0x1  }
0x323: {  	v3 =	vor.u32 $0x1, v2;
	_ =	sdelay $0x2  }
0x324: {  	s11 =	sadd.s32 $0x10, s11  }
0x325: {  	[tilespmem:s11+$0xFFFFF060] =	vst v1  }
0x326: {  	v1 =	vld.idx.msk [tilespmem:v3+s23+$0x0], $0xffff;
	_ =	sdelay $0x1  }
0x327: {  	v3 =	vor.u32 $0x2, v2;
	_ =	sdelay $0x3  }
0x328: {  	[tilespmem:s11+$0xFFFFF380] =	vst v1  }
0x329: {  	v1 =	vld.idx.msk [tilespmem:v3+s23+$0x0], $0xffff;
	_ =	sdelay $0x1  }
0x32a: {  	v3 =	vor.u32 $0x3, v2;
	_ =	sdelay $0x3  }
0x32b: {  	[tilespmem:s11+$0xFFFFF6A0] =	vst v1  }
0x32c: {  	v1 =	vld.idx.msk [tilespmem:v3+s23+$0x0], $0xffff;
	_ =	sdelay $0x1  }
0x32d: {  	v3 =	vor.u32 $0x4, v2;
	_ =	sdelay $0x3  }
0x32e: {  	[tilespmem:s11+$0xFFFFF9C0] =	vst v1  }
0x32f: {  	v1 =	vld.idx.msk [tilespmem:v3+s23+$0x0], $0xffff;
	_ =	sdelay $0x1  }
0x330: {  	v3 =	vor.u32 $0x5, v2;
	_ =	sdelay $0x3  }
0x331: {  	[tilespmem:s11+$0xFFFFFCE0] =	vst v1  }
0x332: {  	v1 =	vld.idx.msk [tilespmem:v3+s23+$0x0], $0xffff;
	_ =	sdelay $0x1  }
0x333: {  	v3 =	vor.u32 $0x6, v2;
	_ =	sdelay $0x3  }
0x334: {  	[tilespmem:s11+$0x0] =	vst v1  }
0x335: {  	v1 =	vld.idx.msk [tilespmem:v3+s23+$0x0], $0xffff;
	_ =	sdelay $0x1  }
0x336: {  	v3 =	vor.u32 $0x7, v2;
	_ =	sdelay $0x3  }
0x337: {  	[tilespmem:s11+$0x320] =	vst v1  }
0x338: {  	v1 =	vld.idx.msk [tilespmem:v3+s23+$0x0], $0xffff;
	_ =	sdelay $0x1  }
0x339: {  	v3 =	vor.u32 $0x8, v2;
	_ =	sdelay $0x3  }
0x33a: {  	[tilespmem:s11+$0x640] =	vst v1  }
0x33b: {  	v1 =	vld.idx.msk [tilespmem:v3+s23+$0x0], $0xffff;
	_ =	sdelay $0x1  }
0x33c: {  	v3 =	vor.u32 $0x9, v2  }
.Ltmp6:
0x33d: {  	(pc) =	sbr.rel @p0 .LBB2_14-.Ltmp6, $3  }
0x33e: {  	_ =	sdelay $0x1  }
0x33f: {  	[tilespmem:s11+$0x960] =	vst v1  }
0x340: {  	v2 =	vmov s12;
	s12 =	sadd.s32 $0x1, s12;
	v1 =	vld.idx.msk [tilespmem:v3+s23+$0x0], $0xffff  }
0x341: {  	v2 =	vshll.u32 v2, $0x4  }
0x342: {  	v2 =	vadd.s32 v0, v2;
	_ =	sdelay $0x3  }
0x343: {  	[tilespmem:s11+$0xC80] =	vst v1  }
0x344: {  	v1 =	vld.idx.msk [tilespmem:v2+s23+$0x0], $0xffff  }
0x345: {  	v3 =	vor.u32 $0x1, v2;
	_ =	sdelay $0x2  }
0x346: {  	s12 =	sadd.s32 $0x10, s11  }
0x347: {  	[tilespmem:s12+$0xFFFFF060] =	vst v1  }
0x348: {  	v1 =	vld.idx.msk [tilespmem:v3+s23+$0x0], $0xffff  }
0x349: {  	v3 =	vor.u32 $0x2, v2;
	_ =	sdelay $0x3  }
0x34a: {  	[tilespmem:s12+$0xFFFFF380] =	vst v1  }
0x34b: {  	v1 =	vld.idx.msk [tilespmem:v3+s23+$0x0], $0xffff  }
0x34c: {  	v3 =	vor.u32 $0x3, v2;
	_ =	sdelay $0x3  }
0x34d: {  	[tilespmem:s12+$0xFFFFF6A0] =	vst v1  }
0x34e: {  	v1 =	vld.idx.msk [tilespmem:v3+s23+$0x0], $0xffff  }
0x34f: {  	v3 =	vor.u32 $0x4, v2;
	_ =	sdelay $0x3  }
0x350: {  	[tilespmem:s12+$0xFFFFF9C0] =	vst v1  }
0x351: {  	v1 =	vld.idx.msk [tilespmem:v3+s23+$0x0], $0xffff  }
0x352: {  	v3 =	vor.u32 $0x5, v2;
	_ =	sdelay $0x3  }
0x353: {  	[tilespmem:s12+$0xFFFFFCE0] =	vst v1  }
0x354: {  	v1 =	vld.idx.msk [tilespmem:v3+s23+$0x0], $0xffff  }
0x355: {  	v3 =	vor.u32 $0x6, v2;
	_ =	sdelay $0x3  }
0x356: {  	[tilespmem:s12+$0x0] =	vst v1  }
0x357: {  	v1 =	vld.idx.msk [tilespmem:v3+s23+$0x0], $0xffff  }
0x358: {  	v3 =	vor.u32 $0x7, v2;
	_ =	sdelay $0x3  }
0x359: {  	[tilespmem:s12+$0x320] =	vst v1  }
0x35a: {  	v1 =	vld.idx.msk [tilespmem:v3+s23+$0x0], $0xffff  }
0x35b: {  	v3 =	vor.u32 $0x8, v2;
	_ =	sdelay $0x3  }
0x35c: {  	[tilespmem:s12+$0x640] =	vst v1  }
0x35d: {  	v1 =	vld.idx.msk [tilespmem:v3+s23+$0x0], $0xffff  }
0x35e: {  	v2 =	vor.u32 $0x9, v2;
	_ =	sdelay $0x3  }
0x35f: {  	[tilespmem:s12+$0x960] =	vst v1  }
0x360: {  	v1 =	vld.idx.msk [tilespmem:v2+s23+$0x0], $0xffff;
	_ =	sdelay $0x4  }
0x361: {  	[tilespmem:s12+$0xC80] =	vst v1  }
0x362: {  	[hbm4b:s17+s26] =	stream.strided.scatter [tilespmem:s13], [sflag:$0x1], $0x320, s28, s26, $0x38;
	[tilespmem:$0x1E780] =	vst v63  }
0x363: {  	s11 =	sadd.s32 $0x6400, s17;
	s12 =	simm.s32 $0x1AC20  }
0x364: {  	[hbm4b:s11+s26] =	stream.strided.scatter [tilespmem:s12], [sflag:$0x1], $0x320, s28, s26, $0x38;
	[tilespmem:$0x1E780] =	vst v63  }
0x365: {  	s11 =	sadd.s32 $0xC800, s17;
	s12 =	simm.s32 $0x1AF40  }
0x366: {  	[hbm4b:s11+s26] =	stream.strided.scatter [tilespmem:s12], [sflag:$0x1], $0x320, s28, s26, $0x38;
	[tilespmem:$0x1E780] =	vst v63  }
0x367: {  	s11 =	sadd.s32 $0x12C00, s17;
	s12 =	simm.s32 $0x1B260  }
0x368: {  	[hbm4b:s11+s26] =	stream.strided.scatter [tilespmem:s12], [sflag:$0x1], $0x320, s28, s26, $0x38;
	[tilespmem:$0x1E780] =	vst v63  }
0x369: {  	s11 =	sadd.s32 $0x19000, s17;
	s12 =	simm.s32 $0x1B580  }
0x36a: {  	[hbm4b:s11+s26] =	stream.strided.scatter [tilespmem:s12], [sflag:$0x1], $0x320, s28, s26, $0x38;
	[tilespmem:$0x1E780] =	vst v63  }
0x36b: {  	s12 =	sadd.s32 $0x1F400, s17  }
0x36c: {  	[hbm4b:s12+s26] =	stream.strided.scatter [tilespmem:s4], [sflag:$0x1], $0x320, s28, s26, $0x38;
	[tilespmem:$0x1E780] =	vst v63  }
0x36d: {  	s11 =	sadd.s32 $0x25800, s17;
	s12 =	simm.s32 $0x1BBC0  }
0x36e: {  	[hbm4b:s11+s26] =	stream.strided.scatter [tilespmem:s12], [sflag:$0x1], $0x320, s28, s26, $0x38;
	[tilespmem:$0x1E780] =	vst v63  }
0x36f: {  	s12 =	sadd.s32 $0x2BC00, s17  }
0x370: {  	[hbm4b:s12+s26] =	stream.strided.scatter [tilespmem:s14], [sflag:$0x1], $0x320, s28, s26, $0x38;
	[tilespmem:$0x1E780] =	vst v63  }
0x371: {  	s14 =	simm.s32 $0x96  }
0x372: {  	s12 =	sadd.s32 $0x32000, s17;
	v1 =	vmov s14;
	s14 =	simm.s32 $0x1C200  }
0x373: {  	[hbm4b:s12+s26] =	stream.strided.scatter [tilespmem:s14], [sflag:$0x1], $0x320, s28, s26, $0x38;
	v1 =	vshll.u32 v1, $0x4;
	[tilespmem:$0x1E780] =	vst v63  }
0x374: {  	s12 =	sadd.s32 $0x38400, s17;
	s14 =	simm.s32 $0x1C520;
	v1 =	vadd.s32 v0, v1  }
0x375: {  	[hbm4b:s12+s26] =	stream.strided.scatter [tilespmem:s14], [sflag:$0x1], $0x320, s28, s26, $0x38;
	[tilespmem:$0x1E780] =	vst v63  }
0x376: {  	_ =	swait.ge [sflag:s25], $0x1F40  }
0x377: {  	[sflag:s25] =	ssyncset.done $0x0  }
0x378: {  	[sflag:s25] =	ssyncadd.s32 $0xFFFFE0C0  }
0x379: {  	v2 =	vld.idx.msk [tilespmem:v1+s23+$0x0], $0xffff  }
0x37a: {  	v3 =	vor.u32 $0x1, v1;
	_ =	sdelay $0x2  }
0x37b: {  	s11 =	simm.s32 $0x1D7E0  }
0x37c: {  	[tilespmem:s11+$0xFFFFF060] =	vst v2  }
0x37d: {  	v2 =	vld.idx.msk [tilespmem:v3+s23+$0x0], $0xffff  }
0x37e: {  	v3 =	vor.u32 $0x2, v1;
	_ =	sdelay $0x3  }
0x37f: {  	[tilespmem:s11+$0xFFFFF380] =	vst v2  }
0x380: {  	v2 =	vld.idx.msk [tilespmem:v3+s23+$0x0], $0xffff  }
0x381: {  	v3 =	vor.u32 $0x3, v1;
	_ =	sdelay $0x3  }
0x382: {  	[tilespmem:s11+$0xFFFFF6A0] =	vst v2  }
0x383: {  	v2 =	vld.idx.msk [tilespmem:v3+s23+$0x0], $0xffff  }
0x384: {  	v3 =	vor.u32 $0x4, v1;
	_ =	sdelay $0x3  }
0x385: {  	[tilespmem:s11+$0xFFFFF9C0] =	vst v2  }
0x386: {  	v2 =	vld.idx.msk [tilespmem:v3+s23+$0x0], $0xffff  }
0x387: {  	v3 =	vor.u32 $0x5, v1;
	_ =	sdelay $0x3  }
0x388: {  	[tilespmem:s11+$0xFFFFFCE0] =	vst v2  }
0x389: {  	v2 =	vld.idx.msk [tilespmem:v3+s23+$0x0], $0xffff  }
0x38a: {  	v3 =	vor.u32 $0x6, v1;
	_ =	sdelay $0x3  }
0x38b: {  	[tilespmem:s11+$0x0] =	vst v2  }
0x38c: {  	v2 =	vld.idx.msk [tilespmem:v3+s23+$0x0], $0xffff  }
0x38d: {  	v3 =	vor.u32 $0x7, v1;
	_ =	sdelay $0x3  }
0x38e: {  	[tilespmem:s11+$0x320] =	vst v2  }
0x38f: {  	v2 =	vld.idx.msk [tilespmem:v3+s23+$0x0], $0xffff  }
0x390: {  	v3 =	vor.u32 $0x8, v1;
	_ =	sdelay $0x3  }
0x391: {  	[tilespmem:s11+$0x640] =	vst v2  }
0x392: {  	v2 =	vld.idx.msk [tilespmem:v3+s23+$0x0], $0xffff  }
0x393: {  	v1 =	vor.u32 $0x9, v1;
	_ =	sdelay $0x3  }
0x394: {  	s14 =	simm.s32 $0x97;
	[tilespmem:s11+$0x960] =	vst v2  }
0x395: {  	s12 =	simm.s32 $0x98;
	v2 =	vmov s14;
	v1 =	vld.idx.msk [tilespmem:v1+s23+$0x0], $0xffff  }
.LBB2_16:
0x396: {  	p0 =	sne.s32 s12, $0xC7;
	v2 =	vshll.u32 v2, $0x4  }
0x397: {  	v2 =	vadd.s32 v0, v2;
	_ =	sdelay $0x3  }
0x398: {  	[tilespmem:s11+$0xC80] =	vst v1  }
0x399: {  	v1 =	vld.idx.msk [tilespmem:v2+s23+$0x0], $0xffff;
	_ =	sdelay $0x1  }
0x39a: {  	v3 =	vor.u32 $0x1, v2;
	_ =	sdelay $0x2  }
0x39b: {  	s11 =	sadd.s32 $0x10, s11  }
0x39c: {  	[tilespmem:s11+$0xFFFFF060] =	vst v1  }
0x39d: {  	v1 =	vld.idx.msk [tilespmem:v3+s23+$0x0], $0xffff;
	_ =	sdelay $0x1  }
0x39e: {  	v3 =	vor.u32 $0x2, v2;
	_ =	sdelay $0x3  }
0x39f: {  	[tilespmem:s11+$0xFFFFF380] =	vst v1  }
0x3a0: {  	v1 =	vld.idx.msk [tilespmem:v3+s23+$0x0], $0xffff;
	_ =	sdelay $0x1  }
0x3a1: {  	v3 =	vor.u32 $0x3, v2;
	_ =	sdelay $0x3  }
0x3a2: {  	[tilespmem:s11+$0xFFFFF6A0] =	vst v1  }
0x3a3: {  	v1 =	vld.idx.msk [tilespmem:v3+s23+$0x0], $0xffff;
	_ =	sdelay $0x1  }
0x3a4: {  	v3 =	vor.u32 $0x4, v2;
	_ =	sdelay $0x3  }
0x3a5: {  	[tilespmem:s11+$0xFFFFF9C0] =	vst v1  }
0x3a6: {  	v1 =	vld.idx.msk [tilespmem:v3+s23+$0x0], $0xffff;
	_ =	sdelay $0x1  }
0x3a7: {  	v3 =	vor.u32 $0x5, v2;
	_ =	sdelay $0x3  }
0x3a8: {  	[tilespmem:s11+$0xFFFFFCE0] =	vst v1  }
0x3a9: {  	v1 =	vld.idx.msk [tilespmem:v3+s23+$0x0], $0xffff;
	_ =	sdelay $0x1  }
0x3aa: {  	v3 =	vor.u32 $0x6, v2;
	_ =	sdelay $0x3  }
0x3ab: {  	[tilespmem:s11+$0x0] =	vst v1  }
0x3ac: {  	v1 =	vld.idx.msk [tilespmem:v3+s23+$0x0], $0xffff;
	_ =	sdelay $0x1  }
0x3ad: {  	v3 =	vor.u32 $0x7, v2;
	_ =	sdelay $0x3  }
0x3ae: {  	[tilespmem:s11+$0x320] =	vst v1  }
0x3af: {  	v1 =	vld.idx.msk [tilespmem:v3+s23+$0x0], $0xffff;
	_ =	sdelay $0x1  }
0x3b0: {  	v3 =	vor.u32 $0x8, v2;
	_ =	sdelay $0x3  }
0x3b1: {  	[tilespmem:s11+$0x640] =	vst v1  }
0x3b2: {  	v1 =	vld.idx.msk [tilespmem:v3+s23+$0x0], $0xffff;
	_ =	sdelay $0x1  }
0x3b3: {  	v3 =	vor.u32 $0x9, v2  }
.Ltmp7:
0x3b4: {  	(pc) =	sbr.rel @p0 .LBB2_16-.Ltmp7, $3  }
0x3b5: {  	_ =	sdelay $0x1  }
0x3b6: {  	[tilespmem:s11+$0x960] =	vst v1  }
0x3b7: {  	v2 =	vmov s12;
	s12 =	sadd.s32 $0x1, s12;
	v1 =	vld.idx.msk [tilespmem:v3+s23+$0x0], $0xffff  }
0x3b8: {  	v2 =	vshll.u32 v2, $0x4  }
0x3b9: {  	v2 =	vadd.s32 v0, v2;
	_ =	sdelay $0x3  }
0x3ba: {  	[tilespmem:s11+$0xC80] =	vst v1  }
0x3bb: {  	v1 =	vld.idx.msk [tilespmem:v2+s23+$0x0], $0xffff  }
0x3bc: {  	v3 =	vor.u32 $0x1, v2;
	_ =	sdelay $0x2  }
0x3bd: {  	s14 =	sadd.s32 $0x10, s11  }
0x3be: {  	[tilespmem:s14+$0xFFFFF060] =	vst v1  }
0x3bf: {  	v1 =	vld.idx.msk [tilespmem:v3+s23+$0x0], $0xffff  }
0x3c0: {  	v3 =	vor.u32 $0x2, v2;
	_ =	sdelay $0x3  }
0x3c1: {  	[tilespmem:s14+$0xFFFFF380] =	vst v1  }
0x3c2: {  	v1 =	vld.idx.msk [tilespmem:v3+s23+$0x0], $0xffff  }
0x3c3: {  	v3 =	vor.u32 $0x3, v2;
	_ =	sdelay $0x3  }
0x3c4: {  	[tilespmem:s14+$0xFFFFF6A0] =	vst v1  }
0x3c5: {  	v1 =	vld.idx.msk [tilespmem:v3+s23+$0x0], $0xffff  }
0x3c6: {  	v3 =	vor.u32 $0x4, v2;
	_ =	sdelay $0x3  }
0x3c7: {  	[tilespmem:s14+$0xFFFFF9C0] =	vst v1  }
0x3c8: {  	v1 =	vld.idx.msk [tilespmem:v3+s23+$0x0], $0xffff  }
0x3c9: {  	v3 =	vor.u32 $0x5, v2;
	_ =	sdelay $0x3  }
0x3ca: {  	[tilespmem:s14+$0xFFFFFCE0] =	vst v1  }
0x3cb: {  	v1 =	vld.idx.msk [tilespmem:v3+s23+$0x0], $0xffff  }
0x3cc: {  	v3 =	vor.u32 $0x6, v2;
	_ =	sdelay $0x3  }
0x3cd: {  	[tilespmem:s14+$0x0] =	vst v1  }
0x3ce: {  	v1 =	vld.idx.msk [tilespmem:v3+s23+$0x0], $0xffff  }
0x3cf: {  	v3 =	vor.u32 $0x7, v2;
	_ =	sdelay $0x3  }
0x3d0: {  	[tilespmem:s14+$0x320] =	vst v1  }
0x3d1: {  	v1 =	vld.idx.msk [tilespmem:v3+s23+$0x0], $0xffff  }
0x3d2: {  	v3 =	vor.u32 $0x8, v2;
	_ =	sdelay $0x3  }
0x3d3: {  	[tilespmem:s14+$0x640] =	vst v1  }
0x3d4: {  	v1 =	vld.idx.msk [tilespmem:v3+s23+$0x0], $0xffff  }
0x3d5: {  	v2 =	vor.u32 $0x9, v2;
	_ =	sdelay $0x3  }
0x3d6: {  	[tilespmem:s14+$0x960] =	vst v1  }
0x3d7: {  	v1 =	vld.idx.msk [tilespmem:v2+s23+$0x0], $0xffff;
	_ =	sdelay $0x4  }
0x3d8: {  	s12 =	simm.s32 $0x1C840;
	[tilespmem:s14+$0xC80] =	vst v1  }
0x3d9: {  	[hbm4b:s18+s26] =	stream.strided.scatter [tilespmem:s12], [sflag:$0x1], $0x320, s28, s26, $0x38;
	[tilespmem:$0x1E780] =	vst v63  }
0x3da: {  	s14 =	sadd.s32 $0x6400, s18;
	s12 =	simm.s32 $0x1CB60  }
0x3db: {  	[hbm4b:s14+s26] =	stream.strided.scatter [tilespmem:s12], [sflag:$0x1], $0x320, s28, s26, $0x38;
	[tilespmem:$0x1E780] =	vst v63  }
0x3dc: {  	s14 =	sadd.s32 $0xC800, s18  }
0x3dd: {  	[hbm4b:s14+s26] =	stream.strided.scatter [tilespmem:s19], [sflag:$0x1], $0x320, s28, s26, $0x38;
	[tilespmem:$0x1E780] =	vst v63  }
0x3de: {  	s12 =	sadd.s32 $0x12C00, s18  }
0x3df: {  	[hbm4b:s12+s26] =	stream.strided.scatter [tilespmem:s20], [sflag:$0x1], $0x320, s28, s26, $0x38;
	[tilespmem:$0x1E780] =	vst v63  }
0x3e0: {  	s14 =	sadd.s32 $0x19000, s18  }
0x3e1: {  	[hbm4b:s14+s26] =	stream.strided.scatter [tilespmem:s24], [sflag:$0x1], $0x320, s28, s26, $0x38;
	[tilespmem:$0x1E780] =	vst v63  }
0x3e2: {  	s12 =	sadd.s32 $0x1F400, s18  }
0x3e3: {  	[hbm4b:s12+s26] =	stream.strided.scatter [tilespmem:s29], [sflag:$0x1], $0x320, s28, s26, $0x38;
	[tilespmem:$0x1E780] =	vst v63  }
0x3e4: {  	s14 =	sadd.s32 $0x25800, s18  }
0x3e5: {  	[hbm4b:s14+s26] =	stream.strided.scatter [tilespmem:s30], [sflag:$0x1], $0x320, s28, s26, $0x38;
	[tilespmem:$0x1E780] =	vst v63  }
0x3e6: {  	s12 =	sadd.s32 $0x2BC00, s18  }
0x3e7: {  	[hbm4b:s12+s26] =	stream.strided.scatter [tilespmem:s31], [sflag:$0x1], $0x320, s28, s26, $0x38;
	[tilespmem:$0x1E780] =	vst v63  }
0x3e8: {  	s14 =	sadd.s32 $0x32000, s18  }
0x3e9: {  	[hbm4b:s14+s26] =	stream.strided.scatter [tilespmem:s0], [sflag:$0x1], $0x320, s28, s26, $0x38;
	[tilespmem:$0x1E780] =	vst v63  }
0x3ea: {  	s12 =	sadd.s32 $0x38400, s18  }
0x3eb: {  	[hbm4b:s12+s26] =	stream.strided.scatter [tilespmem:s1], [sflag:$0x1], $0x320, s28, s26, $0x38;
	[tilespmem:$0x1E780] =	vst v63  }
0x3ec: {  	_ =	swait.ge [sflag:s5], $0xC800  }
0x3ed: {  	[sflag:s5] =	ssyncset.done $0x0  }
0x3ee: {  	s12 =	simm.s32 $0xE100;
	s14 =	rddreg [dreg:$0xa];
	[sflag:s5] =	ssyncadd.s32 $0xFFFF3800  }
0x3ef: {  	[hbm4b:s14+s2] =	stream.linear.scatter [tilespmem:s12], [sflag:$0x2], $0xC800, $0x38;
	[tilespmem:$0x1E780] =	vst v63  }
0x3f0: {  	_ =	swait.ge [sflag:s25], $0xC800  }
0x3f1: {  	[sflag:s25] =	ssyncset.done $0x0  }
0x3f2: {  	[sflag:s25] =	ssyncadd.s32 $0xFFFF3800  }
0x3f3: {  	_ =	swait.ge [sflag:s25], $0x1F40  }
0x3f4: {  	[sflag:s25] =	ssyncset.done $0x0  }
0x3f5: {  	[sflag:s25] =	ssyncadd.s32 $0xFFFFE0C0  }
0x3f6: {  	_ =	swait.ge [sflag:s25], $0x1F40  }
0x3f7: {  	[sflag:s25] =	ssyncset.done $0x0  }
0x3f8: {  	[sflag:s25] =	ssyncadd.s32 $0xFFFFE0C0  }
0x3f9: {  	_ =	swait.ge [sflag:s5], $0xC800  }
0x3fa: {  	s6 =	sadd.s32 $0x1, s6;
	s14 =	rddreg [dreg:$0xb]  }
0x3fb: {  	p0 =	sne.s32 s6, s14  }
.Ltmp8:
0x3fc: {  	_ = 	snop;
	(pc) =	sbr.rel @p0 .LBB2_1-.Ltmp8, $3  }
0x3fd: {  	_ =	sdelay $0x1  }
0x3fe: {  	[sflag:s5] =	ssyncset.done $0x0  }
0x3ff: {  	[sflag:s5] =	ssyncadd.s32 $0xFFFF3800  }
0x400: {  	_ =	sfence.sel $0x180000  }
0x401: {  	[bflag:$0x0] =	sbarrier.arrive $0xFFFF  }
0x402: {  	_ =	strace $0x90000047  }
0x403: {  	s0 =	stileid.u32;
	[bflag:$0x2] =	sbarrier.arrive $0xFFFF  }
0x404: {  	p0 =	sne.s32 s0, $0x0;
	s0 =	rddreg [dreg:$0x2]  }
0x405: {  	s0 =	sadd.s32 @!p0 $0x100000, s0  }
0x406: {  	[sflag:s0] =	ssyncadd.tile.s32 @!p0 $0x1;
	_ =	shalt  }
.Lfunc_end2:
_tile_overlayer_lowered:
.L_overlay_start_2:
0x407: {  	(tag) =	ssettag $0x2  }
0x408: {  	s0 =	rddreg [dreg:$0x0];
	s2 =	stileid.u32  }
0x409: {  	s1 =	rddreg [dreg:$0x1];
	p0 =	sne.s32 s2, $0x0  }
0x40a: {  	s3 =	rddreg [dreg:$0x2];
	[bflag:$0x3] =	sbarrier.arrive $0xFFFF;
	s2 =	simm.s32 @!p0 $0x1C03  }
0x40b: {  	[timem:s3], [sflag:s2] =	dma.local @!p0 [hbm:s0], s1  }
0x40c: {  	s0 =	simm.s32 @!p0 $0x3  }
0x40d: {  	_ =	swait.ge @!p0 [sflag:s0], s1  }
0x40e: {  	s1 =	ssub.s32 @!p0 $0x0, s1;
	[sflag:s0] =	ssyncset.done @!p0 $0x0  }
0x40f: {  	[sflag:s0] =	ssyncadd.s32 @!p0 s1  }
0x410: {  	[bflag:$0x3] =	sbarrier.arrive $0xFFFF  }
0x411: {  	_ =	shalt  }

</sc_bundles>
